<compile_context>
chip_gen: v7x
topology: tpu7x:2x2x1
jax: 0.10.2.dev20260603
libtpu: 0.0.44.dev20260713+nightly
codegen_flags: <defaults>
</compile_context>

<pallas_src>
import functools

import jax
import jax.numpy as jnp
from jax import lax
from jax.experimental import pallas as pl
from jax.experimental.pallas import tpu as pltpu
from jax.experimental.pallas import tpu_sc as plsc

_HI = jax.lax.Precision.HIGHEST


def _topk_body(x1_ref, x2t_ref, idx_ref, wt_ref, *, S):
    b = pl.program_id(0)
    x1 = x1_ref[0]
    x2t = x2t_ref[0]
    d0 = x1[:, 0:1] - x2t[0:1, :]
    d1 = x1[:, 1:2] - x2t[1:2, :]
    d2c = x1[:, 2:3] - x2t[2:3, :]
    d = d0 * d0 + d1 * d1 + d2c * d2c

    inf = jnp.float32(jnp.inf)
    iota = lax.broadcasted_iota(jnp.int32, d.shape, 1)
    m1 = jnp.min(d, axis=1, keepdims=True)
    i1 = jnp.min(jnp.where(d <= m1, iota, S), axis=1, keepdims=True)
    dm2 = jnp.where(d <= m1, inf, d)
    m2 = jnp.min(dm2, axis=1, keepdims=True)
    i2 = jnp.min(jnp.where(dm2 <= m2, iota, S), axis=1, keepdims=True)
    dm3 = jnp.where(d <= m2, inf, d)
    m3 = jnp.min(dm3, axis=1, keepdims=True)
    i3 = jnp.min(jnp.where(dm3 <= m3, iota, S), axis=1, keepdims=True)

    r1 = 1.0 / (m1 + 1e-8)
    r2 = 1.0 / (m2 + 1e-8)
    r3 = 1.0 / (m3 + 1e-8)
    norm = r1 + r2 + r3
    base = b * S
    idx_ref[0] = jnp.concatenate([i1 + base, i2 + base, i3 + base], axis=1)
    wt_ref[0] = jnp.concatenate([r1, r2, r3], axis=1) / norm


def _p2w_body(p2_ref, w1bt_ref, out_ref):
    out_ref[0] = jnp.dot(p2_ref[0], w1bt_ref[...],
                         preferred_element_type=jnp.float32, precision=_HI)


def _sc_gather(table_hbm, idx_hbm, wts_hbm, out_hbm,
               idxall_v, wtsall_v, rows_v, obuf_v, gs0, gs1, ws0, ws1, *,
               pts_per_w, cp, f1, nc):
    wid = lax.axis_index("s") * nc + lax.axis_index("c")
    wbase = wid * pts_per_w
    nchunks = pts_per_w // cp
    gsems = (gs0, gs1)
    wsems = (ws0, ws1)

    pltpu.sync_copy(idx_hbm.at[pl.ds(3 * wbase, 3 * pts_per_w)], idxall_v)
    pltpu.sync_copy(wts_hbm.at[pl.ds(3 * wbase, 3 * pts_per_w)],
                    wtsall_v.at[pl.ds(0, 3 * pts_per_w)])

    def fire(c, buf):
        pltpu.make_async_copy(
            table_hbm.at[idxall_v.at[pl.ds(3 * cp * c, 3 * cp)]],
            rows_v.at[buf], gsems[buf]).start()

    def gather_wait(buf):
        pltpu.make_async_copy(
            table_hbm.at[idxall_v.at[pl.ds(0, 3 * cp)]],
            rows_v.at[buf], gsems[buf]).wait()

    def wb_start(c, buf):
        base = wbase + c * cp
        pltpu.make_async_copy(obuf_v.at[buf], out_hbm.at[pl.ds(base, cp)],
                              wsems[buf]).start()

    def wb_wait(buf):
        pltpu.make_async_copy(obuf_v.at[buf],
                              out_hbm.at[pl.ds(wbase, cp)],
                              wsems[buf]).wait()

    def compute(c, buf):
        def pbody(p, _):
            wv = wtsall_v[pl.ds(3 * cp * c + 3 * p, 16)]
            w0 = wv[0]
            w1 = wv[1]
            w2 = wv[2]
            r0 = 3 * p
            for j in range(f1 // 16):
                sl = pl.ds(j * 16, 16)
                acc = rows_v[buf, r0, sl] * w0
                acc += rows_v[buf, r0 + 1, sl] * w1
                acc += rows_v[buf, r0 + 2, sl] * w2
                obuf_v[buf, p, sl] = acc
            return ()

        lax.fori_loop(0, cp, pbody, (), unroll=False)

    fire(0, 0)

    def pair(t, _):
        for b in range(2):
            c = 2 * t + b

            @pl.when(c + 1 < nchunks)
            def _():
                fire(c + 1, 1 - b)

            gather_wait(b)

            @pl.when(c >= 2)
            def _():
                wb_wait(b)

            compute(c, b)
            wb_start(c, b)
        return ()

    lax.fori_loop(0, nchunks // 2, pair, (), unroll=False)
    wb_wait(0)
    wb_wait(1)


def _stage2a_body(p1_ref, w1at_ref, b1_ref, y1p_ref):
    y1p = jnp.dot(p1_ref[0], w1at_ref[...],
                  preferred_element_type=jnp.float32, precision=_HI)
    y1p_ref[0] = y1p + b1_ref[...]


def _stage2_body(y1p_ref, interp_ref, y1_ref, s_ref, ss_ref):
    b = pl.program_id(0)
    n = pl.program_id(1)
    y1 = y1p_ref[0] + interp_ref[0]
    y1_ref[0] = y1

    @pl.when((b == 0) & (n == 0))
    def _():
        s_ref[...] = jnp.zeros_like(s_ref)
        ss_ref[...] = jnp.zeros_like(ss_ref)

    s_ref[...] += jnp.sum(y1, axis=0, keepdims=True)
    ss_ref[...] += jnp.sum(y1 * y1, axis=0, keepdims=True)


def _bn_affine(s, ss, g, beta, minv):
    mean = s * minv
    var = ss * minv - mean * mean
    inv = jax.lax.rsqrt(var + 1e-5)
    scale = g * inv
    shift = beta - mean * scale
    return scale, shift


def _stage3_body(y1_ref, s_ref, ss_ref, g1_ref, bt1_ref, w2t_ref, b2_ref,
                 y2_ref, s2_ref, ss2_ref, *, minv):
    b = pl.program_id(0)
    n = pl.program_id(1)
    scale, shift = _bn_affine(s_ref[...], ss_ref[...], g1_ref[...],
                              bt1_ref[...], minv)
    h = jnp.maximum(y1_ref[0] * scale + shift, 0.0)
    y2 = jnp.dot(h, w2t_ref[...], preferred_element_type=jnp.float32,
                 precision=_HI)
    y2 = y2 + b2_ref[...]
    y2_ref[0] = y2

    @pl.when((b == 0) & (n == 0))
    def _():
        s2_ref[...] = jnp.zeros_like(s2_ref)
        ss2_ref[...] = jnp.zeros_like(ss2_ref)

    s2_ref[...] += jnp.sum(y2, axis=0, keepdims=True)
    ss2_ref[...] += jnp.sum(y2 * y2, axis=0, keepdims=True)


def _stage4_body(y2_ref, s2_ref, ss2_ref, g2_ref, bt2_ref, out_ref, *, minv):
    scale, shift = _bn_affine(s2_ref[...], ss2_ref[...], g2_ref[...],
                              bt2_ref[...], minv)
    out_ref[0] = jnp.maximum(y2_ref[0] * scale + shift, 0.0)


def kernel(xyz1, xyz2, points1, points2, W1, b1, g1, beta1, W2, b2, g2, beta2):
    B, N, _ = xyz1.shape
    S = xyz2.shape[1]
    C1 = points1.shape[2]
    C2 = points2.shape[2]
    F1 = W1.shape[0]
    F2 = W2.shape[0]
    TN = 1024
    NT = N // TN
    minv = 1.0 / (B * N)

    x2t = jnp.transpose(xyz2, (0, 2, 1))
    w1at = jnp.transpose(W1[:, :C1])
    w1bt = jnp.transpose(W1[:, C1:])
    w2t = jnp.transpose(W2)
    b1r = b1.reshape(1, F1)
    g1r = g1.reshape(1, F1)
    bt1r = beta1.reshape(1, F1)
    b2r = b2.reshape(1, F2)
    g2r = g2.reshape(1, F2)
    bt2r = beta2.reshape(1, F2)
    f32 = jnp.float32

    idx3, wt3 = pl.pallas_call(
        functools.partial(_topk_body, S=S),
        grid=(B, NT),
        in_specs=[
            pl.BlockSpec((1, TN, 3), lambda b, n: (b, n, 0)),
            pl.BlockSpec((1, 3, S), lambda b, n: (b, 0, 0)),
        ],
        out_specs=[
            pl.BlockSpec((1, TN, 3), lambda b, n: (b, n, 0)),
            pl.BlockSpec((1, TN, 3), lambda b, n: (b, n, 0)),
        ],
        out_shape=[
            jax.ShapeDtypeStruct((B, N, 3), jnp.int32),
            jax.ShapeDtypeStruct((B, N, 3), f32),
        ],
    )(xyz1, x2t)

    p2w = pl.pallas_call(
        _p2w_body,
        grid=(B,),
        in_specs=[
            pl.BlockSpec((1, S, C2), lambda b: (b, 0, 0)),
            pl.BlockSpec((C2, F1), lambda b: (0, 0)),
        ],
        out_specs=pl.BlockSpec((1, S, F1), lambda b: (b, 0, 0)),
        out_shape=jax.ShapeDtypeStruct((B, S, F1), f32),
    )(points2, w1bt)

    table = p2w.reshape(B * S, F1)
    fidx = idx3.reshape(B * N * 3)
    fwts = wt3.reshape(B * N * 3)

    info = plsc.get_sparse_core_info()
    nc, ns = info.num_cores, info.num_subcores
    nw = nc * ns
    pts_per_w = (B * N) // nw
    cp = 16
    mesh = plsc.VectorSubcoreMesh(core_axis_name="c", subcore_axis_name="s")
    interp = pl.kernel(
        functools.partial(_sc_gather, pts_per_w=pts_per_w, cp=cp, f1=F1,
                          nc=nc),
        mesh=mesh,
        out_type=jax.ShapeDtypeStruct((B * N, F1), f32),
        scratch_types=[
            pltpu.VMEM((3 * pts_per_w,), jnp.int32),
            pltpu.VMEM((3 * pts_per_w + 16,), f32),
            pltpu.VMEM((2, 3 * cp, F1), f32),
            pltpu.VMEM((2, cp, F1), f32),
            pltpu.SemaphoreType.DMA,
            pltpu.SemaphoreType.DMA,
            pltpu.SemaphoreType.DMA,
            pltpu.SemaphoreType.DMA,
        ],
    )(table, fidx, fwts)

    interp3 = interp.reshape(B, N, F1)

    y1p = pl.pallas_call(
        _stage2a_body,
        grid=(B, NT),
        in_specs=[
            pl.BlockSpec((1, TN, C1), lambda b, n: (b, n, 0)),
            pl.BlockSpec((C1, F1), lambda b, n: (0, 0)),
            pl.BlockSpec((1, F1), lambda b, n: (0, 0)),
        ],
        out_specs=pl.BlockSpec((1, TN, F1), lambda b, n: (b, n, 0)),
        out_shape=jax.ShapeDtypeStruct((B, N, F1), f32),
    )(points1, w1at, b1r)

    y1, s1, ss1 = pl.pallas_call(
        _stage2_body,
        grid=(B, NT),
        in_specs=[
            pl.BlockSpec((1, TN, F1), lambda b, n: (b, n, 0)),
            pl.BlockSpec((1, TN, F1), lambda b, n: (b, n, 0)),
        ],
        out_specs=[
            pl.BlockSpec((1, TN, F1), lambda b, n: (b, n, 0)),
            pl.BlockSpec((1, F1), lambda b, n: (0, 0)),
            pl.BlockSpec((1, F1), lambda b, n: (0, 0)),
        ],
        out_shape=[
            jax.ShapeDtypeStruct((B, N, F1), f32),
            jax.ShapeDtypeStruct((1, F1), f32),
            jax.ShapeDtypeStruct((1, F1), f32),
        ],
    )(y1p, interp3)

    y2, s2, ss2 = pl.pallas_call(
        functools.partial(_stage3_body, minv=minv),
        grid=(B, NT),
        in_specs=[
            pl.BlockSpec((1, TN, F1), lambda b, n: (b, n, 0)),
            pl.BlockSpec((1, F1), lambda b, n: (0, 0)),
            pl.BlockSpec((1, F1), lambda b, n: (0, 0)),
            pl.BlockSpec((1, F1), lambda b, n: (0, 0)),
            pl.BlockSpec((1, F1), lambda b, n: (0, 0)),
            pl.BlockSpec((F1, F2), lambda b, n: (0, 0)),
            pl.BlockSpec((1, F2), lambda b, n: (0, 0)),
        ],
        out_specs=[
            pl.BlockSpec((1, TN, F2), lambda b, n: (b, n, 0)),
            pl.BlockSpec((1, F2), lambda b, n: (0, 0)),
            pl.BlockSpec((1, F2), lambda b, n: (0, 0)),
        ],
        out_shape=[
            jax.ShapeDtypeStruct((B, N, F2), f32),
            jax.ShapeDtypeStruct((1, F2), f32),
            jax.ShapeDtypeStruct((1, F2), f32),
        ],
    )(y1, s1, ss1, g1r, bt1r, w2t, b2r)

    out = pl.pallas_call(
        functools.partial(_stage4_body, minv=minv),
        grid=(B, NT),
        in_specs=[
            pl.BlockSpec((1, TN, F2), lambda b, n: (b, n, 0)),
            pl.BlockSpec((1, F2), lambda b, n: (0, 0)),
            pl.BlockSpec((1, F2), lambda b, n: (0, 0)),
            pl.BlockSpec((1, F2), lambda b, n: (0, 0)),
            pl.BlockSpec((1, F2), lambda b, n: (0, 0)),
        ],
        out_specs=pl.BlockSpec((1, TN, F2), lambda b, n: (b, n, 0)),
        out_shape=jax.ShapeDtypeStruct((B, N, F2), f32),
    )(y2, s2, ss2, g2r, bt2r)

    return out

# --- scband reference (transcript-rebuilt; emitter-appended) ---
"""Pipeline reference for scband-point-net-feature-propagation-26362509263295 (READ-ONLY COPY).

The authoritative reference and input builder live on the scoring server;
editing this copy changes nothing except your own understanding.
"""

import jax, jax.numpy as jnp
import numpy as np


def setup_inputs(seed: int = 0) -> dict:
    key = jax.random.key(seed)
    ks = jax.random.split(key, 8)
    B, N, S, C1, C2 = 4, 4096, 1024, 256, 512
    in_ch = C1 + C2
    xyz1 = jax.random.normal(ks[0], (B, N, 3), dtype=jnp.float32)
    xyz2 = jax.random.normal(ks[1], (B, S, 3), dtype=jnp.float32)
    points1 = jax.random.normal(ks[2], (B, N, C1), dtype=jnp.float32)
    points2 = jax.random.normal(ks[3], (B, S, C2), dtype=jnp.float32)
    W1 = jax.random.normal(ks[4], (512, in_ch), dtype=jnp.float32) * 0.02
    b1 = jnp.zeros((512,), jnp.float32)
    g1 = jnp.ones((512,), jnp.float32)
    beta1 = jnp.zeros((512,), jnp.float32)
    W2 = jax.random.normal(ks[5], (256, 512), dtype=jnp.float32) * 0.02
    b2 = jnp.zeros((256,), jnp.float32)
    g2 = jnp.ones((256,), jnp.float32)
    beta2 = jnp.zeros((256,), jnp.float32)
    return {"xyz1": xyz1, "xyz2": xyz2, "points1": points1, "points2": points2,
            "W1": W1, "b1": b1, "g1": g1, "beta1": beta1,
            "W2": W2, "b2": b2, "g2": g2, "beta2": beta2}


def reference(xyz1, xyz2, points1, points2, W1, b1, g1, beta1, W2, b2, g2, beta2):
    # square_distance: (B,N,S)
    dists = jnp.sum((xyz1[:, :, None, :] - xyz2[:, None, :, :]) ** 2, axis=-1)
    # torch: sort ascending, take 3 smallest == top_k of negated dists
    neg_d, idx = jax.lax.top_k(-dists, 3)
    d3 = -neg_d  # (B,N,3) ascending
    dist_recip = 1.0 / (d3 + 1e-08)
    norm = jnp.sum(dist_recip, axis=2, keepdims=True)
    weight = dist_recip / norm  # (B,N,3)
    B = points2.shape[0]
    batch_idx = jnp.arange(B)[:, None, None]
    gathered = points2[batch_idx, idx]  # (B,N,3,C2)
    interpolated = jnp.sum(gathered * weight[..., None], axis=2)  # (B,N,C2)
    new_points = jnp.concatenate([points1, interpolated], axis=-1)  # (B,N,C1+C2)
    x = jnp.transpose(new_points, (0, 2, 1))  # (B,C,N)
    for W, b, g, bt in ((W1, b1, g1, beta1), (W2, b2, g2, beta2)):
        x = jnp.einsum('oc,bcn->bon', W, x) + b[None, :, None]  # Conv1d k=1
        mean = jnp.mean(x, axis=(0, 2), keepdims=True)  # BatchNorm1d (training)
        var = jnp.var(x, axis=(0, 2), keepdims=True)
        x = (x - mean) / jnp.sqrt(var + 1e-05)
        x = x * g[None, :, None] + bt[None, :, None]
        x = jax.nn.relu(x)
    return jnp.transpose(x, (0, 2, 1))  # (B,N,256)

if __name__ == "__main__":
    import jax
    _d = setup_inputs()
    print(jax.jit(kernel)(*tuple(_d.values())))

</pallas_src>

<mosaic_0001>
#map = affine_map<(d0, d1) -> (0, 0)>
#map1 = affine_map<(d0, d1) -> (0)>
module attributes {stable_mosaic.version = 14 : i64} {
  func.func @_sc_gather(%arg0: i32, %arg1: i32, %arg2: memref<4096x512xf32, #tpu.memory_space<hbm>>, %arg3: memref<49152xi32, #tpu.memory_space<hbm>>, %arg4: memref<49152xf32, #tpu.memory_space<hbm>>, %arg5: memref<16384x512xf32, #tpu.memory_space<hbm>>, %arg6: memref<1536xi32, #tpu.memory_space<vmem>>, %arg7: memref<1552xf32, #tpu.memory_space<vmem>>, %arg8: memref<2x48x512xf32, #tpu.memory_space<vmem>>, %arg9: memref<2x16x512xf32, #tpu.memory_space<vmem>>, %arg10: memref<!tpu.dma_semaphore, #tpu.memory_space<semaphore_mem>>, %arg11: memref<!tpu.dma_semaphore, #tpu.memory_space<semaphore_mem>>, %arg12: memref<!tpu.dma_semaphore, #tpu.memory_space<semaphore_mem>>, %arg13: memref<!tpu.dma_semaphore, #tpu.memory_space<semaphore_mem>>) attributes {dimension_semantics = [#tpu.dimension_semantics<core_parallel>, #tpu.dimension_semantics<subcore_parallel>], iteration_bounds = array<i64: 2, 16>, scalar_prefetch = 0 : i64, scratch_operands = 8 : i64, tpu.core_type = #tpu.core_type<sc_vector_subcore>, window_params = [{transform_indices = #map}, {transform_indices = #map1}, {transform_indices = #map1}, {transform_indices = #map}]} {
    %mul3A = arith.constant 2 : i32
    %mul3A_0 = arith.muli %arg1, %mul3A : i32
    %add3A = arith.addi %mul3A_0, %arg0 : i32
    %mul3A_1 = arith.constant 512 : i32
    %mul3A_2 = arith.muli %add3A, %mul3A_1 : i32
    %mul3A_3 = arith.constant 3 : i32
    %mul3A_4 = arith.muli %mul3A_3, %mul3A_2 : i32
    "tpu.region"() ({
      %run_scoped3A = tpu.sem_alloc : memref<!tpu.dma_semaphore, #tpu.memory_space<semaphore_mem>>
      %dma_start3A_45 = tpu.memref_slice %arg3[%mul3A_4] : memref<49152xi32, #tpu.memory_space<hbm>> -> memref<1536xi32, #tpu.memory_space<hbm>>
      %dma_start3A_46 = tpu.memref_slice %arg3[%mul3A_4] : memref<49152xi32, #tpu.memory_space<hbm>> -> memref<1536xi32, #tpu.memory_space<hbm>>
      tpu.enqueue_dma source(%dma_start3A_46 : memref<1536xi32, #tpu.memory_space<hbm>>) target(%arg6 : memref<1536xi32, #tpu.memory_space<vmem>>) target_semaphore(%run_scoped3A : memref<!tpu.dma_semaphore, #tpu.memory_space<semaphore_mem>>)
      %dma_wait3A_47 = tpu.memref_slice %arg3[%mul3A_4] : memref<49152xi32, #tpu.memory_space<hbm>> -> memref<1536xi32, #tpu.memory_space<hbm>>
      %dma_wait3A_48 = tpu.memref_slice %arg3[%mul3A_4] : memref<49152xi32, #tpu.memory_space<hbm>> -> memref<1536xi32, #tpu.memory_space<hbm>>
      tpu.wait_dma2 semaphore(%run_scoped3A : memref<!tpu.dma_semaphore, #tpu.memory_space<semaphore_mem>>) src(%dma_wait3A_48 : memref<1536xi32, #tpu.memory_space<hbm>>) dst(%arg6 : memref<1536xi32, #tpu.memory_space<vmem>>)
      tpu.yield
    }) : () -> ()
    %mul3A_5 = arith.constant 3 : i32
    %mul3A_6 = arith.muli %mul3A_5, %mul3A_2 : i32
    "tpu.region"() ({
      %run_scoped3A = tpu.sem_alloc : memref<!tpu.dma_semaphore, #tpu.memory_space<semaphore_mem>>
      %dma_start3A_45 = arith.constant 0 : i32
      %dma_start3A_46 = tpu.memref_slice %arg7[%dma_start3A_45] : memref<1552xf32, #tpu.memory_space<vmem>> -> memref<1536xf32, #tpu.memory_space<vmem>>
      %dma_start3A_47 = tpu.memref_slice %arg4[%mul3A_6] : memref<49152xf32, #tpu.memory_space<hbm>> -> memref<1536xf32, #tpu.memory_space<hbm>>
      %dma_start3A_48 = arith.constant 0 : i32
      %dma_start3A_49 = tpu.memref_slice %arg7[%dma_start3A_48] : memref<1552xf32, #tpu.memory_space<vmem>> -> memref<1536xf32, #tpu.memory_space<vmem>>
      %dma_start3A_50 = tpu.memref_slice %arg4[%mul3A_6] : memref<49152xf32, #tpu.memory_space<hbm>> -> memref<1536xf32, #tpu.memory_space<hbm>>
      tpu.enqueue_dma source(%dma_start3A_50 : memref<1536xf32, #tpu.memory_space<hbm>>) target(%dma_start3A_49 : memref<1536xf32, #tpu.memory_space<vmem>>) target_semaphore(%run_scoped3A : memref<!tpu.dma_semaphore, #tpu.memory_space<semaphore_mem>>)
      %dma_wait3A_51 = arith.constant 0 : i32
      %dma_wait3A_52 = tpu.memref_slice %arg7[%dma_wait3A_51] : memref<1552xf32, #tpu.memory_space<vmem>> -> memref<1536xf32, #tpu.memory_space<vmem>>
      %dma_wait3A_53 = tpu.memref_slice %arg4[%mul3A_6] : memref<49152xf32, #tpu.memory_space<hbm>> -> memref<1536xf32, #tpu.memory_space<hbm>>
      %dma_wait3A_54 = arith.constant 0 : i32
      %dma_wait3A_55 = tpu.memref_slice %arg7[%dma_wait3A_54] : memref<1552xf32, #tpu.memory_space<vmem>> -> memref<1536xf32, #tpu.memory_space<vmem>>
      %dma_wait3A_56 = tpu.memref_slice %arg4[%mul3A_6] : memref<49152xf32, #tpu.memory_space<hbm>> -> memref<1536xf32, #tpu.memory_space<hbm>>
      tpu.wait_dma2 semaphore(%run_scoped3A : memref<!tpu.dma_semaphore, #tpu.memory_space<semaphore_mem>>) src(%dma_wait3A_56 : memref<1536xf32, #tpu.memory_space<hbm>>) dst(%dma_wait3A_55 : memref<1536xf32, #tpu.memory_space<vmem>>)
      tpu.yield
    }) : () -> ()
    %dma_start3A = arith.constant 0 : i32
    %dma_start3A_7 = arith.constant 0 : i32
    %dma_start3A_8 = arith.constant 0 : i32
    %dma_start3A_9 = tpu.memref_slice %arg8[%dma_start3A, %dma_start3A_7, %dma_start3A_8] : memref<2x48x512xf32, #tpu.memory_space<vmem>> -> memref<1x48x512xf32, #tpu.memory_space<vmem>>
    %dma_start3A_10 = tpu.memref_squeeze %dma_start3A_9 : memref<1x48x512xf32, #tpu.memory_space<vmem>> -> memref<48x512xf32, #tpu.memory_space<vmem>>
    %dma_start3A_11 = arith.constant 0 : i32
    %dma_start3A_12 = tpu.memref_slice %arg6[%dma_start3A_11] : memref<1536xi32, #tpu.memory_space<vmem>> -> memref<48xi32, #tpu.memory_space<vmem>>
    %dma_start3A_13 = arith.constant 0 : i32
    %dma_start3A_14 = arith.constant 0 : i32
    %dma_start3A_15 = tpu.memref_slice %arg2[%dma_start3A_13, %dma_start3A_14] : memref<4096x512xf32, #tpu.memory_space<hbm>> -> memref<4096x512xf32, #tpu.memory_space<hbm>>
    tpu.enqueue_indirect_dma source(%dma_start3A_15 : memref<4096x512xf32, #tpu.memory_space<hbm>>) target(%dma_start3A_10 : memref<48x512xf32, #tpu.memory_space<vmem>>) offsets(%dma_start3A_12 : memref<48xi32, #tpu.memory_space<vmem>>) semaphore(%arg10 : memref<!tpu.dma_semaphore, #tpu.memory_space<semaphore_mem>>)
    %scan3A = arith.constant 0 : i32
    %scan3A_16 = arith.constant 16 : i32
    %scan3A_17 = arith.addi %scan3A, %scan3A_16 : i32
    %scan3A_18 = arith.constant 1 : i32
    scf.for %scan3A_45 = %scan3A to %scan3A_17 step %scan3A_18  : i32 {
      %mul3A_46 = arith.constant 2 : i32
      %mul3A_47 = arith.muli %mul3A_46, %scan3A_45 : i32
      %add3A_48 = arith.constant 0 : i32
      %add3A_49 = arith.addi %mul3A_47, %add3A_48 : i32
      %add3A_50 = arith.constant 1 : i32
      %add3A_51 = arith.addi %add3A_49, %add3A_50 : i32
      %lt3A = arith.constant 32 : i32
      %lt3A_52 = arith.cmpi slt, %add3A_51, %lt3A : i32
      %convert_element_type3A = arith.extui %lt3A_52 : i1 to i32
      %cond3A = arith.constant 0 : i32
      %cond3A_53 = arith.cmpi ne, %convert_element_type3A, %cond3A : i32
      scf.if %cond3A_53 {
        %add3A_136 = arith.constant 1 : i32
        %add3A_137 = arith.addi %add3A_49, %add3A_136 : i32
        %mul3A_138 = arith.constant 48 : i32
        %mul3A_139 = arith.muli %mul3A_138, %add3A_137 : i32
        %dma_start3A_140 = arith.constant 1 : i32
        %dma_start3A_141 = arith.constant 0 : i32
        %dma_start3A_142 = arith.constant 0 : i32
        %dma_start3A_143 = tpu.memref_slice %arg8[%dma_start3A_140, %dma_start3A_141, %dma_start3A_142] : memref<2x48x512xf32, #tpu.memory_space<vmem>> -> memref<1x48x512xf32, #tpu.memory_space<vmem>>
        %dma_start3A_144 = tpu.memref_squeeze %dma_start3A_143 : memref<1x48x512xf32, #tpu.memory_space<vmem>> -> memref<48x512xf32, #tpu.memory_space<vmem>>
        %dma_start3A_145 = tpu.memref_slice %arg6[%mul3A_139] : memref<1536xi32, #tpu.memory_space<vmem>> -> memref<48xi32, #tpu.memory_space<vmem>>
        %dma_start3A_146 = arith.constant 0 : i32
        %dma_start3A_147 = arith.constant 0 : i32
        %dma_start3A_148 = tpu.memref_slice %arg2[%dma_start3A_146, %dma_start3A_147] : memref<4096x512xf32, #tpu.memory_space<hbm>> -> memref<4096x512xf32, #tpu.memory_space<hbm>>
        tpu.enqueue_indirect_dma source(%dma_start3A_148 : memref<4096x512xf32, #tpu.memory_space<hbm>>) target(%dma_start3A_144 : memref<48x512xf32, #tpu.memory_space<vmem>>) offsets(%dma_start3A_145 : memref<48xi32, #tpu.memory_space<vmem>>) semaphore(%arg11 : memref<!tpu.dma_semaphore, #tpu.memory_space<semaphore_mem>>)
      } else {
      }
      %dma_wait3A_54 = arith.constant 0 : i32
      %dma_wait3A_55 = arith.constant 0 : i32
      %dma_wait3A_56 = arith.constant 0 : i32
      %dma_wait3A_57 = tpu.memref_slice %arg8[%dma_wait3A_54, %dma_wait3A_55, %dma_wait3A_56] : memref<2x48x512xf32, #tpu.memory_space<vmem>> -> memref<1x48x512xf32, #tpu.memory_space<vmem>>
      %dma_wait3A_58 = tpu.memref_squeeze %dma_wait3A_57 : memref<1x48x512xf32, #tpu.memory_space<vmem>> -> memref<48x512xf32, #tpu.memory_space<vmem>>
      %dma_wait3A_59 = arith.constant 0 : i32
      %dma_wait3A_60 = tpu.memref_slice %arg6[%dma_wait3A_59] : memref<1536xi32, #tpu.memory_space<vmem>> -> memref<48xi32, #tpu.memory_space<vmem>>
      %dma_wait3A_61 = arith.constant 0 : i32
      %dma_wait3A_62 = arith.constant 0 : i32
      %dma_wait3A_63 = tpu.memref_slice %arg2[%dma_wait3A_61, %dma_wait3A_62] : memref<4096x512xf32, #tpu.memory_space<hbm>> -> memref<4096x512xf32, #tpu.memory_space<hbm>>
      tpu.wait_indirect_dma semaphore(%arg10 : memref<!tpu.dma_semaphore, #tpu.memory_space<semaphore_mem>>) src(%dma_wait3A_63 : memref<4096x512xf32, #tpu.memory_space<hbm>>) dst(%dma_wait3A_58 : memref<48x512xf32, #tpu.memory_space<vmem>>)
      %ge3A = arith.constant 2 : i32
      %ge3A_64 = arith.cmpi sge, %add3A_49, %ge3A : i32
      %convert_element_type3A_65 = arith.extui %ge3A_64 : i1 to i32
      %cond3A_66 = arith.constant 0 : i32
      %cond3A_67 = arith.cmpi ne, %convert_element_type3A_65, %cond3A_66 : i32
      scf.if %cond3A_67 {
        %dma_wait3A_136 = arith.constant 0 : i32
        %dma_wait3A_137 = arith.constant 0 : i32
        %dma_wait3A_138 = arith.constant 0 : i32
        %dma_wait3A_139 = tpu.memref_slice %arg9[%dma_wait3A_136, %dma_wait3A_137, %dma_wait3A_138] : memref<2x16x512xf32, #tpu.memory_space<vmem>> -> memref<1x16x512xf32, #tpu.memory_space<vmem>>
        %dma_wait3A_140 = tpu.memref_squeeze %dma_wait3A_139 : memref<1x16x512xf32, #tpu.memory_space<vmem>> -> memref<16x512xf32, #tpu.memory_space<vmem>>
        %dma_wait3A_141 = arith.constant 0 : i32
        %dma_wait3A_142 = tpu.memref_slice %arg5[%mul3A_2, %dma_wait3A_141] : memref<16384x512xf32, #tpu.memory_space<hbm>> -> memref<16x512xf32, #tpu.memory_space<hbm>>
        %dma_wait3A_143 = arith.constant 0 : i32
        %dma_wait3A_144 = tpu.memref_slice %arg5[%mul3A_2, %dma_wait3A_143] : memref<16384x512xf32, #tpu.memory_space<hbm>> -> memref<16x512xf32, #tpu.memory_space<hbm>>
        %dma_wait3A_145 = arith.constant 0 : i32
        %dma_wait3A_146 = arith.constant 0 : i32
        %dma_wait3A_147 = tpu.memref_slice %arg9[%dma_wait3A_136, %dma_wait3A_145, %dma_wait3A_146] : memref<2x16x512xf32, #tpu.memory_space<vmem>> -> memref<1x16x512xf32, #tpu.memory_space<vmem>>
        %dma_wait3A_148 = tpu.memref_squeeze %dma_wait3A_147 : memref<1x16x512xf32, #tpu.memory_space<vmem>> -> memref<16x512xf32, #tpu.memory_space<vmem>>
        tpu.wait_dma2 semaphore(%arg12 : memref<!tpu.dma_semaphore, #tpu.memory_space<semaphore_mem>>) src(%dma_wait3A_148 : memref<16x512xf32, #tpu.memory_space<vmem>>) dst(%dma_wait3A_144 : memref<16x512xf32, #tpu.memory_space<hbm>>)
      } else {
      }
      %scan3A_68 = arith.constant 0 : i32
      %scan3A_69 = arith.constant 16 : i32
      %scan3A_70 = arith.addi %scan3A_68, %scan3A_69 : i32
      %scan3A_71 = arith.constant 1 : i32
      scf.for %scan3A_136 = %scan3A_68 to %scan3A_70 step %scan3A_71  : i32 {
        %mul3A_137 = arith.constant 48 : i32
        %mul3A_138 = arith.muli %mul3A_137, %add3A_49 : i32
        %mul3A_139 = arith.constant 3 : i32
        %mul3A_140 = arith.muli %mul3A_139, %scan3A_136 : i32
        %add3A_141 = arith.addi %mul3A_138, %mul3A_140 : i32
        %get3A = arith.index_cast %add3A_141 : i32 to index
        %get3A_142 = tpu.vector_load %arg7[%get3A] {strides = array<i32>} : memref<1552xf32, #tpu.memory_space<vmem>>, vector<16xf32>,
        %get3A_143 = vector.shape_cast %get3A_142 : vector<16xf32> to vector<16xf32>
        %slice3A = vector.extract_strided_slice %get3A_143 {offsets = [0], sizes = [1], strides = [1]} : vector<16xf32> to vector<1xf32>
        %squeeze3A = vector.extract %slice3A[0] : f32 from vector<1xf32>
        %slice3A_144 = vector.extract_strided_slice %get3A_143 {offsets = [1], sizes = [1], strides = [1]} : vector<16xf32> to vector<1xf32>
        %squeeze3A_145 = vector.extract %slice3A_144[0] : f32 from vector<1xf32>
        %slice3A_146 = vector.extract_strided_slice %get3A_143 {offsets = [2], sizes = [1], strides = [1]} : vector<16xf32> to vector<1xf32>
        %squeeze3A_147 = vector.extract %slice3A_146[0] : f32 from vector<1xf32>
        %mul3A_148 = arith.constant 3 : i32
        %mul3A_149 = arith.muli %mul3A_148, %scan3A_136 : i32
        %get3A_150 = arith.constant 0 : i32
        %get3A_151 = arith.index_cast %get3A_150 : i32 to index
        %get3A_152 = arith.index_cast %mul3A_149 : i32 to index
        %get3A_153 = arith.constant 0 : index
        %get3A_154 = tpu.vector_load %arg8[%get3A_151, %get3A_152, %get3A_153] {strides = array<i32>} : memref<2x48x512xf32, #tpu.memory_space<vmem>>, vector<1x1x16xf32>,
        %get3A_155 = vector.shape_cast %get3A_154 : vector<1x1x16xf32> to vector<16xf32>
        %mul3A_156 = vector.broadcast %squeeze3A : f32 to vector<16xf32>
        %mul3A_157 = arith.mulf %get3A_155, %mul3A_156 : vector<16xf32>
        %add3A_158 = arith.constant 1 : i32
        %add3A_159 = arith.addi %mul3A_149, %add3A_158 : i32
        %get3A_160 = arith.constant 0 : i32
        %get3A_161 = arith.index_cast %get3A_160 : i32 to index
        %get3A_162 = arith.index_cast %add3A_159 : i32 to index
        %get3A_163 = arith.constant 0 : index
        %get3A_164 = tpu.vector_load %arg8[%get3A_161, %get3A_162, %get3A_163] {strides = array<i32>} : memref<2x48x512xf32, #tpu.memory_space<vmem>>, vector<1x1x16xf32>,
        %get3A_165 = vector.shape_cast %get3A_164 : vector<1x1x16xf32> to vector<16xf32>
        %mul3A_166 = vector.broadcast %squeeze3A_145 : f32 to vector<16xf32>
        %mul3A_167 = arith.mulf %get3A_165, %mul3A_166 : vector<16xf32>
        %add3A_168 = arith.addf %mul3A_157, %mul3A_167 : vector<16xf32>
        %add3A_169 = arith.constant 2 : i32
        %add3A_170 = arith.addi %mul3A_149, %add3A_169 : i32
        %get3A_171 = arith.constant 0 : i32
        %get3A_172 = arith.index_cast %get3A_171 : i32 to index
        %get3A_173 = arith.index_cast %add3A_170 : i32 to index
        %get3A_174 = arith.constant 0 : index
        %get3A_175 = tpu.vector_load %arg8[%get3A_172, %get3A_173, %get3A_174] {strides = array<i32>} : memref<2x48x512xf32, #tpu.memory_space<vmem>>, vector<1x1x16xf32>,
        %get3A_176 = vector.shape_cast %get3A_175 : vector<1x1x16xf32> to vector<16xf32>
        %mul3A_177 = vector.broadcast %squeeze3A_147 : f32 to vector<16xf32>
        %mul3A_178 = arith.mulf %get3A_176, %mul3A_177 : vector<16xf32>
        %add3A_179 = arith.addf %add3A_168, %mul3A_178 : vector<16xf32>
        %swap3A = arith.constant 0 : i32
        %swap3A_180 = arith.index_cast %swap3A : i32 to index
        %swap3A_181 = arith.index_cast %scan3A_136 : i32 to index
        %swap3A_182 = arith.constant 0 : index
        %swap3A_183 = tpu.vector_load %arg9[%swap3A_180, %swap3A_181, %swap3A_182] {strides = array<i32>} : memref<2x16x512xf32, #tpu.memory_space<vmem>>, vector<1x1x16xf32>,
        %swap3A_184 = vector.shape_cast %swap3A_183 : vector<1x1x16xf32> to vector<16xf32>
        %swap3A_185 = vector.shape_cast %add3A_179 : vector<16xf32> to vector<1x1x16xf32>
        tpu.vector_store %arg9[%swap3A_180, %swap3A_181, %swap3A_182], %swap3A_185 {strides = array<i32>} : memref<2x16x512xf32, #tpu.memory_space<vmem>>, vector<1x1x16xf32>,
        %get3A_186 = arith.constant 0 : i32
        %get3A_187 = arith.index_cast %get3A_186 : i32 to index
        %get3A_188 = arith.index_cast %mul3A_149 : i32 to index
        %get3A_189 = arith.constant 16 : index
        %get3A_190 = tpu.vector_load %arg8[%get3A_187, %get3A_188, %get3A_189] {strides = array<i32>} : memref<2x48x512xf32, #tpu.memory_space<vmem>>, vector<1x1x16xf32>,
        %get3A_191 = vector.shape_cast %get3A_190 : vector<1x1x16xf32> to vector<16xf32>
        %mul3A_192 = vector.broadcast %squeeze3A : f32 to vector<16xf32>
        %mul3A_193 = arith.mulf %get3A_191, %mul3A_192 : vector<16xf32>
        %add3A_194 = arith.constant 1 : i32
        %add3A_195 = arith.addi %mul3A_149, %add3A_194 : i32
        %get3A_196 = arith.constant 0 : i32
        %get3A_197 = arith.index_cast %get3A_196 : i32 to index
        %get3A_198 = arith.index_cast %add3A_195 : i32 to index
        %get3A_199 = arith.constant 16 : index
        %get3A_200 = tpu.vector_load %arg8[%get3A_197, %get3A_198, %get3A_199] {strides = array<i32>} : memref<2x48x512xf32, #tpu.memory_space<vmem>>, vector<1x1x16xf32>,
        %get3A_201 = vector.shape_cast %get3A_200 : vector<1x1x16xf32> to vector<16xf32>
        %mul3A_202 = vector.broadcast %squeeze3A_145 : f32 to vector<16xf32>
        %mul3A_203 = arith.mulf %get3A_201, %mul3A_202 : vector<16xf32>
        %add3A_204 = arith.addf %mul3A_193, %mul3A_203 : vector<16xf32>
        %add3A_205 = arith.constant 2 : i32
        %add3A_206 = arith.addi %mul3A_149, %add3A_205 : i32
        %get3A_207 = arith.constant 0 : i32
        %get3A_208 = arith.index_cast %get3A_207 : i32 to index
        %get3A_209 = arith.index_cast %add3A_206 : i32 to index
        %get3A_210 = arith.constant 16 : index
        %get3A_211 = tpu.vector_load %arg8[%get3A_208, %get3A_209, %get3A_210] {strides = array<i32>} : memref<2x48x512xf32, #tpu.memory_space<vmem>>, vector<1x1x16xf32>,
        %get3A_212 = vector.shape_cast %get3A_211 : vector<1x1x16xf32> to vector<16xf32>
        %mul3A_213 = vector.broadcast %squeeze3A_147 : f32 to vector<16xf32>
        %mul3A_214 = arith.mulf %get3A_212, %mul3A_213 : vector<16xf32>
        %add3A_215 = arith.addf %add3A_204, %mul3A_214 : vector<16xf32>
        %swap3A_216 = arith.constant 0 : i32
        %swap3A_217 = arith.index_cast %swap3A_216 : i32 to index
        %swap3A_218 = arith.index_cast %scan3A_136 : i32 to index
        %swap3A_219 = arith.constant 16 : index
        %swap3A_220 = tpu.vector_load %arg9[%swap3A_217, %swap3A_218, %swap3A_219] {strides = array<i32>} : memref<2x16x512xf32, #tpu.memory_space<vmem>>, vector<1x1x16xf32>,
        %swap3A_221 = vector.shape_cast %swap3A_220 : vector<1x1x16xf32> to vector<16xf32>
        %swap3A_222 = vector.shape_cast %add3A_215 : vector<16xf32> to vector<1x1x16xf32>
        tpu.vector_store %arg9[%swap3A_217, %swap3A_218, %swap3A_219], %swap3A_222 {strides = array<i32>} : memref<2x16x512xf32, #tpu.memory_space<vmem>>, vector<1x1x16xf32>,
        %get3A_223 = arith.constant 0 : i32
        %get3A_224 = arith.index_cast %get3A_223 : i32 to index
        %get3A_225 = arith.index_cast %mul3A_149 : i32 to index
        %get3A_226 = arith.constant 32 : index
        %get3A_227 = tpu.vector_load %arg8[%get3A_224, %get3A_225, %get3A_226] {strides = array<i32>} : memref<2x48x512xf32, #tpu.memory_space<vmem>>, vector<1x1x16xf32>,
        %get3A_228 = vector.shape_cast %get3A_227 : vector<1x1x16xf32> to vector<16xf32>
        %mul3A_229 = vector.broadcast %squeeze3A : f32 to vector<16xf32>
        %mul3A_230 = arith.mulf %get3A_228, %mul3A_229 : vector<16xf32>
        %add3A_231 = arith.constant 1 : i32
        %add3A_232 = arith.addi %mul3A_149, %add3A_231 : i32
        %get3A_233 = arith.constant 0 : i32
        %get3A_234 = arith.index_cast %get3A_233 : i32 to index
        %get3A_235 = arith.index_cast %add3A_232 : i32 to index
        %get3A_236 = arith.constant 32 : index
        %get3A_237 = tpu.vector_load %arg8[%get3A_234, %get3A_235, %get3A_236] {strides = array<i32>} : memref<2x48x512xf32, #tpu.memory_space<vmem>>, vector<1x1x16xf32>,
        %get3A_238 = vector.shape_cast %get3A_237 : vector<1x1x16xf32> to vector<16xf32>
        %mul3A_239 = vector.broadcast %squeeze3A_145 : f32 to vector<16xf32>
        %mul3A_240 = arith.mulf %get3A_238, %mul3A_239 : vector<16xf32>
        %add3A_241 = arith.addf %mul3A_230, %mul3A_240 : vector<16xf32>
        %add3A_242 = arith.constant 2 : i32
        %add3A_243 = arith.addi %mul3A_149, %add3A_242 : i32
        %get3A_244 = arith.constant 0 : i32
        %get3A_245 = arith.index_cast %get3A_244 : i32 to index
        %get3A_246 = arith.index_cast %add3A_243 : i32 to index
        %get3A_247 = arith.constant 32 : index
        %get3A_248 = tpu.vector_load %arg8[%get3A_245, %get3A_246, %get3A_247] {strides = array<i32>} : memref<2x48x512xf32, #tpu.memory_space<vmem>>, vector<1x1x16xf32>,
        %get3A_249 = vector.shape_cast %get3A_248 : vector<1x1x16xf32> to vector<16xf32>
        %mul3A_250 = vector.broadcast %squeeze3A_147 : f32 to vector<16xf32>
        %mul3A_251 = arith.mulf %get3A_249, %mul3A_250 : vector<16xf32>
        %add3A_252 = arith.addf %add3A_241, %mul3A_251 : vector<16xf32>
        %swap3A_253 = arith.constant 0 : i32
        %swap3A_254 = arith.index_cast %swap3A_253 : i32 to index
        %swap3A_255 = arith.index_cast %scan3A_136 : i32 to index
        %swap3A_256 = arith.constant 32 : index
        %swap3A_257 = tpu.vector_load %arg9[%swap3A_254, %swap3A_255, %swap3A_256] {strides = array<i32>} : memref<2x16x512xf32, #tpu.memory_space<vmem>>, vector<1x1x16xf32>,
        %swap3A_258 = vector.shape_cast %swap3A_257 : vector<1x1x16xf32> to vector<16xf32>
        %swap3A_259 = vector.shape_cast %add3A_252 : vector<16xf32> to vector<1x1x16xf32>
        tpu.vector_store %arg9[%swap3A_254, %swap3A_255, %swap3A_256], %swap3A_259 {strides = array<i32>} : memref<2x16x512xf32, #tpu.memory_space<vmem>>, vector<1x1x16xf32>,
        %get3A_260 = arith.constant 0 : i32
        %get3A_261 = arith.index_cast %get3A_260 : i32 to index
        %get3A_262 = arith.index_cast %mul3A_149 : i32 to index
        %get3A_263 = arith.constant 48 : index
        %get3A_264 = tpu.vector_load %arg8[%get3A_261, %get3A_262, %get3A_263] {strides = array<i32>} : memref<2x48x512xf32, #tpu.memory_space<vmem>>, vector<1x1x16xf32>,
        %get3A_265 = vector.shape_cast %get3A_264 : vector<1x1x16xf32> to vector<16xf32>
        %mul3A_266 = vector.broadcast %squeeze3A : f32 to vector<16xf32>
        %mul3A_267 = arith.mulf %get3A_265, %mul3A_266 : vector<16xf32>
        %add3A_268 = arith.constant 1 : i32
        %add3A_269 = arith.addi %mul3A_149, %add3A_268 : i32
        %get3A_270 = arith.constant 0 : i32
        %get3A_271 = arith.index_cast %get3A_270 : i32 to index
        %get3A_272 = arith.index_cast %add3A_269 : i32 to index
        %get3A_273 = arith.constant 48 : index
        %get3A_274 = tpu.vector_load %arg8[%get3A_271, %get3A_272, %get3A_273] {strides = array<i32>} : memref<2x48x512xf32, #tpu.memory_space<vmem>>, vector<1x1x16xf32>,
        %get3A_275 = vector.shape_cast %get3A_274 : vector<1x1x16xf32> to vector<16xf32>
        %mul3A_276 = vector.broadcast %squeeze3A_145 : f32 to vector<16xf32>
        %mul3A_277 = arith.mulf %get3A_275, %mul3A_276 : vector<16xf32>
        %add3A_278 = arith.addf %mul3A_267, %mul3A_277 : vector<16xf32>
        %add3A_279 = arith.constant 2 : i32
        %add3A_280 = arith.addi %mul3A_149, %add3A_279 : i32
        %get3A_281 = arith.constant 0 : i32
        %get3A_282 = arith.index_cast %get3A_281 : i32 to index
        %get3A_283 = arith.index_cast %add3A_280 : i32 to index
        %get3A_284 = arith.constant 48 : index
        %get3A_285 = tpu.vector_load %arg8[%get3A_282, %get3A_283, %get3A_284] {strides = array<i32>} : memref<2x48x512xf32, #tpu.memory_space<vmem>>, vector<1x1x16xf32>,
        %get3A_286 = vector.shape_cast %get3A_285 : vector<1x1x16xf32> to vector<16xf32>
        %mul3A_287 = vector.broadcast %squeeze3A_147 : f32 to vector<16xf32>
        %mul3A_288 = arith.mulf %get3A_286, %mul3A_287 : vector<16xf32>
        %add3A_289 = arith.addf %add3A_278, %mul3A_288 : vector<16xf32>
        %swap3A_290 = arith.constant 0 : i32
        %swap3A_291 = arith.index_cast %swap3A_290 : i32 to index
        %swap3A_292 = arith.index_cast %scan3A_136 : i32 to index
        %swap3A_293 = arith.constant 48 : index
        %swap3A_294 = tpu.vector_load %arg9[%swap3A_291, %swap3A_292, %swap3A_293] {strides = array<i32>} : memref<2x16x512xf32, #tpu.memory_space<vmem>>, vector<1x1x16xf32>,
        %swap3A_295 = vector.shape_cast %swap3A_294 : vector<1x1x16xf32> to vector<16xf32>
        %swap3A_296 = vector.shape_cast %add3A_289 : vector<16xf32> to vector<1x1x16xf32>
        tpu.vector_store %arg9[%swap3A_291, %swap3A_292, %swap3A_293], %swap3A_296 {strides = array<i32>} : memref<2x16x512xf32, #tpu.memory_space<vmem>>, vector<1x1x16xf32>,
        %get3A_297 = arith.constant 0 : i32
        %get3A_298 = arith.index_cast %get3A_297 : i32 to index
        %get3A_299 = arith.index_cast %mul3A_149 : i32 to index
        %get3A_300 = arith.constant 64 : index
        %get3A_301 = tpu.vector_load %arg8[%get3A_298, %get3A_299, %get3A_300] {strides = array<i32>} : memref<2x48x512xf32, #tpu.memory_space<vmem>>, vector<1x1x16xf32>,
        %get3A_302 = vector.shape_cast %get3A_301 : vector<1x1x16xf32> to vector<16xf32>
        %mul3A_303 = vector.broadcast %squeeze3A : f32 to vector<16xf32>
        %mul3A_304 = arith.mulf %get3A_302, %mul3A_303 : vector<16xf32>
        %add3A_305 = arith.constant 1 : i32
        %add3A_306 = arith.addi %mul3A_149, %add3A_305 : i32
        %get3A_307 = arith.constant 0 : i32
        %get3A_308 = arith.index_cast %get3A_307 : i32 to index
        %get3A_309 = arith.index_cast %add3A_306 : i32 to index
        %get3A_310 = arith.constant 64 : index
        %get3A_311 = tpu.vector_load %arg8[%get3A_308, %get3A_309, %get3A_310] {strides = array<i32>} : memref<2x48x512xf32, #tpu.memory_space<vmem>>, vector<1x1x16xf32>,
        %get3A_312 = vector.shape_cast %get3A_311 : vector<1x1x16xf32> to vector<16xf32>
        %mul3A_313 = vector.broadcast %squeeze3A_145 : f32 to vector<16xf32>
        %mul3A_314 = arith.mulf %get3A_312, %mul3A_313 : vector<16xf32>
        %add3A_315 = arith.addf %mul3A_304, %mul3A_314 : vector<16xf32>
        %add3A_316 = arith.constant 2 : i32
        %add3A_317 = arith.addi %mul3A_149, %add3A_316 : i32
        %get3A_318 = arith.constant 0 : i32
        %get3A_319 = arith.index_cast %get3A_318 : i32 to index
        %get3A_320 = arith.index_cast %add3A_317 : i32 to index
        %get3A_321 = arith.constant 64 : index
        %get3A_322 = tpu.vector_load %arg8[%get3A_319, %get3A_320, %get3A_321] {strides = array<i32>} : memref<2x48x512xf32, #tpu.memory_space<vmem>>, vector<1x1x16xf32>,
        %get3A_323 = vector.shape_cast %get3A_322 : vector<1x1x16xf32> to vector<16xf32>
        %mul3A_324 = vector.broadcast %squeeze3A_147 : f32 to vector<16xf32>
        %mul3A_325 = arith.mulf %get3A_323, %mul3A_324 : vector<16xf32>
        %add3A_326 = arith.addf %add3A_315, %mul3A_325 : vector<16xf32>
        %swap3A_327 = arith.constant 0 : i32
        %swap3A_328 = arith.index_cast %swap3A_327 : i32 to index
        %swap3A_329 = arith.index_cast %scan3A_136 : i32 to index
        %swap3A_330 = arith.constant 64 : index
        %swap3A_331 = tpu.vector_load %arg9[%swap3A_328, %swap3A_329, %swap3A_330] {strides = array<i32>} : memref<2x16x512xf32, #tpu.memory_space<vmem>>, vector<1x1x16xf32>,
        %swap3A_332 = vector.shape_cast %swap3A_331 : vector<1x1x16xf32> to vector<16xf32>
        %swap3A_333 = vector.shape_cast %add3A_326 : vector<16xf32> to vector<1x1x16xf32>
        tpu.vector_store %arg9[%swap3A_328, %swap3A_329, %swap3A_330], %swap3A_333 {strides = array<i32>} : memref<2x16x512xf32, #tpu.memory_space<vmem>>, vector<1x1x16xf32>,
        %get3A_334 = arith.constant 0 : i32
        %get3A_335 = arith.index_cast %get3A_334 : i32 to index
        %get3A_336 = arith.index_cast %mul3A_149 : i32 to index
        %get3A_337 = arith.constant 80 : index
        %get3A_338 = tpu.vector_load %arg8[%get3A_335, %get3A_336, %get3A_337] {strides = array<i32>} : memref<2x48x512xf32, #tpu.memory_space<vmem>>, vector<1x1x16xf32>,
        %get3A_339 = vector.shape_cast %get3A_338 : vector<1x1x16xf32> to vector<16xf32>
        %mul3A_340 = vector.broadcast %squeeze3A : f32 to vector<16xf32>
        %mul3A_341 = arith.mulf %get3A_339, %mul3A_340 : vector<16xf32>
        %add3A_342 = arith.constant 1 : i32
        %add3A_343 = arith.addi %mul3A_149, %add3A_342 : i32
        %get3A_344 = arith.constant 0 : i32
        %get3A_345 = arith.index_cast %get3A_344 : i32 to index
        %get3A_346 = arith.index_cast %add3A_343 : i32 to index
        %get3A_347 = arith.constant 80 : index
        %get3A_348 = tpu.vector_load %arg8[%get3A_345, %get3A_346, %get3A_347] {strides = array<i32>} : memref<2x48x512xf32, #tpu.memory_space<vmem>>, vector<1x1x16xf32>,
        %get3A_349 = vector.shape_cast %get3A_348 : vector<1x1x16xf32> to vector<16xf32>
        %mul3A_350 = vector.broadcast %squeeze3A_145 : f32 to vector<16xf32>
        %mul3A_351 = arith.mulf %get3A_349, %mul3A_350 : vector<16xf32>
        %add3A_352 = arith.addf %mul3A_341, %mul3A_351 : vector<16xf32>
        %add3A_353 = arith.constant 2 : i32
        %add3A_354 = arith.addi %mul3A_149, %add3A_353 : i32
        %get3A_355 = arith.constant 0 : i32
        %get3A_356 = arith.index_cast %get3A_355 : i32 to index
        %get3A_357 = arith.index_cast %add3A_354 : i32 to index
        %get3A_358 = arith.constant 80 : index
        %get3A_359 = tpu.vector_load %arg8[%get3A_356, %get3A_357, %get3A_358] {strides = array<i32>} : memref<2x48x512xf32, #tpu.memory_space<vmem>>, vector<1x1x16xf32>,
        %get3A_360 = vector.shape_cast %get3A_359 : vector<1x1x16xf32> to vector<16xf32>
        %mul3A_361 = vector.broadcast %squeeze3A_147 : f32 to vector<16xf32>
        %mul3A_362 = arith.mulf %get3A_360, %mul3A_361 : vector<16xf32>
        %add3A_363 = arith.addf %add3A_352, %mul3A_362 : vector<16xf32>
        %swap3A_364 = arith.constant 0 : i32
        %swap3A_365 = arith.index_cast %swap3A_364 : i32 to index
        %swap3A_366 = arith.index_cast %scan3A_136 : i32 to index
        %swap3A_367 = arith.constant 80 : index
        %swap3A_368 = tpu.vector_load %arg9[%swap3A_365, %swap3A_366, %swap3A_367] {strides = array<i32>} : memref<2x16x512xf32, #tpu.memory_space<vmem>>, vector<1x1x16xf32>,
        %swap3A_369 = vector.shape_cast %swap3A_368 : vector<1x1x16xf32> to vector<16xf32>
        %swap3A_370 = vector.shape_cast %add3A_363 : vector<16xf32> to vector<1x1x16xf32>
        tpu.vector_store %arg9[%swap3A_365, %swap3A_366, %swap3A_367], %swap3A_370 {strides = array<i32>} : memref<2x16x512xf32, #tpu.memory_space<vmem>>, vector<1x1x16xf32>,
        %get3A_371 = arith.constant 0 : i32
        %get3A_372 = arith.index_cast %get3A_371 : i32 to index
        %get3A_373 = arith.index_cast %mul3A_149 : i32 to index
        %get3A_374 = arith.constant 96 : index
        %get3A_375 = tpu.vector_load %arg8[%get3A_372, %get3A_373, %get3A_374] {strides = array<i32>} : memref<2x48x512xf32, #tpu.memory_space<vmem>>, vector<1x1x16xf32>,
        %get3A_376 = vector.shape_cast %get3A_375 : vector<1x1x16xf32> to vector<16xf32>
        %mul3A_377 = vector.broadcast %squeeze3A : f32 to vector<16xf32>
        %mul3A_378 = arith.mulf %get3A_376, %mul3A_377 : vector<16xf32>
        %add3A_379 = arith.constant 1 : i32
        %add3A_380 = arith.addi %mul3A_149, %add3A_379 : i32
        %get3A_381 = arith.constant 0 : i32
        %get3A_382 = arith.index_cast %get3A_381 : i32 to index
        %get3A_383 = arith.index_cast %add3A_380 : i32 to index
        %get3A_384 = arith.constant 96 : index
        %get3A_385 = tpu.vector_load %arg8[%get3A_382, %get3A_383, %get3A_384] {strides = array<i32>} : memref<2x48x512xf32, #tpu.memory_space<vmem>>, vector<1x1x16xf32>,
        %get3A_386 = vector.shape_cast %get3A_385 : vector<1x1x16xf32> to vector<16xf32>
        %mul3A_387 = vector.broadcast %squeeze3A_145 : f32 to vector<16xf32>
        %mul3A_388 = arith.mulf %get3A_386, %mul3A_387 : vector<16xf32>
        %add3A_389 = arith.addf %mul3A_378, %mul3A_388 : vector<16xf32>
        %add3A_390 = arith.constant 2 : i32
        %add3A_391 = arith.addi %mul3A_149, %add3A_390 : i32
        %get3A_392 = arith.constant 0 : i32
        %get3A_393 = arith.index_cast %get3A_392 : i32 to index
        %get3A_394 = arith.index_cast %add3A_391 : i32 to index
        %get3A_395 = arith.constant 96 : index
        %get3A_396 = tpu.vector_load %arg8[%get3A_393, %get3A_394, %get3A_395] {strides = array<i32>} : memref<2x48x512xf32, #tpu.memory_space<vmem>>, vector<1x1x16xf32>,
        %get3A_397 = vector.shape_cast %get3A_396 : vector<1x1x16xf32> to vector<16xf32>
        %mul3A_398 = vector.broadcast %squeeze3A_147 : f32 to vector<16xf32>
        %mul3A_399 = arith.mulf %get3A_397, %mul3A_398 : vector<16xf32>
        %add3A_400 = arith.addf %add3A_389, %mul3A_399 : vector<16xf32>
        %swap3A_401 = arith.constant 0 : i32
        %swap3A_402 = arith.index_cast %swap3A_401 : i32 to index
        %swap3A_403 = arith.index_cast %scan3A_136 : i32 to index
        %swap3A_404 = arith.constant 96 : index
        %swap3A_405 = tpu.vector_load %arg9[%swap3A_402, %swap3A_403, %swap3A_404] {strides = array<i32>} : memref<2x16x512xf32, #tpu.memory_space<vmem>>, vector<1x1x16xf32>,
        %swap3A_406 = vector.shape_cast %swap3A_405 : vector<1x1x16xf32> to vector<16xf32>
        %swap3A_407 = vector.shape_cast %add3A_400 : vector<16xf32> to vector<1x1x16xf32>
        tpu.vector_store %arg9[%swap3A_402, %swap3A_403, %swap3A_404], %swap3A_407 {strides = array<i32>} : memref<2x16x512xf32, #tpu.memory_space<vmem>>, vector<1x1x16xf32>,
        %get3A_408 = arith.constant 0 : i32
        %get3A_409 = arith.index_cast %get3A_408 : i32 to index
        %get3A_410 = arith.index_cast %mul3A_149 : i32 to index
        %get3A_411 = arith.constant 112 : index
        %get3A_412 = tpu.vector_load %arg8[%get3A_409, %get3A_410, %get3A_411] {strides = array<i32>} : memref<2x48x512xf32, #tpu.memory_space<vmem>>, vector<1x1x16xf32>,
        %get3A_413 = vector.shape_cast %get3A_412 : vector<1x1x16xf32> to vector<16xf32>
        %mul3A_414 = vector.broadcast %squeeze3A : f32 to vector<16xf32>
        %mul3A_415 = arith.mulf %get3A_413, %mul3A_414 : vector<16xf32>
        %add3A_416 = arith.constant 1 : i32
        %add3A_417 = arith.addi %mul3A_149, %add3A_416 : i32
        %get3A_418 = arith.constant 0 : i32
        %get3A_419 = arith.index_cast %get3A_418 : i32 to index
        %get3A_420 = arith.index_cast %add3A_417 : i32 to index
        %get3A_421 = arith.constant 112 : index
        %get3A_422 = tpu.vector_load %arg8[%get3A_419, %get3A_420, %get3A_421] {strides = array<i32>} : memref<2x48x512xf32, #tpu.memory_space<vmem>>, vector<1x1x16xf32>,
        %get3A_423 = vector.shape_cast %get3A_422 : vector<1x1x16xf32> to vector<16xf32>
        %mul3A_424 = vector.broadcast %squeeze3A_145 : f32 to vector<16xf32>
        %mul3A_425 = arith.mulf %get3A_423, %mul3A_424 : vector<16xf32>
        %add3A_426 = arith.addf %mul3A_415, %mul3A_425 : vector<16xf32>
        %add3A_427 = arith.constant 2 : i32
        %add3A_428 = arith.addi %mul3A_149, %add3A_427 : i32
        %get3A_429 = arith.constant 0 : i32
        %get3A_430 = arith.index_cast %get3A_429 : i32 to index
        %get3A_431 = arith.index_cast %add3A_428 : i32 to index
        %get3A_432 = arith.constant 112 : index
        %get3A_433 = tpu.vector_load %arg8[%get3A_430, %get3A_431, %get3A_432] {strides = array<i32>} : memref<2x48x512xf32, #tpu.memory_space<vmem>>, vector<1x1x16xf32>,
        %get3A_434 = vector.shape_cast %get3A_433 : vector<1x1x16xf32> to vector<16xf32>
        %mul3A_435 = vector.broadcast %squeeze3A_147 : f32 to vector<16xf32>
        %mul3A_436 = arith.mulf %get3A_434, %mul3A_435 : vector<16xf32>
        %add3A_437 = arith.addf %add3A_426, %mul3A_436 : vector<16xf32>
        %swap3A_438 = arith.constant 0 : i32
        %swap3A_439 = arith.index_cast %swap3A_438 : i32 to index
        %swap3A_440 = arith.index_cast %scan3A_136 : i32 to index
        %swap3A_441 = arith.constant 112 : index
        %swap3A_442 = tpu.vector_load %arg9[%swap3A_439, %swap3A_440, %swap3A_441] {strides = array<i32>} : memref<2x16x512xf32, #tpu.memory_space<vmem>>, vector<1x1x16xf32>,
        %swap3A_443 = vector.shape_cast %swap3A_442 : vector<1x1x16xf32> to vector<16xf32>
        %swap3A_444 = vector.shape_cast %add3A_437 : vector<16xf32> to vector<1x1x16xf32>
        tpu.vector_store %arg9[%swap3A_439, %swap3A_440, %swap3A_441], %swap3A_444 {strides = array<i32>} : memref<2x16x512xf32, #tpu.memory_space<vmem>>, vector<1x1x16xf32>,
        %get3A_445 = arith.constant 0 : i32
        %get3A_446 = arith.index_cast %get3A_445 : i32 to index
        %get3A_447 = arith.index_cast %mul3A_149 : i32 to index
        %get3A_448 = arith.constant 128 : index
        %get3A_449 = tpu.vector_load %arg8[%get3A_446, %get3A_447, %get3A_448] {strides = array<i32>} : memref<2x48x512xf32, #tpu.memory_space<vmem>>, vector<1x1x16xf32>,
        %get3A_450 = vector.shape_cast %get3A_449 : vector<1x1x16xf32> to vector<16xf32>
        %mul3A_451 = vector.broadcast %squeeze3A : f32 to vector<16xf32>
        %mul3A_452 = arith.mulf %get3A_450, %mul3A_451 : vector<16xf32>
        %add3A_453 = arith.constant 1 : i32
        %add3A_454 = arith.addi %mul3A_149, %add3A_453 : i32
        %get3A_455 = arith.constant 0 : i32
        %get3A_456 = arith.index_cast %get3A_455 : i32 to index
        %get3A_457 = arith.index_cast %add3A_454 : i32 to index
        %get3A_458 = arith.constant 128 : index
        %get3A_459 = tpu.vector_load %arg8[%get3A_456, %get3A_457, %get3A_458] {strides = array<i32>} : memref<2x48x512xf32, #tpu.memory_space<vmem>>, vector<1x1x16xf32>,
        %get3A_460 = vector.shape_cast %get3A_459 : vector<1x1x16xf32> to vector<16xf32>
        %mul3A_461 = vector.broadcast %squeeze3A_145 : f32 to vector<16xf32>
        %mul3A_462 = arith.mulf %get3A_460, %mul3A_461 : vector<16xf32>
        %add3A_463 = arith.addf %mul3A_452, %mul3A_462 : vector<16xf32>
        %add3A_464 = arith.constant 2 : i32
        %add3A_465 = arith.addi %mul3A_149, %add3A_464 : i32
        %get3A_466 = arith.constant 0 : i32
        %get3A_467 = arith.index_cast %get3A_466 : i32 to index
        %get3A_468 = arith.index_cast %add3A_465 : i32 to index
        %get3A_469 = arith.constant 128 : index
        %get3A_470 = tpu.vector_load %arg8[%get3A_467, %get3A_468, %get3A_469] {strides = array<i32>} : memref<2x48x512xf32, #tpu.memory_space<vmem>>, vector<1x1x16xf32>,
        %get3A_471 = vector.shape_cast %get3A_470 : vector<1x1x16xf32> to vector<16xf32>
        %mul3A_472 = vector.broadcast %squeeze3A_147 : f32 to vector<16xf32>
        %mul3A_473 = arith.mulf %get3A_471, %mul3A_472 : vector<16xf32>
        %add3A_474 = arith.addf %add3A_463, %mul3A_473 : vector<16xf32>
        %swap3A_475 = arith.constant 0 : i32
        %swap3A_476 = arith.index_cast %swap3A_475 : i32 to index
        %swap3A_477 = arith.index_cast %scan3A_136 : i32 to index
        %swap3A_478 = arith.constant 128 : index
        %swap3A_479 = tpu.vector_load %arg9[%swap3A_476, %swap3A_477, %swap3A_478] {strides = array<i32>} : memref<2x16x512xf32, #tpu.memory_space<vmem>>, vector<1x1x16xf32>,
        %swap3A_480 = vector.shape_cast %swap3A_479 : vector<1x1x16xf32> to vector<16xf32>
        %swap3A_481 = vector.shape_cast %add3A_474 : vector<16xf32> to vector<1x1x16xf32>
        tpu.vector_store %arg9[%swap3A_476, %swap3A_477, %swap3A_478], %swap3A_481 {strides = array<i32>} : memref<2x16x512xf32, #tpu.memory_space<vmem>>, vector<1x1x16xf32>,
        %get3A_482 = arith.constant 0 : i32
        %get3A_483 = arith.index_cast %get3A_482 : i32 to index
        %get3A_484 = arith.index_cast %mul3A_149 : i32 to index
        %get3A_485 = arith.constant 144 : index
        %get3A_486 = tpu.vector_load %arg8[%get3A_483, %get3A_484, %get3A_485] {strides = array<i32>} : memref<2x48x512xf32, #tpu.memory_space<vmem>>, vector<1x1x16xf32>,
        %get3A_487 = vector.shape_cast %get3A_486 : vector<1x1x16xf32> to vector<16xf32>
        %mul3A_488 = vector.broadcast %squeeze3A : f32 to vector<16xf32>
        %mul3A_489 = arith.mulf %get3A_487, %mul3A_488 : vector<16xf32>
        %add3A_490 = arith.constant 1 : i32
        %add3A_491 = arith.addi %mul3A_149, %add3A_490 : i32
        %get3A_492 = arith.constant 0 : i32
        %get3A_493 = arith.index_cast %get3A_492 : i32 to index
        %get3A_494 = arith.index_cast %add3A_491 : i32 to index
        %get3A_495 = arith.constant 144 : index
        %get3A_496 = tpu.vector_load %arg8[%get3A_493, %get3A_494, %get3A_495] {strides = array<i32>} : memref<2x48x512xf32, #tpu.memory_space<vmem>>, vector<1x1x16xf32>,
        %get3A_497 = vector.shape_cast %get3A_496 : vector<1x1x16xf32> to vector<16xf32>
        %mul3A_498 = vector.broadcast %squeeze3A_145 : f32 to vector<16xf32>
        %mul3A_499 = arith.mulf %get3A_497, %mul3A_498 : vector<16xf32>
        %add3A_500 = arith.addf %mul3A_489, %mul3A_499 : vector<16xf32>
        %add3A_501 = arith.constant 2 : i32
        %add3A_502 = arith.addi %mul3A_149, %add3A_501 : i32
        %get3A_503 = arith.constant 0 : i32
        %get3A_504 = arith.index_cast %get3A_503 : i32 to index
        %get3A_505 = arith.index_cast %add3A_502 : i32 to index
        %get3A_506 = arith.constant 144 : index
        %get3A_507 = tpu.vector_load %arg8[%get3A_504, %get3A_505, %get3A_506] {strides = array<i32>} : memref<2x48x512xf32, #tpu.memory_space<vmem>>, vector<1x1x16xf32>,
        %get3A_508 = vector.shape_cast %get3A_507 : vector<1x1x16xf32> to vector<16xf32>
        %mul3A_509 = vector.broadcast %squeeze3A_147 : f32 to vector<16xf32>
        %mul3A_510 = arith.mulf %get3A_508, %mul3A_509 : vector<16xf32>
        %add3A_511 = arith.addf %add3A_500, %mul3A_510 : vector<16xf32>
        %swap3A_512 = arith.constant 0 : i32
        %swap3A_513 = arith.index_cast %swap3A_512 : i32 to index
        %swap3A_514 = arith.index_cast %scan3A_136 : i32 to index
        %swap3A_515 = arith.constant 144 : index
        %swap3A_516 = tpu.vector_load %arg9[%swap3A_513, %swap3A_514, %swap3A_515] {strides = array<i32>} : memref<2x16x512xf32, #tpu.memory_space<vmem>>, vector<1x1x16xf32>,
        %swap3A_517 = vector.shape_cast %swap3A_516 : vector<1x1x16xf32> to vector<16xf32>
        %swap3A_518 = vector.shape_cast %add3A_511 : vector<16xf32> to vector<1x1x16xf32>
        tpu.vector_store %arg9[%swap3A_513, %swap3A_514, %swap3A_515], %swap3A_518 {strides = array<i32>} : memref<2x16x512xf32, #tpu.memory_space<vmem>>, vector<1x1x16xf32>,
        %get3A_519 = arith.constant 0 : i32
        %get3A_520 = arith.index_cast %get3A_519 : i32 to index
        %get3A_521 = arith.index_cast %mul3A_149 : i32 to index
        %get3A_522 = arith.constant 160 : index
        %get3A_523 = tpu.vector_load %arg8[%get3A_520, %get3A_521, %get3A_522] {strides = array<i32>} : memref<2x48x512xf32, #tpu.memory_space<vmem>>, vector<1x1x16xf32>,
        %get3A_524 = vector.shape_cast %get3A_523 : vector<1x1x16xf32> to vector<16xf32>
        %mul3A_525 = vector.broadcast %squeeze3A : f32 to vector<16xf32>
        %mul3A_526 = arith.mulf %get3A_524, %mul3A_525 : vector<16xf32>
        %add3A_527 = arith.constant 1 : i32
        %add3A_528 = arith.addi %mul3A_149, %add3A_527 : i32
        %get3A_529 = arith.constant 0 : i32
        %get3A_530 = arith.index_cast %get3A_529 : i32 to index
        %get3A_531 = arith.index_cast %add3A_528 : i32 to index
        %get3A_532 = arith.constant 160 : index
        %get3A_533 = tpu.vector_load %arg8[%get3A_530, %get3A_531, %get3A_532] {strides = array<i32>} : memref<2x48x512xf32, #tpu.memory_space<vmem>>, vector<1x1x16xf32>,
        %get3A_534 = vector.shape_cast %get3A_533 : vector<1x1x16xf32> to vector<16xf32>
        %mul3A_535 = vector.broadcast %squeeze3A_145 : f32 to vector<16xf32>
        %mul3A_536 = arith.mulf %get3A_534, %mul3A_535 : vector<16xf32>
        %add3A_537 = arith.addf %mul3A_526, %mul3A_536 : vector<16xf32>
        %add3A_538 = arith.constant 2 : i32
        %add3A_539 = arith.addi %mul3A_149, %add3A_538 : i32
        %get3A_540 = arith.constant 0 : i32
        %get3A_541 = arith.index_cast %get3A_540 : i32 to index
        %get3A_542 = arith.index_cast %add3A_539 : i32 to index
        %get3A_543 = arith.constant 160 : index
        %get3A_544 = tpu.vector_load %arg8[%get3A_541, %get3A_542, %get3A_543] {strides = array<i32>} : memref<2x48x512xf32, #tpu.memory_space<vmem>>, vector<1x1x16xf32>,
        %get3A_545 = vector.shape_cast %get3A_544 : vector<1x1x16xf32> to vector<16xf32>
        %mul3A_546 = vector.broadcast %squeeze3A_147 : f32 to vector<16xf32>
        %mul3A_547 = arith.mulf %get3A_545, %mul3A_546 : vector<16xf32>
        %add3A_548 = arith.addf %add3A_537, %mul3A_547 : vector<16xf32>
        %swap3A_549 = arith.constant 0 : i32
        %swap3A_550 = arith.index_cast %swap3A_549 : i32 to index
        %swap3A_551 = arith.index_cast %scan3A_136 : i32 to index
        %swap3A_552 = arith.constant 160 : index
        %swap3A_553 = tpu.vector_load %arg9[%swap3A_550, %swap3A_551, %swap3A_552] {strides = array<i32>} : memref<2x16x512xf32, #tpu.memory_space<vmem>>, vector<1x1x16xf32>,
        %swap3A_554 = vector.shape_cast %swap3A_553 : vector<1x1x16xf32> to vector<16xf32>
        %swap3A_555 = vector.shape_cast %add3A_548 : vector<16xf32> to vector<1x1x16xf32>
        tpu.vector_store %arg9[%swap3A_550, %swap3A_551, %swap3A_552], %swap3A_555 {strides = array<i32>} : memref<2x16x512xf32, #tpu.memory_space<vmem>>, vector<1x1x16xf32>,
        %get3A_556 = arith.constant 0 : i32
        %get3A_557 = arith.index_cast %get3A_556 : i32 to index
        %get3A_558 = arith.index_cast %mul3A_149 : i32 to index
        %get3A_559 = arith.constant 176 : index
        %get3A_560 = tpu.vector_load %arg8[%get3A_557, %get3A_558, %get3A_559] {strides = array<i32>} : memref<2x48x512xf32, #tpu.memory_space<vmem>>, vector<1x1x16xf32>,
        %get3A_561 = vector.shape_cast %get3A_560 : vector<1x1x16xf32> to vector<16xf32>
        %mul3A_562 = vector.broadcast %squeeze3A : f32 to vector<16xf32>
        %mul3A_563 = arith.mulf %get3A_561, %mul3A_562 : vector<16xf32>
        %add3A_564 = arith.constant 1 : i32
        %add3A_565 = arith.addi %mul3A_149, %add3A_564 : i32
        %get3A_566 = arith.constant 0 : i32
        %get3A_567 = arith.index_cast %get3A_566 : i32 to index
        %get3A_568 = arith.index_cast %add3A_565 : i32 to index
        %get3A_569 = arith.constant 176 : index
        %get3A_570 = tpu.vector_load %arg8[%get3A_567, %get3A_568, %get3A_569] {strides = array<i32>} : memref<2x48x512xf32, #tpu.memory_space<vmem>>, vector<1x1x16xf32>,
        %get3A_571 = vector.shape_cast %get3A_570 : vector<1x1x16xf32> to vector<16xf32>
        %mul3A_572 = vector.broadcast %squeeze3A_145 : f32 to vector<16xf32>
        %mul3A_573 = arith.mulf %get3A_571, %mul3A_572 : vector<16xf32>
        %add3A_574 = arith.addf %mul3A_563, %mul3A_573 : vector<16xf32>
        %add3A_575 = arith.constant 2 : i32
        %add3A_576 = arith.addi %mul3A_149, %add3A_575 : i32
        %get3A_577 = arith.constant 0 : i32
        %get3A_578 = arith.index_cast %get3A_577 : i32 to index
        %get3A_579 = arith.index_cast %add3A_576 : i32 to index
        %get3A_580 = arith.constant 176 : index
        %get3A_581 = tpu.vector_load %arg8[%get3A_578, %get3A_579, %get3A_580] {strides = array<i32>} : memref<2x48x512xf32, #tpu.memory_space<vmem>>, vector<1x1x16xf32>,
        %get3A_582 = vector.shape_cast %get3A_581 : vector<1x1x16xf32> to vector<16xf32>
        %mul3A_583 = vector.broadcast %squeeze3A_147 : f32 to vector<16xf32>
        %mul3A_584 = arith.mulf %get3A_582, %mul3A_583 : vector<16xf32>
        %add3A_585 = arith.addf %add3A_574, %mul3A_584 : vector<16xf32>
        %swap3A_586 = arith.constant 0 : i32
        %swap3A_587 = arith.index_cast %swap3A_586 : i32 to index
        %swap3A_588 = arith.index_cast %scan3A_136 : i32 to index
        %swap3A_589 = arith.constant 176 : index
        %swap3A_590 = tpu.vector_load %arg9[%swap3A_587, %swap3A_588, %swap3A_589] {strides = array<i32>} : memref<2x16x512xf32, #tpu.memory_space<vmem>>, vector<1x1x16xf32>,
        %swap3A_591 = vector.shape_cast %swap3A_590 : vector<1x1x16xf32> to vector<16xf32>
        %swap3A_592 = vector.shape_cast %add3A_585 : vector<16xf32> to vector<1x1x16xf32>
        tpu.vector_store %arg9[%swap3A_587, %swap3A_588, %swap3A_589], %swap3A_592 {strides = array<i32>} : memref<2x16x512xf32, #tpu.memory_space<vmem>>, vector<1x1x16xf32>,
        %get3A_593 = arith.constant 0 : i32
        %get3A_594 = arith.index_cast %get3A_593 : i32 to index
        %get3A_595 = arith.index_cast %mul3A_149 : i32 to index
        %get3A_596 = arith.constant 192 : index
        %get3A_597 = tpu.vector_load %arg8[%get3A_594, %get3A_595, %get3A_596] {strides = array<i32>} : memref<2x48x512xf32, #tpu.memory_space<vmem>>, vector<1x1x16xf32>,
        %get3A_598 = vector.shape_cast %get3A_597 : vector<1x1x16xf32> to vector<16xf32>
        %mul3A_599 = vector.broadcast %squeeze3A : f32 to vector<16xf32>
        %mul3A_600 = arith.mulf %get3A_598, %mul3A_599 : vector<16xf32>
        %add3A_601 = arith.constant 1 : i32
        %add3A_602 = arith.addi %mul3A_149, %add3A_601 : i32
        %get3A_603 = arith.constant 0 : i32
        %get3A_604 = arith.index_cast %get3A_603 : i32 to index
        %get3A_605 = arith.index_cast %add3A_602 : i32 to index
        %get3A_606 = arith.constant 192 : index
        %get3A_607 = tpu.vector_load %arg8[%get3A_604, %get3A_605, %get3A_606] {strides = array<i32>} : memref<2x48x512xf32, #tpu.memory_space<vmem>>, vector<1x1x16xf32>,
        %get3A_608 = vector.shape_cast %get3A_607 : vector<1x1x16xf32> to vector<16xf32>
        %mul3A_609 = vector.broadcast %squeeze3A_145 : f32 to vector<16xf32>
        %mul3A_610 = arith.mulf %get3A_608, %mul3A_609 : vector<16xf32>
        %add3A_611 = arith.addf %mul3A_600, %mul3A_610 : vector<16xf32>
        %add3A_612 = arith.constant 2 : i32
        %add3A_613 = arith.addi %mul3A_149, %add3A_612 : i32
        %get3A_614 = arith.constant 0 : i32
        %get3A_615 = arith.index_cast %get3A_614 : i32 to index
        %get3A_616 = arith.index_cast %add3A_613 : i32 to index
        %get3A_617 = arith.constant 192 : index
        %get3A_618 = tpu.vector_load %arg8[%get3A_615, %get3A_616, %get3A_617] {strides = array<i32>} : memref<2x48x512xf32, #tpu.memory_space<vmem>>, vector<1x1x16xf32>,
        %get3A_619 = vector.shape_cast %get3A_618 : vector<1x1x16xf32> to vector<16xf32>
        %mul3A_620 = vector.broadcast %squeeze3A_147 : f32 to vector<16xf32>
        %mul3A_621 = arith.mulf %get3A_619, %mul3A_620 : vector<16xf32>
        %add3A_622 = arith.addf %add3A_611, %mul3A_621 : vector<16xf32>
        %swap3A_623 = arith.constant 0 : i32
        %swap3A_624 = arith.index_cast %swap3A_623 : i32 to index
        %swap3A_625 = arith.index_cast %scan3A_136 : i32 to index
        %swap3A_626 = arith.constant 192 : index
        %swap3A_627 = tpu.vector_load %arg9[%swap3A_624, %swap3A_625, %swap3A_626] {strides = array<i32>} : memref<2x16x512xf32, #tpu.memory_space<vmem>>, vector<1x1x16xf32>,
        %swap3A_628 = vector.shape_cast %swap3A_627 : vector<1x1x16xf32> to vector<16xf32>
        %swap3A_629 = vector.shape_cast %add3A_622 : vector<16xf32> to vector<1x1x16xf32>
        tpu.vector_store %arg9[%swap3A_624, %swap3A_625, %swap3A_626], %swap3A_629 {strides = array<i32>} : memref<2x16x512xf32, #tpu.memory_space<vmem>>, vector<1x1x16xf32>,
        %get3A_630 = arith.constant 0 : i32
        %get3A_631 = arith.index_cast %get3A_630 : i32 to index
        %get3A_632 = arith.index_cast %mul3A_149 : i32 to index
        %get3A_633 = arith.constant 208 : index
        %get3A_634 = tpu.vector_load %arg8[%get3A_631, %get3A_632, %get3A_633] {strides = array<i32>} : memref<2x48x512xf32, #tpu.memory_space<vmem>>, vector<1x1x16xf32>,
        %get3A_635 = vector.shape_cast %get3A_634 : vector<1x1x16xf32> to vector<16xf32>
        %mul3A_636 = vector.broadcast %squeeze3A : f32 to vector<16xf32>
        %mul3A_637 = arith.mulf %get3A_635, %mul3A_636 : vector<16xf32>
        %add3A_638 = arith.constant 1 : i32
        %add3A_639 = arith.addi %mul3A_149, %add3A_638 : i32
        %get3A_640 = arith.constant 0 : i32
        %get3A_641 = arith.index_cast %get3A_640 : i32 to index
        %get3A_642 = arith.index_cast %add3A_639 : i32 to index
        %get3A_643 = arith.constant 208 : index
        %get3A_644 = tpu.vector_load %arg8[%get3A_641, %get3A_642, %get3A_643] {strides = array<i32>} : memref<2x48x512xf32, #tpu.memory_space<vmem>>, vector<1x1x16xf32>,
        %get3A_645 = vector.shape_cast %get3A_644 : vector<1x1x16xf32> to vector<16xf32>
        %mul3A_646 = vector.broadcast %squeeze3A_145 : f32 to vector<16xf32>
        %mul3A_647 = arith.mulf %get3A_645, %mul3A_646 : vector<16xf32>
        %add3A_648 = arith.addf %mul3A_637, %mul3A_647 : vector<16xf32>
        %add3A_649 = arith.constant 2 : i32
        %add3A_650 = arith.addi %mul3A_149, %add3A_649 : i32
        %get3A_651 = arith.constant 0 : i32
        %get3A_652 = arith.index_cast %get3A_651 : i32 to index
        %get3A_653 = arith.index_cast %add3A_650 : i32 to index
        %get3A_654 = arith.constant 208 : index
        %get3A_655 = tpu.vector_load %arg8[%get3A_652, %get3A_653, %get3A_654] {strides = array<i32>} : memref<2x48x512xf32, #tpu.memory_space<vmem>>, vector<1x1x16xf32>,
        %get3A_656 = vector.shape_cast %get3A_655 : vector<1x1x16xf32> to vector<16xf32>
        %mul3A_657 = vector.broadcast %squeeze3A_147 : f32 to vector<16xf32>
        %mul3A_658 = arith.mulf %get3A_656, %mul3A_657 : vector<16xf32>
        %add3A_659 = arith.addf %add3A_648, %mul3A_658 : vector<16xf32>
        %swap3A_660 = arith.constant 0 : i32
        %swap3A_661 = arith.index_cast %swap3A_660 : i32 to index
        %swap3A_662 = arith.index_cast %scan3A_136 : i32 to index
        %swap3A_663 = arith.constant 208 : index
        %swap3A_664 = tpu.vector_load %arg9[%swap3A_661, %swap3A_662, %swap3A_663] {strides = array<i32>} : memref<2x16x512xf32, #tpu.memory_space<vmem>>, vector<1x1x16xf32>,
        %swap3A_665 = vector.shape_cast %swap3A_664 : vector<1x1x16xf32> to vector<16xf32>
        %swap3A_666 = vector.shape_cast %add3A_659 : vector<16xf32> to vector<1x1x16xf32>
        tpu.vector_store %arg9[%swap3A_661, %swap3A_662, %swap3A_663], %swap3A_666 {strides = array<i32>} : memref<2x16x512xf32, #tpu.memory_space<vmem>>, vector<1x1x16xf32>,
        %get3A_667 = arith.constant 0 : i32
        %get3A_668 = arith.index_cast %get3A_667 : i32 to index
        %get3A_669 = arith.index_cast %mul3A_149 : i32 to index
        %get3A_670 = arith.constant 224 : index
        %get3A_671 = tpu.vector_load %arg8[%get3A_668, %get3A_669, %get3A_670] {strides = array<i32>} : memref<2x48x512xf32, #tpu.memory_space<vmem>>, vector<1x1x16xf32>,
        %get3A_672 = vector.shape_cast %get3A_671 : vector<1x1x16xf32> to vector<16xf32>
        %mul3A_673 = vector.broadcast %squeeze3A : f32 to vector<16xf32>
        %mul3A_674 = arith.mulf %get3A_672, %mul3A_673 : vector<16xf32>
        %add3A_675 = arith.constant 1 : i32
        %add3A_676 = arith.addi %mul3A_149, %add3A_675 : i32
        %get3A_677 = arith.constant 0 : i32
        %get3A_678 = arith.index_cast %get3A_677 : i32 to index
        %get3A_679 = arith.index_cast %add3A_676 : i32 to index
        %get3A_680 = arith.constant 224 : index
        %get3A_681 = tpu.vector_load %arg8[%get3A_678, %get3A_679, %get3A_680] {strides = array<i32>} : memref<2x48x512xf32, #tpu.memory_space<vmem>>, vector<1x1x16xf32>,
        %get3A_682 = vector.shape_cast %get3A_681 : vector<1x1x16xf32> to vector<16xf32>
        %mul3A_683 = vector.broadcast %squeeze3A_145 : f32 to vector<16xf32>
        %mul3A_684 = arith.mulf %get3A_682, %mul3A_683 : vector<16xf32>
        %add3A_685 = arith.addf %mul3A_674, %mul3A_684 : vector<16xf32>
        %add3A_686 = arith.constant 2 : i32
        %add3A_687 = arith.addi %mul3A_149, %add3A_686 : i32
        %get3A_688 = arith.constant 0 : i32
        %get3A_689 = arith.index_cast %get3A_688 : i32 to index
        %get3A_690 = arith.index_cast %add3A_687 : i32 to index
        %get3A_691 = arith.constant 224 : index
        %get3A_692 = tpu.vector_load %arg8[%get3A_689, %get3A_690, %get3A_691] {strides = array<i32>} : memref<2x48x512xf32, #tpu.memory_space<vmem>>, vector<1x1x16xf32>,
        %get3A_693 = vector.shape_cast %get3A_692 : vector<1x1x16xf32> to vector<16xf32>
        %mul3A_694 = vector.broadcast %squeeze3A_147 : f32 to vector<16xf32>
        %mul3A_695 = arith.mulf %get3A_693, %mul3A_694 : vector<16xf32>
        %add3A_696 = arith.addf %add3A_685, %mul3A_695 : vector<16xf32>
        %swap3A_697 = arith.constant 0 : i32
        %swap3A_698 = arith.index_cast %swap3A_697 : i32 to index
        %swap3A_699 = arith.index_cast %scan3A_136 : i32 to index
        %swap3A_700 = arith.constant 224 : index
        %swap3A_701 = tpu.vector_load %arg9[%swap3A_698, %swap3A_699, %swap3A_700] {strides = array<i32>} : memref<2x16x512xf32, #tpu.memory_space<vmem>>, vector<1x1x16xf32>,
        %swap3A_702 = vector.shape_cast %swap3A_701 : vector<1x1x16xf32> to vector<16xf32>
        %swap3A_703 = vector.shape_cast %add3A_696 : vector<16xf32> to vector<1x1x16xf32>
        tpu.vector_store %arg9[%swap3A_698, %swap3A_699, %swap3A_700], %swap3A_703 {strides = array<i32>} : memref<2x16x512xf32, #tpu.memory_space<vmem>>, vector<1x1x16xf32>,
        %get3A_704 = arith.constant 0 : i32
        %get3A_705 = arith.index_cast %get3A_704 : i32 to index
        %get3A_706 = arith.index_cast %mul3A_149 : i32 to index
        %get3A_707 = arith.constant 240 : index
        %get3A_708 = tpu.vector_load %arg8[%get3A_705, %get3A_706, %get3A_707] {strides = array<i32>} : memref<2x48x512xf32, #tpu.memory_space<vmem>>, vector<1x1x16xf32>,
        %get3A_709 = vector.shape_cast %get3A_708 : vector<1x1x16xf32> to vector<16xf32>
        %mul3A_710 = vector.broadcast %squeeze3A : f32 to vector<16xf32>
        %mul3A_711 = arith.mulf %get3A_709, %mul3A_710 : vector<16xf32>
        %add3A_712 = arith.constant 1 : i32
        %add3A_713 = arith.addi %mul3A_149, %add3A_712 : i32
        %get3A_714 = arith.constant 0 : i32
        %get3A_715 = arith.index_cast %get3A_714 : i32 to index
        %get3A_716 = arith.index_cast %add3A_713 : i32 to index
        %get3A_717 = arith.constant 240 : index
        %get3A_718 = tpu.vector_load %arg8[%get3A_715, %get3A_716, %get3A_717] {strides = array<i32>} : memref<2x48x512xf32, #tpu.memory_space<vmem>>, vector<1x1x16xf32>,
        %get3A_719 = vector.shape_cast %get3A_718 : vector<1x1x16xf32> to vector<16xf32>
        %mul3A_720 = vector.broadcast %squeeze3A_145 : f32 to vector<16xf32>
        %mul3A_721 = arith.mulf %get3A_719, %mul3A_720 : vector<16xf32>
        %add3A_722 = arith.addf %mul3A_711, %mul3A_721 : vector<16xf32>
        %add3A_723 = arith.constant 2 : i32
        %add3A_724 = arith.addi %mul3A_149, %add3A_723 : i32
        %get3A_725 = arith.constant 0 : i32
        %get3A_726 = arith.index_cast %get3A_725 : i32 to index
        %get3A_727 = arith.index_cast %add3A_724 : i32 to index
        %get3A_728 = arith.constant 240 : index
        %get3A_729 = tpu.vector_load %arg8[%get3A_726, %get3A_727, %get3A_728] {strides = array<i32>} : memref<2x48x512xf32, #tpu.memory_space<vmem>>, vector<1x1x16xf32>,
        %get3A_730 = vector.shape_cast %get3A_729 : vector<1x1x16xf32> to vector<16xf32>
        %mul3A_731 = vector.broadcast %squeeze3A_147 : f32 to vector<16xf32>
        %mul3A_732 = arith.mulf %get3A_730, %mul3A_731 : vector<16xf32>
        %add3A_733 = arith.addf %add3A_722, %mul3A_732 : vector<16xf32>
        %swap3A_734 = arith.constant 0 : i32
        %swap3A_735 = arith.index_cast %swap3A_734 : i32 to index
        %swap3A_736 = arith.index_cast %scan3A_136 : i32 to index
        %swap3A_737 = arith.constant 240 : index
        %swap3A_738 = tpu.vector_load %arg9[%swap3A_735, %swap3A_736, %swap3A_737] {strides = array<i32>} : memref<2x16x512xf32, #tpu.memory_space<vmem>>, vector<1x1x16xf32>,
        %swap3A_739 = vector.shape_cast %swap3A_738 : vector<1x1x16xf32> to vector<16xf32>
        %swap3A_740 = vector.shape_cast %add3A_733 : vector<16xf32> to vector<1x1x16xf32>
        tpu.vector_store %arg9[%swap3A_735, %swap3A_736, %swap3A_737], %swap3A_740 {strides = array<i32>} : memref<2x16x512xf32, #tpu.memory_space<vmem>>, vector<1x1x16xf32>,
        %get3A_741 = arith.constant 0 : i32
        %get3A_742 = arith.index_cast %get3A_741 : i32 to index
        %get3A_743 = arith.index_cast %mul3A_149 : i32 to index
        %get3A_744 = arith.constant 256 : index
        %get3A_745 = tpu.vector_load %arg8[%get3A_742, %get3A_743, %get3A_744] {strides = array<i32>} : memref<2x48x512xf32, #tpu.memory_space<vmem>>, vector<1x1x16xf32>,
        %get3A_746 = vector.shape_cast %get3A_745 : vector<1x1x16xf32> to vector<16xf32>
        %mul3A_747 = vector.broadcast %squeeze3A : f32 to vector<16xf32>
        %mul3A_748 = arith.mulf %get3A_746, %mul3A_747 : vector<16xf32>
        %add3A_749 = arith.constant 1 : i32
        %add3A_750 = arith.addi %mul3A_149, %add3A_749 : i32
        %get3A_751 = arith.constant 0 : i32
        %get3A_752 = arith.index_cast %get3A_751 : i32 to index
        %get3A_753 = arith.index_cast %add3A_750 : i32 to index
        %get3A_754 = arith.constant 256 : index
        %get3A_755 = tpu.vector_load %arg8[%get3A_752, %get3A_753, %get3A_754] {strides = array<i32>} : memref<2x48x512xf32, #tpu.memory_space<vmem>>, vector<1x1x16xf32>,
        %get3A_756 = vector.shape_cast %get3A_755 : vector<1x1x16xf32> to vector<16xf32>
        %mul3A_757 = vector.broadcast %squeeze3A_145 : f32 to vector<16xf32>
        %mul3A_758 = arith.mulf %get3A_756, %mul3A_757 : vector<16xf32>
        %add3A_759 = arith.addf %mul3A_748, %mul3A_758 : vector<16xf32>
        %add3A_760 = arith.constant 2 : i32
        %add3A_761 = arith.addi %mul3A_149, %add3A_760 : i32
        %get3A_762 = arith.constant 0 : i32
        %get3A_763 = arith.index_cast %get3A_762 : i32 to index
        %get3A_764 = arith.index_cast %add3A_761 : i32 to index
        %get3A_765 = arith.constant 256 : index
        %get3A_766 = tpu.vector_load %arg8[%get3A_763, %get3A_764, %get3A_765] {strides = array<i32>} : memref<2x48x512xf32, #tpu.memory_space<vmem>>, vector<1x1x16xf32>,
        %get3A_767 = vector.shape_cast %get3A_766 : vector<1x1x16xf32> to vector<16xf32>
        %mul3A_768 = vector.broadcast %squeeze3A_147 : f32 to vector<16xf32>
        %mul3A_769 = arith.mulf %get3A_767, %mul3A_768 : vector<16xf32>
        %add3A_770 = arith.addf %add3A_759, %mul3A_769 : vector<16xf32>
        %swap3A_771 = arith.constant 0 : i32
        %swap3A_772 = arith.index_cast %swap3A_771 : i32 to index
        %swap3A_773 = arith.index_cast %scan3A_136 : i32 to index
        %swap3A_774 = arith.constant 256 : index
        %swap3A_775 = tpu.vector_load %arg9[%swap3A_772, %swap3A_773, %swap3A_774] {strides = array<i32>} : memref<2x16x512xf32, #tpu.memory_space<vmem>>, vector<1x1x16xf32>,
        %swap3A_776 = vector.shape_cast %swap3A_775 : vector<1x1x16xf32> to vector<16xf32>
        %swap3A_777 = vector.shape_cast %add3A_770 : vector<16xf32> to vector<1x1x16xf32>
        tpu.vector_store %arg9[%swap3A_772, %swap3A_773, %swap3A_774], %swap3A_777 {strides = array<i32>} : memref<2x16x512xf32, #tpu.memory_space<vmem>>, vector<1x1x16xf32>,
        %get3A_778 = arith.constant 0 : i32
        %get3A_779 = arith.index_cast %get3A_778 : i32 to index
        %get3A_780 = arith.index_cast %mul3A_149 : i32 to index
        %get3A_781 = arith.constant 272 : index
        %get3A_782 = tpu.vector_load %arg8[%get3A_779, %get3A_780, %get3A_781] {strides = array<i32>} : memref<2x48x512xf32, #tpu.memory_space<vmem>>, vector<1x1x16xf32>,
        %get3A_783 = vector.shape_cast %get3A_782 : vector<1x1x16xf32> to vector<16xf32>
        %mul3A_784 = vector.broadcast %squeeze3A : f32 to vector<16xf32>
        %mul3A_785 = arith.mulf %get3A_783, %mul3A_784 : vector<16xf32>
        %add3A_786 = arith.constant 1 : i32
        %add3A_787 = arith.addi %mul3A_149, %add3A_786 : i32
        %get3A_788 = arith.constant 0 : i32
        %get3A_789 = arith.index_cast %get3A_788 : i32 to index
        %get3A_790 = arith.index_cast %add3A_787 : i32 to index
        %get3A_791 = arith.constant 272 : index
        %get3A_792 = tpu.vector_load %arg8[%get3A_789, %get3A_790, %get3A_791] {strides = array<i32>} : memref<2x48x512xf32, #tpu.memory_space<vmem>>, vector<1x1x16xf32>,
        %get3A_793 = vector.shape_cast %get3A_792 : vector<1x1x16xf32> to vector<16xf32>
        %mul3A_794 = vector.broadcast %squeeze3A_145 : f32 to vector<16xf32>
        %mul3A_795 = arith.mulf %get3A_793, %mul3A_794 : vector<16xf32>
        %add3A_796 = arith.addf %mul3A_785, %mul3A_795 : vector<16xf32>
        %add3A_797 = arith.constant 2 : i32
        %add3A_798 = arith.addi %mul3A_149, %add3A_797 : i32
        %get3A_799 = arith.constant 0 : i32
        %get3A_800 = arith.index_cast %get3A_799 : i32 to index
        %get3A_801 = arith.index_cast %add3A_798 : i32 to index
        %get3A_802 = arith.constant 272 : index
        %get3A_803 = tpu.vector_load %arg8[%get3A_800, %get3A_801, %get3A_802] {strides = array<i32>} : memref<2x48x512xf32, #tpu.memory_space<vmem>>, vector<1x1x16xf32>,
        %get3A_804 = vector.shape_cast %get3A_803 : vector<1x1x16xf32> to vector<16xf32>
        %mul3A_805 = vector.broadcast %squeeze3A_147 : f32 to vector<16xf32>
        %mul3A_806 = arith.mulf %get3A_804, %mul3A_805 : vector<16xf32>
        %add3A_807 = arith.addf %add3A_796, %mul3A_806 : vector<16xf32>
        %swap3A_808 = arith.constant 0 : i32
        %swap3A_809 = arith.index_cast %swap3A_808 : i32 to index
        %swap3A_810 = arith.index_cast %scan3A_136 : i32 to index
        %swap3A_811 = arith.constant 272 : index
        %swap3A_812 = tpu.vector_load %arg9[%swap3A_809, %swap3A_810, %swap3A_811] {strides = array<i32>} : memref<2x16x512xf32, #tpu.memory_space<vmem>>, vector<1x1x16xf32>,
        %swap3A_813 = vector.shape_cast %swap3A_812 : vector<1x1x16xf32> to vector<16xf32>
        %swap3A_814 = vector.shape_cast %add3A_807 : vector<16xf32> to vector<1x1x16xf32>
        tpu.vector_store %arg9[%swap3A_809, %swap3A_810, %swap3A_811], %swap3A_814 {strides = array<i32>} : memref<2x16x512xf32, #tpu.memory_space<vmem>>, vector<1x1x16xf32>,
        %get3A_815 = arith.constant 0 : i32
        %get3A_816 = arith.index_cast %get3A_815 : i32 to index
        %get3A_817 = arith.index_cast %mul3A_149 : i32 to index
        %get3A_818 = arith.constant 288 : index
        %get3A_819 = tpu.vector_load %arg8[%get3A_816, %get3A_817, %get3A_818] {strides = array<i32>} : memref<2x48x512xf32, #tpu.memory_space<vmem>>, vector<1x1x16xf32>,
        %get3A_820 = vector.shape_cast %get3A_819 : vector<1x1x16xf32> to vector<16xf32>
        %mul3A_821 = vector.broadcast %squeeze3A : f32 to vector<16xf32>
        %mul3A_822 = arith.mulf %get3A_820, %mul3A_821 : vector<16xf32>
        %add3A_823 = arith.constant 1 : i32
        %add3A_824 = arith.addi %mul3A_149, %add3A_823 : i32
        %get3A_825 = arith.constant 0 : i32
        %get3A_826 = arith.index_cast %get3A_825 : i32 to index
        %get3A_827 = arith.index_cast %add3A_824 : i32 to index
        %get3A_828 = arith.constant 288 : index
        %get3A_829 = tpu.vector_load %arg8[%get3A_826, %get3A_827, %get3A_828] {strides = array<i32>} : memref<2x48x512xf32, #tpu.memory_space<vmem>>, vector<1x1x16xf32>,
        %get3A_830 = vector.shape_cast %get3A_829 : vector<1x1x16xf32> to vector<16xf32>
        %mul3A_831 = vector.broadcast %squeeze3A_145 : f32 to vector<16xf32>
        %mul3A_832 = arith.mulf %get3A_830, %mul3A_831 : vector<16xf32>
        %add3A_833 = arith.addf %mul3A_822, %mul3A_832 : vector<16xf32>
        %add3A_834 = arith.constant 2 : i32
        %add3A_835 = arith.addi %mul3A_149, %add3A_834 : i32
        %get3A_836 = arith.constant 0 : i32
        %get3A_837 = arith.index_cast %get3A_836 : i32 to index
        %get3A_838 = arith.index_cast %add3A_835 : i32 to index
        %get3A_839 = arith.constant 288 : index
        %get3A_840 = tpu.vector_load %arg8[%get3A_837, %get3A_838, %get3A_839] {strides = array<i32>} : memref<2x48x512xf32, #tpu.memory_space<vmem>>, vector<1x1x16xf32>,
        %get3A_841 = vector.shape_cast %get3A_840 : vector<1x1x16xf32> to vector<16xf32>
        %mul3A_842 = vector.broadcast %squeeze3A_147 : f32 to vector<16xf32>
        %mul3A_843 = arith.mulf %get3A_841, %mul3A_842 : vector<16xf32>
        %add3A_844 = arith.addf %add3A_833, %mul3A_843 : vector<16xf32>
        %swap3A_845 = arith.constant 0 : i32
        %swap3A_846 = arith.index_cast %swap3A_845 : i32 to index
        %swap3A_847 = arith.index_cast %scan3A_136 : i32 to index
        %swap3A_848 = arith.constant 288 : index
        %swap3A_849 = tpu.vector_load %arg9[%swap3A_846, %swap3A_847, %swap3A_848] {strides = array<i32>} : memref<2x16x512xf32, #tpu.memory_space<vmem>>, vector<1x1x16xf32>,
        %swap3A_850 = vector.shape_cast %swap3A_849 : vector<1x1x16xf32> to vector<16xf32>
        %swap3A_851 = vector.shape_cast %add3A_844 : vector<16xf32> to vector<1x1x16xf32>
        tpu.vector_store %arg9[%swap3A_846, %swap3A_847, %swap3A_848], %swap3A_851 {strides = array<i32>} : memref<2x16x512xf32, #tpu.memory_space<vmem>>, vector<1x1x16xf32>,
        %get3A_852 = arith.constant 0 : i32
        %get3A_853 = arith.index_cast %get3A_852 : i32 to index
        %get3A_854 = arith.index_cast %mul3A_149 : i32 to index
        %get3A_855 = arith.constant 304 : index
        %get3A_856 = tpu.vector_load %arg8[%get3A_853, %get3A_854, %get3A_855] {strides = array<i32>} : memref<2x48x512xf32, #tpu.memory_space<vmem>>, vector<1x1x16xf32>,
        %get3A_857 = vector.shape_cast %get3A_856 : vector<1x1x16xf32> to vector<16xf32>
        %mul3A_858 = vector.broadcast %squeeze3A : f32 to vector<16xf32>
        %mul3A_859 = arith.mulf %get3A_857, %mul3A_858 : vector<16xf32>
        %add3A_860 = arith.constant 1 : i32
        %add3A_861 = arith.addi %mul3A_149, %add3A_860 : i32
        %get3A_862 = arith.constant 0 : i32
        %get3A_863 = arith.index_cast %get3A_862 : i32 to index
        %get3A_864 = arith.index_cast %add3A_861 : i32 to index
        %get3A_865 = arith.constant 304 : index
        %get3A_866 = tpu.vector_load %arg8[%get3A_863, %get3A_864, %get3A_865] {strides = array<i32>} : memref<2x48x512xf32, #tpu.memory_space<vmem>>, vector<1x1x16xf32>,
        %get3A_867 = vector.shape_cast %get3A_866 : vector<1x1x16xf32> to vector<16xf32>
        %mul3A_868 = vector.broadcast %squeeze3A_145 : f32 to vector<16xf32>
        %mul3A_869 = arith.mulf %get3A_867, %mul3A_868 : vector<16xf32>
        %add3A_870 = arith.addf %mul3A_859, %mul3A_869 : vector<16xf32>
        %add3A_871 = arith.constant 2 : i32
        %add3A_872 = arith.addi %mul3A_149, %add3A_871 : i32
        %get3A_873 = arith.constant 0 : i32
        %get3A_874 = arith.index_cast %get3A_873 : i32 to index
        %get3A_875 = arith.index_cast %add3A_872 : i32 to index
        %get3A_876 = arith.constant 304 : index
        %get3A_877 = tpu.vector_load %arg8[%get3A_874, %get3A_875, %get3A_876] {strides = array<i32>} : memref<2x48x512xf32, #tpu.memory_space<vmem>>, vector<1x1x16xf32>,
        %get3A_878 = vector.shape_cast %get3A_877 : vector<1x1x16xf32> to vector<16xf32>
        %mul3A_879 = vector.broadcast %squeeze3A_147 : f32 to vector<16xf32>
        %mul3A_880 = arith.mulf %get3A_878, %mul3A_879 : vector<16xf32>
        %add3A_881 = arith.addf %add3A_870, %mul3A_880 : vector<16xf32>
        %swap3A_882 = arith.constant 0 : i32
        %swap3A_883 = arith.index_cast %swap3A_882 : i32 to index
        %swap3A_884 = arith.index_cast %scan3A_136 : i32 to index
        %swap3A_885 = arith.constant 304 : index
        %swap3A_886 = tpu.vector_load %arg9[%swap3A_883, %swap3A_884, %swap3A_885] {strides = array<i32>} : memref<2x16x512xf32, #tpu.memory_space<vmem>>, vector<1x1x16xf32>,
        %swap3A_887 = vector.shape_cast %swap3A_886 : vector<1x1x16xf32> to vector<16xf32>
        %swap3A_888 = vector.shape_cast %add3A_881 : vector<16xf32> to vector<1x1x16xf32>
        tpu.vector_store %arg9[%swap3A_883, %swap3A_884, %swap3A_885], %swap3A_888 {strides = array<i32>} : memref<2x16x512xf32, #tpu.memory_space<vmem>>, vector<1x1x16xf32>,
        %get3A_889 = arith.constant 0 : i32
        %get3A_890 = arith.index_cast %get3A_889 : i32 to index
        %get3A_891 = arith.index_cast %mul3A_149 : i32 to index
        %get3A_892 = arith.constant 320 : index
        %get3A_893 = tpu.vector_load %arg8[%get3A_890, %get3A_891, %get3A_892] {strides = array<i32>} : memref<2x48x512xf32, #tpu.memory_space<vmem>>, vector<1x1x16xf32>,
        %get3A_894 = vector.shape_cast %get3A_893 : vector<1x1x16xf32> to vector<16xf32>
        %mul3A_895 = vector.broadcast %squeeze3A : f32 to vector<16xf32>
        %mul3A_896 = arith.mulf %get3A_894, %mul3A_895 : vector<16xf32>
        %add3A_897 = arith.constant 1 : i32
        %add3A_898 = arith.addi %mul3A_149, %add3A_897 : i32
        %get3A_899 = arith.constant 0 : i32
        %get3A_900 = arith.index_cast %get3A_899 : i32 to index
        %get3A_901 = arith.index_cast %add3A_898 : i32 to index
        %get3A_902 = arith.constant 320 : index
        %get3A_903 = tpu.vector_load %arg8[%get3A_900, %get3A_901, %get3A_902] {strides = array<i32>} : memref<2x48x512xf32, #tpu.memory_space<vmem>>, vector<1x1x16xf32>,
        %get3A_904 = vector.shape_cast %get3A_903 : vector<1x1x16xf32> to vector<16xf32>
        %mul3A_905 = vector.broadcast %squeeze3A_145 : f32 to vector<16xf32>
        %mul3A_906 = arith.mulf %get3A_904, %mul3A_905 : vector<16xf32>
        %add3A_907 = arith.addf %mul3A_896, %mul3A_906 : vector<16xf32>
        %add3A_908 = arith.constant 2 : i32
        %add3A_909 = arith.addi %mul3A_149, %add3A_908 : i32
        %get3A_910 = arith.constant 0 : i32
        %get3A_911 = arith.index_cast %get3A_910 : i32 to index
        %get3A_912 = arith.index_cast %add3A_909 : i32 to index
        %get3A_913 = arith.constant 320 : index
        %get3A_914 = tpu.vector_load %arg8[%get3A_911, %get3A_912, %get3A_913] {strides = array<i32>} : memref<2x48x512xf32, #tpu.memory_space<vmem>>, vector<1x1x16xf32>,
        %get3A_915 = vector.shape_cast %get3A_914 : vector<1x1x16xf32> to vector<16xf32>
        %mul3A_916 = vector.broadcast %squeeze3A_147 : f32 to vector<16xf32>
        %mul3A_917 = arith.mulf %get3A_915, %mul3A_916 : vector<16xf32>
        %add3A_918 = arith.addf %add3A_907, %mul3A_917 : vector<16xf32>
        %swap3A_919 = arith.constant 0 : i32
        %swap3A_920 = arith.index_cast %swap3A_919 : i32 to index
        %swap3A_921 = arith.index_cast %scan3A_136 : i32 to index
        %swap3A_922 = arith.constant 320 : index
        %swap3A_923 = tpu.vector_load %arg9[%swap3A_920, %swap3A_921, %swap3A_922] {strides = array<i32>} : memref<2x16x512xf32, #tpu.memory_space<vmem>>, vector<1x1x16xf32>,
        %swap3A_924 = vector.shape_cast %swap3A_923 : vector<1x1x16xf32> to vector<16xf32>
        %swap3A_925 = vector.shape_cast %add3A_918 : vector<16xf32> to vector<1x1x16xf32>
        tpu.vector_store %arg9[%swap3A_920, %swap3A_921, %swap3A_922], %swap3A_925 {strides = array<i32>} : memref<2x16x512xf32, #tpu.memory_space<vmem>>, vector<1x1x16xf32>,
        %get3A_926 = arith.constant 0 : i32
        %get3A_927 = arith.index_cast %get3A_926 : i32 to index
        %get3A_928 = arith.index_cast %mul3A_149 : i32 to index
        %get3A_929 = arith.constant 336 : index
        %get3A_930 = tpu.vector_load %arg8[%get3A_927, %get3A_928, %get3A_929] {strides = array<i32>} : memref<2x48x512xf32, #tpu.memory_space<vmem>>, vector<1x1x16xf32>,
        %get3A_931 = vector.shape_cast %get3A_930 : vector<1x1x16xf32> to vector<16xf32>
        %mul3A_932 = vector.broadcast %squeeze3A : f32 to vector<16xf32>
        %mul3A_933 = arith.mulf %get3A_931, %mul3A_932 : vector<16xf32>
        %add3A_934 = arith.constant 1 : i32
        %add3A_935 = arith.addi %mul3A_149, %add3A_934 : i32
        %get3A_936 = arith.constant 0 : i32
        %get3A_937 = arith.index_cast %get3A_936 : i32 to index
        %get3A_938 = arith.index_cast %add3A_935 : i32 to index
        %get3A_939 = arith.constant 336 : index
        %get3A_940 = tpu.vector_load %arg8[%get3A_937, %get3A_938, %get3A_939] {strides = array<i32>} : memref<2x48x512xf32, #tpu.memory_space<vmem>>, vector<1x1x16xf32>,
        %get3A_941 = vector.shape_cast %get3A_940 : vector<1x1x16xf32> to vector<16xf32>
        %mul3A_942 = vector.broadcast %squeeze3A_145 : f32 to vector<16xf32>
        %mul3A_943 = arith.mulf %get3A_941, %mul3A_942 : vector<16xf32>
        %add3A_944 = arith.addf %mul3A_933, %mul3A_943 : vector<16xf32>
        %add3A_945 = arith.constant 2 : i32
        %add3A_946 = arith.addi %mul3A_149, %add3A_945 : i32
        %get3A_947 = arith.constant 0 : i32
        %get3A_948 = arith.index_cast %get3A_947 : i32 to index
        %get3A_949 = arith.index_cast %add3A_946 : i32 to index
        %get3A_950 = arith.constant 336 : index
        %get3A_951 = tpu.vector_load %arg8[%get3A_948, %get3A_949, %get3A_950] {strides = array<i32>} : memref<2x48x512xf32, #tpu.memory_space<vmem>>, vector<1x1x16xf32>,
        %get3A_952 = vector.shape_cast %get3A_951 : vector<1x1x16xf32> to vector<16xf32>
        %mul3A_953 = vector.broadcast %squeeze3A_147 : f32 to vector<16xf32>
        %mul3A_954 = arith.mulf %get3A_952, %mul3A_953 : vector<16xf32>
        %add3A_955 = arith.addf %add3A_944, %mul3A_954 : vector<16xf32>
        %swap3A_956 = arith.constant 0 : i32
        %swap3A_957 = arith.index_cast %swap3A_956 : i32 to index
        %swap3A_958 = arith.index_cast %scan3A_136 : i32 to index
        %swap3A_959 = arith.constant 336 : index
        %swap3A_960 = tpu.vector_load %arg9[%swap3A_957, %swap3A_958, %swap3A_959] {strides = array<i32>} : memref<2x16x512xf32, #tpu.memory_space<vmem>>, vector<1x1x16xf32>,
        %swap3A_961 = vector.shape_cast %swap3A_960 : vector<1x1x16xf32> to vector<16xf32>
        %swap3A_962 = vector.shape_cast %add3A_955 : vector<16xf32> to vector<1x1x16xf32>
        tpu.vector_store %arg9[%swap3A_957, %swap3A_958, %swap3A_959], %swap3A_962 {strides = array<i32>} : memref<2x16x512xf32, #tpu.memory_space<vmem>>, vector<1x1x16xf32>,
        %get3A_963 = arith.constant 0 : i32
        %get3A_964 = arith.index_cast %get3A_963 : i32 to index
        %get3A_965 = arith.index_cast %mul3A_149 : i32 to index
        %get3A_966 = arith.constant 352 : index
        %get3A_967 = tpu.vector_load %arg8[%get3A_964, %get3A_965, %get3A_966] {strides = array<i32>} : memref<2x48x512xf32, #tpu.memory_space<vmem>>, vector<1x1x16xf32>,
        %get3A_968 = vector.shape_cast %get3A_967 : vector<1x1x16xf32> to vector<16xf32>
        %mul3A_969 = vector.broadcast %squeeze3A : f32 to vector<16xf32>
        %mul3A_970 = arith.mulf %get3A_968, %mul3A_969 : vector<16xf32>
        %add3A_971 = arith.constant 1 : i32
        %add3A_972 = arith.addi %mul3A_149, %add3A_971 : i32
        %get3A_973 = arith.constant 0 : i32
        %get3A_974 = arith.index_cast %get3A_973 : i32 to index
        %get3A_975 = arith.index_cast %add3A_972 : i32 to index
        %get3A_976 = arith.constant 352 : index
        %get3A_977 = tpu.vector_load %arg8[%get3A_974, %get3A_975, %get3A_976] {strides = array<i32>} : memref<2x48x512xf32, #tpu.memory_space<vmem>>, vector<1x1x16xf32>,
        %get3A_978 = vector.shape_cast %get3A_977 : vector<1x1x16xf32> to vector<16xf32>
        %mul3A_979 = vector.broadcast %squeeze3A_145 : f32 to vector<16xf32>
        %mul3A_980 = arith.mulf %get3A_978, %mul3A_979 : vector<16xf32>
        %add3A_981 = arith.addf %mul3A_970, %mul3A_980 : vector<16xf32>
        %add3A_982 = arith.constant 2 : i32
        %add3A_983 = arith.addi %mul3A_149, %add3A_982 : i32
        %get3A_984 = arith.constant 0 : i32
        %get3A_985 = arith.index_cast %get3A_984 : i32 to index
        %get3A_986 = arith.index_cast %add3A_983 : i32 to index
        %get3A_987 = arith.constant 352 : index
        %get3A_988 = tpu.vector_load %arg8[%get3A_985, %get3A_986, %get3A_987] {strides = array<i32>} : memref<2x48x512xf32, #tpu.memory_space<vmem>>, vector<1x1x16xf32>,
        %get3A_989 = vector.shape_cast %get3A_988 : vector<1x1x16xf32> to vector<16xf32>
        %mul3A_990 = vector.broadcast %squeeze3A_147 : f32 to vector<16xf32>
        %mul3A_991 = arith.mulf %get3A_989, %mul3A_990 : vector<16xf32>
        %add3A_992 = arith.addf %add3A_981, %mul3A_991 : vector<16xf32>
        %swap3A_993 = arith.constant 0 : i32
        %swap3A_994 = arith.index_cast %swap3A_993 : i32 to index
        %swap3A_995 = arith.index_cast %scan3A_136 : i32 to index
        %swap3A_996 = arith.constant 352 : index
        %swap3A_997 = tpu.vector_load %arg9[%swap3A_994, %swap3A_995, %swap3A_996] {strides = array<i32>} : memref<2x16x512xf32, #tpu.memory_space<vmem>>, vector<1x1x16xf32>,
        %swap3A_998 = vector.shape_cast %swap3A_997 : vector<1x1x16xf32> to vector<16xf32>
        %swap3A_999 = vector.shape_cast %add3A_992 : vector<16xf32> to vector<1x1x16xf32>
        tpu.vector_store %arg9[%swap3A_994, %swap3A_995, %swap3A_996], %swap3A_999 {strides = array<i32>} : memref<2x16x512xf32, #tpu.memory_space<vmem>>, vector<1x1x16xf32>,
        %get3A_1000 = arith.constant 0 : i32
        %get3A_1001 = arith.index_cast %get3A_1000 : i32 to index
        %get3A_1002 = arith.index_cast %mul3A_149 : i32 to index
        %get3A_1003 = arith.constant 368 : index
        %get3A_1004 = tpu.vector_load %arg8[%get3A_1001, %get3A_1002, %get3A_1003] {strides = array<i32>} : memref<2x48x512xf32, #tpu.memory_space<vmem>>, vector<1x1x16xf32>,
        %get3A_1005 = vector.shape_cast %get3A_1004 : vector<1x1x16xf32> to vector<16xf32>
        %mul3A_1006 = vector.broadcast %squeeze3A : f32 to vector<16xf32>
        %mul3A_1007 = arith.mulf %get3A_1005, %mul3A_1006 : vector<16xf32>
        %add3A_1008 = arith.constant 1 : i32
        %add3A_1009 = arith.addi %mul3A_149, %add3A_1008 : i32
        %get3A_1010 = arith.constant 0 : i32
        %get3A_1011 = arith.index_cast %get3A_1010 : i32 to index
        %get3A_1012 = arith.index_cast %add3A_1009 : i32 to index
        %get3A_1013 = arith.constant 368 : index
        %get3A_1014 = tpu.vector_load %arg8[%get3A_1011, %get3A_1012, %get3A_1013] {strides = array<i32>} : memref<2x48x512xf32, #tpu.memory_space<vmem>>, vector<1x1x16xf32>,
        %get3A_1015 = vector.shape_cast %get3A_1014 : vector<1x1x16xf32> to vector<16xf32>
        %mul3A_1016 = vector.broadcast %squeeze3A_145 : f32 to vector<16xf32>
        %mul3A_1017 = arith.mulf %get3A_1015, %mul3A_1016 : vector<16xf32>
        %add3A_1018 = arith.addf %mul3A_1007, %mul3A_1017 : vector<16xf32>
        %add3A_1019 = arith.constant 2 : i32
        %add3A_1020 = arith.addi %mul3A_149, %add3A_1019 : i32
        %get3A_1021 = arith.constant 0 : i32
        %get3A_1022 = arith.index_cast %get3A_1021 : i32 to index
        %get3A_1023 = arith.index_cast %add3A_1020 : i32 to index
        %get3A_1024 = arith.constant 368 : index
        %get3A_1025 = tpu.vector_load %arg8[%get3A_1022, %get3A_1023, %get3A_1024] {strides = array<i32>} : memref<2x48x512xf32, #tpu.memory_space<vmem>>, vector<1x1x16xf32>,
        %get3A_1026 = vector.shape_cast %get3A_1025 : vector<1x1x16xf32> to vector<16xf32>
        %mul3A_1027 = vector.broadcast %squeeze3A_147 : f32 to vector<16xf32>
        %mul3A_1028 = arith.mulf %get3A_1026, %mul3A_1027 : vector<16xf32>
        %add3A_1029 = arith.addf %add3A_1018, %mul3A_1028 : vector<16xf32>
        %swap3A_1030 = arith.constant 0 : i32
        %swap3A_1031 = arith.index_cast %swap3A_1030 : i32 to index
        %swap3A_1032 = arith.index_cast %scan3A_136 : i32 to index
        %swap3A_1033 = arith.constant 368 : index
        %swap3A_1034 = tpu.vector_load %arg9[%swap3A_1031, %swap3A_1032, %swap3A_1033] {strides = array<i32>} : memref<2x16x512xf32, #tpu.memory_space<vmem>>, vector<1x1x16xf32>,
        %swap3A_1035 = vector.shape_cast %swap3A_1034 : vector<1x1x16xf32> to vector<16xf32>
        %swap3A_1036 = vector.shape_cast %add3A_1029 : vector<16xf32> to vector<1x1x16xf32>
        tpu.vector_store %arg9[%swap3A_1031, %swap3A_1032, %swap3A_1033], %swap3A_1036 {strides = array<i32>} : memref<2x16x512xf32, #tpu.memory_space<vmem>>, vector<1x1x16xf32>,
        %get3A_1037 = arith.constant 0 : i32
        %get3A_1038 = arith.index_cast %get3A_1037 : i32 to index
        %get3A_1039 = arith.index_cast %mul3A_149 : i32 to index
        %get3A_1040 = arith.constant 384 : index
        %get3A_1041 = tpu.vector_load %arg8[%get3A_1038, %get3A_1039, %get3A_1040] {strides = array<i32>} : memref<2x48x512xf32, #tpu.memory_space<vmem>>, vector<1x1x16xf32>,
        %get3A_1042 = vector.shape_cast %get3A_1041 : vector<1x1x16xf32> to vector<16xf32>
        %mul3A_1043 = vector.broadcast %squeeze3A : f32 to vector<16xf32>
        %mul3A_1044 = arith.mulf %get3A_1042, %mul3A_1043 : vector<16xf32>
        %add3A_1045 = arith.constant 1 : i32
        %add3A_1046 = arith.addi %mul3A_149, %add3A_1045 : i32
        %get3A_1047 = arith.constant 0 : i32
        %get3A_1048 = arith.index_cast %get3A_1047 : i32 to index
        %get3A_1049 = arith.index_cast %add3A_1046 : i32 to index
        %get3A_1050 = arith.constant 384 : index
        %get3A_1051 = tpu.vector_load %arg8[%get3A_1048, %get3A_1049, %get3A_1050] {strides = array<i32>} : memref<2x48x512xf32, #tpu.memory_space<vmem>>, vector<1x1x16xf32>,
        %get3A_1052 = vector.shape_cast %get3A_1051 : vector<1x1x16xf32> to vector<16xf32>
        %mul3A_1053 = vector.broadcast %squeeze3A_145 : f32 to vector<16xf32>
        %mul3A_1054 = arith.mulf %get3A_1052, %mul3A_1053 : vector<16xf32>
        %add3A_1055 = arith.addf %mul3A_1044, %mul3A_1054 : vector<16xf32>
        %add3A_1056 = arith.constant 2 : i32
        %add3A_1057 = arith.addi %mul3A_149, %add3A_1056 : i32
        %get3A_1058 = arith.constant 0 : i32
        %get3A_1059 = arith.index_cast %get3A_1058 : i32 to index
        %get3A_1060 = arith.index_cast %add3A_1057 : i32 to index
        %get3A_1061 = arith.constant 384 : index
        %get3A_1062 = tpu.vector_load %arg8[%get3A_1059, %get3A_1060, %get3A_1061] {strides = array<i32>} : memref<2x48x512xf32, #tpu.memory_space<vmem>>, vector<1x1x16xf32>,
        %get3A_1063 = vector.shape_cast %get3A_1062 : vector<1x1x16xf32> to vector<16xf32>
        %mul3A_1064 = vector.broadcast %squeeze3A_147 : f32 to vector<16xf32>
        %mul3A_1065 = arith.mulf %get3A_1063, %mul3A_1064 : vector<16xf32>
        %add3A_1066 = arith.addf %add3A_1055, %mul3A_1065 : vector<16xf32>
        %swap3A_1067 = arith.constant 0 : i32
        %swap3A_1068 = arith.index_cast %swap3A_1067 : i32 to index
        %swap3A_1069 = arith.index_cast %scan3A_136 : i32 to index
        %swap3A_1070 = arith.constant 384 : index
        %swap3A_1071 = tpu.vector_load %arg9[%swap3A_1068, %swap3A_1069, %swap3A_1070] {strides = array<i32>} : memref<2x16x512xf32, #tpu.memory_space<vmem>>, vector<1x1x16xf32>,
        %swap3A_1072 = vector.shape_cast %swap3A_1071 : vector<1x1x16xf32> to vector<16xf32>
        %swap3A_1073 = vector.shape_cast %add3A_1066 : vector<16xf32> to vector<1x1x16xf32>
        tpu.vector_store %arg9[%swap3A_1068, %swap3A_1069, %swap3A_1070], %swap3A_1073 {strides = array<i32>} : memref<2x16x512xf32, #tpu.memory_space<vmem>>, vector<1x1x16xf32>,
        %get3A_1074 = arith.constant 0 : i32
        %get3A_1075 = arith.index_cast %get3A_1074 : i32 to index
        %get3A_1076 = arith.index_cast %mul3A_149 : i32 to index
        %get3A_1077 = arith.constant 400 : index
        %get3A_1078 = tpu.vector_load %arg8[%get3A_1075, %get3A_1076, %get3A_1077] {strides = array<i32>} : memref<2x48x512xf32, #tpu.memory_space<vmem>>, vector<1x1x16xf32>,
        %get3A_1079 = vector.shape_cast %get3A_1078 : vector<1x1x16xf32> to vector<16xf32>
        %mul3A_1080 = vector.broadcast %squeeze3A : f32 to vector<16xf32>
        %mul3A_1081 = arith.mulf %get3A_1079, %mul3A_1080 : vector<16xf32>
        %add3A_1082 = arith.constant 1 : i32
        %add3A_1083 = arith.addi %mul3A_149, %add3A_1082 : i32
        %get3A_1084 = arith.constant 0 : i32
        %get3A_1085 = arith.index_cast %get3A_1084 : i32 to index
        %get3A_1086 = arith.index_cast %add3A_1083 : i32 to index
        %get3A_1087 = arith.constant 400 : index
        %get3A_1088 = tpu.vector_load %arg8[%get3A_1085, %get3A_1086, %get3A_1087] {strides = array<i32>} : memref<2x48x512xf32, #tpu.memory_space<vmem>>, vector<1x1x16xf32>,
        %get3A_1089 = vector.shape_cast %get3A_1088 : vector<1x1x16xf32> to vector<16xf32>
        %mul3A_1090 = vector.broadcast %squeeze3A_145 : f32 to vector<16xf32>
        %mul3A_1091 = arith.mulf %get3A_1089, %mul3A_1090 : vector<16xf32>
        %add3A_1092 = arith.addf %mul3A_1081, %mul3A_1091 : vector<16xf32>
        %add3A_1093 = arith.constant 2 : i32
        %add3A_1094 = arith.addi %mul3A_149, %add3A_1093 : i32
        %get3A_1095 = arith.constant 0 : i32
        %get3A_1096 = arith.index_cast %get3A_1095 : i32 to index
        %get3A_1097 = arith.index_cast %add3A_1094 : i32 to index
        %get3A_1098 = arith.constant 400 : index
        %get3A_1099 = tpu.vector_load %arg8[%get3A_1096, %get3A_1097, %get3A_1098] {strides = array<i32>} : memref<2x48x512xf32, #tpu.memory_space<vmem>>, vector<1x1x16xf32>,
        %get3A_1100 = vector.shape_cast %get3A_1099 : vector<1x1x16xf32> to vector<16xf32>
        %mul3A_1101 = vector.broadcast %squeeze3A_147 : f32 to vector<16xf32>
        %mul3A_1102 = arith.mulf %get3A_1100, %mul3A_1101 : vector<16xf32>
        %add3A_1103 = arith.addf %add3A_1092, %mul3A_1102 : vector<16xf32>
        %swap3A_1104 = arith.constant 0 : i32
        %swap3A_1105 = arith.index_cast %swap3A_1104 : i32 to index
        %swap3A_1106 = arith.index_cast %scan3A_136 : i32 to index
        %swap3A_1107 = arith.constant 400 : index
        %swap3A_1108 = tpu.vector_load %arg9[%swap3A_1105, %swap3A_1106, %swap3A_1107] {strides = array<i32>} : memref<2x16x512xf32, #tpu.memory_space<vmem>>, vector<1x1x16xf32>,
        %swap3A_1109 = vector.shape_cast %swap3A_1108 : vector<1x1x16xf32> to vector<16xf32>
        %swap3A_1110 = vector.shape_cast %add3A_1103 : vector<16xf32> to vector<1x1x16xf32>
        tpu.vector_store %arg9[%swap3A_1105, %swap3A_1106, %swap3A_1107], %swap3A_1110 {strides = array<i32>} : memref<2x16x512xf32, #tpu.memory_space<vmem>>, vector<1x1x16xf32>,
        %get3A_1111 = arith.constant 0 : i32
        %get3A_1112 = arith.index_cast %get3A_1111 : i32 to index
        %get3A_1113 = arith.index_cast %mul3A_149 : i32 to index
        %get3A_1114 = arith.constant 416 : index
        %get3A_1115 = tpu.vector_load %arg8[%get3A_1112, %get3A_1113, %get3A_1114] {strides = array<i32>} : memref<2x48x512xf32, #tpu.memory_space<vmem>>, vector<1x1x16xf32>,
        %get3A_1116 = vector.shape_cast %get3A_1115 : vector<1x1x16xf32> to vector<16xf32>
        %mul3A_1117 = vector.broadcast %squeeze3A : f32 to vector<16xf32>
        %mul3A_1118 = arith.mulf %get3A_1116, %mul3A_1117 : vector<16xf32>
        %add3A_1119 = arith.constant 1 : i32
        %add3A_1120 = arith.addi %mul3A_149, %add3A_1119 : i32
        %get3A_1121 = arith.constant 0 : i32
        %get3A_1122 = arith.index_cast %get3A_1121 : i32 to index
        %get3A_1123 = arith.index_cast %add3A_1120 : i32 to index
        %get3A_1124 = arith.constant 416 : index
        %get3A_1125 = tpu.vector_load %arg8[%get3A_1122, %get3A_1123, %get3A_1124] {strides = array<i32>} : memref<2x48x512xf32, #tpu.memory_space<vmem>>, vector<1x1x16xf32>,
        %get3A_1126 = vector.shape_cast %get3A_1125 : vector<1x1x16xf32> to vector<16xf32>
        %mul3A_1127 = vector.broadcast %squeeze3A_145 : f32 to vector<16xf32>
        %mul3A_1128 = arith.mulf %get3A_1126, %mul3A_1127 : vector<16xf32>
        %add3A_1129 = arith.addf %mul3A_1118, %mul3A_1128 : vector<16xf32>
        %add3A_1130 = arith.constant 2 : i32
        %add3A_1131 = arith.addi %mul3A_149, %add3A_1130 : i32
        %get3A_1132 = arith.constant 0 : i32
        %get3A_1133 = arith.index_cast %get3A_1132 : i32 to index
        %get3A_1134 = arith.index_cast %add3A_1131 : i32 to index
        %get3A_1135 = arith.constant 416 : index
        %get3A_1136 = tpu.vector_load %arg8[%get3A_1133, %get3A_1134, %get3A_1135] {strides = array<i32>} : memref<2x48x512xf32, #tpu.memory_space<vmem>>, vector<1x1x16xf32>,
        %get3A_1137 = vector.shape_cast %get3A_1136 : vector<1x1x16xf32> to vector<16xf32>
        %mul3A_1138 = vector.broadcast %squeeze3A_147 : f32 to vector<16xf32>
        %mul3A_1139 = arith.mulf %get3A_1137, %mul3A_1138 : vector<16xf32>
        %add3A_1140 = arith.addf %add3A_1129, %mul3A_1139 : vector<16xf32>
        %swap3A_1141 = arith.constant 0 : i32
        %swap3A_1142 = arith.index_cast %swap3A_1141 : i32 to index
        %swap3A_1143 = arith.index_cast %scan3A_136 : i32 to index
        %swap3A_1144 = arith.constant 416 : index
        %swap3A_1145 = tpu.vector_load %arg9[%swap3A_1142, %swap3A_1143, %swap3A_1144] {strides = array<i32>} : memref<2x16x512xf32, #tpu.memory_space<vmem>>, vector<1x1x16xf32>,
        %swap3A_1146 = vector.shape_cast %swap3A_1145 : vector<1x1x16xf32> to vector<16xf32>
        %swap3A_1147 = vector.shape_cast %add3A_1140 : vector<16xf32> to vector<1x1x16xf32>
        tpu.vector_store %arg9[%swap3A_1142, %swap3A_1143, %swap3A_1144], %swap3A_1147 {strides = array<i32>} : memref<2x16x512xf32, #tpu.memory_space<vmem>>, vector<1x1x16xf32>,
        %get3A_1148 = arith.constant 0 : i32
        %get3A_1149 = arith.index_cast %get3A_1148 : i32 to index
        %get3A_1150 = arith.index_cast %mul3A_149 : i32 to index
        %get3A_1151 = arith.constant 432 : index
        %get3A_1152 = tpu.vector_load %arg8[%get3A_1149, %get3A_1150, %get3A_1151] {strides = array<i32>} : memref<2x48x512xf32, #tpu.memory_space<vmem>>, vector<1x1x16xf32>,
        %get3A_1153 = vector.shape_cast %get3A_1152 : vector<1x1x16xf32> to vector<16xf32>
        %mul3A_1154 = vector.broadcast %squeeze3A : f32 to vector<16xf32>
        %mul3A_1155 = arith.mulf %get3A_1153, %mul3A_1154 : vector<16xf32>
        %add3A_1156 = arith.constant 1 : i32
        %add3A_1157 = arith.addi %mul3A_149, %add3A_1156 : i32
        %get3A_1158 = arith.constant 0 : i32
        %get3A_1159 = arith.index_cast %get3A_1158 : i32 to index
        %get3A_1160 = arith.index_cast %add3A_1157 : i32 to index
        %get3A_1161 = arith.constant 432 : index
        %get3A_1162 = tpu.vector_load %arg8[%get3A_1159, %get3A_1160, %get3A_1161] {strides = array<i32>} : memref<2x48x512xf32, #tpu.memory_space<vmem>>, vector<1x1x16xf32>,
        %get3A_1163 = vector.shape_cast %get3A_1162 : vector<1x1x16xf32> to vector<16xf32>
        %mul3A_1164 = vector.broadcast %squeeze3A_145 : f32 to vector<16xf32>
        %mul3A_1165 = arith.mulf %get3A_1163, %mul3A_1164 : vector<16xf32>
        %add3A_1166 = arith.addf %mul3A_1155, %mul3A_1165 : vector<16xf32>
        %add3A_1167 = arith.constant 2 : i32
        %add3A_1168 = arith.addi %mul3A_149, %add3A_1167 : i32
        %get3A_1169 = arith.constant 0 : i32
        %get3A_1170 = arith.index_cast %get3A_1169 : i32 to index
        %get3A_1171 = arith.index_cast %add3A_1168 : i32 to index
        %get3A_1172 = arith.constant 432 : index
        %get3A_1173 = tpu.vector_load %arg8[%get3A_1170, %get3A_1171, %get3A_1172] {strides = array<i32>} : memref<2x48x512xf32, #tpu.memory_space<vmem>>, vector<1x1x16xf32>,
        %get3A_1174 = vector.shape_cast %get3A_1173 : vector<1x1x16xf32> to vector<16xf32>
        %mul3A_1175 = vector.broadcast %squeeze3A_147 : f32 to vector<16xf32>
        %mul3A_1176 = arith.mulf %get3A_1174, %mul3A_1175 : vector<16xf32>
        %add3A_1177 = arith.addf %add3A_1166, %mul3A_1176 : vector<16xf32>
        %swap3A_1178 = arith.constant 0 : i32
        %swap3A_1179 = arith.index_cast %swap3A_1178 : i32 to index
        %swap3A_1180 = arith.index_cast %scan3A_136 : i32 to index
        %swap3A_1181 = arith.constant 432 : index
        %swap3A_1182 = tpu.vector_load %arg9[%swap3A_1179, %swap3A_1180, %swap3A_1181] {strides = array<i32>} : memref<2x16x512xf32, #tpu.memory_space<vmem>>, vector<1x1x16xf32>,
        %swap3A_1183 = vector.shape_cast %swap3A_1182 : vector<1x1x16xf32> to vector<16xf32>
        %swap3A_1184 = vector.shape_cast %add3A_1177 : vector<16xf32> to vector<1x1x16xf32>
        tpu.vector_store %arg9[%swap3A_1179, %swap3A_1180, %swap3A_1181], %swap3A_1184 {strides = array<i32>} : memref<2x16x512xf32, #tpu.memory_space<vmem>>, vector<1x1x16xf32>,
        %get3A_1185 = arith.constant 0 : i32
        %get3A_1186 = arith.index_cast %get3A_1185 : i32 to index
        %get3A_1187 = arith.index_cast %mul3A_149 : i32 to index
        %get3A_1188 = arith.constant 448 : index
        %get3A_1189 = tpu.vector_load %arg8[%get3A_1186, %get3A_1187, %get3A_1188] {strides = array<i32>} : memref<2x48x512xf32, #tpu.memory_space<vmem>>, vector<1x1x16xf32>,
        %get3A_1190 = vector.shape_cast %get3A_1189 : vector<1x1x16xf32> to vector<16xf32>
        %mul3A_1191 = vector.broadcast %squeeze3A : f32 to vector<16xf32>
        %mul3A_1192 = arith.mulf %get3A_1190, %mul3A_1191 : vector<16xf32>
        %add3A_1193 = arith.constant 1 : i32
        %add3A_1194 = arith.addi %mul3A_149, %add3A_1193 : i32
        %get3A_1195 = arith.constant 0 : i32
        %get3A_1196 = arith.index_cast %get3A_1195 : i32 to index
        %get3A_1197 = arith.index_cast %add3A_1194 : i32 to index
        %get3A_1198 = arith.constant 448 : index
        %get3A_1199 = tpu.vector_load %arg8[%get3A_1196, %get3A_1197, %get3A_1198] {strides = array<i32>} : memref<2x48x512xf32, #tpu.memory_space<vmem>>, vector<1x1x16xf32>,
        %get3A_1200 = vector.shape_cast %get3A_1199 : vector<1x1x16xf32> to vector<16xf32>
        %mul3A_1201 = vector.broadcast %squeeze3A_145 : f32 to vector<16xf32>
        %mul3A_1202 = arith.mulf %get3A_1200, %mul3A_1201 : vector<16xf32>
        %add3A_1203 = arith.addf %mul3A_1192, %mul3A_1202 : vector<16xf32>
        %add3A_1204 = arith.constant 2 : i32
        %add3A_1205 = arith.addi %mul3A_149, %add3A_1204 : i32
        %get3A_1206 = arith.constant 0 : i32
        %get3A_1207 = arith.index_cast %get3A_1206 : i32 to index
        %get3A_1208 = arith.index_cast %add3A_1205 : i32 to index
        %get3A_1209 = arith.constant 448 : index
        %get3A_1210 = tpu.vector_load %arg8[%get3A_1207, %get3A_1208, %get3A_1209] {strides = array<i32>} : memref<2x48x512xf32, #tpu.memory_space<vmem>>, vector<1x1x16xf32>,
        %get3A_1211 = vector.shape_cast %get3A_1210 : vector<1x1x16xf32> to vector<16xf32>
        %mul3A_1212 = vector.broadcast %squeeze3A_147 : f32 to vector<16xf32>
        %mul3A_1213 = arith.mulf %get3A_1211, %mul3A_1212 : vector<16xf32>
        %add3A_1214 = arith.addf %add3A_1203, %mul3A_1213 : vector<16xf32>
        %swap3A_1215 = arith.constant 0 : i32
        %swap3A_1216 = arith.index_cast %swap3A_1215 : i32 to index
        %swap3A_1217 = arith.index_cast %scan3A_136 : i32 to index
        %swap3A_1218 = arith.constant 448 : index
        %swap3A_1219 = tpu.vector_load %arg9[%swap3A_1216, %swap3A_1217, %swap3A_1218] {strides = array<i32>} : memref<2x16x512xf32, #tpu.memory_space<vmem>>, vector<1x1x16xf32>,
        %swap3A_1220 = vector.shape_cast %swap3A_1219 : vector<1x1x16xf32> to vector<16xf32>
        %swap3A_1221 = vector.shape_cast %add3A_1214 : vector<16xf32> to vector<1x1x16xf32>
        tpu.vector_store %arg9[%swap3A_1216, %swap3A_1217, %swap3A_1218], %swap3A_1221 {strides = array<i32>} : memref<2x16x512xf32, #tpu.memory_space<vmem>>, vector<1x1x16xf32>,
        %get3A_1222 = arith.constant 0 : i32
        %get3A_1223 = arith.index_cast %get3A_1222 : i32 to index
        %get3A_1224 = arith.index_cast %mul3A_149 : i32 to index
        %get3A_1225 = arith.constant 464 : index
        %get3A_1226 = tpu.vector_load %arg8[%get3A_1223, %get3A_1224, %get3A_1225] {strides = array<i32>} : memref<2x48x512xf32, #tpu.memory_space<vmem>>, vector<1x1x16xf32>,
        %get3A_1227 = vector.shape_cast %get3A_1226 : vector<1x1x16xf32> to vector<16xf32>
        %mul3A_1228 = vector.broadcast %squeeze3A : f32 to vector<16xf32>
        %mul3A_1229 = arith.mulf %get3A_1227, %mul3A_1228 : vector<16xf32>
        %add3A_1230 = arith.constant 1 : i32
        %add3A_1231 = arith.addi %mul3A_149, %add3A_1230 : i32
        %get3A_1232 = arith.constant 0 : i32
        %get3A_1233 = arith.index_cast %get3A_1232 : i32 to index
        %get3A_1234 = arith.index_cast %add3A_1231 : i32 to index
        %get3A_1235 = arith.constant 464 : index
        %get3A_1236 = tpu.vector_load %arg8[%get3A_1233, %get3A_1234, %get3A_1235] {strides = array<i32>} : memref<2x48x512xf32, #tpu.memory_space<vmem>>, vector<1x1x16xf32>,
        %get3A_1237 = vector.shape_cast %get3A_1236 : vector<1x1x16xf32> to vector<16xf32>
        %mul3A_1238 = vector.broadcast %squeeze3A_145 : f32 to vector<16xf32>
        %mul3A_1239 = arith.mulf %get3A_1237, %mul3A_1238 : vector<16xf32>
        %add3A_1240 = arith.addf %mul3A_1229, %mul3A_1239 : vector<16xf32>
        %add3A_1241 = arith.constant 2 : i32
        %add3A_1242 = arith.addi %mul3A_149, %add3A_1241 : i32
        %get3A_1243 = arith.constant 0 : i32
        %get3A_1244 = arith.index_cast %get3A_1243 : i32 to index
        %get3A_1245 = arith.index_cast %add3A_1242 : i32 to index
        %get3A_1246 = arith.constant 464 : index
        %get3A_1247 = tpu.vector_load %arg8[%get3A_1244, %get3A_1245, %get3A_1246] {strides = array<i32>} : memref<2x48x512xf32, #tpu.memory_space<vmem>>, vector<1x1x16xf32>,
        %get3A_1248 = vector.shape_cast %get3A_1247 : vector<1x1x16xf32> to vector<16xf32>
        %mul3A_1249 = vector.broadcast %squeeze3A_147 : f32 to vector<16xf32>
        %mul3A_1250 = arith.mulf %get3A_1248, %mul3A_1249 : vector<16xf32>
        %add3A_1251 = arith.addf %add3A_1240, %mul3A_1250 : vector<16xf32>
        %swap3A_1252 = arith.constant 0 : i32
        %swap3A_1253 = arith.index_cast %swap3A_1252 : i32 to index
        %swap3A_1254 = arith.index_cast %scan3A_136 : i32 to index
        %swap3A_1255 = arith.constant 464 : index
        %swap3A_1256 = tpu.vector_load %arg9[%swap3A_1253, %swap3A_1254, %swap3A_1255] {strides = array<i32>} : memref<2x16x512xf32, #tpu.memory_space<vmem>>, vector<1x1x16xf32>,
        %swap3A_1257 = vector.shape_cast %swap3A_1256 : vector<1x1x16xf32> to vector<16xf32>
        %swap3A_1258 = vector.shape_cast %add3A_1251 : vector<16xf32> to vector<1x1x16xf32>
        tpu.vector_store %arg9[%swap3A_1253, %swap3A_1254, %swap3A_1255], %swap3A_1258 {strides = array<i32>} : memref<2x16x512xf32, #tpu.memory_space<vmem>>, vector<1x1x16xf32>,
        %get3A_1259 = arith.constant 0 : i32
        %get3A_1260 = arith.index_cast %get3A_1259 : i32 to index
        %get3A_1261 = arith.index_cast %mul3A_149 : i32 to index
        %get3A_1262 = arith.constant 480 : index
        %get3A_1263 = tpu.vector_load %arg8[%get3A_1260, %get3A_1261, %get3A_1262] {strides = array<i32>} : memref<2x48x512xf32, #tpu.memory_space<vmem>>, vector<1x1x16xf32>,
        %get3A_1264 = vector.shape_cast %get3A_1263 : vector<1x1x16xf32> to vector<16xf32>
        %mul3A_1265 = vector.broadcast %squeeze3A : f32 to vector<16xf32>
        %mul3A_1266 = arith.mulf %get3A_1264, %mul3A_1265 : vector<16xf32>
        %add3A_1267 = arith.constant 1 : i32
        %add3A_1268 = arith.addi %mul3A_149, %add3A_1267 : i32
        %get3A_1269 = arith.constant 0 : i32
        %get3A_1270 = arith.index_cast %get3A_1269 : i32 to index
        %get3A_1271 = arith.index_cast %add3A_1268 : i32 to index
        %get3A_1272 = arith.constant 480 : index
        %get3A_1273 = tpu.vector_load %arg8[%get3A_1270, %get3A_1271, %get3A_1272] {strides = array<i32>} : memref<2x48x512xf32, #tpu.memory_space<vmem>>, vector<1x1x16xf32>,
        %get3A_1274 = vector.shape_cast %get3A_1273 : vector<1x1x16xf32> to vector<16xf32>
        %mul3A_1275 = vector.broadcast %squeeze3A_145 : f32 to vector<16xf32>
        %mul3A_1276 = arith.mulf %get3A_1274, %mul3A_1275 : vector<16xf32>
        %add3A_1277 = arith.addf %mul3A_1266, %mul3A_1276 : vector<16xf32>
        %add3A_1278 = arith.constant 2 : i32
        %add3A_1279 = arith.addi %mul3A_149, %add3A_1278 : i32
        %get3A_1280 = arith.constant 0 : i32
        %get3A_1281 = arith.index_cast %get3A_1280 : i32 to index
        %get3A_1282 = arith.index_cast %add3A_1279 : i32 to index
        %get3A_1283 = arith.constant 480 : index
        %get3A_1284 = tpu.vector_load %arg8[%get3A_1281, %get3A_1282, %get3A_1283] {strides = array<i32>} : memref<2x48x512xf32, #tpu.memory_space<vmem>>, vector<1x1x16xf32>,
        %get3A_1285 = vector.shape_cast %get3A_1284 : vector<1x1x16xf32> to vector<16xf32>
        %mul3A_1286 = vector.broadcast %squeeze3A_147 : f32 to vector<16xf32>
        %mul3A_1287 = arith.mulf %get3A_1285, %mul3A_1286 : vector<16xf32>
        %add3A_1288 = arith.addf %add3A_1277, %mul3A_1287 : vector<16xf32>
        %swap3A_1289 = arith.constant 0 : i32
        %swap3A_1290 = arith.index_cast %swap3A_1289 : i32 to index
        %swap3A_1291 = arith.index_cast %scan3A_136 : i32 to index
        %swap3A_1292 = arith.constant 480 : index
        %swap3A_1293 = tpu.vector_load %arg9[%swap3A_1290, %swap3A_1291, %swap3A_1292] {strides = array<i32>} : memref<2x16x512xf32, #tpu.memory_space<vmem>>, vector<1x1x16xf32>,
        %swap3A_1294 = vector.shape_cast %swap3A_1293 : vector<1x1x16xf32> to vector<16xf32>
        %swap3A_1295 = vector.shape_cast %add3A_1288 : vector<16xf32> to vector<1x1x16xf32>
        tpu.vector_store %arg9[%swap3A_1290, %swap3A_1291, %swap3A_1292], %swap3A_1295 {strides = array<i32>} : memref<2x16x512xf32, #tpu.memory_space<vmem>>, vector<1x1x16xf32>,
        %get3A_1296 = arith.constant 0 : i32
        %get3A_1297 = arith.index_cast %get3A_1296 : i32 to index
        %get3A_1298 = arith.index_cast %mul3A_149 : i32 to index
        %get3A_1299 = arith.constant 496 : index
        %get3A_1300 = tpu.vector_load %arg8[%get3A_1297, %get3A_1298, %get3A_1299] {strides = array<i32>} : memref<2x48x512xf32, #tpu.memory_space<vmem>>, vector<1x1x16xf32>,
        %get3A_1301 = vector.shape_cast %get3A_1300 : vector<1x1x16xf32> to vector<16xf32>
        %mul3A_1302 = vector.broadcast %squeeze3A : f32 to vector<16xf32>
        %mul3A_1303 = arith.mulf %get3A_1301, %mul3A_1302 : vector<16xf32>
        %add3A_1304 = arith.constant 1 : i32
        %add3A_1305 = arith.addi %mul3A_149, %add3A_1304 : i32
        %get3A_1306 = arith.constant 0 : i32
        %get3A_1307 = arith.index_cast %get3A_1306 : i32 to index
        %get3A_1308 = arith.index_cast %add3A_1305 : i32 to index
        %get3A_1309 = arith.constant 496 : index
        %get3A_1310 = tpu.vector_load %arg8[%get3A_1307, %get3A_1308, %get3A_1309] {strides = array<i32>} : memref<2x48x512xf32, #tpu.memory_space<vmem>>, vector<1x1x16xf32>,
        %get3A_1311 = vector.shape_cast %get3A_1310 : vector<1x1x16xf32> to vector<16xf32>
        %mul3A_1312 = vector.broadcast %squeeze3A_145 : f32 to vector<16xf32>
        %mul3A_1313 = arith.mulf %get3A_1311, %mul3A_1312 : vector<16xf32>
        %add3A_1314 = arith.addf %mul3A_1303, %mul3A_1313 : vector<16xf32>
        %add3A_1315 = arith.constant 2 : i32
        %add3A_1316 = arith.addi %mul3A_149, %add3A_1315 : i32
        %get3A_1317 = arith.constant 0 : i32
        %get3A_1318 = arith.index_cast %get3A_1317 : i32 to index
        %get3A_1319 = arith.index_cast %add3A_1316 : i32 to index
        %get3A_1320 = arith.constant 496 : index
        %get3A_1321 = tpu.vector_load %arg8[%get3A_1318, %get3A_1319, %get3A_1320] {strides = array<i32>} : memref<2x48x512xf32, #tpu.memory_space<vmem>>, vector<1x1x16xf32>,
        %get3A_1322 = vector.shape_cast %get3A_1321 : vector<1x1x16xf32> to vector<16xf32>
        %mul3A_1323 = vector.broadcast %squeeze3A_147 : f32 to vector<16xf32>
        %mul3A_1324 = arith.mulf %get3A_1322, %mul3A_1323 : vector<16xf32>
        %add3A_1325 = arith.addf %add3A_1314, %mul3A_1324 : vector<16xf32>
        %swap3A_1326 = arith.constant 0 : i32
        %swap3A_1327 = arith.index_cast %swap3A_1326 : i32 to index
        %swap3A_1328 = arith.index_cast %scan3A_136 : i32 to index
        %swap3A_1329 = arith.constant 496 : index
        %swap3A_1330 = tpu.vector_load %arg9[%swap3A_1327, %swap3A_1328, %swap3A_1329] {strides = array<i32>} : memref<2x16x512xf32, #tpu.memory_space<vmem>>, vector<1x1x16xf32>,
        %swap3A_1331 = vector.shape_cast %swap3A_1330 : vector<1x1x16xf32> to vector<16xf32>
        %swap3A_1332 = vector.shape_cast %add3A_1325 : vector<16xf32> to vector<1x1x16xf32>
        tpu.vector_store %arg9[%swap3A_1327, %swap3A_1328, %swap3A_1329], %swap3A_1332 {strides = array<i32>} : memref<2x16x512xf32, #tpu.memory_space<vmem>>, vector<1x1x16xf32>,
      }
      %scan3A_72 = arith.constant 16 : i32
      %mul3A_73 = arith.constant 16 : i32
      %mul3A_74 = arith.muli %add3A_49, %mul3A_73 : i32
      %add3A_75 = arith.addi %mul3A_2, %mul3A_74 : i32
      %dma_start3A_76 = arith.constant 0 : i32
      %dma_start3A_77 = arith.constant 0 : i32
      %dma_start3A_78 = arith.constant 0 : i32
      %dma_start3A_79 = tpu.memref_slice %arg9[%dma_start3A_76, %dma_start3A_77, %dma_start3A_78] : memref<2x16x512xf32, #tpu.memory_space<vmem>> -> memref<1x16x512xf32, #tpu.memory_space<vmem>>
      %dma_start3A_80 = tpu.memref_squeeze %dma_start3A_79 : memref<1x16x512xf32, #tpu.memory_space<vmem>> -> memref<16x512xf32, #tpu.memory_space<vmem>>
      %dma_start3A_81 = arith.constant 0 : i32
      %dma_start3A_82 = tpu.memref_slice %arg5[%add3A_75, %dma_start3A_81] : memref<16384x512xf32, #tpu.memory_space<hbm>> -> memref<16x512xf32, #tpu.memory_space<hbm>>
      %dma_start3A_83 = arith.constant 0 : i32
      %dma_start3A_84 = tpu.memref_slice %arg5[%add3A_75, %dma_start3A_83] : memref<16384x512xf32, #tpu.memory_space<hbm>> -> memref<16x512xf32, #tpu.memory_space<hbm>>
      %dma_start3A_85 = arith.constant 0 : i32
      %dma_start3A_86 = arith.constant 0 : i32
      %dma_start3A_87 = tpu.memref_slice %arg9[%dma_start3A_76, %dma_start3A_85, %dma_start3A_86] : memref<2x16x512xf32, #tpu.memory_space<vmem>> -> memref<1x16x512xf32, #tpu.memory_space<vmem>>
      %dma_start3A_88 = tpu.memref_squeeze %dma_start3A_87 : memref<1x16x512xf32, #tpu.memory_space<vmem>> -> memref<16x512xf32, #tpu.memory_space<vmem>>
      tpu.enqueue_dma source(%dma_start3A_88 : memref<16x512xf32, #tpu.memory_space<vmem>>) target(%dma_start3A_84 : memref<16x512xf32, #tpu.memory_space<hbm>>) target_semaphore(%arg12 : memref<!tpu.dma_semaphore, #tpu.memory_space<semaphore_mem>>)
      %mul3A_89 = arith.constant 2 : i32
      %mul3A_90 = arith.muli %mul3A_89, %scan3A_45 : i32
      %add3A_91 = arith.constant 1 : i32
      %add3A_92 = arith.addi %mul3A_90, %add3A_91 : i32
      %add3A_93 = arith.constant 1 : i32
      %add3A_94 = arith.addi %add3A_92, %add3A_93 : i32
      %lt3A_95 = arith.constant 32 : i32
      %lt3A_96 = arith.cmpi slt, %add3A_94, %lt3A_95 : i32
      %convert_element_type3A_97 = arith.extui %lt3A_96 : i1 to i32
      %cond3A_98 = arith.constant 0 : i32
      %cond3A_99 = arith.cmpi ne, %convert_element_type3A_97, %cond3A_98 : i32
      scf.if %cond3A_99 {
        %add3A_136 = arith.constant 1 : i32
        %add3A_137 = arith.addi %add3A_92, %add3A_136 : i32
        %mul3A_138 = arith.constant 48 : i32
        %mul3A_139 = arith.muli %mul3A_138, %add3A_137 : i32
        %dma_start3A_140 = arith.constant 0 : i32
        %dma_start3A_141 = arith.constant 0 : i32
        %dma_start3A_142 = arith.constant 0 : i32
        %dma_start3A_143 = tpu.memref_slice %arg8[%dma_start3A_140, %dma_start3A_141, %dma_start3A_142] : memref<2x48x512xf32, #tpu.memory_space<vmem>> -> memref<1x48x512xf32, #tpu.memory_space<vmem>>
        %dma_start3A_144 = tpu.memref_squeeze %dma_start3A_143 : memref<1x48x512xf32, #tpu.memory_space<vmem>> -> memref<48x512xf32, #tpu.memory_space<vmem>>
        %dma_start3A_145 = tpu.memref_slice %arg6[%mul3A_139] : memref<1536xi32, #tpu.memory_space<vmem>> -> memref<48xi32, #tpu.memory_space<vmem>>
        %dma_start3A_146 = arith.constant 0 : i32
        %dma_start3A_147 = arith.constant 0 : i32
        %dma_start3A_148 = tpu.memref_slice %arg2[%dma_start3A_146, %dma_start3A_147] : memref<4096x512xf32, #tpu.memory_space<hbm>> -> memref<4096x512xf32, #tpu.memory_space<hbm>>
        tpu.enqueue_indirect_dma source(%dma_start3A_148 : memref<4096x512xf32, #tpu.memory_space<hbm>>) target(%dma_start3A_144 : memref<48x512xf32, #tpu.memory_space<vmem>>) offsets(%dma_start3A_145 : memref<48xi32, #tpu.memory_space<vmem>>) semaphore(%arg10 : memref<!tpu.dma_semaphore, #tpu.memory_space<semaphore_mem>>)
      } else {
      }
      %dma_wait3A_100 = arith.constant 1 : i32
      %dma_wait3A_101 = arith.constant 0 : i32
      %dma_wait3A_102 = arith.constant 0 : i32
      %dma_wait3A_103 = tpu.memref_slice %arg8[%dma_wait3A_100, %dma_wait3A_101, %dma_wait3A_102] : memref<2x48x512xf32, #tpu.memory_space<vmem>> -> memref<1x48x512xf32, #tpu.memory_space<vmem>>
      %dma_wait3A_104 = tpu.memref_squeeze %dma_wait3A_103 : memref<1x48x512xf32, #tpu.memory_space<vmem>> -> memref<48x512xf32, #tpu.memory_space<vmem>>
      %dma_wait3A_105 = arith.constant 0 : i32
      %dma_wait3A_106 = tpu.memref_slice %arg6[%dma_wait3A_105] : memref<1536xi32, #tpu.memory_space<vmem>> -> memref<48xi32, #tpu.memory_space<vmem>>
      %dma_wait3A_107 = arith.constant 0 : i32
      %dma_wait3A_108 = arith.constant 0 : i32
      %dma_wait3A_109 = tpu.memref_slice %arg2[%dma_wait3A_107, %dma_wait3A_108] : memref<4096x512xf32, #tpu.memory_space<hbm>> -> memref<4096x512xf32, #tpu.memory_space<hbm>>
      tpu.wait_indirect_dma semaphore(%arg11 : memref<!tpu.dma_semaphore, #tpu.memory_space<semaphore_mem>>) src(%dma_wait3A_109 : memref<4096x512xf32, #tpu.memory_space<hbm>>) dst(%dma_wait3A_104 : memref<48x512xf32, #tpu.memory_space<vmem>>)
      %ge3A_110 = arith.constant 2 : i32
      %ge3A_111 = arith.cmpi sge, %add3A_92, %ge3A_110 : i32
      %convert_element_type3A_112 = arith.extui %ge3A_111 : i1 to i32
      %cond3A_113 = arith.constant 0 : i32
      %cond3A_114 = arith.cmpi ne, %convert_element_type3A_112, %cond3A_113 : i32
      scf.if %cond3A_114 {
        %dma_wait3A_136 = arith.constant 1 : i32
        %dma_wait3A_137 = arith.constant 0 : i32
        %dma_wait3A_138 = arith.constant 0 : i32
        %dma_wait3A_139 = tpu.memref_slice %arg9[%dma_wait3A_136, %dma_wait3A_137, %dma_wait3A_138] : memref<2x16x512xf32, #tpu.memory_space<vmem>> -> memref<1x16x512xf32, #tpu.memory_space<vmem>>
        %dma_wait3A_140 = tpu.memref_squeeze %dma_wait3A_139 : memref<1x16x512xf32, #tpu.memory_space<vmem>> -> memref<16x512xf32, #tpu.memory_space<vmem>>
        %dma_wait3A_141 = arith.constant 0 : i32
        %dma_wait3A_142 = tpu.memref_slice %arg5[%mul3A_2, %dma_wait3A_141] : memref<16384x512xf32, #tpu.memory_space<hbm>> -> memref<16x512xf32, #tpu.memory_space<hbm>>
        %dma_wait3A_143 = arith.constant 0 : i32
        %dma_wait3A_144 = tpu.memref_slice %arg5[%mul3A_2, %dma_wait3A_143] : memref<16384x512xf32, #tpu.memory_space<hbm>> -> memref<16x512xf32, #tpu.memory_space<hbm>>
        %dma_wait3A_145 = arith.constant 0 : i32
        %dma_wait3A_146 = arith.constant 0 : i32
        %dma_wait3A_147 = tpu.memref_slice %arg9[%dma_wait3A_136, %dma_wait3A_145, %dma_wait3A_146] : memref<2x16x512xf32, #tpu.memory_space<vmem>> -> memref<1x16x512xf32, #tpu.memory_space<vmem>>
        %dma_wait3A_148 = tpu.memref_squeeze %dma_wait3A_147 : memref<1x16x512xf32, #tpu.memory_space<vmem>> -> memref<16x512xf32, #tpu.memory_space<vmem>>
        tpu.wait_dma2 semaphore(%arg13 : memref<!tpu.dma_semaphore, #tpu.memory_space<semaphore_mem>>) src(%dma_wait3A_148 : memref<16x512xf32, #tpu.memory_space<vmem>>) dst(%dma_wait3A_144 : memref<16x512xf32, #tpu.memory_space<hbm>>)
      } else {
      }
      %scan3A_115 = arith.constant 0 : i32
      %scan3A_116 = arith.constant 16 : i32
      %scan3A_117 = arith.addi %scan3A_115, %scan3A_116 : i32
      %scan3A_118 = arith.constant 1 : i32
      scf.for %scan3A_136 = %scan3A_115 to %scan3A_117 step %scan3A_118  : i32 {
        %mul3A_137 = arith.constant 48 : i32
        %mul3A_138 = arith.muli %mul3A_137, %add3A_92 : i32
        %mul3A_139 = arith.constant 3 : i32
        %mul3A_140 = arith.muli %mul3A_139, %scan3A_136 : i32
        %add3A_141 = arith.addi %mul3A_138, %mul3A_140 : i32
        %get3A = arith.index_cast %add3A_141 : i32 to index
        %get3A_142 = tpu.vector_load %arg7[%get3A] {strides = array<i32>} : memref<1552xf32, #tpu.memory_space<vmem>>, vector<16xf32>,
        %get3A_143 = vector.shape_cast %get3A_142 : vector<16xf32> to vector<16xf32>
        %slice3A = vector.extract_strided_slice %get3A_143 {offsets = [0], sizes = [1], strides = [1]} : vector<16xf32> to vector<1xf32>
        %squeeze3A = vector.extract %slice3A[0] : f32 from vector<1xf32>
        %slice3A_144 = vector.extract_strided_slice %get3A_143 {offsets = [1], sizes = [1], strides = [1]} : vector<16xf32> to vector<1xf32>
        %squeeze3A_145 = vector.extract %slice3A_144[0] : f32 from vector<1xf32>
        %slice3A_146 = vector.extract_strided_slice %get3A_143 {offsets = [2], sizes = [1], strides = [1]} : vector<16xf32> to vector<1xf32>
        %squeeze3A_147 = vector.extract %slice3A_146[0] : f32 from vector<1xf32>
        %mul3A_148 = arith.constant 3 : i32
        %mul3A_149 = arith.muli %mul3A_148, %scan3A_136 : i32
        %get3A_150 = arith.constant 1 : i32
        %get3A_151 = arith.index_cast %get3A_150 : i32 to index
        %get3A_152 = arith.index_cast %mul3A_149 : i32 to index
        %get3A_153 = arith.constant 0 : index
        %get3A_154 = tpu.vector_load %arg8[%get3A_151, %get3A_152, %get3A_153] {strides = array<i32>} : memref<2x48x512xf32, #tpu.memory_space<vmem>>, vector<1x1x16xf32>,
        %get3A_155 = vector.shape_cast %get3A_154 : vector<1x1x16xf32> to vector<16xf32>
        %mul3A_156 = vector.broadcast %squeeze3A : f32 to vector<16xf32>
        %mul3A_157 = arith.mulf %get3A_155, %mul3A_156 : vector<16xf32>
        %add3A_158 = arith.constant 1 : i32
        %add3A_159 = arith.addi %mul3A_149, %add3A_158 : i32
        %get3A_160 = arith.constant 1 : i32
        %get3A_161 = arith.index_cast %get3A_160 : i32 to index
        %get3A_162 = arith.index_cast %add3A_159 : i32 to index
        %get3A_163 = arith.constant 0 : index
        %get3A_164 = tpu.vector_load %arg8[%get3A_161, %get3A_162, %get3A_163] {strides = array<i32>} : memref<2x48x512xf32, #tpu.memory_space<vmem>>, vector<1x1x16xf32>,
        %get3A_165 = vector.shape_cast %get3A_164 : vector<1x1x16xf32> to vector<16xf32>
        %mul3A_166 = vector.broadcast %squeeze3A_145 : f32 to vector<16xf32>
        %mul3A_167 = arith.mulf %get3A_165, %mul3A_166 : vector<16xf32>
        %add3A_168 = arith.addf %mul3A_157, %mul3A_167 : vector<16xf32>
        %add3A_169 = arith.constant 2 : i32
        %add3A_170 = arith.addi %mul3A_149, %add3A_169 : i32
        %get3A_171 = arith.constant 1 : i32
        %get3A_172 = arith.index_cast %get3A_171 : i32 to index
        %get3A_173 = arith.index_cast %add3A_170 : i32 to index
        %get3A_174 = arith.constant 0 : index
        %get3A_175 = tpu.vector_load %arg8[%get3A_172, %get3A_173, %get3A_174] {strides = array<i32>} : memref<2x48x512xf32, #tpu.memory_space<vmem>>, vector<1x1x16xf32>,
        %get3A_176 = vector.shape_cast %get3A_175 : vector<1x1x16xf32> to vector<16xf32>
        %mul3A_177 = vector.broadcast %squeeze3A_147 : f32 to vector<16xf32>
        %mul3A_178 = arith.mulf %get3A_176, %mul3A_177 : vector<16xf32>
        %add3A_179 = arith.addf %add3A_168, %mul3A_178 : vector<16xf32>
        %swap3A = arith.constant 1 : i32
        %swap3A_180 = arith.index_cast %swap3A : i32 to index
        %swap3A_181 = arith.index_cast %scan3A_136 : i32 to index
        %swap3A_182 = arith.constant 0 : index
        %swap3A_183 = tpu.vector_load %arg9[%swap3A_180, %swap3A_181, %swap3A_182] {strides = array<i32>} : memref<2x16x512xf32, #tpu.memory_space<vmem>>, vector<1x1x16xf32>,
        %swap3A_184 = vector.shape_cast %swap3A_183 : vector<1x1x16xf32> to vector<16xf32>
        %swap3A_185 = vector.shape_cast %add3A_179 : vector<16xf32> to vector<1x1x16xf32>
        tpu.vector_store %arg9[%swap3A_180, %swap3A_181, %swap3A_182], %swap3A_185 {strides = array<i32>} : memref<2x16x512xf32, #tpu.memory_space<vmem>>, vector<1x1x16xf32>,
        %get3A_186 = arith.constant 1 : i32
        %get3A_187 = arith.index_cast %get3A_186 : i32 to index
        %get3A_188 = arith.index_cast %mul3A_149 : i32 to index
        %get3A_189 = arith.constant 16 : index
        %get3A_190 = tpu.vector_load %arg8[%get3A_187, %get3A_188, %get3A_189] {strides = array<i32>} : memref<2x48x512xf32, #tpu.memory_space<vmem>>, vector<1x1x16xf32>,
        %get3A_191 = vector.shape_cast %get3A_190 : vector<1x1x16xf32> to vector<16xf32>
        %mul3A_192 = vector.broadcast %squeeze3A : f32 to vector<16xf32>
        %mul3A_193 = arith.mulf %get3A_191, %mul3A_192 : vector<16xf32>
        %add3A_194 = arith.constant 1 : i32
        %add3A_195 = arith.addi %mul3A_149, %add3A_194 : i32
        %get3A_196 = arith.constant 1 : i32
        %get3A_197 = arith.index_cast %get3A_196 : i32 to index
        %get3A_198 = arith.index_cast %add3A_195 : i32 to index
        %get3A_199 = arith.constant 16 : index
        %get3A_200 = tpu.vector_load %arg8[%get3A_197, %get3A_198, %get3A_199] {strides = array<i32>} : memref<2x48x512xf32, #tpu.memory_space<vmem>>, vector<1x1x16xf32>,
        %get3A_201 = vector.shape_cast %get3A_200 : vector<1x1x16xf32> to vector<16xf32>
        %mul3A_202 = vector.broadcast %squeeze3A_145 : f32 to vector<16xf32>
        %mul3A_203 = arith.mulf %get3A_201, %mul3A_202 : vector<16xf32>
        %add3A_204 = arith.addf %mul3A_193, %mul3A_203 : vector<16xf32>
        %add3A_205 = arith.constant 2 : i32
        %add3A_206 = arith.addi %mul3A_149, %add3A_205 : i32
        %get3A_207 = arith.constant 1 : i32
        %get3A_208 = arith.index_cast %get3A_207 : i32 to index
        %get3A_209 = arith.index_cast %add3A_206 : i32 to index
        %get3A_210 = arith.constant 16 : index
        %get3A_211 = tpu.vector_load %arg8[%get3A_208, %get3A_209, %get3A_210] {strides = array<i32>} : memref<2x48x512xf32, #tpu.memory_space<vmem>>, vector<1x1x16xf32>,
        %get3A_212 = vector.shape_cast %get3A_211 : vector<1x1x16xf32> to vector<16xf32>
        %mul3A_213 = vector.broadcast %squeeze3A_147 : f32 to vector<16xf32>
        %mul3A_214 = arith.mulf %get3A_212, %mul3A_213 : vector<16xf32>
        %add3A_215 = arith.addf %add3A_204, %mul3A_214 : vector<16xf32>
        %swap3A_216 = arith.constant 1 : i32
        %swap3A_217 = arith.index_cast %swap3A_216 : i32 to index
        %swap3A_218 = arith.index_cast %scan3A_136 : i32 to index
        %swap3A_219 = arith.constant 16 : index
        %swap3A_220 = tpu.vector_load %arg9[%swap3A_217, %swap3A_218, %swap3A_219] {strides = array<i32>} : memref<2x16x512xf32, #tpu.memory_space<vmem>>, vector<1x1x16xf32>,
        %swap3A_221 = vector.shape_cast %swap3A_220 : vector<1x1x16xf32> to vector<16xf32>
        %swap3A_222 = vector.shape_cast %add3A_215 : vector<16xf32> to vector<1x1x16xf32>
        tpu.vector_store %arg9[%swap3A_217, %swap3A_218, %swap3A_219], %swap3A_222 {strides = array<i32>} : memref<2x16x512xf32, #tpu.memory_space<vmem>>, vector<1x1x16xf32>,
        %get3A_223 = arith.constant 1 : i32
        %get3A_224 = arith.index_cast %get3A_223 : i32 to index
        %get3A_225 = arith.index_cast %mul3A_149 : i32 to index
        %get3A_226 = arith.constant 32 : index
        %get3A_227 = tpu.vector_load %arg8[%get3A_224, %get3A_225, %get3A_226] {strides = array<i32>} : memref<2x48x512xf32, #tpu.memory_space<vmem>>, vector<1x1x16xf32>,
        %get3A_228 = vector.shape_cast %get3A_227 : vector<1x1x16xf32> to vector<16xf32>
        %mul3A_229 = vector.broadcast %squeeze3A : f32 to vector<16xf32>
        %mul3A_230 = arith.mulf %get3A_228, %mul3A_229 : vector<16xf32>
        %add3A_231 = arith.constant 1 : i32
        %add3A_232 = arith.addi %mul3A_149, %add3A_231 : i32
        %get3A_233 = arith.constant 1 : i32
        %get3A_234 = arith.index_cast %get3A_233 : i32 to index
        %get3A_235 = arith.index_cast %add3A_232 : i32 to index
        %get3A_236 = arith.constant 32 : index
        %get3A_237 = tpu.vector_load %arg8[%get3A_234, %get3A_235, %get3A_236] {strides = array<i32>} : memref<2x48x512xf32, #tpu.memory_space<vmem>>, vector<1x1x16xf32>,
        %get3A_238 = vector.shape_cast %get3A_237 : vector<1x1x16xf32> to vector<16xf32>
        %mul3A_239 = vector.broadcast %squeeze3A_145 : f32 to vector<16xf32>
        %mul3A_240 = arith.mulf %get3A_238, %mul3A_239 : vector<16xf32>
        %add3A_241 = arith.addf %mul3A_230, %mul3A_240 : vector<16xf32>
        %add3A_242 = arith.constant 2 : i32
        %add3A_243 = arith.addi %mul3A_149, %add3A_242 : i32
        %get3A_244 = arith.constant 1 : i32
        %get3A_245 = arith.index_cast %get3A_244 : i32 to index
        %get3A_246 = arith.index_cast %add3A_243 : i32 to index
        %get3A_247 = arith.constant 32 : index
        %get3A_248 = tpu.vector_load %arg8[%get3A_245, %get3A_246, %get3A_247] {strides = array<i32>} : memref<2x48x512xf32, #tpu.memory_space<vmem>>, vector<1x1x16xf32>,
        %get3A_249 = vector.shape_cast %get3A_248 : vector<1x1x16xf32> to vector<16xf32>
        %mul3A_250 = vector.broadcast %squeeze3A_147 : f32 to vector<16xf32>
        %mul3A_251 = arith.mulf %get3A_249, %mul3A_250 : vector<16xf32>
        %add3A_252 = arith.addf %add3A_241, %mul3A_251 : vector<16xf32>
        %swap3A_253 = arith.constant 1 : i32
        %swap3A_254 = arith.index_cast %swap3A_253 : i32 to index
        %swap3A_255 = arith.index_cast %scan3A_136 : i32 to index
        %swap3A_256 = arith.constant 32 : index
        %swap3A_257 = tpu.vector_load %arg9[%swap3A_254, %swap3A_255, %swap3A_256] {strides = array<i32>} : memref<2x16x512xf32, #tpu.memory_space<vmem>>, vector<1x1x16xf32>,
        %swap3A_258 = vector.shape_cast %swap3A_257 : vector<1x1x16xf32> to vector<16xf32>
        %swap3A_259 = vector.shape_cast %add3A_252 : vector<16xf32> to vector<1x1x16xf32>
        tpu.vector_store %arg9[%swap3A_254, %swap3A_255, %swap3A_256], %swap3A_259 {strides = array<i32>} : memref<2x16x512xf32, #tpu.memory_space<vmem>>, vector<1x1x16xf32>,
        %get3A_260 = arith.constant 1 : i32
        %get3A_261 = arith.index_cast %get3A_260 : i32 to index
        %get3A_262 = arith.index_cast %mul3A_149 : i32 to index
        %get3A_263 = arith.constant 48 : index
        %get3A_264 = tpu.vector_load %arg8[%get3A_261, %get3A_262, %get3A_263] {strides = array<i32>} : memref<2x48x512xf32, #tpu.memory_space<vmem>>, vector<1x1x16xf32>,
        %get3A_265 = vector.shape_cast %get3A_264 : vector<1x1x16xf32> to vector<16xf32>
        %mul3A_266 = vector.broadcast %squeeze3A : f32 to vector<16xf32>
        %mul3A_267 = arith.mulf %get3A_265, %mul3A_266 : vector<16xf32>
        %add3A_268 = arith.constant 1 : i32
        %add3A_269 = arith.addi %mul3A_149, %add3A_268 : i32
        %get3A_270 = arith.constant 1 : i32
        %get3A_271 = arith.index_cast %get3A_270 : i32 to index
        %get3A_272 = arith.index_cast %add3A_269 : i32 to index
        %get3A_273 = arith.constant 48 : index
        %get3A_274 = tpu.vector_load %arg8[%get3A_271, %get3A_272, %get3A_273] {strides = array<i32>} : memref<2x48x512xf32, #tpu.memory_space<vmem>>, vector<1x1x16xf32>,
        %get3A_275 = vector.shape_cast %get3A_274 : vector<1x1x16xf32> to vector<16xf32>
        %mul3A_276 = vector.broadcast %squeeze3A_145 : f32 to vector<16xf32>
        %mul3A_277 = arith.mulf %get3A_275, %mul3A_276 : vector<16xf32>
        %add3A_278 = arith.addf %mul3A_267, %mul3A_277 : vector<16xf32>
        %add3A_279 = arith.constant 2 : i32
        %add3A_280 = arith.addi %mul3A_149, %add3A_279 : i32
        %get3A_281 = arith.constant 1 : i32
        %get3A_282 = arith.index_cast %get3A_281 : i32 to index
        %get3A_283 = arith.index_cast %add3A_280 : i32 to index
        %get3A_284 = arith.constant 48 : index
        %get3A_285 = tpu.vector_load %arg8[%get3A_282, %get3A_283, %get3A_284] {strides = array<i32>} : memref<2x48x512xf32, #tpu.memory_space<vmem>>, vector<1x1x16xf32>,
        %get3A_286 = vector.shape_cast %get3A_285 : vector<1x1x16xf32> to vector<16xf32>
        %mul3A_287 = vector.broadcast %squeeze3A_147 : f32 to vector<16xf32>
        %mul3A_288 = arith.mulf %get3A_286, %mul3A_287 : vector<16xf32>
        %add3A_289 = arith.addf %add3A_278, %mul3A_288 : vector<16xf32>
        %swap3A_290 = arith.constant 1 : i32
        %swap3A_291 = arith.index_cast %swap3A_290 : i32 to index
        %swap3A_292 = arith.index_cast %scan3A_136 : i32 to index
        %swap3A_293 = arith.constant 48 : index
        %swap3A_294 = tpu.vector_load %arg9[%swap3A_291, %swap3A_292, %swap3A_293] {strides = array<i32>} : memref<2x16x512xf32, #tpu.memory_space<vmem>>, vector<1x1x16xf32>,
        %swap3A_295 = vector.shape_cast %swap3A_294 : vector<1x1x16xf32> to vector<16xf32>
        %swap3A_296 = vector.shape_cast %add3A_289 : vector<16xf32> to vector<1x1x16xf32>
        tpu.vector_store %arg9[%swap3A_291, %swap3A_292, %swap3A_293], %swap3A_296 {strides = array<i32>} : memref<2x16x512xf32, #tpu.memory_space<vmem>>, vector<1x1x16xf32>,
        %get3A_297 = arith.constant 1 : i32
        %get3A_298 = arith.index_cast %get3A_297 : i32 to index
        %get3A_299 = arith.index_cast %mul3A_149 : i32 to index
        %get3A_300 = arith.constant 64 : index
        %get3A_301 = tpu.vector_load %arg8[%get3A_298, %get3A_299, %get3A_300] {strides = array<i32>} : memref<2x48x512xf32, #tpu.memory_space<vmem>>, vector<1x1x16xf32>,
        %get3A_302 = vector.shape_cast %get3A_301 : vector<1x1x16xf32> to vector<16xf32>
        %mul3A_303 = vector.broadcast %squeeze3A : f32 to vector<16xf32>
        %mul3A_304 = arith.mulf %get3A_302, %mul3A_303 : vector<16xf32>
        %add3A_305 = arith.constant 1 : i32
        %add3A_306 = arith.addi %mul3A_149, %add3A_305 : i32
        %get3A_307 = arith.constant 1 : i32
        %get3A_308 = arith.index_cast %get3A_307 : i32 to index
        %get3A_309 = arith.index_cast %add3A_306 : i32 to index
        %get3A_310 = arith.constant 64 : index
        %get3A_311 = tpu.vector_load %arg8[%get3A_308, %get3A_309, %get3A_310] {strides = array<i32>} : memref<2x48x512xf32, #tpu.memory_space<vmem>>, vector<1x1x16xf32>,
        %get3A_312 = vector.shape_cast %get3A_311 : vector<1x1x16xf32> to vector<16xf32>
        %mul3A_313 = vector.broadcast %squeeze3A_145 : f32 to vector<16xf32>
        %mul3A_314 = arith.mulf %get3A_312, %mul3A_313 : vector<16xf32>
        %add3A_315 = arith.addf %mul3A_304, %mul3A_314 : vector<16xf32>
        %add3A_316 = arith.constant 2 : i32
        %add3A_317 = arith.addi %mul3A_149, %add3A_316 : i32
        %get3A_318 = arith.constant 1 : i32
        %get3A_319 = arith.index_cast %get3A_318 : i32 to index
        %get3A_320 = arith.index_cast %add3A_317 : i32 to index
        %get3A_321 = arith.constant 64 : index
        %get3A_322 = tpu.vector_load %arg8[%get3A_319, %get3A_320, %get3A_321] {strides = array<i32>} : memref<2x48x512xf32, #tpu.memory_space<vmem>>, vector<1x1x16xf32>,
        %get3A_323 = vector.shape_cast %get3A_322 : vector<1x1x16xf32> to vector<16xf32>
        %mul3A_324 = vector.broadcast %squeeze3A_147 : f32 to vector<16xf32>
        %mul3A_325 = arith.mulf %get3A_323, %mul3A_324 : vector<16xf32>
        %add3A_326 = arith.addf %add3A_315, %mul3A_325 : vector<16xf32>
        %swap3A_327 = arith.constant 1 : i32
        %swap3A_328 = arith.index_cast %swap3A_327 : i32 to index
        %swap3A_329 = arith.index_cast %scan3A_136 : i32 to index
        %swap3A_330 = arith.constant 64 : index
        %swap3A_331 = tpu.vector_load %arg9[%swap3A_328, %swap3A_329, %swap3A_330] {strides = array<i32>} : memref<2x16x512xf32, #tpu.memory_space<vmem>>, vector<1x1x16xf32>,
        %swap3A_332 = vector.shape_cast %swap3A_331 : vector<1x1x16xf32> to vector<16xf32>
        %swap3A_333 = vector.shape_cast %add3A_326 : vector<16xf32> to vector<1x1x16xf32>
        tpu.vector_store %arg9[%swap3A_328, %swap3A_329, %swap3A_330], %swap3A_333 {strides = array<i32>} : memref<2x16x512xf32, #tpu.memory_space<vmem>>, vector<1x1x16xf32>,
        %get3A_334 = arith.constant 1 : i32
        %get3A_335 = arith.index_cast %get3A_334 : i32 to index
        %get3A_336 = arith.index_cast %mul3A_149 : i32 to index
        %get3A_337 = arith.constant 80 : index
        %get3A_338 = tpu.vector_load %arg8[%get3A_335, %get3A_336, %get3A_337] {strides = array<i32>} : memref<2x48x512xf32, #tpu.memory_space<vmem>>, vector<1x1x16xf32>,
        %get3A_339 = vector.shape_cast %get3A_338 : vector<1x1x16xf32> to vector<16xf32>
        %mul3A_340 = vector.broadcast %squeeze3A : f32 to vector<16xf32>
        %mul3A_341 = arith.mulf %get3A_339, %mul3A_340 : vector<16xf32>
        %add3A_342 = arith.constant 1 : i32
        %add3A_343 = arith.addi %mul3A_149, %add3A_342 : i32
        %get3A_344 = arith.constant 1 : i32
        %get3A_345 = arith.index_cast %get3A_344 : i32 to index
        %get3A_346 = arith.index_cast %add3A_343 : i32 to index
        %get3A_347 = arith.constant 80 : index
        %get3A_348 = tpu.vector_load %arg8[%get3A_345, %get3A_346, %get3A_347] {strides = array<i32>} : memref<2x48x512xf32, #tpu.memory_space<vmem>>, vector<1x1x16xf32>,
        %get3A_349 = vector.shape_cast %get3A_348 : vector<1x1x16xf32> to vector<16xf32>
        %mul3A_350 = vector.broadcast %squeeze3A_145 : f32 to vector<16xf32>
        %mul3A_351 = arith.mulf %get3A_349, %mul3A_350 : vector<16xf32>
        %add3A_352 = arith.addf %mul3A_341, %mul3A_351 : vector<16xf32>
        %add3A_353 = arith.constant 2 : i32
        %add3A_354 = arith.addi %mul3A_149, %add3A_353 : i32
        %get3A_355 = arith.constant 1 : i32
        %get3A_356 = arith.index_cast %get3A_355 : i32 to index
        %get3A_357 = arith.index_cast %add3A_354 : i32 to index
        %get3A_358 = arith.constant 80 : index
        %get3A_359 = tpu.vector_load %arg8[%get3A_356, %get3A_357, %get3A_358] {strides = array<i32>} : memref<2x48x512xf32, #tpu.memory_space<vmem>>, vector<1x1x16xf32>,
        %get3A_360 = vector.shape_cast %get3A_359 : vector<1x1x16xf32> to vector<16xf32>
        %mul3A_361 = vector.broadcast %squeeze3A_147 : f32 to vector<16xf32>
        %mul3A_362 = arith.mulf %get3A_360, %mul3A_361 : vector<16xf32>
        %add3A_363 = arith.addf %add3A_352, %mul3A_362 : vector<16xf32>
        %swap3A_364 = arith.constant 1 : i32
        %swap3A_365 = arith.index_cast %swap3A_364 : i32 to index
        %swap3A_366 = arith.index_cast %scan3A_136 : i32 to index
        %swap3A_367 = arith.constant 80 : index
        %swap3A_368 = tpu.vector_load %arg9[%swap3A_365, %swap3A_366, %swap3A_367] {strides = array<i32>} : memref<2x16x512xf32, #tpu.memory_space<vmem>>, vector<1x1x16xf32>,
        %swap3A_369 = vector.shape_cast %swap3A_368 : vector<1x1x16xf32> to vector<16xf32>
        %swap3A_370 = vector.shape_cast %add3A_363 : vector<16xf32> to vector<1x1x16xf32>
        tpu.vector_store %arg9[%swap3A_365, %swap3A_366, %swap3A_367], %swap3A_370 {strides = array<i32>} : memref<2x16x512xf32, #tpu.memory_space<vmem>>, vector<1x1x16xf32>,
        %get3A_371 = arith.constant 1 : i32
        %get3A_372 = arith.index_cast %get3A_371 : i32 to index
        %get3A_373 = arith.index_cast %mul3A_149 : i32 to index
        %get3A_374 = arith.constant 96 : index
        %get3A_375 = tpu.vector_load %arg8[%get3A_372, %get3A_373, %get3A_374] {strides = array<i32>} : memref<2x48x512xf32, #tpu.memory_space<vmem>>, vector<1x1x16xf32>,
        %get3A_376 = vector.shape_cast %get3A_375 : vector<1x1x16xf32> to vector<16xf32>
        %mul3A_377 = vector.broadcast %squeeze3A : f32 to vector<16xf32>
        %mul3A_378 = arith.mulf %get3A_376, %mul3A_377 : vector<16xf32>
        %add3A_379 = arith.constant 1 : i32
        %add3A_380 = arith.addi %mul3A_149, %add3A_379 : i32
        %get3A_381 = arith.constant 1 : i32
        %get3A_382 = arith.index_cast %get3A_381 : i32 to index
        %get3A_383 = arith.index_cast %add3A_380 : i32 to index
        %get3A_384 = arith.constant 96 : index
        %get3A_385 = tpu.vector_load %arg8[%get3A_382, %get3A_383, %get3A_384] {strides = array<i32>} : memref<2x48x512xf32, #tpu.memory_space<vmem>>, vector<1x1x16xf32>,
        %get3A_386 = vector.shape_cast %get3A_385 : vector<1x1x16xf32> to vector<16xf32>
        %mul3A_387 = vector.broadcast %squeeze3A_145 : f32 to vector<16xf32>
        %mul3A_388 = arith.mulf %get3A_386, %mul3A_387 : vector<16xf32>
        %add3A_389 = arith.addf %mul3A_378, %mul3A_388 : vector<16xf32>
        %add3A_390 = arith.constant 2 : i32
        %add3A_391 = arith.addi %mul3A_149, %add3A_390 : i32
        %get3A_392 = arith.constant 1 : i32
        %get3A_393 = arith.index_cast %get3A_392 : i32 to index
        %get3A_394 = arith.index_cast %add3A_391 : i32 to index
        %get3A_395 = arith.constant 96 : index
        %get3A_396 = tpu.vector_load %arg8[%get3A_393, %get3A_394, %get3A_395] {strides = array<i32>} : memref<2x48x512xf32, #tpu.memory_space<vmem>>, vector<1x1x16xf32>,
        %get3A_397 = vector.shape_cast %get3A_396 : vector<1x1x16xf32> to vector<16xf32>
        %mul3A_398 = vector.broadcast %squeeze3A_147 : f32 to vector<16xf32>
        %mul3A_399 = arith.mulf %get3A_397, %mul3A_398 : vector<16xf32>
        %add3A_400 = arith.addf %add3A_389, %mul3A_399 : vector<16xf32>
        %swap3A_401 = arith.constant 1 : i32
        %swap3A_402 = arith.index_cast %swap3A_401 : i32 to index
        %swap3A_403 = arith.index_cast %scan3A_136 : i32 to index
        %swap3A_404 = arith.constant 96 : index
        %swap3A_405 = tpu.vector_load %arg9[%swap3A_402, %swap3A_403, %swap3A_404] {strides = array<i32>} : memref<2x16x512xf32, #tpu.memory_space<vmem>>, vector<1x1x16xf32>,
        %swap3A_406 = vector.shape_cast %swap3A_405 : vector<1x1x16xf32> to vector<16xf32>
        %swap3A_407 = vector.shape_cast %add3A_400 : vector<16xf32> to vector<1x1x16xf32>
        tpu.vector_store %arg9[%swap3A_402, %swap3A_403, %swap3A_404], %swap3A_407 {strides = array<i32>} : memref<2x16x512xf32, #tpu.memory_space<vmem>>, vector<1x1x16xf32>,
        %get3A_408 = arith.constant 1 : i32
        %get3A_409 = arith.index_cast %get3A_408 : i32 to index
        %get3A_410 = arith.index_cast %mul3A_149 : i32 to index
        %get3A_411 = arith.constant 112 : index
        %get3A_412 = tpu.vector_load %arg8[%get3A_409, %get3A_410, %get3A_411] {strides = array<i32>} : memref<2x48x512xf32, #tpu.memory_space<vmem>>, vector<1x1x16xf32>,
        %get3A_413 = vector.shape_cast %get3A_412 : vector<1x1x16xf32> to vector<16xf32>
        %mul3A_414 = vector.broadcast %squeeze3A : f32 to vector<16xf32>
        %mul3A_415 = arith.mulf %get3A_413, %mul3A_414 : vector<16xf32>
        %add3A_416 = arith.constant 1 : i32
        %add3A_417 = arith.addi %mul3A_149, %add3A_416 : i32
        %get3A_418 = arith.constant 1 : i32
        %get3A_419 = arith.index_cast %get3A_418 : i32 to index
        %get3A_420 = arith.index_cast %add3A_417 : i32 to index
        %get3A_421 = arith.constant 112 : index
        %get3A_422 = tpu.vector_load %arg8[%get3A_419, %get3A_420, %get3A_421] {strides = array<i32>} : memref<2x48x512xf32, #tpu.memory_space<vmem>>, vector<1x1x16xf32>,
        %get3A_423 = vector.shape_cast %get3A_422 : vector<1x1x16xf32> to vector<16xf32>
        %mul3A_424 = vector.broadcast %squeeze3A_145 : f32 to vector<16xf32>
        %mul3A_425 = arith.mulf %get3A_423, %mul3A_424 : vector<16xf32>
        %add3A_426 = arith.addf %mul3A_415, %mul3A_425 : vector<16xf32>
        %add3A_427 = arith.constant 2 : i32
        %add3A_428 = arith.addi %mul3A_149, %add3A_427 : i32
        %get3A_429 = arith.constant 1 : i32
        %get3A_430 = arith.index_cast %get3A_429 : i32 to index
        %get3A_431 = arith.index_cast %add3A_428 : i32 to index
        %get3A_432 = arith.constant 112 : index
        %get3A_433 = tpu.vector_load %arg8[%get3A_430, %get3A_431, %get3A_432] {strides = array<i32>} : memref<2x48x512xf32, #tpu.memory_space<vmem>>, vector<1x1x16xf32>,
        %get3A_434 = vector.shape_cast %get3A_433 : vector<1x1x16xf32> to vector<16xf32>
        %mul3A_435 = vector.broadcast %squeeze3A_147 : f32 to vector<16xf32>
        %mul3A_436 = arith.mulf %get3A_434, %mul3A_435 : vector<16xf32>
        %add3A_437 = arith.addf %add3A_426, %mul3A_436 : vector<16xf32>
        %swap3A_438 = arith.constant 1 : i32
        %swap3A_439 = arith.index_cast %swap3A_438 : i32 to index
        %swap3A_440 = arith.index_cast %scan3A_136 : i32 to index
        %swap3A_441 = arith.constant 112 : index
        %swap3A_442 = tpu.vector_load %arg9[%swap3A_439, %swap3A_440, %swap3A_441] {strides = array<i32>} : memref<2x16x512xf32, #tpu.memory_space<vmem>>, vector<1x1x16xf32>,
        %swap3A_443 = vector.shape_cast %swap3A_442 : vector<1x1x16xf32> to vector<16xf32>
        %swap3A_444 = vector.shape_cast %add3A_437 : vector<16xf32> to vector<1x1x16xf32>
        tpu.vector_store %arg9[%swap3A_439, %swap3A_440, %swap3A_441], %swap3A_444 {strides = array<i32>} : memref<2x16x512xf32, #tpu.memory_space<vmem>>, vector<1x1x16xf32>,
        %get3A_445 = arith.constant 1 : i32
        %get3A_446 = arith.index_cast %get3A_445 : i32 to index
        %get3A_447 = arith.index_cast %mul3A_149 : i32 to index
        %get3A_448 = arith.constant 128 : index
        %get3A_449 = tpu.vector_load %arg8[%get3A_446, %get3A_447, %get3A_448] {strides = array<i32>} : memref<2x48x512xf32, #tpu.memory_space<vmem>>, vector<1x1x16xf32>,
        %get3A_450 = vector.shape_cast %get3A_449 : vector<1x1x16xf32> to vector<16xf32>
        %mul3A_451 = vector.broadcast %squeeze3A : f32 to vector<16xf32>
        %mul3A_452 = arith.mulf %get3A_450, %mul3A_451 : vector<16xf32>
        %add3A_453 = arith.constant 1 : i32
        %add3A_454 = arith.addi %mul3A_149, %add3A_453 : i32
        %get3A_455 = arith.constant 1 : i32
        %get3A_456 = arith.index_cast %get3A_455 : i32 to index
        %get3A_457 = arith.index_cast %add3A_454 : i32 to index
        %get3A_458 = arith.constant 128 : index
        %get3A_459 = tpu.vector_load %arg8[%get3A_456, %get3A_457, %get3A_458] {strides = array<i32>} : memref<2x48x512xf32, #tpu.memory_space<vmem>>, vector<1x1x16xf32>,
        %get3A_460 = vector.shape_cast %get3A_459 : vector<1x1x16xf32> to vector<16xf32>
        %mul3A_461 = vector.broadcast %squeeze3A_145 : f32 to vector<16xf32>
        %mul3A_462 = arith.mulf %get3A_460, %mul3A_461 : vector<16xf32>
        %add3A_463 = arith.addf %mul3A_452, %mul3A_462 : vector<16xf32>
        %add3A_464 = arith.constant 2 : i32
        %add3A_465 = arith.addi %mul3A_149, %add3A_464 : i32
        %get3A_466 = arith.constant 1 : i32
        %get3A_467 = arith.index_cast %get3A_466 : i32 to index
        %get3A_468 = arith.index_cast %add3A_465 : i32 to index
        %get3A_469 = arith.constant 128 : index
        %get3A_470 = tpu.vector_load %arg8[%get3A_467, %get3A_468, %get3A_469] {strides = array<i32>} : memref<2x48x512xf32, #tpu.memory_space<vmem>>, vector<1x1x16xf32>,
        %get3A_471 = vector.shape_cast %get3A_470 : vector<1x1x16xf32> to vector<16xf32>
        %mul3A_472 = vector.broadcast %squeeze3A_147 : f32 to vector<16xf32>
        %mul3A_473 = arith.mulf %get3A_471, %mul3A_472 : vector<16xf32>
        %add3A_474 = arith.addf %add3A_463, %mul3A_473 : vector<16xf32>
        %swap3A_475 = arith.constant 1 : i32
        %swap3A_476 = arith.index_cast %swap3A_475 : i32 to index
        %swap3A_477 = arith.index_cast %scan3A_136 : i32 to index
        %swap3A_478 = arith.constant 128 : index
        %swap3A_479 = tpu.vector_load %arg9[%swap3A_476, %swap3A_477, %swap3A_478] {strides = array<i32>} : memref<2x16x512xf32, #tpu.memory_space<vmem>>, vector<1x1x16xf32>,
        %swap3A_480 = vector.shape_cast %swap3A_479 : vector<1x1x16xf32> to vector<16xf32>
        %swap3A_481 = vector.shape_cast %add3A_474 : vector<16xf32> to vector<1x1x16xf32>
        tpu.vector_store %arg9[%swap3A_476, %swap3A_477, %swap3A_478], %swap3A_481 {strides = array<i32>} : memref<2x16x512xf32, #tpu.memory_space<vmem>>, vector<1x1x16xf32>,
        %get3A_482 = arith.constant 1 : i32
        %get3A_483 = arith.index_cast %get3A_482 : i32 to index
        %get3A_484 = arith.index_cast %mul3A_149 : i32 to index
        %get3A_485 = arith.constant 144 : index
        %get3A_486 = tpu.vector_load %arg8[%get3A_483, %get3A_484, %get3A_485] {strides = array<i32>} : memref<2x48x512xf32, #tpu.memory_space<vmem>>, vector<1x1x16xf32>,
        %get3A_487 = vector.shape_cast %get3A_486 : vector<1x1x16xf32> to vector<16xf32>
        %mul3A_488 = vector.broadcast %squeeze3A : f32 to vector<16xf32>
        %mul3A_489 = arith.mulf %get3A_487, %mul3A_488 : vector<16xf32>
        %add3A_490 = arith.constant 1 : i32
        %add3A_491 = arith.addi %mul3A_149, %add3A_490 : i32
        %get3A_492 = arith.constant 1 : i32
        %get3A_493 = arith.index_cast %get3A_492 : i32 to index
        %get3A_494 = arith.index_cast %add3A_491 : i32 to index
        %get3A_495 = arith.constant 144 : index
        %get3A_496 = tpu.vector_load %arg8[%get3A_493, %get3A_494, %get3A_495] {strides = array<i32>} : memref<2x48x512xf32, #tpu.memory_space<vmem>>, vector<1x1x16xf32>,
        %get3A_497 = vector.shape_cast %get3A_496 : vector<1x1x16xf32> to vector<16xf32>
        %mul3A_498 = vector.broadcast %squeeze3A_145 : f32 to vector<16xf32>
        %mul3A_499 = arith.mulf %get3A_497, %mul3A_498 : vector<16xf32>
        %add3A_500 = arith.addf %mul3A_489, %mul3A_499 : vector<16xf32>
        %add3A_501 = arith.constant 2 : i32
        %add3A_502 = arith.addi %mul3A_149, %add3A_501 : i32
        %get3A_503 = arith.constant 1 : i32
        %get3A_504 = arith.index_cast %get3A_503 : i32 to index
        %get3A_505 = arith.index_cast %add3A_502 : i32 to index
        %get3A_506 = arith.constant 144 : index
        %get3A_507 = tpu.vector_load %arg8[%get3A_504, %get3A_505, %get3A_506] {strides = array<i32>} : memref<2x48x512xf32, #tpu.memory_space<vmem>>, vector<1x1x16xf32>,
        %get3A_508 = vector.shape_cast %get3A_507 : vector<1x1x16xf32> to vector<16xf32>
        %mul3A_509 = vector.broadcast %squeeze3A_147 : f32 to vector<16xf32>
        %mul3A_510 = arith.mulf %get3A_508, %mul3A_509 : vector<16xf32>
        %add3A_511 = arith.addf %add3A_500, %mul3A_510 : vector<16xf32>
        %swap3A_512 = arith.constant 1 : i32
        %swap3A_513 = arith.index_cast %swap3A_512 : i32 to index
        %swap3A_514 = arith.index_cast %scan3A_136 : i32 to index
        %swap3A_515 = arith.constant 144 : index
        %swap3A_516 = tpu.vector_load %arg9[%swap3A_513, %swap3A_514, %swap3A_515] {strides = array<i32>} : memref<2x16x512xf32, #tpu.memory_space<vmem>>, vector<1x1x16xf32>,
        %swap3A_517 = vector.shape_cast %swap3A_516 : vector<1x1x16xf32> to vector<16xf32>
        %swap3A_518 = vector.shape_cast %add3A_511 : vector<16xf32> to vector<1x1x16xf32>
        tpu.vector_store %arg9[%swap3A_513, %swap3A_514, %swap3A_515], %swap3A_518 {strides = array<i32>} : memref<2x16x512xf32, #tpu.memory_space<vmem>>, vector<1x1x16xf32>,
        %get3A_519 = arith.constant 1 : i32
        %get3A_520 = arith.index_cast %get3A_519 : i32 to index
        %get3A_521 = arith.index_cast %mul3A_149 : i32 to index
        %get3A_522 = arith.constant 160 : index
        %get3A_523 = tpu.vector_load %arg8[%get3A_520, %get3A_521, %get3A_522] {strides = array<i32>} : memref<2x48x512xf32, #tpu.memory_space<vmem>>, vector<1x1x16xf32>,
        %get3A_524 = vector.shape_cast %get3A_523 : vector<1x1x16xf32> to vector<16xf32>
        %mul3A_525 = vector.broadcast %squeeze3A : f32 to vector<16xf32>
        %mul3A_526 = arith.mulf %get3A_524, %mul3A_525 : vector<16xf32>
        %add3A_527 = arith.constant 1 : i32
        %add3A_528 = arith.addi %mul3A_149, %add3A_527 : i32
        %get3A_529 = arith.constant 1 : i32
        %get3A_530 = arith.index_cast %get3A_529 : i32 to index
        %get3A_531 = arith.index_cast %add3A_528 : i32 to index
        %get3A_532 = arith.constant 160 : index
        %get3A_533 = tpu.vector_load %arg8[%get3A_530, %get3A_531, %get3A_532] {strides = array<i32>} : memref<2x48x512xf32, #tpu.memory_space<vmem>>, vector<1x1x16xf32>,
        %get3A_534 = vector.shape_cast %get3A_533 : vector<1x1x16xf32> to vector<16xf32>
        %mul3A_535 = vector.broadcast %squeeze3A_145 : f32 to vector<16xf32>
        %mul3A_536 = arith.mulf %get3A_534, %mul3A_535 : vector<16xf32>
        %add3A_537 = arith.addf %mul3A_526, %mul3A_536 : vector<16xf32>
        %add3A_538 = arith.constant 2 : i32
        %add3A_539 = arith.addi %mul3A_149, %add3A_538 : i32
        %get3A_540 = arith.constant 1 : i32
        %get3A_541 = arith.index_cast %get3A_540 : i32 to index
        %get3A_542 = arith.index_cast %add3A_539 : i32 to index
        %get3A_543 = arith.constant 160 : index
        %get3A_544 = tpu.vector_load %arg8[%get3A_541, %get3A_542, %get3A_543] {strides = array<i32>} : memref<2x48x512xf32, #tpu.memory_space<vmem>>, vector<1x1x16xf32>,
        %get3A_545 = vector.shape_cast %get3A_544 : vector<1x1x16xf32> to vector<16xf32>
        %mul3A_546 = vector.broadcast %squeeze3A_147 : f32 to vector<16xf32>
        %mul3A_547 = arith.mulf %get3A_545, %mul3A_546 : vector<16xf32>
        %add3A_548 = arith.addf %add3A_537, %mul3A_547 : vector<16xf32>
        %swap3A_549 = arith.constant 1 : i32
        %swap3A_550 = arith.index_cast %swap3A_549 : i32 to index
        %swap3A_551 = arith.index_cast %scan3A_136 : i32 to index
        %swap3A_552 = arith.constant 160 : index
        %swap3A_553 = tpu.vector_load %arg9[%swap3A_550, %swap3A_551, %swap3A_552] {strides = array<i32>} : memref<2x16x512xf32, #tpu.memory_space<vmem>>, vector<1x1x16xf32>,
        %swap3A_554 = vector.shape_cast %swap3A_553 : vector<1x1x16xf32> to vector<16xf32>
        %swap3A_555 = vector.shape_cast %add3A_548 : vector<16xf32> to vector<1x1x16xf32>
        tpu.vector_store %arg9[%swap3A_550, %swap3A_551, %swap3A_552], %swap3A_555 {strides = array<i32>} : memref<2x16x512xf32, #tpu.memory_space<vmem>>, vector<1x1x16xf32>,
        %get3A_556 = arith.constant 1 : i32
        %get3A_557 = arith.index_cast %get3A_556 : i32 to index
        %get3A_558 = arith.index_cast %mul3A_149 : i32 to index
        %get3A_559 = arith.constant 176 : index
        %get3A_560 = tpu.vector_load %arg8[%get3A_557, %get3A_558, %get3A_559] {strides = array<i32>} : memref<2x48x512xf32, #tpu.memory_space<vmem>>, vector<1x1x16xf32>,
        %get3A_561 = vector.shape_cast %get3A_560 : vector<1x1x16xf32> to vector<16xf32>
        %mul3A_562 = vector.broadcast %squeeze3A : f32 to vector<16xf32>
        %mul3A_563 = arith.mulf %get3A_561, %mul3A_562 : vector<16xf32>
        %add3A_564 = arith.constant 1 : i32
        %add3A_565 = arith.addi %mul3A_149, %add3A_564 : i32
        %get3A_566 = arith.constant 1 : i32
        %get3A_567 = arith.index_cast %get3A_566 : i32 to index
        %get3A_568 = arith.index_cast %add3A_565 : i32 to index
        %get3A_569 = arith.constant 176 : index
        %get3A_570 = tpu.vector_load %arg8[%get3A_567, %get3A_568, %get3A_569] {strides = array<i32>} : memref<2x48x512xf32, #tpu.memory_space<vmem>>, vector<1x1x16xf32>,
        %get3A_571 = vector.shape_cast %get3A_570 : vector<1x1x16xf32> to vector<16xf32>
        %mul3A_572 = vector.broadcast %squeeze3A_145 : f32 to vector<16xf32>
        %mul3A_573 = arith.mulf %get3A_571, %mul3A_572 : vector<16xf32>
        %add3A_574 = arith.addf %mul3A_563, %mul3A_573 : vector<16xf32>
        %add3A_575 = arith.constant 2 : i32
        %add3A_576 = arith.addi %mul3A_149, %add3A_575 : i32
        %get3A_577 = arith.constant 1 : i32
        %get3A_578 = arith.index_cast %get3A_577 : i32 to index
        %get3A_579 = arith.index_cast %add3A_576 : i32 to index
        %get3A_580 = arith.constant 176 : index
        %get3A_581 = tpu.vector_load %arg8[%get3A_578, %get3A_579, %get3A_580] {strides = array<i32>} : memref<2x48x512xf32, #tpu.memory_space<vmem>>, vector<1x1x16xf32>,
        %get3A_582 = vector.shape_cast %get3A_581 : vector<1x1x16xf32> to vector<16xf32>
        %mul3A_583 = vector.broadcast %squeeze3A_147 : f32 to vector<16xf32>
        %mul3A_584 = arith.mulf %get3A_582, %mul3A_583 : vector<16xf32>
        %add3A_585 = arith.addf %add3A_574, %mul3A_584 : vector<16xf32>
        %swap3A_586 = arith.constant 1 : i32
        %swap3A_587 = arith.index_cast %swap3A_586 : i32 to index
        %swap3A_588 = arith.index_cast %scan3A_136 : i32 to index
        %swap3A_589 = arith.constant 176 : index
        %swap3A_590 = tpu.vector_load %arg9[%swap3A_587, %swap3A_588, %swap3A_589] {strides = array<i32>} : memref<2x16x512xf32, #tpu.memory_space<vmem>>, vector<1x1x16xf32>,
        %swap3A_591 = vector.shape_cast %swap3A_590 : vector<1x1x16xf32> to vector<16xf32>
        %swap3A_592 = vector.shape_cast %add3A_585 : vector<16xf32> to vector<1x1x16xf32>
        tpu.vector_store %arg9[%swap3A_587, %swap3A_588, %swap3A_589], %swap3A_592 {strides = array<i32>} : memref<2x16x512xf32, #tpu.memory_space<vmem>>, vector<1x1x16xf32>,
        %get3A_593 = arith.constant 1 : i32
        %get3A_594 = arith.index_cast %get3A_593 : i32 to index
        %get3A_595 = arith.index_cast %mul3A_149 : i32 to index
        %get3A_596 = arith.constant 192 : index
        %get3A_597 = tpu.vector_load %arg8[%get3A_594, %get3A_595, %get3A_596] {strides = array<i32>} : memref<2x48x512xf32, #tpu.memory_space<vmem>>, vector<1x1x16xf32>,
        %get3A_598 = vector.shape_cast %get3A_597 : vector<1x1x16xf32> to vector<16xf32>
        %mul3A_599 = vector.broadcast %squeeze3A : f32 to vector<16xf32>
        %mul3A_600 = arith.mulf %get3A_598, %mul3A_599 : vector<16xf32>
        %add3A_601 = arith.constant 1 : i32
        %add3A_602 = arith.addi %mul3A_149, %add3A_601 : i32
        %get3A_603 = arith.constant 1 : i32
        %get3A_604 = arith.index_cast %get3A_603 : i32 to index
        %get3A_605 = arith.index_cast %add3A_602 : i32 to index
        %get3A_606 = arith.constant 192 : index
        %get3A_607 = tpu.vector_load %arg8[%get3A_604, %get3A_605, %get3A_606] {strides = array<i32>} : memref<2x48x512xf32, #tpu.memory_space<vmem>>, vector<1x1x16xf32>,
        %get3A_608 = vector.shape_cast %get3A_607 : vector<1x1x16xf32> to vector<16xf32>
        %mul3A_609 = vector.broadcast %squeeze3A_145 : f32 to vector<16xf32>
        %mul3A_610 = arith.mulf %get3A_608, %mul3A_609 : vector<16xf32>
        %add3A_611 = arith.addf %mul3A_600, %mul3A_610 : vector<16xf32>
        %add3A_612 = arith.constant 2 : i32
        %add3A_613 = arith.addi %mul3A_149, %add3A_612 : i32
        %get3A_614 = arith.constant 1 : i32
        %get3A_615 = arith.index_cast %get3A_614 : i32 to index
        %get3A_616 = arith.index_cast %add3A_613 : i32 to index
        %get3A_617 = arith.constant 192 : index
        %get3A_618 = tpu.vector_load %arg8[%get3A_615, %get3A_616, %get3A_617] {strides = array<i32>} : memref<2x48x512xf32, #tpu.memory_space<vmem>>, vector<1x1x16xf32>,
        %get3A_619 = vector.shape_cast %get3A_618 : vector<1x1x16xf32> to vector<16xf32>
        %mul3A_620 = vector.broadcast %squeeze3A_147 : f32 to vector<16xf32>
        %mul3A_621 = arith.mulf %get3A_619, %mul3A_620 : vector<16xf32>
        %add3A_622 = arith.addf %add3A_611, %mul3A_621 : vector<16xf32>
        %swap3A_623 = arith.constant 1 : i32
        %swap3A_624 = arith.index_cast %swap3A_623 : i32 to index
        %swap3A_625 = arith.index_cast %scan3A_136 : i32 to index
        %swap3A_626 = arith.constant 192 : index
        %swap3A_627 = tpu.vector_load %arg9[%swap3A_624, %swap3A_625, %swap3A_626] {strides = array<i32>} : memref<2x16x512xf32, #tpu.memory_space<vmem>>, vector<1x1x16xf32>,
        %swap3A_628 = vector.shape_cast %swap3A_627 : vector<1x1x16xf32> to vector<16xf32>
        %swap3A_629 = vector.shape_cast %add3A_622 : vector<16xf32> to vector<1x1x16xf32>
        tpu.vector_store %arg9[%swap3A_624, %swap3A_625, %swap3A_626], %swap3A_629 {strides = array<i32>} : memref<2x16x512xf32, #tpu.memory_space<vmem>>, vector<1x1x16xf32>,
        %get3A_630 = arith.constant 1 : i32
        %get3A_631 = arith.index_cast %get3A_630 : i32 to index
        %get3A_632 = arith.index_cast %mul3A_149 : i32 to index
        %get3A_633 = arith.constant 208 : index
        %get3A_634 = tpu.vector_load %arg8[%get3A_631, %get3A_632, %get3A_633] {strides = array<i32>} : memref<2x48x512xf32, #tpu.memory_space<vmem>>, vector<1x1x16xf32>,
        %get3A_635 = vector.shape_cast %get3A_634 : vector<1x1x16xf32> to vector<16xf32>
        %mul3A_636 = vector.broadcast %squeeze3A : f32 to vector<16xf32>
        %mul3A_637 = arith.mulf %get3A_635, %mul3A_636 : vector<16xf32>
        %add3A_638 = arith.constant 1 : i32
        %add3A_639 = arith.addi %mul3A_149, %add3A_638 : i32
        %get3A_640 = arith.constant 1 : i32
        %get3A_641 = arith.index_cast %get3A_640 : i32 to index
        %get3A_642 = arith.index_cast %add3A_639 : i32 to index
        %get3A_643 = arith.constant 208 : index
        %get3A_644 = tpu.vector_load %arg8[%get3A_641, %get3A_642, %get3A_643] {strides = array<i32>} : memref<2x48x512xf32, #tpu.memory_space<vmem>>, vector<1x1x16xf32>,
        %get3A_645 = vector.shape_cast %get3A_644 : vector<1x1x16xf32> to vector<16xf32>
        %mul3A_646 = vector.broadcast %squeeze3A_145 : f32 to vector<16xf32>
        %mul3A_647 = arith.mulf %get3A_645, %mul3A_646 : vector<16xf32>
        %add3A_648 = arith.addf %mul3A_637, %mul3A_647 : vector<16xf32>
        %add3A_649 = arith.constant 2 : i32
        %add3A_650 = arith.addi %mul3A_149, %add3A_649 : i32
        %get3A_651 = arith.constant 1 : i32
        %get3A_652 = arith.index_cast %get3A_651 : i32 to index
        %get3A_653 = arith.index_cast %add3A_650 : i32 to index
        %get3A_654 = arith.constant 208 : index
        %get3A_655 = tpu.vector_load %arg8[%get3A_652, %get3A_653, %get3A_654] {strides = array<i32>} : memref<2x48x512xf32, #tpu.memory_space<vmem>>, vector<1x1x16xf32>,
        %get3A_656 = vector.shape_cast %get3A_655 : vector<1x1x16xf32> to vector<16xf32>
        %mul3A_657 = vector.broadcast %squeeze3A_147 : f32 to vector<16xf32>
        %mul3A_658 = arith.mulf %get3A_656, %mul3A_657 : vector<16xf32>
        %add3A_659 = arith.addf %add3A_648, %mul3A_658 : vector<16xf32>
        %swap3A_660 = arith.constant 1 : i32
        %swap3A_661 = arith.index_cast %swap3A_660 : i32 to index
        %swap3A_662 = arith.index_cast %scan3A_136 : i32 to index
        %swap3A_663 = arith.constant 208 : index
        %swap3A_664 = tpu.vector_load %arg9[%swap3A_661, %swap3A_662, %swap3A_663] {strides = array<i32>} : memref<2x16x512xf32, #tpu.memory_space<vmem>>, vector<1x1x16xf32>,
        %swap3A_665 = vector.shape_cast %swap3A_664 : vector<1x1x16xf32> to vector<16xf32>
        %swap3A_666 = vector.shape_cast %add3A_659 : vector<16xf32> to vector<1x1x16xf32>
        tpu.vector_store %arg9[%swap3A_661, %swap3A_662, %swap3A_663], %swap3A_666 {strides = array<i32>} : memref<2x16x512xf32, #tpu.memory_space<vmem>>, vector<1x1x16xf32>,
        %get3A_667 = arith.constant 1 : i32
        %get3A_668 = arith.index_cast %get3A_667 : i32 to index
        %get3A_669 = arith.index_cast %mul3A_149 : i32 to index
        %get3A_670 = arith.constant 224 : index
        %get3A_671 = tpu.vector_load %arg8[%get3A_668, %get3A_669, %get3A_670] {strides = array<i32>} : memref<2x48x512xf32, #tpu.memory_space<vmem>>, vector<1x1x16xf32>,
        %get3A_672 = vector.shape_cast %get3A_671 : vector<1x1x16xf32> to vector<16xf32>
        %mul3A_673 = vector.broadcast %squeeze3A : f32 to vector<16xf32>
        %mul3A_674 = arith.mulf %get3A_672, %mul3A_673 : vector<16xf32>
        %add3A_675 = arith.constant 1 : i32
        %add3A_676 = arith.addi %mul3A_149, %add3A_675 : i32
        %get3A_677 = arith.constant 1 : i32
        %get3A_678 = arith.index_cast %get3A_677 : i32 to index
        %get3A_679 = arith.index_cast %add3A_676 : i32 to index
        %get3A_680 = arith.constant 224 : index
        %get3A_681 = tpu.vector_load %arg8[%get3A_678, %get3A_679, %get3A_680] {strides = array<i32>} : memref<2x48x512xf32, #tpu.memory_space<vmem>>, vector<1x1x16xf32>,
        %get3A_682 = vector.shape_cast %get3A_681 : vector<1x1x16xf32> to vector<16xf32>
        %mul3A_683 = vector.broadcast %squeeze3A_145 : f32 to vector<16xf32>
        %mul3A_684 = arith.mulf %get3A_682, %mul3A_683 : vector<16xf32>
        %add3A_685 = arith.addf %mul3A_674, %mul3A_684 : vector<16xf32>
        %add3A_686 = arith.constant 2 : i32
        %add3A_687 = arith.addi %mul3A_149, %add3A_686 : i32
        %get3A_688 = arith.constant 1 : i32
        %get3A_689 = arith.index_cast %get3A_688 : i32 to index
        %get3A_690 = arith.index_cast %add3A_687 : i32 to index
        %get3A_691 = arith.constant 224 : index
        %get3A_692 = tpu.vector_load %arg8[%get3A_689, %get3A_690, %get3A_691] {strides = array<i32>} : memref<2x48x512xf32, #tpu.memory_space<vmem>>, vector<1x1x16xf32>,
        %get3A_693 = vector.shape_cast %get3A_692 : vector<1x1x16xf32> to vector<16xf32>
        %mul3A_694 = vector.broadcast %squeeze3A_147 : f32 to vector<16xf32>
        %mul3A_695 = arith.mulf %get3A_693, %mul3A_694 : vector<16xf32>
        %add3A_696 = arith.addf %add3A_685, %mul3A_695 : vector<16xf32>
        %swap3A_697 = arith.constant 1 : i32
        %swap3A_698 = arith.index_cast %swap3A_697 : i32 to index
        %swap3A_699 = arith.index_cast %scan3A_136 : i32 to index
        %swap3A_700 = arith.constant 224 : index
        %swap3A_701 = tpu.vector_load %arg9[%swap3A_698, %swap3A_699, %swap3A_700] {strides = array<i32>} : memref<2x16x512xf32, #tpu.memory_space<vmem>>, vector<1x1x16xf32>,
        %swap3A_702 = vector.shape_cast %swap3A_701 : vector<1x1x16xf32> to vector<16xf32>
        %swap3A_703 = vector.shape_cast %add3A_696 : vector<16xf32> to vector<1x1x16xf32>
        tpu.vector_store %arg9[%swap3A_698, %swap3A_699, %swap3A_700], %swap3A_703 {strides = array<i32>} : memref<2x16x512xf32, #tpu.memory_space<vmem>>, vector<1x1x16xf32>,
        %get3A_704 = arith.constant 1 : i32
        %get3A_705 = arith.index_cast %get3A_704 : i32 to index
        %get3A_706 = arith.index_cast %mul3A_149 : i32 to index
        %get3A_707 = arith.constant 240 : index
        %get3A_708 = tpu.vector_load %arg8[%get3A_705, %get3A_706, %get3A_707] {strides = array<i32>} : memref<2x48x512xf32, #tpu.memory_space<vmem>>, vector<1x1x16xf32>,
        %get3A_709 = vector.shape_cast %get3A_708 : vector<1x1x16xf32> to vector<16xf32>
        %mul3A_710 = vector.broadcast %squeeze3A : f32 to vector<16xf32>
        %mul3A_711 = arith.mulf %get3A_709, %mul3A_710 : vector<16xf32>
        %add3A_712 = arith.constant 1 : i32
        %add3A_713 = arith.addi %mul3A_149, %add3A_712 : i32
        %get3A_714 = arith.constant 1 : i32
        %get3A_715 = arith.index_cast %get3A_714 : i32 to index
        %get3A_716 = arith.index_cast %add3A_713 : i32 to index
        %get3A_717 = arith.constant 240 : index
        %get3A_718 = tpu.vector_load %arg8[%get3A_715, %get3A_716, %get3A_717] {strides = array<i32>} : memref<2x48x512xf32, #tpu.memory_space<vmem>>, vector<1x1x16xf32>,
        %get3A_719 = vector.shape_cast %get3A_718 : vector<1x1x16xf32> to vector<16xf32>
        %mul3A_720 = vector.broadcast %squeeze3A_145 : f32 to vector<16xf32>
        %mul3A_721 = arith.mulf %get3A_719, %mul3A_720 : vector<16xf32>
        %add3A_722 = arith.addf %mul3A_711, %mul3A_721 : vector<16xf32>
        %add3A_723 = arith.constant 2 : i32
        %add3A_724 = arith.addi %mul3A_149, %add3A_723 : i32
        %get3A_725 = arith.constant 1 : i32
        %get3A_726 = arith.index_cast %get3A_725 : i32 to index
        %get3A_727 = arith.index_cast %add3A_724 : i32 to index
        %get3A_728 = arith.constant 240 : index
        %get3A_729 = tpu.vector_load %arg8[%get3A_726, %get3A_727, %get3A_728] {strides = array<i32>} : memref<2x48x512xf32, #tpu.memory_space<vmem>>, vector<1x1x16xf32>,
        %get3A_730 = vector.shape_cast %get3A_729 : vector<1x1x16xf32> to vector<16xf32>
        %mul3A_731 = vector.broadcast %squeeze3A_147 : f32 to vector<16xf32>
        %mul3A_732 = arith.mulf %get3A_730, %mul3A_731 : vector<16xf32>
        %add3A_733 = arith.addf %add3A_722, %mul3A_732 : vector<16xf32>
        %swap3A_734 = arith.constant 1 : i32
        %swap3A_735 = arith.index_cast %swap3A_734 : i32 to index
        %swap3A_736 = arith.index_cast %scan3A_136 : i32 to index
        %swap3A_737 = arith.constant 240 : index
        %swap3A_738 = tpu.vector_load %arg9[%swap3A_735, %swap3A_736, %swap3A_737] {strides = array<i32>} : memref<2x16x512xf32, #tpu.memory_space<vmem>>, vector<1x1x16xf32>,
        %swap3A_739 = vector.shape_cast %swap3A_738 : vector<1x1x16xf32> to vector<16xf32>
        %swap3A_740 = vector.shape_cast %add3A_733 : vector<16xf32> to vector<1x1x16xf32>
        tpu.vector_store %arg9[%swap3A_735, %swap3A_736, %swap3A_737], %swap3A_740 {strides = array<i32>} : memref<2x16x512xf32, #tpu.memory_space<vmem>>, vector<1x1x16xf32>,
        %get3A_741 = arith.constant 1 : i32
        %get3A_742 = arith.index_cast %get3A_741 : i32 to index
        %get3A_743 = arith.index_cast %mul3A_149 : i32 to index
        %get3A_744 = arith.constant 256 : index
        %get3A_745 = tpu.vector_load %arg8[%get3A_742, %get3A_743, %get3A_744] {strides = array<i32>} : memref<2x48x512xf32, #tpu.memory_space<vmem>>, vector<1x1x16xf32>,
        %get3A_746 = vector.shape_cast %get3A_745 : vector<1x1x16xf32> to vector<16xf32>
        %mul3A_747 = vector.broadcast %squeeze3A : f32 to vector<16xf32>
        %mul3A_748 = arith.mulf %get3A_746, %mul3A_747 : vector<16xf32>
        %add3A_749 = arith.constant 1 : i32
        %add3A_750 = arith.addi %mul3A_149, %add3A_749 : i32
        %get3A_751 = arith.constant 1 : i32
        %get3A_752 = arith.index_cast %get3A_751 : i32 to index
        %get3A_753 = arith.index_cast %add3A_750 : i32 to index
        %get3A_754 = arith.constant 256 : index
        %get3A_755 = tpu.vector_load %arg8[%get3A_752, %get3A_753, %get3A_754] {strides = array<i32>} : memref<2x48x512xf32, #tpu.memory_space<vmem>>, vector<1x1x16xf32>,
        %get3A_756 = vector.shape_cast %get3A_755 : vector<1x1x16xf32> to vector<16xf32>
        %mul3A_757 = vector.broadcast %squeeze3A_145 : f32 to vector<16xf32>
        %mul3A_758 = arith.mulf %get3A_756, %mul3A_757 : vector<16xf32>
        %add3A_759 = arith.addf %mul3A_748, %mul3A_758 : vector<16xf32>
        %add3A_760 = arith.constant 2 : i32
        %add3A_761 = arith.addi %mul3A_149, %add3A_760 : i32
        %get3A_762 = arith.constant 1 : i32
        %get3A_763 = arith.index_cast %get3A_762 : i32 to index
        %get3A_764 = arith.index_cast %add3A_761 : i32 to index
        %get3A_765 = arith.constant 256 : index
        %get3A_766 = tpu.vector_load %arg8[%get3A_763, %get3A_764, %get3A_765] {strides = array<i32>} : memref<2x48x512xf32, #tpu.memory_space<vmem>>, vector<1x1x16xf32>,
        %get3A_767 = vector.shape_cast %get3A_766 : vector<1x1x16xf32> to vector<16xf32>
        %mul3A_768 = vector.broadcast %squeeze3A_147 : f32 to vector<16xf32>
        %mul3A_769 = arith.mulf %get3A_767, %mul3A_768 : vector<16xf32>
        %add3A_770 = arith.addf %add3A_759, %mul3A_769 : vector<16xf32>
        %swap3A_771 = arith.constant 1 : i32
        %swap3A_772 = arith.index_cast %swap3A_771 : i32 to index
        %swap3A_773 = arith.index_cast %scan3A_136 : i32 to index
        %swap3A_774 = arith.constant 256 : index
        %swap3A_775 = tpu.vector_load %arg9[%swap3A_772, %swap3A_773, %swap3A_774] {strides = array<i32>} : memref<2x16x512xf32, #tpu.memory_space<vmem>>, vector<1x1x16xf32>,
        %swap3A_776 = vector.shape_cast %swap3A_775 : vector<1x1x16xf32> to vector<16xf32>
        %swap3A_777 = vector.shape_cast %add3A_770 : vector<16xf32> to vector<1x1x16xf32>
        tpu.vector_store %arg9[%swap3A_772, %swap3A_773, %swap3A_774], %swap3A_777 {strides = array<i32>} : memref<2x16x512xf32, #tpu.memory_space<vmem>>, vector<1x1x16xf32>,
        %get3A_778 = arith.constant 1 : i32
        %get3A_779 = arith.index_cast %get3A_778 : i32 to index
        %get3A_780 = arith.index_cast %mul3A_149 : i32 to index
        %get3A_781 = arith.constant 272 : index
        %get3A_782 = tpu.vector_load %arg8[%get3A_779, %get3A_780, %get3A_781] {strides = array<i32>} : memref<2x48x512xf32, #tpu.memory_space<vmem>>, vector<1x1x16xf32>,
        %get3A_783 = vector.shape_cast %get3A_782 : vector<1x1x16xf32> to vector<16xf32>
        %mul3A_784 = vector.broadcast %squeeze3A : f32 to vector<16xf32>
        %mul3A_785 = arith.mulf %get3A_783, %mul3A_784 : vector<16xf32>
        %add3A_786 = arith.constant 1 : i32
        %add3A_787 = arith.addi %mul3A_149, %add3A_786 : i32
        %get3A_788 = arith.constant 1 : i32
        %get3A_789 = arith.index_cast %get3A_788 : i32 to index
        %get3A_790 = arith.index_cast %add3A_787 : i32 to index
        %get3A_791 = arith.constant 272 : index
        %get3A_792 = tpu.vector_load %arg8[%get3A_789, %get3A_790, %get3A_791] {strides = array<i32>} : memref<2x48x512xf32, #tpu.memory_space<vmem>>, vector<1x1x16xf32>,
        %get3A_793 = vector.shape_cast %get3A_792 : vector<1x1x16xf32> to vector<16xf32>
        %mul3A_794 = vector.broadcast %squeeze3A_145 : f32 to vector<16xf32>
        %mul3A_795 = arith.mulf %get3A_793, %mul3A_794 : vector<16xf32>
        %add3A_796 = arith.addf %mul3A_785, %mul3A_795 : vector<16xf32>
        %add3A_797 = arith.constant 2 : i32
        %add3A_798 = arith.addi %mul3A_149, %add3A_797 : i32
        %get3A_799 = arith.constant 1 : i32
        %get3A_800 = arith.index_cast %get3A_799 : i32 to index
        %get3A_801 = arith.index_cast %add3A_798 : i32 to index
        %get3A_802 = arith.constant 272 : index
        %get3A_803 = tpu.vector_load %arg8[%get3A_800, %get3A_801, %get3A_802] {strides = array<i32>} : memref<2x48x512xf32, #tpu.memory_space<vmem>>, vector<1x1x16xf32>,
        %get3A_804 = vector.shape_cast %get3A_803 : vector<1x1x16xf32> to vector<16xf32>
        %mul3A_805 = vector.broadcast %squeeze3A_147 : f32 to vector<16xf32>
        %mul3A_806 = arith.mulf %get3A_804, %mul3A_805 : vector<16xf32>
        %add3A_807 = arith.addf %add3A_796, %mul3A_806 : vector<16xf32>
        %swap3A_808 = arith.constant 1 : i32
        %swap3A_809 = arith.index_cast %swap3A_808 : i32 to index
        %swap3A_810 = arith.index_cast %scan3A_136 : i32 to index
        %swap3A_811 = arith.constant 272 : index
        %swap3A_812 = tpu.vector_load %arg9[%swap3A_809, %swap3A_810, %swap3A_811] {strides = array<i32>} : memref<2x16x512xf32, #tpu.memory_space<vmem>>, vector<1x1x16xf32>,
        %swap3A_813 = vector.shape_cast %swap3A_812 : vector<1x1x16xf32> to vector<16xf32>
        %swap3A_814 = vector.shape_cast %add3A_807 : vector<16xf32> to vector<1x1x16xf32>
        tpu.vector_store %arg9[%swap3A_809, %swap3A_810, %swap3A_811], %swap3A_814 {strides = array<i32>} : memref<2x16x512xf32, #tpu.memory_space<vmem>>, vector<1x1x16xf32>,
        %get3A_815 = arith.constant 1 : i32
        %get3A_816 = arith.index_cast %get3A_815 : i32 to index
        %get3A_817 = arith.index_cast %mul3A_149 : i32 to index
        %get3A_818 = arith.constant 288 : index
        %get3A_819 = tpu.vector_load %arg8[%get3A_816, %get3A_817, %get3A_818] {strides = array<i32>} : memref<2x48x512xf32, #tpu.memory_space<vmem>>, vector<1x1x16xf32>,
        %get3A_820 = vector.shape_cast %get3A_819 : vector<1x1x16xf32> to vector<16xf32>
        %mul3A_821 = vector.broadcast %squeeze3A : f32 to vector<16xf32>
        %mul3A_822 = arith.mulf %get3A_820, %mul3A_821 : vector<16xf32>
        %add3A_823 = arith.constant 1 : i32
        %add3A_824 = arith.addi %mul3A_149, %add3A_823 : i32
        %get3A_825 = arith.constant 1 : i32
        %get3A_826 = arith.index_cast %get3A_825 : i32 to index
        %get3A_827 = arith.index_cast %add3A_824 : i32 to index
        %get3A_828 = arith.constant 288 : index
        %get3A_829 = tpu.vector_load %arg8[%get3A_826, %get3A_827, %get3A_828] {strides = array<i32>} : memref<2x48x512xf32, #tpu.memory_space<vmem>>, vector<1x1x16xf32>,
        %get3A_830 = vector.shape_cast %get3A_829 : vector<1x1x16xf32> to vector<16xf32>
        %mul3A_831 = vector.broadcast %squeeze3A_145 : f32 to vector<16xf32>
        %mul3A_832 = arith.mulf %get3A_830, %mul3A_831 : vector<16xf32>
        %add3A_833 = arith.addf %mul3A_822, %mul3A_832 : vector<16xf32>
        %add3A_834 = arith.constant 2 : i32
        %add3A_835 = arith.addi %mul3A_149, %add3A_834 : i32
        %get3A_836 = arith.constant 1 : i32
        %get3A_837 = arith.index_cast %get3A_836 : i32 to index
        %get3A_838 = arith.index_cast %add3A_835 : i32 to index
        %get3A_839 = arith.constant 288 : index
        %get3A_840 = tpu.vector_load %arg8[%get3A_837, %get3A_838, %get3A_839] {strides = array<i32>} : memref<2x48x512xf32, #tpu.memory_space<vmem>>, vector<1x1x16xf32>,
        %get3A_841 = vector.shape_cast %get3A_840 : vector<1x1x16xf32> to vector<16xf32>
        %mul3A_842 = vector.broadcast %squeeze3A_147 : f32 to vector<16xf32>
        %mul3A_843 = arith.mulf %get3A_841, %mul3A_842 : vector<16xf32>
        %add3A_844 = arith.addf %add3A_833, %mul3A_843 : vector<16xf32>
        %swap3A_845 = arith.constant 1 : i32
        %swap3A_846 = arith.index_cast %swap3A_845 : i32 to index
        %swap3A_847 = arith.index_cast %scan3A_136 : i32 to index
        %swap3A_848 = arith.constant 288 : index
        %swap3A_849 = tpu.vector_load %arg9[%swap3A_846, %swap3A_847, %swap3A_848] {strides = array<i32>} : memref<2x16x512xf32, #tpu.memory_space<vmem>>, vector<1x1x16xf32>,
        %swap3A_850 = vector.shape_cast %swap3A_849 : vector<1x1x16xf32> to vector<16xf32>
        %swap3A_851 = vector.shape_cast %add3A_844 : vector<16xf32> to vector<1x1x16xf32>
        tpu.vector_store %arg9[%swap3A_846, %swap3A_847, %swap3A_848], %swap3A_851 {strides = array<i32>} : memref<2x16x512xf32, #tpu.memory_space<vmem>>, vector<1x1x16xf32>,
        %get3A_852 = arith.constant 1 : i32
        %get3A_853 = arith.index_cast %get3A_852 : i32 to index
        %get3A_854 = arith.index_cast %mul3A_149 : i32 to index
        %get3A_855 = arith.constant 304 : index
        %get3A_856 = tpu.vector_load %arg8[%get3A_853, %get3A_854, %get3A_855] {strides = array<i32>} : memref<2x48x512xf32, #tpu.memory_space<vmem>>, vector<1x1x16xf32>,
        %get3A_857 = vector.shape_cast %get3A_856 : vector<1x1x16xf32> to vector<16xf32>
        %mul3A_858 = vector.broadcast %squeeze3A : f32 to vector<16xf32>
        %mul3A_859 = arith.mulf %get3A_857, %mul3A_858 : vector<16xf32>
        %add3A_860 = arith.constant 1 : i32
        %add3A_861 = arith.addi %mul3A_149, %add3A_860 : i32
        %get3A_862 = arith.constant 1 : i32
        %get3A_863 = arith.index_cast %get3A_862 : i32 to index
        %get3A_864 = arith.index_cast %add3A_861 : i32 to index
        %get3A_865 = arith.constant 304 : index
        %get3A_866 = tpu.vector_load %arg8[%get3A_863, %get3A_864, %get3A_865] {strides = array<i32>} : memref<2x48x512xf32, #tpu.memory_space<vmem>>, vector<1x1x16xf32>,
        %get3A_867 = vector.shape_cast %get3A_866 : vector<1x1x16xf32> to vector<16xf32>
        %mul3A_868 = vector.broadcast %squeeze3A_145 : f32 to vector<16xf32>
        %mul3A_869 = arith.mulf %get3A_867, %mul3A_868 : vector<16xf32>
        %add3A_870 = arith.addf %mul3A_859, %mul3A_869 : vector<16xf32>
        %add3A_871 = arith.constant 2 : i32
        %add3A_872 = arith.addi %mul3A_149, %add3A_871 : i32
        %get3A_873 = arith.constant 1 : i32
        %get3A_874 = arith.index_cast %get3A_873 : i32 to index
        %get3A_875 = arith.index_cast %add3A_872 : i32 to index
        %get3A_876 = arith.constant 304 : index
        %get3A_877 = tpu.vector_load %arg8[%get3A_874, %get3A_875, %get3A_876] {strides = array<i32>} : memref<2x48x512xf32, #tpu.memory_space<vmem>>, vector<1x1x16xf32>,
        %get3A_878 = vector.shape_cast %get3A_877 : vector<1x1x16xf32> to vector<16xf32>
        %mul3A_879 = vector.broadcast %squeeze3A_147 : f32 to vector<16xf32>
        %mul3A_880 = arith.mulf %get3A_878, %mul3A_879 : vector<16xf32>
        %add3A_881 = arith.addf %add3A_870, %mul3A_880 : vector<16xf32>
        %swap3A_882 = arith.constant 1 : i32
        %swap3A_883 = arith.index_cast %swap3A_882 : i32 to index
        %swap3A_884 = arith.index_cast %scan3A_136 : i32 to index
        %swap3A_885 = arith.constant 304 : index
        %swap3A_886 = tpu.vector_load %arg9[%swap3A_883, %swap3A_884, %swap3A_885] {strides = array<i32>} : memref<2x16x512xf32, #tpu.memory_space<vmem>>, vector<1x1x16xf32>,
        %swap3A_887 = vector.shape_cast %swap3A_886 : vector<1x1x16xf32> to vector<16xf32>
        %swap3A_888 = vector.shape_cast %add3A_881 : vector<16xf32> to vector<1x1x16xf32>
        tpu.vector_store %arg9[%swap3A_883, %swap3A_884, %swap3A_885], %swap3A_888 {strides = array<i32>} : memref<2x16x512xf32, #tpu.memory_space<vmem>>, vector<1x1x16xf32>,
        %get3A_889 = arith.constant 1 : i32
        %get3A_890 = arith.index_cast %get3A_889 : i32 to index
        %get3A_891 = arith.index_cast %mul3A_149 : i32 to index
        %get3A_892 = arith.constant 320 : index
        %get3A_893 = tpu.vector_load %arg8[%get3A_890, %get3A_891, %get3A_892] {strides = array<i32>} : memref<2x48x512xf32, #tpu.memory_space<vmem>>, vector<1x1x16xf32>,
        %get3A_894 = vector.shape_cast %get3A_893 : vector<1x1x16xf32> to vector<16xf32>
        %mul3A_895 = vector.broadcast %squeeze3A : f32 to vector<16xf32>
        %mul3A_896 = arith.mulf %get3A_894, %mul3A_895 : vector<16xf32>
        %add3A_897 = arith.constant 1 : i32
        %add3A_898 = arith.addi %mul3A_149, %add3A_897 : i32
        %get3A_899 = arith.constant 1 : i32
        %get3A_900 = arith.index_cast %get3A_899 : i32 to index
        %get3A_901 = arith.index_cast %add3A_898 : i32 to index
        %get3A_902 = arith.constant 320 : index
        %get3A_903 = tpu.vector_load %arg8[%get3A_900, %get3A_901, %get3A_902] {strides = array<i32>} : memref<2x48x512xf32, #tpu.memory_space<vmem>>, vector<1x1x16xf32>,
        %get3A_904 = vector.shape_cast %get3A_903 : vector<1x1x16xf32> to vector<16xf32>
        %mul3A_905 = vector.broadcast %squeeze3A_145 : f32 to vector<16xf32>
        %mul3A_906 = arith.mulf %get3A_904, %mul3A_905 : vector<16xf32>
        %add3A_907 = arith.addf %mul3A_896, %mul3A_906 : vector<16xf32>
        %add3A_908 = arith.constant 2 : i32
        %add3A_909 = arith.addi %mul3A_149, %add3A_908 : i32
        %get3A_910 = arith.constant 1 : i32
        %get3A_911 = arith.index_cast %get3A_910 : i32 to index
        %get3A_912 = arith.index_cast %add3A_909 : i32 to index
        %get3A_913 = arith.constant 320 : index
        %get3A_914 = tpu.vector_load %arg8[%get3A_911, %get3A_912, %get3A_913] {strides = array<i32>} : memref<2x48x512xf32, #tpu.memory_space<vmem>>, vector<1x1x16xf32>,
        %get3A_915 = vector.shape_cast %get3A_914 : vector<1x1x16xf32> to vector<16xf32>
        %mul3A_916 = vector.broadcast %squeeze3A_147 : f32 to vector<16xf32>
        %mul3A_917 = arith.mulf %get3A_915, %mul3A_916 : vector<16xf32>
        %add3A_918 = arith.addf %add3A_907, %mul3A_917 : vector<16xf32>
        %swap3A_919 = arith.constant 1 : i32
        %swap3A_920 = arith.index_cast %swap3A_919 : i32 to index
        %swap3A_921 = arith.index_cast %scan3A_136 : i32 to index
        %swap3A_922 = arith.constant 320 : index
        %swap3A_923 = tpu.vector_load %arg9[%swap3A_920, %swap3A_921, %swap3A_922] {strides = array<i32>} : memref<2x16x512xf32, #tpu.memory_space<vmem>>, vector<1x1x16xf32>,
        %swap3A_924 = vector.shape_cast %swap3A_923 : vector<1x1x16xf32> to vector<16xf32>
        %swap3A_925 = vector.shape_cast %add3A_918 : vector<16xf32> to vector<1x1x16xf32>
        tpu.vector_store %arg9[%swap3A_920, %swap3A_921, %swap3A_922], %swap3A_925 {strides = array<i32>} : memref<2x16x512xf32, #tpu.memory_space<vmem>>, vector<1x1x16xf32>,
        %get3A_926 = arith.constant 1 : i32
        %get3A_927 = arith.index_cast %get3A_926 : i32 to index
        %get3A_928 = arith.index_cast %mul3A_149 : i32 to index
        %get3A_929 = arith.constant 336 : index
        %get3A_930 = tpu.vector_load %arg8[%get3A_927, %get3A_928, %get3A_929] {strides = array<i32>} : memref<2x48x512xf32, #tpu.memory_space<vmem>>, vector<1x1x16xf32>,
        %get3A_931 = vector.shape_cast %get3A_930 : vector<1x1x16xf32> to vector<16xf32>
        %mul3A_932 = vector.broadcast %squeeze3A : f32 to vector<16xf32>
        %mul3A_933 = arith.mulf %get3A_931, %mul3A_932 : vector<16xf32>
        %add3A_934 = arith.constant 1 : i32
        %add3A_935 = arith.addi %mul3A_149, %add3A_934 : i32
        %get3A_936 = arith.constant 1 : i32
        %get3A_937 = arith.index_cast %get3A_936 : i32 to index
        %get3A_938 = arith.index_cast %add3A_935 : i32 to index
        %get3A_939 = arith.constant 336 : index
        %get3A_940 = tpu.vector_load %arg8[%get3A_937, %get3A_938, %get3A_939] {strides = array<i32>} : memref<2x48x512xf32, #tpu.memory_space<vmem>>, vector<1x1x16xf32>,
        %get3A_941 = vector.shape_cast %get3A_940 : vector<1x1x16xf32> to vector<16xf32>
        %mul3A_942 = vector.broadcast %squeeze3A_145 : f32 to vector<16xf32>
        %mul3A_943 = arith.mulf %get3A_941, %mul3A_942 : vector<16xf32>
        %add3A_944 = arith.addf %mul3A_933, %mul3A_943 : vector<16xf32>
        %add3A_945 = arith.constant 2 : i32
        %add3A_946 = arith.addi %mul3A_149, %add3A_945 : i32
        %get3A_947 = arith.constant 1 : i32
        %get3A_948 = arith.index_cast %get3A_947 : i32 to index
        %get3A_949 = arith.index_cast %add3A_946 : i32 to index
        %get3A_950 = arith.constant 336 : index
        %get3A_951 = tpu.vector_load %arg8[%get3A_948, %get3A_949, %get3A_950] {strides = array<i32>} : memref<2x48x512xf32, #tpu.memory_space<vmem>>, vector<1x1x16xf32>,
        %get3A_952 = vector.shape_cast %get3A_951 : vector<1x1x16xf32> to vector<16xf32>
        %mul3A_953 = vector.broadcast %squeeze3A_147 : f32 to vector<16xf32>
        %mul3A_954 = arith.mulf %get3A_952, %mul3A_953 : vector<16xf32>
        %add3A_955 = arith.addf %add3A_944, %mul3A_954 : vector<16xf32>
        %swap3A_956 = arith.constant 1 : i32
        %swap3A_957 = arith.index_cast %swap3A_956 : i32 to index
        %swap3A_958 = arith.index_cast %scan3A_136 : i32 to index
        %swap3A_959 = arith.constant 336 : index
        %swap3A_960 = tpu.vector_load %arg9[%swap3A_957, %swap3A_958, %swap3A_959] {strides = array<i32>} : memref<2x16x512xf32, #tpu.memory_space<vmem>>, vector<1x1x16xf32>,
        %swap3A_961 = vector.shape_cast %swap3A_960 : vector<1x1x16xf32> to vector<16xf32>
        %swap3A_962 = vector.shape_cast %add3A_955 : vector<16xf32> to vector<1x1x16xf32>
        tpu.vector_store %arg9[%swap3A_957, %swap3A_958, %swap3A_959], %swap3A_962 {strides = array<i32>} : memref<2x16x512xf32, #tpu.memory_space<vmem>>, vector<1x1x16xf32>,
        %get3A_963 = arith.constant 1 : i32
        %get3A_964 = arith.index_cast %get3A_963 : i32 to index
        %get3A_965 = arith.index_cast %mul3A_149 : i32 to index
        %get3A_966 = arith.constant 352 : index
        %get3A_967 = tpu.vector_load %arg8[%get3A_964, %get3A_965, %get3A_966] {strides = array<i32>} : memref<2x48x512xf32, #tpu.memory_space<vmem>>, vector<1x1x16xf32>,
        %get3A_968 = vector.shape_cast %get3A_967 : vector<1x1x16xf32> to vector<16xf32>
        %mul3A_969 = vector.broadcast %squeeze3A : f32 to vector<16xf32>
        %mul3A_970 = arith.mulf %get3A_968, %mul3A_969 : vector<16xf32>
        %add3A_971 = arith.constant 1 : i32
        %add3A_972 = arith.addi %mul3A_149, %add3A_971 : i32
        %get3A_973 = arith.constant 1 : i32
        %get3A_974 = arith.index_cast %get3A_973 : i32 to index
        %get3A_975 = arith.index_cast %add3A_972 : i32 to index
        %get3A_976 = arith.constant 352 : index
        %get3A_977 = tpu.vector_load %arg8[%get3A_974, %get3A_975, %get3A_976] {strides = array<i32>} : memref<2x48x512xf32, #tpu.memory_space<vmem>>, vector<1x1x16xf32>,
        %get3A_978 = vector.shape_cast %get3A_977 : vector<1x1x16xf32> to vector<16xf32>
        %mul3A_979 = vector.broadcast %squeeze3A_145 : f32 to vector<16xf32>
        %mul3A_980 = arith.mulf %get3A_978, %mul3A_979 : vector<16xf32>
        %add3A_981 = arith.addf %mul3A_970, %mul3A_980 : vector<16xf32>
        %add3A_982 = arith.constant 2 : i32
        %add3A_983 = arith.addi %mul3A_149, %add3A_982 : i32
        %get3A_984 = arith.constant 1 : i32
        %get3A_985 = arith.index_cast %get3A_984 : i32 to index
        %get3A_986 = arith.index_cast %add3A_983 : i32 to index
        %get3A_987 = arith.constant 352 : index
        %get3A_988 = tpu.vector_load %arg8[%get3A_985, %get3A_986, %get3A_987] {strides = array<i32>} : memref<2x48x512xf32, #tpu.memory_space<vmem>>, vector<1x1x16xf32>,
        %get3A_989 = vector.shape_cast %get3A_988 : vector<1x1x16xf32> to vector<16xf32>
        %mul3A_990 = vector.broadcast %squeeze3A_147 : f32 to vector<16xf32>
        %mul3A_991 = arith.mulf %get3A_989, %mul3A_990 : vector<16xf32>
        %add3A_992 = arith.addf %add3A_981, %mul3A_991 : vector<16xf32>
        %swap3A_993 = arith.constant 1 : i32
        %swap3A_994 = arith.index_cast %swap3A_993 : i32 to index
        %swap3A_995 = arith.index_cast %scan3A_136 : i32 to index
        %swap3A_996 = arith.constant 352 : index
        %swap3A_997 = tpu.vector_load %arg9[%swap3A_994, %swap3A_995, %swap3A_996] {strides = array<i32>} : memref<2x16x512xf32, #tpu.memory_space<vmem>>, vector<1x1x16xf32>,
        %swap3A_998 = vector.shape_cast %swap3A_997 : vector<1x1x16xf32> to vector<16xf32>
        %swap3A_999 = vector.shape_cast %add3A_992 : vector<16xf32> to vector<1x1x16xf32>
        tpu.vector_store %arg9[%swap3A_994, %swap3A_995, %swap3A_996], %swap3A_999 {strides = array<i32>} : memref<2x16x512xf32, #tpu.memory_space<vmem>>, vector<1x1x16xf32>,
        %get3A_1000 = arith.constant 1 : i32
        %get3A_1001 = arith.index_cast %get3A_1000 : i32 to index
        %get3A_1002 = arith.index_cast %mul3A_149 : i32 to index
        %get3A_1003 = arith.constant 368 : index
        %get3A_1004 = tpu.vector_load %arg8[%get3A_1001, %get3A_1002, %get3A_1003] {strides = array<i32>} : memref<2x48x512xf32, #tpu.memory_space<vmem>>, vector<1x1x16xf32>,
        %get3A_1005 = vector.shape_cast %get3A_1004 : vector<1x1x16xf32> to vector<16xf32>
        %mul3A_1006 = vector.broadcast %squeeze3A : f32 to vector<16xf32>
        %mul3A_1007 = arith.mulf %get3A_1005, %mul3A_1006 : vector<16xf32>
        %add3A_1008 = arith.constant 1 : i32
        %add3A_1009 = arith.addi %mul3A_149, %add3A_1008 : i32
        %get3A_1010 = arith.constant 1 : i32
        %get3A_1011 = arith.index_cast %get3A_1010 : i32 to index
        %get3A_1012 = arith.index_cast %add3A_1009 : i32 to index
        %get3A_1013 = arith.constant 368 : index
        %get3A_1014 = tpu.vector_load %arg8[%get3A_1011, %get3A_1012, %get3A_1013] {strides = array<i32>} : memref<2x48x512xf32, #tpu.memory_space<vmem>>, vector<1x1x16xf32>,
        %get3A_1015 = vector.shape_cast %get3A_1014 : vector<1x1x16xf32> to vector<16xf32>
        %mul3A_1016 = vector.broadcast %squeeze3A_145 : f32 to vector<16xf32>
        %mul3A_1017 = arith.mulf %get3A_1015, %mul3A_1016 : vector<16xf32>
        %add3A_1018 = arith.addf %mul3A_1007, %mul3A_1017 : vector<16xf32>
        %add3A_1019 = arith.constant 2 : i32
        %add3A_1020 = arith.addi %mul3A_149, %add3A_1019 : i32
        %get3A_1021 = arith.constant 1 : i32
        %get3A_1022 = arith.index_cast %get3A_1021 : i32 to index
        %get3A_1023 = arith.index_cast %add3A_1020 : i32 to index
        %get3A_1024 = arith.constant 368 : index
        %get3A_1025 = tpu.vector_load %arg8[%get3A_1022, %get3A_1023, %get3A_1024] {strides = array<i32>} : memref<2x48x512xf32, #tpu.memory_space<vmem>>, vector<1x1x16xf32>,
        %get3A_1026 = vector.shape_cast %get3A_1025 : vector<1x1x16xf32> to vector<16xf32>
        %mul3A_1027 = vector.broadcast %squeeze3A_147 : f32 to vector<16xf32>
        %mul3A_1028 = arith.mulf %get3A_1026, %mul3A_1027 : vector<16xf32>
        %add3A_1029 = arith.addf %add3A_1018, %mul3A_1028 : vector<16xf32>
        %swap3A_1030 = arith.constant 1 : i32
        %swap3A_1031 = arith.index_cast %swap3A_1030 : i32 to index
        %swap3A_1032 = arith.index_cast %scan3A_136 : i32 to index
        %swap3A_1033 = arith.constant 368 : index
        %swap3A_1034 = tpu.vector_load %arg9[%swap3A_1031, %swap3A_1032, %swap3A_1033] {strides = array<i32>} : memref<2x16x512xf32, #tpu.memory_space<vmem>>, vector<1x1x16xf32>,
        %swap3A_1035 = vector.shape_cast %swap3A_1034 : vector<1x1x16xf32> to vector<16xf32>
        %swap3A_1036 = vector.shape_cast %add3A_1029 : vector<16xf32> to vector<1x1x16xf32>
        tpu.vector_store %arg9[%swap3A_1031, %swap3A_1032, %swap3A_1033], %swap3A_1036 {strides = array<i32>} : memref<2x16x512xf32, #tpu.memory_space<vmem>>, vector<1x1x16xf32>,
        %get3A_1037 = arith.constant 1 : i32
        %get3A_1038 = arith.index_cast %get3A_1037 : i32 to index
        %get3A_1039 = arith.index_cast %mul3A_149 : i32 to index
        %get3A_1040 = arith.constant 384 : index
        %get3A_1041 = tpu.vector_load %arg8[%get3A_1038, %get3A_1039, %get3A_1040] {strides = array<i32>} : memref<2x48x512xf32, #tpu.memory_space<vmem>>, vector<1x1x16xf32>,
        %get3A_1042 = vector.shape_cast %get3A_1041 : vector<1x1x16xf32> to vector<16xf32>
        %mul3A_1043 = vector.broadcast %squeeze3A : f32 to vector<16xf32>
        %mul3A_1044 = arith.mulf %get3A_1042, %mul3A_1043 : vector<16xf32>
        %add3A_1045 = arith.constant 1 : i32
        %add3A_1046 = arith.addi %mul3A_149, %add3A_1045 : i32
        %get3A_1047 = arith.constant 1 : i32
        %get3A_1048 = arith.index_cast %get3A_1047 : i32 to index
        %get3A_1049 = arith.index_cast %add3A_1046 : i32 to index
        %get3A_1050 = arith.constant 384 : index
        %get3A_1051 = tpu.vector_load %arg8[%get3A_1048, %get3A_1049, %get3A_1050] {strides = array<i32>} : memref<2x48x512xf32, #tpu.memory_space<vmem>>, vector<1x1x16xf32>,
        %get3A_1052 = vector.shape_cast %get3A_1051 : vector<1x1x16xf32> to vector<16xf32>
        %mul3A_1053 = vector.broadcast %squeeze3A_145 : f32 to vector<16xf32>
        %mul3A_1054 = arith.mulf %get3A_1052, %mul3A_1053 : vector<16xf32>
        %add3A_1055 = arith.addf %mul3A_1044, %mul3A_1054 : vector<16xf32>
        %add3A_1056 = arith.constant 2 : i32
        %add3A_1057 = arith.addi %mul3A_149, %add3A_1056 : i32
        %get3A_1058 = arith.constant 1 : i32
        %get3A_1059 = arith.index_cast %get3A_1058 : i32 to index
        %get3A_1060 = arith.index_cast %add3A_1057 : i32 to index
        %get3A_1061 = arith.constant 384 : index
        %get3A_1062 = tpu.vector_load %arg8[%get3A_1059, %get3A_1060, %get3A_1061] {strides = array<i32>} : memref<2x48x512xf32, #tpu.memory_space<vmem>>, vector<1x1x16xf32>,
        %get3A_1063 = vector.shape_cast %get3A_1062 : vector<1x1x16xf32> to vector<16xf32>
        %mul3A_1064 = vector.broadcast %squeeze3A_147 : f32 to vector<16xf32>
        %mul3A_1065 = arith.mulf %get3A_1063, %mul3A_1064 : vector<16xf32>
        %add3A_1066 = arith.addf %add3A_1055, %mul3A_1065 : vector<16xf32>
        %swap3A_1067 = arith.constant 1 : i32
        %swap3A_1068 = arith.index_cast %swap3A_1067 : i32 to index
        %swap3A_1069 = arith.index_cast %scan3A_136 : i32 to index
        %swap3A_1070 = arith.constant 384 : index
        %swap3A_1071 = tpu.vector_load %arg9[%swap3A_1068, %swap3A_1069, %swap3A_1070] {strides = array<i32>} : memref<2x16x512xf32, #tpu.memory_space<vmem>>, vector<1x1x16xf32>,
        %swap3A_1072 = vector.shape_cast %swap3A_1071 : vector<1x1x16xf32> to vector<16xf32>
        %swap3A_1073 = vector.shape_cast %add3A_1066 : vector<16xf32> to vector<1x1x16xf32>
        tpu.vector_store %arg9[%swap3A_1068, %swap3A_1069, %swap3A_1070], %swap3A_1073 {strides = array<i32>} : memref<2x16x512xf32, #tpu.memory_space<vmem>>, vector<1x1x16xf32>,
        %get3A_1074 = arith.constant 1 : i32
        %get3A_1075 = arith.index_cast %get3A_1074 : i32 to index
        %get3A_1076 = arith.index_cast %mul3A_149 : i32 to index
        %get3A_1077 = arith.constant 400 : index
        %get3A_1078 = tpu.vector_load %arg8[%get3A_1075, %get3A_1076, %get3A_1077] {strides = array<i32>} : memref<2x48x512xf32, #tpu.memory_space<vmem>>, vector<1x1x16xf32>,
        %get3A_1079 = vector.shape_cast %get3A_1078 : vector<1x1x16xf32> to vector<16xf32>
        %mul3A_1080 = vector.broadcast %squeeze3A : f32 to vector<16xf32>
        %mul3A_1081 = arith.mulf %get3A_1079, %mul3A_1080 : vector<16xf32>
        %add3A_1082 = arith.constant 1 : i32
        %add3A_1083 = arith.addi %mul3A_149, %add3A_1082 : i32
        %get3A_1084 = arith.constant 1 : i32
        %get3A_1085 = arith.index_cast %get3A_1084 : i32 to index
        %get3A_1086 = arith.index_cast %add3A_1083 : i32 to index
        %get3A_1087 = arith.constant 400 : index
        %get3A_1088 = tpu.vector_load %arg8[%get3A_1085, %get3A_1086, %get3A_1087] {strides = array<i32>} : memref<2x48x512xf32, #tpu.memory_space<vmem>>, vector<1x1x16xf32>,
        %get3A_1089 = vector.shape_cast %get3A_1088 : vector<1x1x16xf32> to vector<16xf32>
        %mul3A_1090 = vector.broadcast %squeeze3A_145 : f32 to vector<16xf32>
        %mul3A_1091 = arith.mulf %get3A_1089, %mul3A_1090 : vector<16xf32>
        %add3A_1092 = arith.addf %mul3A_1081, %mul3A_1091 : vector<16xf32>
        %add3A_1093 = arith.constant 2 : i32
        %add3A_1094 = arith.addi %mul3A_149, %add3A_1093 : i32
        %get3A_1095 = arith.constant 1 : i32
        %get3A_1096 = arith.index_cast %get3A_1095 : i32 to index
        %get3A_1097 = arith.index_cast %add3A_1094 : i32 to index
        %get3A_1098 = arith.constant 400 : index
        %get3A_1099 = tpu.vector_load %arg8[%get3A_1096, %get3A_1097, %get3A_1098] {strides = array<i32>} : memref<2x48x512xf32, #tpu.memory_space<vmem>>, vector<1x1x16xf32>,
        %get3A_1100 = vector.shape_cast %get3A_1099 : vector<1x1x16xf32> to vector<16xf32>
        %mul3A_1101 = vector.broadcast %squeeze3A_147 : f32 to vector<16xf32>
        %mul3A_1102 = arith.mulf %get3A_1100, %mul3A_1101 : vector<16xf32>
        %add3A_1103 = arith.addf %add3A_1092, %mul3A_1102 : vector<16xf32>
        %swap3A_1104 = arith.constant 1 : i32
        %swap3A_1105 = arith.index_cast %swap3A_1104 : i32 to index
        %swap3A_1106 = arith.index_cast %scan3A_136 : i32 to index
        %swap3A_1107 = arith.constant 400 : index
        %swap3A_1108 = tpu.vector_load %arg9[%swap3A_1105, %swap3A_1106, %swap3A_1107] {strides = array<i32>} : memref<2x16x512xf32, #tpu.memory_space<vmem>>, vector<1x1x16xf32>,
        %swap3A_1109 = vector.shape_cast %swap3A_1108 : vector<1x1x16xf32> to vector<16xf32>
        %swap3A_1110 = vector.shape_cast %add3A_1103 : vector<16xf32> to vector<1x1x16xf32>
        tpu.vector_store %arg9[%swap3A_1105, %swap3A_1106, %swap3A_1107], %swap3A_1110 {strides = array<i32>} : memref<2x16x512xf32, #tpu.memory_space<vmem>>, vector<1x1x16xf32>,
        %get3A_1111 = arith.constant 1 : i32
        %get3A_1112 = arith.index_cast %get3A_1111 : i32 to index
        %get3A_1113 = arith.index_cast %mul3A_149 : i32 to index
        %get3A_1114 = arith.constant 416 : index
        %get3A_1115 = tpu.vector_load %arg8[%get3A_1112, %get3A_1113, %get3A_1114] {strides = array<i32>} : memref<2x48x512xf32, #tpu.memory_space<vmem>>, vector<1x1x16xf32>,
        %get3A_1116 = vector.shape_cast %get3A_1115 : vector<1x1x16xf32> to vector<16xf32>
        %mul3A_1117 = vector.broadcast %squeeze3A : f32 to vector<16xf32>
        %mul3A_1118 = arith.mulf %get3A_1116, %mul3A_1117 : vector<16xf32>
        %add3A_1119 = arith.constant 1 : i32
        %add3A_1120 = arith.addi %mul3A_149, %add3A_1119 : i32
        %get3A_1121 = arith.constant 1 : i32
        %get3A_1122 = arith.index_cast %get3A_1121 : i32 to index
        %get3A_1123 = arith.index_cast %add3A_1120 : i32 to index
        %get3A_1124 = arith.constant 416 : index
        %get3A_1125 = tpu.vector_load %arg8[%get3A_1122, %get3A_1123, %get3A_1124] {strides = array<i32>} : memref<2x48x512xf32, #tpu.memory_space<vmem>>, vector<1x1x16xf32>,
        %get3A_1126 = vector.shape_cast %get3A_1125 : vector<1x1x16xf32> to vector<16xf32>
        %mul3A_1127 = vector.broadcast %squeeze3A_145 : f32 to vector<16xf32>
        %mul3A_1128 = arith.mulf %get3A_1126, %mul3A_1127 : vector<16xf32>
        %add3A_1129 = arith.addf %mul3A_1118, %mul3A_1128 : vector<16xf32>
        %add3A_1130 = arith.constant 2 : i32
        %add3A_1131 = arith.addi %mul3A_149, %add3A_1130 : i32
        %get3A_1132 = arith.constant 1 : i32
        %get3A_1133 = arith.index_cast %get3A_1132 : i32 to index
        %get3A_1134 = arith.index_cast %add3A_1131 : i32 to index
        %get3A_1135 = arith.constant 416 : index
        %get3A_1136 = tpu.vector_load %arg8[%get3A_1133, %get3A_1134, %get3A_1135] {strides = array<i32>} : memref<2x48x512xf32, #tpu.memory_space<vmem>>, vector<1x1x16xf32>,
        %get3A_1137 = vector.shape_cast %get3A_1136 : vector<1x1x16xf32> to vector<16xf32>
        %mul3A_1138 = vector.broadcast %squeeze3A_147 : f32 to vector<16xf32>
        %mul3A_1139 = arith.mulf %get3A_1137, %mul3A_1138 : vector<16xf32>
        %add3A_1140 = arith.addf %add3A_1129, %mul3A_1139 : vector<16xf32>
        %swap3A_1141 = arith.constant 1 : i32
        %swap3A_1142 = arith.index_cast %swap3A_1141 : i32 to index
        %swap3A_1143 = arith.index_cast %scan3A_136 : i32 to index
        %swap3A_1144 = arith.constant 416 : index
        %swap3A_1145 = tpu.vector_load %arg9[%swap3A_1142, %swap3A_1143, %swap3A_1144] {strides = array<i32>} : memref<2x16x512xf32, #tpu.memory_space<vmem>>, vector<1x1x16xf32>,
        %swap3A_1146 = vector.shape_cast %swap3A_1145 : vector<1x1x16xf32> to vector<16xf32>
        %swap3A_1147 = vector.shape_cast %add3A_1140 : vector<16xf32> to vector<1x1x16xf32>
        tpu.vector_store %arg9[%swap3A_1142, %swap3A_1143, %swap3A_1144], %swap3A_1147 {strides = array<i32>} : memref<2x16x512xf32, #tpu.memory_space<vmem>>, vector<1x1x16xf32>,
        %get3A_1148 = arith.constant 1 : i32
        %get3A_1149 = arith.index_cast %get3A_1148 : i32 to index
        %get3A_1150 = arith.index_cast %mul3A_149 : i32 to index
        %get3A_1151 = arith.constant 432 : index
        %get3A_1152 = tpu.vector_load %arg8[%get3A_1149, %get3A_1150, %get3A_1151] {strides = array<i32>} : memref<2x48x512xf32, #tpu.memory_space<vmem>>, vector<1x1x16xf32>,
        %get3A_1153 = vector.shape_cast %get3A_1152 : vector<1x1x16xf32> to vector<16xf32>
        %mul3A_1154 = vector.broadcast %squeeze3A : f32 to vector<16xf32>
        %mul3A_1155 = arith.mulf %get3A_1153, %mul3A_1154 : vector<16xf32>
        %add3A_1156 = arith.constant 1 : i32
        %add3A_1157 = arith.addi %mul3A_149, %add3A_1156 : i32
        %get3A_1158 = arith.constant 1 : i32
        %get3A_1159 = arith.index_cast %get3A_1158 : i32 to index
        %get3A_1160 = arith.index_cast %add3A_1157 : i32 to index
        %get3A_1161 = arith.constant 432 : index
        %get3A_1162 = tpu.vector_load %arg8[%get3A_1159, %get3A_1160, %get3A_1161] {strides = array<i32>} : memref<2x48x512xf32, #tpu.memory_space<vmem>>, vector<1x1x16xf32>,
        %get3A_1163 = vector.shape_cast %get3A_1162 : vector<1x1x16xf32> to vector<16xf32>
        %mul3A_1164 = vector.broadcast %squeeze3A_145 : f32 to vector<16xf32>
        %mul3A_1165 = arith.mulf %get3A_1163, %mul3A_1164 : vector<16xf32>
        %add3A_1166 = arith.addf %mul3A_1155, %mul3A_1165 : vector<16xf32>
        %add3A_1167 = arith.constant 2 : i32
        %add3A_1168 = arith.addi %mul3A_149, %add3A_1167 : i32
        %get3A_1169 = arith.constant 1 : i32
        %get3A_1170 = arith.index_cast %get3A_1169 : i32 to index
        %get3A_1171 = arith.index_cast %add3A_1168 : i32 to index
        %get3A_1172 = arith.constant 432 : index
        %get3A_1173 = tpu.vector_load %arg8[%get3A_1170, %get3A_1171, %get3A_1172] {strides = array<i32>} : memref<2x48x512xf32, #tpu.memory_space<vmem>>, vector<1x1x16xf32>,
        %get3A_1174 = vector.shape_cast %get3A_1173 : vector<1x1x16xf32> to vector<16xf32>
        %mul3A_1175 = vector.broadcast %squeeze3A_147 : f32 to vector<16xf32>
        %mul3A_1176 = arith.mulf %get3A_1174, %mul3A_1175 : vector<16xf32>
        %add3A_1177 = arith.addf %add3A_1166, %mul3A_1176 : vector<16xf32>
        %swap3A_1178 = arith.constant 1 : i32
        %swap3A_1179 = arith.index_cast %swap3A_1178 : i32 to index
        %swap3A_1180 = arith.index_cast %scan3A_136 : i32 to index
        %swap3A_1181 = arith.constant 432 : index
        %swap3A_1182 = tpu.vector_load %arg9[%swap3A_1179, %swap3A_1180, %swap3A_1181] {strides = array<i32>} : memref<2x16x512xf32, #tpu.memory_space<vmem>>, vector<1x1x16xf32>,
        %swap3A_1183 = vector.shape_cast %swap3A_1182 : vector<1x1x16xf32> to vector<16xf32>
        %swap3A_1184 = vector.shape_cast %add3A_1177 : vector<16xf32> to vector<1x1x16xf32>
        tpu.vector_store %arg9[%swap3A_1179, %swap3A_1180, %swap3A_1181], %swap3A_1184 {strides = array<i32>} : memref<2x16x512xf32, #tpu.memory_space<vmem>>, vector<1x1x16xf32>,
        %get3A_1185 = arith.constant 1 : i32
        %get3A_1186 = arith.index_cast %get3A_1185 : i32 to index
        %get3A_1187 = arith.index_cast %mul3A_149 : i32 to index
        %get3A_1188 = arith.constant 448 : index
        %get3A_1189 = tpu.vector_load %arg8[%get3A_1186, %get3A_1187, %get3A_1188] {strides = array<i32>} : memref<2x48x512xf32, #tpu.memory_space<vmem>>, vector<1x1x16xf32>,
        %get3A_1190 = vector.shape_cast %get3A_1189 : vector<1x1x16xf32> to vector<16xf32>
        %mul3A_1191 = vector.broadcast %squeeze3A : f32 to vector<16xf32>
        %mul3A_1192 = arith.mulf %get3A_1190, %mul3A_1191 : vector<16xf32>
        %add3A_1193 = arith.constant 1 : i32
        %add3A_1194 = arith.addi %mul3A_149, %add3A_1193 : i32
        %get3A_1195 = arith.constant 1 : i32
        %get3A_1196 = arith.index_cast %get3A_1195 : i32 to index
        %get3A_1197 = arith.index_cast %add3A_1194 : i32 to index
        %get3A_1198 = arith.constant 448 : index
        %get3A_1199 = tpu.vector_load %arg8[%get3A_1196, %get3A_1197, %get3A_1198] {strides = array<i32>} : memref<2x48x512xf32, #tpu.memory_space<vmem>>, vector<1x1x16xf32>,
        %get3A_1200 = vector.shape_cast %get3A_1199 : vector<1x1x16xf32> to vector<16xf32>
        %mul3A_1201 = vector.broadcast %squeeze3A_145 : f32 to vector<16xf32>
        %mul3A_1202 = arith.mulf %get3A_1200, %mul3A_1201 : vector<16xf32>
        %add3A_1203 = arith.addf %mul3A_1192, %mul3A_1202 : vector<16xf32>
        %add3A_1204 = arith.constant 2 : i32
        %add3A_1205 = arith.addi %mul3A_149, %add3A_1204 : i32
        %get3A_1206 = arith.constant 1 : i32
        %get3A_1207 = arith.index_cast %get3A_1206 : i32 to index
        %get3A_1208 = arith.index_cast %add3A_1205 : i32 to index
        %get3A_1209 = arith.constant 448 : index
        %get3A_1210 = tpu.vector_load %arg8[%get3A_1207, %get3A_1208, %get3A_1209] {strides = array<i32>} : memref<2x48x512xf32, #tpu.memory_space<vmem>>, vector<1x1x16xf32>,
        %get3A_1211 = vector.shape_cast %get3A_1210 : vector<1x1x16xf32> to vector<16xf32>
        %mul3A_1212 = vector.broadcast %squeeze3A_147 : f32 to vector<16xf32>
        %mul3A_1213 = arith.mulf %get3A_1211, %mul3A_1212 : vector<16xf32>
        %add3A_1214 = arith.addf %add3A_1203, %mul3A_1213 : vector<16xf32>
        %swap3A_1215 = arith.constant 1 : i32
        %swap3A_1216 = arith.index_cast %swap3A_1215 : i32 to index
        %swap3A_1217 = arith.index_cast %scan3A_136 : i32 to index
        %swap3A_1218 = arith.constant 448 : index
        %swap3A_1219 = tpu.vector_load %arg9[%swap3A_1216, %swap3A_1217, %swap3A_1218] {strides = array<i32>} : memref<2x16x512xf32, #tpu.memory_space<vmem>>, vector<1x1x16xf32>,
        %swap3A_1220 = vector.shape_cast %swap3A_1219 : vector<1x1x16xf32> to vector<16xf32>
        %swap3A_1221 = vector.shape_cast %add3A_1214 : vector<16xf32> to vector<1x1x16xf32>
        tpu.vector_store %arg9[%swap3A_1216, %swap3A_1217, %swap3A_1218], %swap3A_1221 {strides = array<i32>} : memref<2x16x512xf32, #tpu.memory_space<vmem>>, vector<1x1x16xf32>,
        %get3A_1222 = arith.constant 1 : i32
        %get3A_1223 = arith.index_cast %get3A_1222 : i32 to index
        %get3A_1224 = arith.index_cast %mul3A_149 : i32 to index
        %get3A_1225 = arith.constant 464 : index
        %get3A_1226 = tpu.vector_load %arg8[%get3A_1223, %get3A_1224, %get3A_1225] {strides = array<i32>} : memref<2x48x512xf32, #tpu.memory_space<vmem>>, vector<1x1x16xf32>,
        %get3A_1227 = vector.shape_cast %get3A_1226 : vector<1x1x16xf32> to vector<16xf32>
        %mul3A_1228 = vector.broadcast %squeeze3A : f32 to vector<16xf32>
        %mul3A_1229 = arith.mulf %get3A_1227, %mul3A_1228 : vector<16xf32>
        %add3A_1230 = arith.constant 1 : i32
        %add3A_1231 = arith.addi %mul3A_149, %add3A_1230 : i32
        %get3A_1232 = arith.constant 1 : i32
        %get3A_1233 = arith.index_cast %get3A_1232 : i32 to index
        %get3A_1234 = arith.index_cast %add3A_1231 : i32 to index
        %get3A_1235 = arith.constant 464 : index
        %get3A_1236 = tpu.vector_load %arg8[%get3A_1233, %get3A_1234, %get3A_1235] {strides = array<i32>} : memref<2x48x512xf32, #tpu.memory_space<vmem>>, vector<1x1x16xf32>,
        %get3A_1237 = vector.shape_cast %get3A_1236 : vector<1x1x16xf32> to vector<16xf32>
        %mul3A_1238 = vector.broadcast %squeeze3A_145 : f32 to vector<16xf32>
        %mul3A_1239 = arith.mulf %get3A_1237, %mul3A_1238 : vector<16xf32>
        %add3A_1240 = arith.addf %mul3A_1229, %mul3A_1239 : vector<16xf32>
        %add3A_1241 = arith.constant 2 : i32
        %add3A_1242 = arith.addi %mul3A_149, %add3A_1241 : i32
        %get3A_1243 = arith.constant 1 : i32
        %get3A_1244 = arith.index_cast %get3A_1243 : i32 to index
        %get3A_1245 = arith.index_cast %add3A_1242 : i32 to index
        %get3A_1246 = arith.constant 464 : index
        %get3A_1247 = tpu.vector_load %arg8[%get3A_1244, %get3A_1245, %get3A_1246] {strides = array<i32>} : memref<2x48x512xf32, #tpu.memory_space<vmem>>, vector<1x1x16xf32>,
        %get3A_1248 = vector.shape_cast %get3A_1247 : vector<1x1x16xf32> to vector<16xf32>
        %mul3A_1249 = vector.broadcast %squeeze3A_147 : f32 to vector<16xf32>
        %mul3A_1250 = arith.mulf %get3A_1248, %mul3A_1249 : vector<16xf32>
        %add3A_1251 = arith.addf %add3A_1240, %mul3A_1250 : vector<16xf32>
        %swap3A_1252 = arith.constant 1 : i32
        %swap3A_1253 = arith.index_cast %swap3A_1252 : i32 to index
        %swap3A_1254 = arith.index_cast %scan3A_136 : i32 to index
        %swap3A_1255 = arith.constant 464 : index
        %swap3A_1256 = tpu.vector_load %arg9[%swap3A_1253, %swap3A_1254, %swap3A_1255] {strides = array<i32>} : memref<2x16x512xf32, #tpu.memory_space<vmem>>, vector<1x1x16xf32>,
        %swap3A_1257 = vector.shape_cast %swap3A_1256 : vector<1x1x16xf32> to vector<16xf32>
        %swap3A_1258 = vector.shape_cast %add3A_1251 : vector<16xf32> to vector<1x1x16xf32>
        tpu.vector_store %arg9[%swap3A_1253, %swap3A_1254, %swap3A_1255], %swap3A_1258 {strides = array<i32>} : memref<2x16x512xf32, #tpu.memory_space<vmem>>, vector<1x1x16xf32>,
        %get3A_1259 = arith.constant 1 : i32
        %get3A_1260 = arith.index_cast %get3A_1259 : i32 to index
        %get3A_1261 = arith.index_cast %mul3A_149 : i32 to index
        %get3A_1262 = arith.constant 480 : index
        %get3A_1263 = tpu.vector_load %arg8[%get3A_1260, %get3A_1261, %get3A_1262] {strides = array<i32>} : memref<2x48x512xf32, #tpu.memory_space<vmem>>, vector<1x1x16xf32>,
        %get3A_1264 = vector.shape_cast %get3A_1263 : vector<1x1x16xf32> to vector<16xf32>
        %mul3A_1265 = vector.broadcast %squeeze3A : f32 to vector<16xf32>
        %mul3A_1266 = arith.mulf %get3A_1264, %mul3A_1265 : vector<16xf32>
        %add3A_1267 = arith.constant 1 : i32
        %add3A_1268 = arith.addi %mul3A_149, %add3A_1267 : i32
        %get3A_1269 = arith.constant 1 : i32
        %get3A_1270 = arith.index_cast %get3A_1269 : i32 to index
        %get3A_1271 = arith.index_cast %add3A_1268 : i32 to index
        %get3A_1272 = arith.constant 480 : index
        %get3A_1273 = tpu.vector_load %arg8[%get3A_1270, %get3A_1271, %get3A_1272] {strides = array<i32>} : memref<2x48x512xf32, #tpu.memory_space<vmem>>, vector<1x1x16xf32>,
        %get3A_1274 = vector.shape_cast %get3A_1273 : vector<1x1x16xf32> to vector<16xf32>
        %mul3A_1275 = vector.broadcast %squeeze3A_145 : f32 to vector<16xf32>
        %mul3A_1276 = arith.mulf %get3A_1274, %mul3A_1275 : vector<16xf32>
        %add3A_1277 = arith.addf %mul3A_1266, %mul3A_1276 : vector<16xf32>
        %add3A_1278 = arith.constant 2 : i32
        %add3A_1279 = arith.addi %mul3A_149, %add3A_1278 : i32
        %get3A_1280 = arith.constant 1 : i32
        %get3A_1281 = arith.index_cast %get3A_1280 : i32 to index
        %get3A_1282 = arith.index_cast %add3A_1279 : i32 to index
        %get3A_1283 = arith.constant 480 : index
        %get3A_1284 = tpu.vector_load %arg8[%get3A_1281, %get3A_1282, %get3A_1283] {strides = array<i32>} : memref<2x48x512xf32, #tpu.memory_space<vmem>>, vector<1x1x16xf32>,
        %get3A_1285 = vector.shape_cast %get3A_1284 : vector<1x1x16xf32> to vector<16xf32>
        %mul3A_1286 = vector.broadcast %squeeze3A_147 : f32 to vector<16xf32>
        %mul3A_1287 = arith.mulf %get3A_1285, %mul3A_1286 : vector<16xf32>
        %add3A_1288 = arith.addf %add3A_1277, %mul3A_1287 : vector<16xf32>
        %swap3A_1289 = arith.constant 1 : i32
        %swap3A_1290 = arith.index_cast %swap3A_1289 : i32 to index
        %swap3A_1291 = arith.index_cast %scan3A_136 : i32 to index
        %swap3A_1292 = arith.constant 480 : index
        %swap3A_1293 = tpu.vector_load %arg9[%swap3A_1290, %swap3A_1291, %swap3A_1292] {strides = array<i32>} : memref<2x16x512xf32, #tpu.memory_space<vmem>>, vector<1x1x16xf32>,
        %swap3A_1294 = vector.shape_cast %swap3A_1293 : vector<1x1x16xf32> to vector<16xf32>
        %swap3A_1295 = vector.shape_cast %add3A_1288 : vector<16xf32> to vector<1x1x16xf32>
        tpu.vector_store %arg9[%swap3A_1290, %swap3A_1291, %swap3A_1292], %swap3A_1295 {strides = array<i32>} : memref<2x16x512xf32, #tpu.memory_space<vmem>>, vector<1x1x16xf32>,
        %get3A_1296 = arith.constant 1 : i32
        %get3A_1297 = arith.index_cast %get3A_1296 : i32 to index
        %get3A_1298 = arith.index_cast %mul3A_149 : i32 to index
        %get3A_1299 = arith.constant 496 : index
        %get3A_1300 = tpu.vector_load %arg8[%get3A_1297, %get3A_1298, %get3A_1299] {strides = array<i32>} : memref<2x48x512xf32, #tpu.memory_space<vmem>>, vector<1x1x16xf32>,
        %get3A_1301 = vector.shape_cast %get3A_1300 : vector<1x1x16xf32> to vector<16xf32>
        %mul3A_1302 = vector.broadcast %squeeze3A : f32 to vector<16xf32>
        %mul3A_1303 = arith.mulf %get3A_1301, %mul3A_1302 : vector<16xf32>
        %add3A_1304 = arith.constant 1 : i32
        %add3A_1305 = arith.addi %mul3A_149, %add3A_1304 : i32
        %get3A_1306 = arith.constant 1 : i32
        %get3A_1307 = arith.index_cast %get3A_1306 : i32 to index
        %get3A_1308 = arith.index_cast %add3A_1305 : i32 to index
        %get3A_1309 = arith.constant 496 : index
        %get3A_1310 = tpu.vector_load %arg8[%get3A_1307, %get3A_1308, %get3A_1309] {strides = array<i32>} : memref<2x48x512xf32, #tpu.memory_space<vmem>>, vector<1x1x16xf32>,
        %get3A_1311 = vector.shape_cast %get3A_1310 : vector<1x1x16xf32> to vector<16xf32>
        %mul3A_1312 = vector.broadcast %squeeze3A_145 : f32 to vector<16xf32>
        %mul3A_1313 = arith.mulf %get3A_1311, %mul3A_1312 : vector<16xf32>
        %add3A_1314 = arith.addf %mul3A_1303, %mul3A_1313 : vector<16xf32>
        %add3A_1315 = arith.constant 2 : i32
        %add3A_1316 = arith.addi %mul3A_149, %add3A_1315 : i32
        %get3A_1317 = arith.constant 1 : i32
        %get3A_1318 = arith.index_cast %get3A_1317 : i32 to index
        %get3A_1319 = arith.index_cast %add3A_1316 : i32 to index
        %get3A_1320 = arith.constant 496 : index
        %get3A_1321 = tpu.vector_load %arg8[%get3A_1318, %get3A_1319, %get3A_1320] {strides = array<i32>} : memref<2x48x512xf32, #tpu.memory_space<vmem>>, vector<1x1x16xf32>,
        %get3A_1322 = vector.shape_cast %get3A_1321 : vector<1x1x16xf32> to vector<16xf32>
        %mul3A_1323 = vector.broadcast %squeeze3A_147 : f32 to vector<16xf32>
        %mul3A_1324 = arith.mulf %get3A_1322, %mul3A_1323 : vector<16xf32>
        %add3A_1325 = arith.addf %add3A_1314, %mul3A_1324 : vector<16xf32>
        %swap3A_1326 = arith.constant 1 : i32
        %swap3A_1327 = arith.index_cast %swap3A_1326 : i32 to index
        %swap3A_1328 = arith.index_cast %scan3A_136 : i32 to index
        %swap3A_1329 = arith.constant 496 : index
        %swap3A_1330 = tpu.vector_load %arg9[%swap3A_1327, %swap3A_1328, %swap3A_1329] {strides = array<i32>} : memref<2x16x512xf32, #tpu.memory_space<vmem>>, vector<1x1x16xf32>,
        %swap3A_1331 = vector.shape_cast %swap3A_1330 : vector<1x1x16xf32> to vector<16xf32>
        %swap3A_1332 = vector.shape_cast %add3A_1325 : vector<16xf32> to vector<1x1x16xf32>
        tpu.vector_store %arg9[%swap3A_1327, %swap3A_1328, %swap3A_1329], %swap3A_1332 {strides = array<i32>} : memref<2x16x512xf32, #tpu.memory_space<vmem>>, vector<1x1x16xf32>,
      }
      %scan3A_119 = arith.constant 16 : i32
      %mul3A_120 = arith.constant 16 : i32
      %mul3A_121 = arith.muli %add3A_92, %mul3A_120 : i32
      %add3A_122 = arith.addi %mul3A_2, %mul3A_121 : i32
      %dma_start3A_123 = arith.constant 1 : i32
      %dma_start3A_124 = arith.constant 0 : i32
      %dma_start3A_125 = arith.constant 0 : i32
      %dma_start3A_126 = tpu.memref_slice %arg9[%dma_start3A_123, %dma_start3A_124, %dma_start3A_125] : memref<2x16x512xf32, #tpu.memory_space<vmem>> -> memref<1x16x512xf32, #tpu.memory_space<vmem>>
      %dma_start3A_127 = tpu.memref_squeeze %dma_start3A_126 : memref<1x16x512xf32, #tpu.memory_space<vmem>> -> memref<16x512xf32, #tpu.memory_space<vmem>>
      %dma_start3A_128 = arith.constant 0 : i32
      %dma_start3A_129 = tpu.memref_slice %arg5[%add3A_122, %dma_start3A_128] : memref<16384x512xf32, #tpu.memory_space<hbm>> -> memref<16x512xf32, #tpu.memory_space<hbm>>
      %dma_start3A_130 = arith.constant 0 : i32
      %dma_start3A_131 = tpu.memref_slice %arg5[%add3A_122, %dma_start3A_130] : memref<16384x512xf32, #tpu.memory_space<hbm>> -> memref<16x512xf32, #tpu.memory_space<hbm>>
      %dma_start3A_132 = arith.constant 0 : i32
      %dma_start3A_133 = arith.constant 0 : i32
      %dma_start3A_134 = tpu.memref_slice %arg9[%dma_start3A_123, %dma_start3A_132, %dma_start3A_133] : memref<2x16x512xf32, #tpu.memory_space<vmem>> -> memref<1x16x512xf32, #tpu.memory_space<vmem>>
      %dma_start3A_135 = tpu.memref_squeeze %dma_start3A_134 : memref<1x16x512xf32, #tpu.memory_space<vmem>> -> memref<16x512xf32, #tpu.memory_space<vmem>>
      tpu.enqueue_dma source(%dma_start3A_135 : memref<16x512xf32, #tpu.memory_space<vmem>>) target(%dma_start3A_131 : memref<16x512xf32, #tpu.memory_space<hbm>>) target_semaphore(%arg13 : memref<!tpu.dma_semaphore, #tpu.memory_space<semaphore_mem>>)
    }
    %scan3A_19 = arith.constant 16 : i32
    %dma_wait3A = arith.constant 0 : i32
    %dma_wait3A_20 = arith.constant 0 : i32
    %dma_wait3A_21 = arith.constant 0 : i32
    %dma_wait3A_22 = tpu.memref_slice %arg9[%dma_wait3A, %dma_wait3A_20, %dma_wait3A_21] : memref<2x16x512xf32, #tpu.memory_space<vmem>> -> memref<1x16x512xf32, #tpu.memory_space<vmem>>
    %dma_wait3A_23 = tpu.memref_squeeze %dma_wait3A_22 : memref<1x16x512xf32, #tpu.memory_space<vmem>> -> memref<16x512xf32, #tpu.memory_space<vmem>>
    %dma_wait3A_24 = arith.constant 0 : i32
    %dma_wait3A_25 = tpu.memref_slice %arg5[%mul3A_2, %dma_wait3A_24] : memref<16384x512xf32, #tpu.memory_space<hbm>> -> memref<16x512xf32, #tpu.memory_space<hbm>>
    %dma_wait3A_26 = arith.constant 0 : i32
    %dma_wait3A_27 = tpu.memref_slice %arg5[%mul3A_2, %dma_wait3A_26] : memref<16384x512xf32, #tpu.memory_space<hbm>> -> memref<16x512xf32, #tpu.memory_space<hbm>>
    %dma_wait3A_28 = arith.constant 0 : i32
    %dma_wait3A_29 = arith.constant 0 : i32
    %dma_wait3A_30 = tpu.memref_slice %arg9[%dma_wait3A, %dma_wait3A_28, %dma_wait3A_29] : memref<2x16x512xf32, #tpu.memory_space<vmem>> -> memref<1x16x512xf32, #tpu.memory_space<vmem>>
    %dma_wait3A_31 = tpu.memref_squeeze %dma_wait3A_30 : memref<1x16x512xf32, #tpu.memory_space<vmem>> -> memref<16x512xf32, #tpu.memory_space<vmem>>
    tpu.wait_dma2 semaphore(%arg12 : memref<!tpu.dma_semaphore, #tpu.memory_space<semaphore_mem>>) src(%dma_wait3A_31 : memref<16x512xf32, #tpu.memory_space<vmem>>) dst(%dma_wait3A_27 : memref<16x512xf32, #tpu.memory_space<hbm>>)
    %dma_wait3A_32 = arith.constant 1 : i32
    %dma_wait3A_33 = arith.constant 0 : i32
    %dma_wait3A_34 = arith.constant 0 : i32
    %dma_wait3A_35 = tpu.memref_slice %arg9[%dma_wait3A_32, %dma_wait3A_33, %dma_wait3A_34] : memref<2x16x512xf32, #tpu.memory_space<vmem>> -> memref<1x16x512xf32, #tpu.memory_space<vmem>>
    %dma_wait3A_36 = tpu.memref_squeeze %dma_wait3A_35 : memref<1x16x512xf32, #tpu.memory_space<vmem>> -> memref<16x512xf32, #tpu.memory_space<vmem>>
    %dma_wait3A_37 = arith.constant 0 : i32
    %dma_wait3A_38 = tpu.memref_slice %arg5[%mul3A_2, %dma_wait3A_37] : memref<16384x512xf32, #tpu.memory_space<hbm>> -> memref<16x512xf32, #tpu.memory_space<hbm>>
    %dma_wait3A_39 = arith.constant 0 : i32
    %dma_wait3A_40 = tpu.memref_slice %arg5[%mul3A_2, %dma_wait3A_39] : memref<16384x512xf32, #tpu.memory_space<hbm>> -> memref<16x512xf32, #tpu.memory_space<hbm>>
    %dma_wait3A_41 = arith.constant 0 : i32
    %dma_wait3A_42 = arith.constant 0 : i32
    %dma_wait3A_43 = tpu.memref_slice %arg9[%dma_wait3A_32, %dma_wait3A_41, %dma_wait3A_42] : memref<2x16x512xf32, #tpu.memory_space<vmem>> -> memref<1x16x512xf32, #tpu.memory_space<vmem>>
    %dma_wait3A_44 = tpu.memref_squeeze %dma_wait3A_43 : memref<1x16x512xf32, #tpu.memory_space<vmem>> -> memref<16x512xf32, #tpu.memory_space<vmem>>
    tpu.wait_dma2 semaphore(%arg13 : memref<!tpu.dma_semaphore, #tpu.memory_space<semaphore_mem>>) src(%dma_wait3A_44 : memref<16x512xf32, #tpu.memory_space<vmem>>) dst(%dma_wait3A_40 : memref<16x512xf32, #tpu.memory_space<hbm>>)
    return
  }
}

module attributes {stable_mosaic.version = 14 : i64} {
  func.func @_topk_body(%arg0: i32, %arg1: i32, %arg2: memref<1x1024x3xf32, #tpu.memory_space<vmem>>, %arg3: memref<1x3x1024xf32, #tpu.memory_space<vmem>>, %arg4: memref<1x1024x3xi32, #tpu.memory_space<vmem>>, %arg5: memref<1x1024x3xf32, #tpu.memory_space<vmem>>) attributes {dimension_semantics = [#tpu.dimension_semantics<arbitrary>, #tpu.dimension_semantics<arbitrary>], iteration_bounds = array<i64: 4, 4>, scalar_prefetch = 0 : i64, scratch_operands = 0 : i64, tpu.core_type = #tpu.core_type<tc>, window_params = [{transform_indices = @transform_0, window_bounds = array<i64: 1, 1024, 3>}, {transform_indices = @transform_1, window_bounds = array<i64: 1, 3, 1024>}, {transform_indices = @transform_2, window_bounds = array<i64: 1, 1024, 3>}, {transform_indices = @transform_3, window_bounds = array<i64: 1, 1024, 3>}]} {
    %get3A = arith.constant 0 : index
    %get3A_0 = arith.constant 0 : index
    %get3A_1 = arith.constant 0 : index
    %get3A_2 = vector.load %arg2[%get3A, %get3A_0, %get3A_1] : memref<1x1024x3xf32, #tpu.memory_space<vmem>>, vector<1x1024x3xf32>
    %get3A_3 = vector.shape_cast %get3A_2 : vector<1x1024x3xf32> to vector<1024x3xf32>
    %get3A_4 = arith.constant 0 : index
    %get3A_5 = arith.constant 0 : index
    %get3A_6 = arith.constant 0 : index
    %get3A_7 = vector.load %arg3[%get3A_4, %get3A_5, %get3A_6] : memref<1x3x1024xf32, #tpu.memory_space<vmem>>, vector<1x3x1024xf32>
    %get3A_8 = vector.shape_cast %get3A_7 : vector<1x3x1024xf32> to vector<3x1024xf32>
    %slice3A = vector.extract_strided_slice %get3A_3 {offsets = [0, 0], sizes = [1024, 1], strides = [1, 1]} : vector<1024x3xf32> to vector<1024x1xf32>
    %slice3A_9 = vector.extract_strided_slice %get3A_8 {offsets = [0, 0], sizes = [1, 1024], strides = [1, 1]} : vector<3x1024xf32> to vector<1x1024xf32>
    %sub3A = vector.broadcast %slice3A : vector<1024x1xf32> to vector<1024x1024xf32>
    %sub3A_10 = vector.broadcast %slice3A_9 : vector<1x1024xf32> to vector<1024x1024xf32>
    %sub3A_11 = arith.subf %sub3A, %sub3A_10 : vector<1024x1024xf32>
    %slice3A_12 = vector.extract_strided_slice %get3A_3 {offsets = [0, 1], sizes = [1024, 1], strides = [1, 1]} : vector<1024x3xf32> to vector<1024x1xf32>
    %slice3A_13 = vector.extract_strided_slice %get3A_8 {offsets = [1, 0], sizes = [1, 1024], strides = [1, 1]} : vector<3x1024xf32> to vector<1x1024xf32>
    %sub3A_14 = vector.broadcast %slice3A_12 : vector<1024x1xf32> to vector<1024x1024xf32>
    %sub3A_15 = vector.broadcast %slice3A_13 : vector<1x1024xf32> to vector<1024x1024xf32>
    %sub3A_16 = arith.subf %sub3A_14, %sub3A_15 : vector<1024x1024xf32>
    %slice3A_17 = vector.extract_strided_slice %get3A_3 {offsets = [0, 2], sizes = [1024, 1], strides = [1, 1]} : vector<1024x3xf32> to vector<1024x1xf32>
    %slice3A_18 = vector.extract_strided_slice %get3A_8 {offsets = [2, 0], sizes = [1, 1024], strides = [1, 1]} : vector<3x1024xf32> to vector<1x1024xf32>
    %sub3A_19 = vector.broadcast %slice3A_17 : vector<1024x1xf32> to vector<1024x1024xf32>
    %sub3A_20 = vector.broadcast %slice3A_18 : vector<1x1024xf32> to vector<1024x1024xf32>
    %sub3A_21 = arith.subf %sub3A_19, %sub3A_20 : vector<1024x1024xf32>
    %mul3A = arith.mulf %sub3A_11, %sub3A_11 : vector<1024x1024xf32>
    %mul3A_22 = arith.mulf %sub3A_16, %sub3A_16 : vector<1024x1024xf32>
    %add3A = arith.addf %mul3A, %mul3A_22 : vector<1024x1024xf32>
    %mul3A_23 = arith.mulf %sub3A_21, %sub3A_21 : vector<1024x1024xf32>
    %add3A_24 = arith.addf %add3A, %mul3A_23 : vector<1024x1024xf32>
    %iota3A = tpu.iota {dimensions = array<i32: 1>} : vector<1024x1024xi32>
    %reduce_min3A = arith.constant dense<0x7F800000> : vector<1024xf32>
    %reduce_min3A_25 = vector.multi_reduction <minimumf>, %add3A_24, %reduce_min3A [1] : vector<1024x1024xf32> to vector<1024xf32>
    %broadcast_in_dim3A = vector.shape_cast %reduce_min3A_25 : vector<1024xf32> to vector<1024x1xf32>
    %le3A = vector.broadcast %broadcast_in_dim3A : vector<1024x1xf32> to vector<1024x1024xf32>
    %le3A_26 = arith.cmpf ole, %add3A_24, %le3A : vector<1024x1024xf32>
    %jit3A = arith.constant 1024 : i32
    %broadcast_in_dim3A_27 = vector.broadcast %jit3A : i32 to vector<1024x1024xi32>
    %select_n3A = arith.select %le3A_26, %iota3A, %broadcast_in_dim3A_27 : vector<1024x1024xi1>, vector<1024x1024xi32>
    %reduce_min3A_28 = arith.constant dense<2147483647> : vector<1024xi32>
    %reduce_min3A_29 = vector.multi_reduction <minsi>, %select_n3A, %reduce_min3A_28 [1] : vector<1024x1024xi32> to vector<1024xi32>
    %broadcast_in_dim3A_30 = vector.shape_cast %reduce_min3A_29 : vector<1024xi32> to vector<1024x1xi32>
    %le3A_31 = vector.broadcast %broadcast_in_dim3A : vector<1024x1xf32> to vector<1024x1024xf32>
    %le3A_32 = arith.cmpf ole, %add3A_24, %le3A_31 : vector<1024x1024xf32>
    %jit3A_33 = arith.constant 0x7F800000 : f32
    %broadcast_in_dim3A_34 = vector.broadcast %jit3A_33 : f32 to vector<1024x1024xf32>
    %select_n3A_35 = arith.select %le3A_32, %broadcast_in_dim3A_34, %add3A_24 : vector<1024x1024xi1>, vector<1024x1024xf32>
    %reduce_min3A_36 = arith.constant dense<0x7F800000> : vector<1024xf32>
    %reduce_min3A_37 = vector.multi_reduction <minimumf>, %select_n3A_35, %reduce_min3A_36 [1] : vector<1024x1024xf32> to vector<1024xf32>
    %broadcast_in_dim3A_38 = vector.shape_cast %reduce_min3A_37 : vector<1024xf32> to vector<1024x1xf32>
    %le3A_39 = vector.broadcast %broadcast_in_dim3A_38 : vector<1024x1xf32> to vector<1024x1024xf32>
    %le3A_40 = arith.cmpf ole, %select_n3A_35, %le3A_39 : vector<1024x1024xf32>
    %jit3A_41 = arith.constant 1024 : i32
    %broadcast_in_dim3A_42 = vector.broadcast %jit3A_41 : i32 to vector<1024x1024xi32>
    %select_n3A_43 = arith.select %le3A_40, %iota3A, %broadcast_in_dim3A_42 : vector<1024x1024xi1>, vector<1024x1024xi32>
    %reduce_min3A_44 = arith.constant dense<2147483647> : vector<1024xi32>
    %reduce_min3A_45 = vector.multi_reduction <minsi>, %select_n3A_43, %reduce_min3A_44 [1] : vector<1024x1024xi32> to vector<1024xi32>
    %broadcast_in_dim3A_46 = vector.shape_cast %reduce_min3A_45 : vector<1024xi32> to vector<1024x1xi32>
    %le3A_47 = vector.broadcast %broadcast_in_dim3A_38 : vector<1024x1xf32> to vector<1024x1024xf32>
    %le3A_48 = arith.cmpf ole, %add3A_24, %le3A_47 : vector<1024x1024xf32>
    %jit3A_49 = arith.constant 0x7F800000 : f32
    %broadcast_in_dim3A_50 = vector.broadcast %jit3A_49 : f32 to vector<1024x1024xf32>
    %select_n3A_51 = arith.select %le3A_48, %broadcast_in_dim3A_50, %add3A_24 : vector<1024x1024xi1>, vector<1024x1024xf32>
    %reduce_min3A_52 = arith.constant dense<0x7F800000> : vector<1024xf32>
    %reduce_min3A_53 = vector.multi_reduction <minimumf>, %select_n3A_51, %reduce_min3A_52 [1] : vector<1024x1024xf32> to vector<1024xf32>
    %broadcast_in_dim3A_54 = vector.shape_cast %reduce_min3A_53 : vector<1024xf32> to vector<1024x1xf32>
    %le3A_55 = vector.broadcast %broadcast_in_dim3A_54 : vector<1024x1xf32> to vector<1024x1024xf32>
    %le3A_56 = arith.cmpf ole, %select_n3A_51, %le3A_55 : vector<1024x1024xf32>
    %jit3A_57 = arith.constant 1024 : i32
    %broadcast_in_dim3A_58 = vector.broadcast %jit3A_57 : i32 to vector<1024x1024xi32>
    %select_n3A_59 = arith.select %le3A_56, %iota3A, %broadcast_in_dim3A_58 : vector<1024x1024xi1>, vector<1024x1024xi32>
    %reduce_min3A_60 = arith.constant dense<2147483647> : vector<1024xi32>
    %reduce_min3A_61 = vector.multi_reduction <minsi>, %select_n3A_59, %reduce_min3A_60 [1] : vector<1024x1024xi32> to vector<1024xi32>
    %broadcast_in_dim3A_62 = vector.shape_cast %reduce_min3A_61 : vector<1024xi32> to vector<1024x1xi32>
    %add3A_63 = arith.constant 9.99999993E-9 : f32
    %add3A_64 = vector.broadcast %add3A_63 : f32 to vector<1024x1xf32>
    %add3A_65 = arith.addf %broadcast_in_dim3A, %add3A_64 : vector<1024x1xf32>
    %div3A = arith.constant 1.000000e+00 : f32
    %div3A_66 = vector.broadcast %div3A : f32 to vector<1024x1xf32>
    %div3A_67 = arith.divf %div3A_66, %add3A_65 : vector<1024x1xf32>
    %add3A_68 = arith.constant 9.99999993E-9 : f32
    %add3A_69 = vector.broadcast %add3A_68 : f32 to vector<1024x1xf32>
    %add3A_70 = arith.addf %broadcast_in_dim3A_38, %add3A_69 : vector<1024x1xf32>
    %div3A_71 = arith.constant 1.000000e+00 : f32
    %div3A_72 = vector.broadcast %div3A_71 : f32 to vector<1024x1xf32>
    %div3A_73 = arith.divf %div3A_72, %add3A_70 : vector<1024x1xf32>
    %add3A_74 = arith.constant 9.99999993E-9 : f32
    %add3A_75 = vector.broadcast %add3A_74 : f32 to vector<1024x1xf32>
    %add3A_76 = arith.addf %broadcast_in_dim3A_54, %add3A_75 : vector<1024x1xf32>
    %div3A_77 = arith.constant 1.000000e+00 : f32
    %div3A_78 = vector.broadcast %div3A_77 : f32 to vector<1024x1xf32>
    %div3A_79 = arith.divf %div3A_78, %add3A_76 : vector<1024x1xf32>
    %add3A_80 = arith.addf %div3A_67, %div3A_73 : vector<1024x1xf32>
    %add3A_81 = arith.addf %add3A_80, %div3A_79 : vector<1024x1xf32>
    %mul3A_82 = arith.constant 1024 : i32
    %mul3A_83 = arith.muli %arg0, %mul3A_82 : i32
    %add3A_84 = vector.broadcast %mul3A_83 : i32 to vector<1024x1xi32>
    %add3A_85 = arith.addi %broadcast_in_dim3A_30, %add3A_84 : vector<1024x1xi32>
    %add3A_86 = vector.broadcast %mul3A_83 : i32 to vector<1024x1xi32>
    %add3A_87 = arith.addi %broadcast_in_dim3A_46, %add3A_86 : vector<1024x1xi32>
    %add3A_88 = vector.broadcast %mul3A_83 : i32 to vector<1024x1xi32>
    %add3A_89 = arith.addi %broadcast_in_dim3A_62, %add3A_88 : vector<1024x1xi32>
    %concatenate3A = tpu.concatenate %add3A_85, %add3A_87, %add3A_89 in 1 : vector<1024x1xi32>, vector<1024x1xi32>, vector<1024x1xi32> -> vector<1024x3xi32>
    %swap3A = arith.constant 0 : index
    %swap3A_90 = arith.constant 0 : index
    %swap3A_91 = arith.constant 0 : index
    %swap3A_92 = vector.load %arg4[%swap3A, %swap3A_90, %swap3A_91] : memref<1x1024x3xi32, #tpu.memory_space<vmem>>, vector<1x1024x3xi32>
    %swap3A_93 = vector.shape_cast %swap3A_92 : vector<1x1024x3xi32> to vector<1024x3xi32>
    %swap3A_94 = vector.shape_cast %concatenate3A : vector<1024x3xi32> to vector<1x1024x3xi32>
    tpu.vector_store %arg4[%swap3A, %swap3A_90, %swap3A_91], %swap3A_94 {strides = array<i32>} : memref<1x1024x3xi32, #tpu.memory_space<vmem>>, vector<1x1024x3xi32>,
    %concatenate3A_95 = tpu.concatenate %div3A_67, %div3A_73, %div3A_79 in 1 : vector<1024x1xf32>, vector<1024x1xf32>, vector<1024x1xf32> -> vector<1024x3xf32>
    %div3A_96 = vector.broadcast %add3A_81 : vector<1024x1xf32> to vector<1024x3xf32>
    %div3A_97 = arith.divf %concatenate3A_95, %div3A_96 : vector<1024x3xf32>
    %swap3A_98 = arith.constant 0 : index
    %swap3A_99 = arith.constant 0 : index
    %swap3A_100 = arith.constant 0 : index
    %swap3A_101 = vector.load %arg5[%swap3A_98, %swap3A_99, %swap3A_100] : memref<1x1024x3xf32, #tpu.memory_space<vmem>>, vector<1x1024x3xf32>
    %swap3A_102 = vector.shape_cast %swap3A_101 : vector<1x1024x3xf32> to vector<1024x3xf32>
    %swap3A_103 = vector.shape_cast %div3A_97 : vector<1024x3xf32> to vector<1x1024x3xf32>
    tpu.vector_store %arg5[%swap3A_98, %swap3A_99, %swap3A_100], %swap3A_103 {strides = array<i32>} : memref<1x1024x3xf32, #tpu.memory_space<vmem>>, vector<1x1024x3xf32>,
    return
  }
  func.func @transform_0(%arg0: i32, %arg1: i32) -> (i32, i32, i32) {
    %c0_i32 = arith.constant 0 : i32
    %c0_i32_0 = arith.constant 0 : i32
    return %arg0, %arg1, %c0_i32 : i32, i32, i32
  }
  func.func @transform_1(%arg0: i32, %arg1: i32) -> (i32, i32, i32) {
    %c0_i32 = arith.constant 0 : i32
    %c0_i32_0 = arith.constant 0 : i32
    %c0_i32_1 = arith.constant 0 : i32
    return %arg0, %c0_i32, %c0_i32_0 : i32, i32, i32
  }
  func.func @transform_2(%arg0: i32, %arg1: i32) -> (i32, i32, i32) {
    %c0_i32 = arith.constant 0 : i32
    %c0_i32_0 = arith.constant 0 : i32
    return %arg0, %arg1, %c0_i32 : i32, i32, i32
  }
  func.func @transform_3(%arg0: i32, %arg1: i32) -> (i32, i32, i32) {
    %c0_i32 = arith.constant 0 : i32
    %c0_i32_0 = arith.constant 0 : i32
    return %arg0, %arg1, %c0_i32 : i32, i32, i32
  }
}

module attributes {stable_mosaic.version = 14 : i64} {
  func.func @_p2w_body(%arg0: i32, %arg1: memref<1x1024x512xf32, #tpu.memory_space<vmem>>, %arg2: memref<512x512xf32, #tpu.memory_space<vmem>>, %arg3: memref<1x1024x512xf32, #tpu.memory_space<vmem>>) attributes {dimension_semantics = [#tpu.dimension_semantics<arbitrary>], iteration_bounds = array<i64: 4>, scalar_prefetch = 0 : i64, scratch_operands = 0 : i64, tpu.core_type = #tpu.core_type<tc>, window_params = [{transform_indices = @transform_0, window_bounds = array<i64: 1, 1024, 512>}, {pipeline_mode = #tpu.pipeline_mode<synchronous>, transform_indices = @transform_1, window_bounds = array<i64: 512, 512>}, {transform_indices = @transform_2, window_bounds = array<i64: 1, 1024, 512>}]} {
    %get3A = arith.constant 0 : index
    %get3A_0 = arith.constant 0 : index
    %get3A_1 = arith.constant 0 : index
    %get3A_2 = vector.load %arg1[%get3A, %get3A_0, %get3A_1] : memref<1x1024x512xf32, #tpu.memory_space<vmem>>, vector<1x1024x512xf32>
    %get3A_3 = vector.shape_cast %get3A_2 : vector<1x1024x512xf32> to vector<1024x512xf32>
    %get3A_4 = arith.constant 0 : index
    %get3A_5 = arith.constant 0 : index
    %get3A_6 = vector.load %arg2[%get3A_4, %get3A_5] : memref<512x512xf32, #tpu.memory_space<vmem>>, vector<512x512xf32>
    %dot_general3A = arith.constant dense<0.000000e+00> : vector<1024x512xf32>
    %dot_general3A_7 = tpu.matmul %get3A_3, %get3A_6, %dot_general3A {dimension_numbers = #tpu.dot_dimension_numbers<[1], [0], [0], [1], [0, 0, 1, 1], [], []>, precision = #tpu.contract_precision<fp32>, transpose_lhs_hint = false} : vector<1024x512xf32>, vector<512x512xf32>, vector<1024x512xf32> -> vector<1024x512xf32>
    %swap3A = arith.constant 0 : index
    %swap3A_8 = arith.constant 0 : index
    %swap3A_9 = arith.constant 0 : index
    %swap3A_10 = vector.load %arg3[%swap3A, %swap3A_8, %swap3A_9] : memref<1x1024x512xf32, #tpu.memory_space<vmem>>, vector<1x1024x512xf32>
    %swap3A_11 = vector.shape_cast %swap3A_10 : vector<1x1024x512xf32> to vector<1024x512xf32>
    %swap3A_12 = vector.shape_cast %dot_general3A_7 : vector<1024x512xf32> to vector<1x1024x512xf32>
    tpu.vector_store %arg3[%swap3A, %swap3A_8, %swap3A_9], %swap3A_12 {strides = array<i32>} : memref<1x1024x512xf32, #tpu.memory_space<vmem>>, vector<1x1024x512xf32>,
    return
  }
  func.func @transform_0(%arg0: i32) -> (i32, i32, i32) {
    %c0_i32 = arith.constant 0 : i32
    %c0_i32_0 = arith.constant 0 : i32
    %c0_i32_1 = arith.constant 0 : i32
    return %arg0, %c0_i32, %c0_i32_0 : i32, i32, i32
  }
  func.func @transform_1(%arg0: i32) -> (i32, i32) {
    %c0_i32 = arith.constant 0 : i32
    %c0_i32_0 = arith.constant 0 : i32
    %c0_i32_1 = arith.constant 0 : i32
    return %c0_i32, %c0_i32_0 : i32, i32
  }
  func.func @transform_2(%arg0: i32) -> (i32, i32, i32) {
    %c0_i32 = arith.constant 0 : i32
    %c0_i32_0 = arith.constant 0 : i32
    %c0_i32_1 = arith.constant 0 : i32
    return %arg0, %c0_i32, %c0_i32_0 : i32, i32, i32
  }
}

module attributes {stable_mosaic.version = 14 : i64} {
  func.func @_stage2a_body(%arg0: i32, %arg1: i32, %arg2: memref<1x1024x256xf32, #tpu.memory_space<vmem>>, %arg3: memref<256x512xf32, #tpu.memory_space<vmem>>, %arg4: memref<1x512xf32, #tpu.memory_space<vmem>>, %arg5: memref<1x1024x512xf32, #tpu.memory_space<vmem>>) attributes {dimension_semantics = [#tpu.dimension_semantics<arbitrary>, #tpu.dimension_semantics<arbitrary>], iteration_bounds = array<i64: 4, 4>, scalar_prefetch = 0 : i64, scratch_operands = 0 : i64, tpu.core_type = #tpu.core_type<tc>, window_params = [{transform_indices = @transform_0, window_bounds = array<i64: 1, 1024, 256>}, {pipeline_mode = #tpu.pipeline_mode<synchronous>, transform_indices = @transform_1, window_bounds = array<i64: 256, 512>}, {pipeline_mode = #tpu.pipeline_mode<synchronous>, transform_indices = @transform_2, window_bounds = array<i64: 1, 512>}, {transform_indices = @transform_3, window_bounds = array<i64: 1, 1024, 512>}]} {
    %get3A = arith.constant 0 : index
    %get3A_0 = arith.constant 0 : index
    %get3A_1 = arith.constant 0 : index
    %get3A_2 = vector.load %arg2[%get3A, %get3A_0, %get3A_1] : memref<1x1024x256xf32, #tpu.memory_space<vmem>>, vector<1x1024x256xf32>
    %get3A_3 = vector.shape_cast %get3A_2 : vector<1x1024x256xf32> to vector<1024x256xf32>
    %get3A_4 = arith.constant 0 : index
    %get3A_5 = arith.constant 0 : index
    %get3A_6 = vector.load %arg3[%get3A_4, %get3A_5] : memref<256x512xf32, #tpu.memory_space<vmem>>, vector<256x512xf32>
    %dot_general3A = arith.constant dense<0.000000e+00> : vector<1024x512xf32>
    %dot_general3A_7 = tpu.matmul %get3A_3, %get3A_6, %dot_general3A {dimension_numbers = #tpu.dot_dimension_numbers<[1], [0], [0], [1], [0, 0, 1, 1], [], []>, precision = #tpu.contract_precision<fp32>, transpose_lhs_hint = false} : vector<1024x256xf32>, vector<256x512xf32>, vector<1024x512xf32> -> vector<1024x512xf32>
    %get3A_8 = arith.constant 0 : index
    %get3A_9 = arith.constant 0 : index
    %get3A_10 = vector.load %arg4[%get3A_8, %get3A_9] : memref<1x512xf32, #tpu.memory_space<vmem>>, vector<1x512xf32>
    %add3A = vector.broadcast %get3A_10 : vector<1x512xf32> to vector<1024x512xf32>
    %add3A_11 = arith.addf %dot_general3A_7, %add3A : vector<1024x512xf32>
    %swap3A = arith.constant 0 : index
    %swap3A_12 = arith.constant 0 : index
    %swap3A_13 = arith.constant 0 : index
    %swap3A_14 = vector.load %arg5[%swap3A, %swap3A_12, %swap3A_13] : memref<1x1024x512xf32, #tpu.memory_space<vmem>>, vector<1x1024x512xf32>
    %swap3A_15 = vector.shape_cast %swap3A_14 : vector<1x1024x512xf32> to vector<1024x512xf32>
    %swap3A_16 = vector.shape_cast %add3A_11 : vector<1024x512xf32> to vector<1x1024x512xf32>
    tpu.vector_store %arg5[%swap3A, %swap3A_12, %swap3A_13], %swap3A_16 {strides = array<i32>} : memref<1x1024x512xf32, #tpu.memory_space<vmem>>, vector<1x1024x512xf32>,
    return
  }
  func.func @transform_0(%arg0: i32, %arg1: i32) -> (i32, i32, i32) {
    %c0_i32 = arith.constant 0 : i32
    %c0_i32_0 = arith.constant 0 : i32
    return %arg0, %arg1, %c0_i32 : i32, i32, i32
  }
  func.func @transform_1(%arg0: i32, %arg1: i32) -> (i32, i32) {
    %c0_i32 = arith.constant 0 : i32
    %c0_i32_0 = arith.constant 0 : i32
    %c0_i32_1 = arith.constant 0 : i32
    return %c0_i32, %c0_i32_0 : i32, i32
  }
  func.func @transform_2(%arg0: i32, %arg1: i32) -> (i32, i32) {
    %c0_i32 = arith.constant 0 : i32
    %c0_i32_0 = arith.constant 0 : i32
    %c0_i32_1 = arith.constant 0 : i32
    return %c0_i32, %c0_i32_0 : i32, i32
  }
  func.func @transform_3(%arg0: i32, %arg1: i32) -> (i32, i32, i32) {
    %c0_i32 = arith.constant 0 : i32
    %c0_i32_0 = arith.constant 0 : i32
    return %arg0, %arg1, %c0_i32 : i32, i32, i32
  }
}

module attributes {stable_mosaic.version = 14 : i64} {
  func.func @_stage2_body(%arg0: i32, %arg1: i32, %arg2: memref<1x1024x512xf32, #tpu.memory_space<vmem>>, %arg3: memref<1x1024x512xf32, #tpu.memory_space<vmem>>, %arg4: memref<1x1024x512xf32, #tpu.memory_space<vmem>>, %arg5: memref<1x512xf32, #tpu.memory_space<vmem>>, %arg6: memref<1x512xf32, #tpu.memory_space<vmem>>) attributes {dimension_semantics = [#tpu.dimension_semantics<arbitrary>, #tpu.dimension_semantics<arbitrary>], iteration_bounds = array<i64: 4, 4>, scalar_prefetch = 0 : i64, scratch_operands = 0 : i64, tpu.core_type = #tpu.core_type<tc>, window_params = [{transform_indices = @transform_0, window_bounds = array<i64: 1, 1024, 512>}, {transform_indices = @transform_1, window_bounds = array<i64: 1, 1024, 512>}, {transform_indices = @transform_2, window_bounds = array<i64: 1, 1024, 512>}, {pipeline_mode = #tpu.pipeline_mode<synchronous>, transform_indices = @transform_3, window_bounds = array<i64: 1, 512>}, {pipeline_mode = #tpu.pipeline_mode<synchronous>, transform_indices = @transform_4, window_bounds = array<i64: 1, 512>}]} {
    %get3A = arith.constant 0 : index
    %get3A_0 = arith.constant 0 : index
    %get3A_1 = arith.constant 0 : index
    %get3A_2 = vector.load %arg2[%get3A, %get3A_0, %get3A_1] : memref<1x1024x512xf32, #tpu.memory_space<vmem>>, vector<1x1024x512xf32>
    %get3A_3 = vector.shape_cast %get3A_2 : vector<1x1024x512xf32> to vector<1024x512xf32>
    %get3A_4 = arith.constant 0 : index
    %get3A_5 = arith.constant 0 : index
    %get3A_6 = arith.constant 0 : index
    %get3A_7 = vector.load %arg3[%get3A_4, %get3A_5, %get3A_6] : memref<1x1024x512xf32, #tpu.memory_space<vmem>>, vector<1x1024x512xf32>
    %get3A_8 = vector.shape_cast %get3A_7 : vector<1x1024x512xf32> to vector<1024x512xf32>
    %add3A = arith.addf %get3A_3, %get3A_8 : vector<1024x512xf32>
    %swap3A = arith.constant 0 : index
    %swap3A_9 = arith.constant 0 : index
    %swap3A_10 = arith.constant 0 : index
    %swap3A_11 = vector.load %arg4[%swap3A, %swap3A_9, %swap3A_10] : memref<1x1024x512xf32, #tpu.memory_space<vmem>>, vector<1x1024x512xf32>
    %swap3A_12 = vector.shape_cast %swap3A_11 : vector<1x1024x512xf32> to vector<1024x512xf32>
    %swap3A_13 = vector.shape_cast %add3A : vector<1024x512xf32> to vector<1x1024x512xf32>
    tpu.vector_store %arg4[%swap3A, %swap3A_9, %swap3A_10], %swap3A_13 {strides = array<i32>} : memref<1x1024x512xf32, #tpu.memory_space<vmem>>, vector<1x1024x512xf32>,
    %eq3A = arith.constant 0 : i32
    %eq3A_14 = arith.cmpi eq, %arg0, %eq3A : i32
    %eq3A_15 = arith.constant 0 : i32
    %eq3A_16 = arith.cmpi eq, %arg1, %eq3A_15 : i32
    %and3A = arith.andi %eq3A_14, %eq3A_16 : i1
    %convert_element_type3A = arith.extui %and3A : i1 to i32
    %cond3A = arith.constant 0 : i32
    %cond3A_17 = arith.cmpi ne, %convert_element_type3A, %cond3A : i32
    scf.if %cond3A_17 {
      %broadcast_in_dim3A_36 = arith.constant 0.000000e+00 : f32
      %broadcast_in_dim3A_37 = vector.broadcast %broadcast_in_dim3A_36 : f32 to vector<1x512xf32>
      %swap3A_38 = arith.constant 0 : index
      %swap3A_39 = arith.constant 0 : index
      %swap3A_40 = vector.load %arg5[%swap3A_38, %swap3A_39] : memref<1x512xf32, #tpu.memory_space<vmem>>, vector<1x512xf32>
      tpu.vector_store %arg5[%swap3A_38, %swap3A_39], %broadcast_in_dim3A_37 {strides = array<i32>} : memref<1x512xf32, #tpu.memory_space<vmem>>, vector<1x512xf32>,
      %broadcast_in_dim3A_41 = arith.constant 0.000000e+00 : f32
      %broadcast_in_dim3A_42 = vector.broadcast %broadcast_in_dim3A_41 : f32 to vector<1x512xf32>
      %swap3A_43 = arith.constant 0 : index
      %swap3A_44 = arith.constant 0 : index
      %swap3A_45 = vector.load %arg6[%swap3A_43, %swap3A_44] : memref<1x512xf32, #tpu.memory_space<vmem>>, vector<1x512xf32>
      tpu.vector_store %arg6[%swap3A_43, %swap3A_44], %broadcast_in_dim3A_42 {strides = array<i32>} : memref<1x512xf32, #tpu.memory_space<vmem>>, vector<1x512xf32>,
    } else {
    }
    %get3A_18 = arith.constant 0 : index
    %get3A_19 = arith.constant 0 : index
    %get3A_20 = vector.load %arg5[%get3A_18, %get3A_19] : memref<1x512xf32, #tpu.memory_space<vmem>>, vector<1x512xf32>
    %reduce_sum3A = arith.constant dense<0.000000e+00> : vector<512xf32>
    %reduce_sum3A_21 = vector.multi_reduction <add>, %add3A, %reduce_sum3A [0] : vector<1024x512xf32> to vector<512xf32>
    %broadcast_in_dim3A = vector.shape_cast %reduce_sum3A_21 : vector<512xf32> to vector<1x512xf32>
    %add3A_22 = arith.addf %get3A_20, %broadcast_in_dim3A : vector<1x512xf32>
    %swap3A_23 = arith.constant 0 : index
    %swap3A_24 = arith.constant 0 : index
    %swap3A_25 = vector.load %arg5[%swap3A_23, %swap3A_24] : memref<1x512xf32, #tpu.memory_space<vmem>>, vector<1x512xf32>
    tpu.vector_store %arg5[%swap3A_23, %swap3A_24], %add3A_22 {strides = array<i32>} : memref<1x512xf32, #tpu.memory_space<vmem>>, vector<1x512xf32>,
    %get3A_26 = arith.constant 0 : index
    %get3A_27 = arith.constant 0 : index
    %get3A_28 = vector.load %arg6[%get3A_26, %get3A_27] : memref<1x512xf32, #tpu.memory_space<vmem>>, vector<1x512xf32>
    %mul3A = arith.mulf %add3A, %add3A : vector<1024x512xf32>
    %reduce_sum3A_29 = arith.constant dense<0.000000e+00> : vector<512xf32>
    %reduce_sum3A_30 = vector.multi_reduction <add>, %mul3A, %reduce_sum3A_29 [0] : vector<1024x512xf32> to vector<512xf32>
    %broadcast_in_dim3A_31 = vector.shape_cast %reduce_sum3A_30 : vector<512xf32> to vector<1x512xf32>
    %add3A_32 = arith.addf %get3A_28, %broadcast_in_dim3A_31 : vector<1x512xf32>
    %swap3A_33 = arith.constant 0 : index
    %swap3A_34 = arith.constant 0 : index
    %swap3A_35 = vector.load %arg6[%swap3A_33, %swap3A_34] : memref<1x512xf32, #tpu.memory_space<vmem>>, vector<1x512xf32>
    tpu.vector_store %arg6[%swap3A_33, %swap3A_34], %add3A_32 {strides = array<i32>} : memref<1x512xf32, #tpu.memory_space<vmem>>, vector<1x512xf32>,
    return
  }
  func.func @transform_0(%arg0: i32, %arg1: i32) -> (i32, i32, i32) {
    %c0_i32 = arith.constant 0 : i32
    %c0_i32_0 = arith.constant 0 : i32
    return %arg0, %arg1, %c0_i32 : i32, i32, i32
  }
  func.func @transform_1(%arg0: i32, %arg1: i32) -> (i32, i32, i32) {
    %c0_i32 = arith.constant 0 : i32
    %c0_i32_0 = arith.constant 0 : i32
    return %arg0, %arg1, %c0_i32 : i32, i32, i32
  }
  func.func @transform_2(%arg0: i32, %arg1: i32) -> (i32, i32, i32) {
    %c0_i32 = arith.constant 0 : i32
    %c0_i32_0 = arith.constant 0 : i32
    return %arg0, %arg1, %c0_i32 : i32, i32, i32
  }
  func.func @transform_3(%arg0: i32, %arg1: i32) -> (i32, i32) {
    %c0_i32 = arith.constant 0 : i32
    %c0_i32_0 = arith.constant 0 : i32
    %c0_i32_1 = arith.constant 0 : i32
    return %c0_i32, %c0_i32_0 : i32, i32
  }
  func.func @transform_4(%arg0: i32, %arg1: i32) -> (i32, i32) {
    %c0_i32 = arith.constant 0 : i32
    %c0_i32_0 = arith.constant 0 : i32
    %c0_i32_1 = arith.constant 0 : i32
    return %c0_i32, %c0_i32_0 : i32, i32
  }
}

module attributes {stable_mosaic.version = 14 : i64} {
  func.func @_stage3_body(%arg0: i32, %arg1: i32, %arg2: memref<1x1024x512xf32, #tpu.memory_space<vmem>>, %arg3: memref<1x512xf32, #tpu.memory_space<vmem>>, %arg4: memref<1x512xf32, #tpu.memory_space<vmem>>, %arg5: memref<1x512xf32, #tpu.memory_space<vmem>>, %arg6: memref<1x512xf32, #tpu.memory_space<vmem>>, %arg7: memref<512x256xf32, #tpu.memory_space<vmem>>, %arg8: memref<1x256xf32, #tpu.memory_space<vmem>>, %arg9: memref<1x1024x256xf32, #tpu.memory_space<vmem>>, %arg10: memref<1x256xf32, #tpu.memory_space<vmem>>, %arg11: memref<1x256xf32, #tpu.memory_space<vmem>>) attributes {dimension_semantics = [#tpu.dimension_semantics<arbitrary>, #tpu.dimension_semantics<arbitrary>], iteration_bounds = array<i64: 4, 4>, scalar_prefetch = 0 : i64, scratch_operands = 0 : i64, tpu.core_type = #tpu.core_type<tc>, window_params = [{transform_indices = @transform_0, window_bounds = array<i64: 1, 1024, 512>}, {pipeline_mode = #tpu.pipeline_mode<synchronous>, transform_indices = @transform_1, window_bounds = array<i64: 1, 512>}, {pipeline_mode = #tpu.pipeline_mode<synchronous>, transform_indices = @transform_2, window_bounds = array<i64: 1, 512>}, {pipeline_mode = #tpu.pipeline_mode<synchronous>, transform_indices = @transform_3, window_bounds = array<i64: 1, 512>}, {pipeline_mode = #tpu.pipeline_mode<synchronous>, transform_indices = @transform_4, window_bounds = array<i64: 1, 512>}, {pipeline_mode = #tpu.pipeline_mode<synchronous>, transform_indices = @transform_5, window_bounds = array<i64: 512, 256>}, {pipeline_mode = #tpu.pipeline_mode<synchronous>, transform_indices = @transform_6, window_bounds = array<i64: 1, 256>}, {transform_indices = @transform_7, window_bounds = array<i64: 1, 1024, 256>}, {pipeline_mode = #tpu.pipeline_mode<synchronous>, transform_indices = @transform_8, window_bounds = array<i64: 1, 256>}, {pipeline_mode = #tpu.pipeline_mode<synchronous>, transform_indices = @transform_9, window_bounds = array<i64: 1, 256>}]} {
    %get3A = arith.constant 0 : index
    %get3A_0 = arith.constant 0 : index
    %get3A_1 = vector.load %arg3[%get3A, %get3A_0] : memref<1x512xf32, #tpu.memory_space<vmem>>, vector<1x512xf32>
    %get3A_2 = arith.constant 0 : index
    %get3A_3 = arith.constant 0 : index
    %get3A_4 = vector.load %arg4[%get3A_2, %get3A_3] : memref<1x512xf32, #tpu.memory_space<vmem>>, vector<1x512xf32>
    %get3A_5 = arith.constant 0 : index
    %get3A_6 = arith.constant 0 : index
    %get3A_7 = vector.load %arg5[%get3A_5, %get3A_6] : memref<1x512xf32, #tpu.memory_space<vmem>>, vector<1x512xf32>
    %get3A_8 = arith.constant 0 : index
    %get3A_9 = arith.constant 0 : index
    %get3A_10 = vector.load %arg6[%get3A_8, %get3A_9] : memref<1x512xf32, #tpu.memory_space<vmem>>, vector<1x512xf32>
    %mul3A = arith.constant 6.10351563E-5 : f32
    %mul3A_11 = vector.broadcast %mul3A : f32 to vector<1x512xf32>
    %mul3A_12 = arith.mulf %get3A_1, %mul3A_11 : vector<1x512xf32>
    %mul3A_13 = arith.constant 6.10351563E-5 : f32
    %mul3A_14 = vector.broadcast %mul3A_13 : f32 to vector<1x512xf32>
    %mul3A_15 = arith.mulf %get3A_4, %mul3A_14 : vector<1x512xf32>
    %mul3A_16 = arith.mulf %mul3A_12, %mul3A_12 : vector<1x512xf32>
    %sub3A = arith.subf %mul3A_15, %mul3A_16 : vector<1x512xf32>
    %add3A = arith.constant 9.99999974E-6 : f32
    %add3A_17 = vector.broadcast %add3A : f32 to vector<1x512xf32>
    %add3A_18 = arith.addf %sub3A, %add3A_17 : vector<1x512xf32>
    %rsqrt3A = math.rsqrt %add3A_18 : vector<1x512xf32>
    %mul3A_19 = arith.mulf %get3A_7, %rsqrt3A : vector<1x512xf32>
    %mul3A_20 = arith.mulf %mul3A_12, %mul3A_19 : vector<1x512xf32>
    %sub3A_21 = arith.subf %get3A_10, %mul3A_20 : vector<1x512xf32>
    %get3A_22 = arith.constant 0 : index
    %get3A_23 = arith.constant 0 : index
    %get3A_24 = arith.constant 0 : index
    %get3A_25 = vector.load %arg2[%get3A_22, %get3A_23, %get3A_24] : memref<1x1024x512xf32, #tpu.memory_space<vmem>>, vector<1x1024x512xf32>
    %get3A_26 = vector.shape_cast %get3A_25 : vector<1x1024x512xf32> to vector<1024x512xf32>
    %mul3A_27 = vector.broadcast %mul3A_19 : vector<1x512xf32> to vector<1024x512xf32>
    %mul3A_28 = arith.mulf %get3A_26, %mul3A_27 : vector<1024x512xf32>
    %add3A_29 = vector.broadcast %sub3A_21 : vector<1x512xf32> to vector<1024x512xf32>
    %add3A_30 = arith.addf %mul3A_28, %add3A_29 : vector<1024x512xf32>
    %max3A = arith.constant 0.000000e+00 : f32
    %max3A_31 = vector.broadcast %max3A : f32 to vector<1024x512xf32>
    %max3A_32 = arith.maximumf %add3A_30, %max3A_31 : vector<1024x512xf32>
    %get3A_33 = arith.constant 0 : index
    %get3A_34 = arith.constant 0 : index
    %get3A_35 = vector.load %arg7[%get3A_33, %get3A_34] : memref<512x256xf32, #tpu.memory_space<vmem>>, vector<512x256xf32>
    %dot_general3A = arith.constant dense<0.000000e+00> : vector<1024x256xf32>
    %dot_general3A_36 = tpu.matmul %max3A_32, %get3A_35, %dot_general3A {dimension_numbers = #tpu.dot_dimension_numbers<[1], [0], [0], [1], [0, 0, 1, 1], [], []>, precision = #tpu.contract_precision<fp32>, transpose_lhs_hint = false} : vector<1024x512xf32>, vector<512x256xf32>, vector<1024x256xf32> -> vector<1024x256xf32>
    %get3A_37 = arith.constant 0 : index
    %get3A_38 = arith.constant 0 : index
    %get3A_39 = vector.load %arg8[%get3A_37, %get3A_38] : memref<1x256xf32, #tpu.memory_space<vmem>>, vector<1x256xf32>
    %add3A_40 = vector.broadcast %get3A_39 : vector<1x256xf32> to vector<1024x256xf32>
    %add3A_41 = arith.addf %dot_general3A_36, %add3A_40 : vector<1024x256xf32>
    %swap3A = arith.constant 0 : index
    %swap3A_42 = arith.constant 0 : index
    %swap3A_43 = arith.constant 0 : index
    %swap3A_44 = vector.load %arg9[%swap3A, %swap3A_42, %swap3A_43] : memref<1x1024x256xf32, #tpu.memory_space<vmem>>, vector<1x1024x256xf32>
    %swap3A_45 = vector.shape_cast %swap3A_44 : vector<1x1024x256xf32> to vector<1024x256xf32>
    %swap3A_46 = vector.shape_cast %add3A_41 : vector<1024x256xf32> to vector<1x1024x256xf32>
    tpu.vector_store %arg9[%swap3A, %swap3A_42, %swap3A_43], %swap3A_46 {strides = array<i32>} : memref<1x1024x256xf32, #tpu.memory_space<vmem>>, vector<1x1024x256xf32>,
    %eq3A = arith.constant 0 : i32
    %eq3A_47 = arith.cmpi eq, %arg0, %eq3A : i32
    %eq3A_48 = arith.constant 0 : i32
    %eq3A_49 = arith.cmpi eq, %arg1, %eq3A_48 : i32
    %and3A = arith.andi %eq3A_47, %eq3A_49 : i1
    %convert_element_type3A = arith.extui %and3A : i1 to i32
    %cond3A = arith.constant 0 : i32
    %cond3A_50 = arith.cmpi ne, %convert_element_type3A, %cond3A : i32
    scf.if %cond3A_50 {
      %broadcast_in_dim3A_70 = arith.constant 0.000000e+00 : f32
      %broadcast_in_dim3A_71 = vector.broadcast %broadcast_in_dim3A_70 : f32 to vector<1x256xf32>
      %swap3A_72 = arith.constant 0 : index
      %swap3A_73 = arith.constant 0 : index
      %swap3A_74 = vector.load %arg10[%swap3A_72, %swap3A_73] : memref<1x256xf32, #tpu.memory_space<vmem>>, vector<1x256xf32>
      tpu.vector_store %arg10[%swap3A_72, %swap3A_73], %broadcast_in_dim3A_71 {strides = array<i32>} : memref<1x256xf32, #tpu.memory_space<vmem>>, vector<1x256xf32>,
      %broadcast_in_dim3A_75 = arith.constant 0.000000e+00 : f32
      %broadcast_in_dim3A_76 = vector.broadcast %broadcast_in_dim3A_75 : f32 to vector<1x256xf32>
      %swap3A_77 = arith.constant 0 : index
      %swap3A_78 = arith.constant 0 : index
      %swap3A_79 = vector.load %arg11[%swap3A_77, %swap3A_78] : memref<1x256xf32, #tpu.memory_space<vmem>>, vector<1x256xf32>
      tpu.vector_store %arg11[%swap3A_77, %swap3A_78], %broadcast_in_dim3A_76 {strides = array<i32>} : memref<1x256xf32, #tpu.memory_space<vmem>>, vector<1x256xf32>,
    } else {
    }
    %get3A_51 = arith.constant 0 : index
    %get3A_52 = arith.constant 0 : index
    %get3A_53 = vector.load %arg10[%get3A_51, %get3A_52] : memref<1x256xf32, #tpu.memory_space<vmem>>, vector<1x256xf32>
    %reduce_sum3A = arith.constant dense<0.000000e+00> : vector<256xf32>
    %reduce_sum3A_54 = vector.multi_reduction <add>, %add3A_41, %reduce_sum3A [0] : vector<1024x256xf32> to vector<256xf32>
    %broadcast_in_dim3A = vector.shape_cast %reduce_sum3A_54 : vector<256xf32> to vector<1x256xf32>
    %add3A_55 = arith.addf %get3A_53, %broadcast_in_dim3A : vector<1x256xf32>
    %swap3A_56 = arith.constant 0 : index
    %swap3A_57 = arith.constant 0 : index
    %swap3A_58 = vector.load %arg10[%swap3A_56, %swap3A_57] : memref<1x256xf32, #tpu.memory_space<vmem>>, vector<1x256xf32>
    tpu.vector_store %arg10[%swap3A_56, %swap3A_57], %add3A_55 {strides = array<i32>} : memref<1x256xf32, #tpu.memory_space<vmem>>, vector<1x256xf32>,
    %get3A_59 = arith.constant 0 : index
    %get3A_60 = arith.constant 0 : index
    %get3A_61 = vector.load %arg11[%get3A_59, %get3A_60] : memref<1x256xf32, #tpu.memory_space<vmem>>, vector<1x256xf32>
    %mul3A_62 = arith.mulf %add3A_41, %add3A_41 : vector<1024x256xf32>
    %reduce_sum3A_63 = arith.constant dense<0.000000e+00> : vector<256xf32>
    %reduce_sum3A_64 = vector.multi_reduction <add>, %mul3A_62, %reduce_sum3A_63 [0] : vector<1024x256xf32> to vector<256xf32>
    %broadcast_in_dim3A_65 = vector.shape_cast %reduce_sum3A_64 : vector<256xf32> to vector<1x256xf32>
    %add3A_66 = arith.addf %get3A_61, %broadcast_in_dim3A_65 : vector<1x256xf32>
    %swap3A_67 = arith.constant 0 : index
    %swap3A_68 = arith.constant 0 : index
    %swap3A_69 = vector.load %arg11[%swap3A_67, %swap3A_68] : memref<1x256xf32, #tpu.memory_space<vmem>>, vector<1x256xf32>
    tpu.vector_store %arg11[%swap3A_67, %swap3A_68], %add3A_66 {strides = array<i32>} : memref<1x256xf32, #tpu.memory_space<vmem>>, vector<1x256xf32>,
    return
  }
  func.func @transform_0(%arg0: i32, %arg1: i32) -> (i32, i32, i32) {
    %c0_i32 = arith.constant 0 : i32
    %c0_i32_0 = arith.constant 0 : i32
    return %arg0, %arg1, %c0_i32 : i32, i32, i32
  }
  func.func @transform_1(%arg0: i32, %arg1: i32) -> (i32, i32) {
    %c0_i32 = arith.constant 0 : i32
    %c0_i32_0 = arith.constant 0 : i32
    %c0_i32_1 = arith.constant 0 : i32
    return %c0_i32, %c0_i32_0 : i32, i32
  }
  func.func @transform_2(%arg0: i32, %arg1: i32) -> (i32, i32) {
    %c0_i32 = arith.constant 0 : i32
    %c0_i32_0 = arith.constant 0 : i32
    %c0_i32_1 = arith.constant 0 : i32
    return %c0_i32, %c0_i32_0 : i32, i32
  }
  func.func @transform_3(%arg0: i32, %arg1: i32) -> (i32, i32) {
    %c0_i32 = arith.constant 0 : i32
    %c0_i32_0 = arith.constant 0 : i32
    %c0_i32_1 = arith.constant 0 : i32
    return %c0_i32, %c0_i32_0 : i32, i32
  }
  func.func @transform_4(%arg0: i32, %arg1: i32) -> (i32, i32) {
    %c0_i32 = arith.constant 0 : i32
    %c0_i32_0 = arith.constant 0 : i32
    %c0_i32_1 = arith.constant 0 : i32
    return %c0_i32, %c0_i32_0 : i32, i32
  }
  func.func @transform_5(%arg0: i32, %arg1: i32) -> (i32, i32) {
    %c0_i32 = arith.constant 0 : i32
    %c0_i32_0 = arith.constant 0 : i32
    %c0_i32_1 = arith.constant 0 : i32
    return %c0_i32, %c0_i32_0 : i32, i32
  }
  func.func @transform_6(%arg0: i32, %arg1: i32) -> (i32, i32) {
    %c0_i32 = arith.constant 0 : i32
    %c0_i32_0 = arith.constant 0 : i32
    %c0_i32_1 = arith.constant 0 : i32
    return %c0_i32, %c0_i32_0 : i32, i32
  }
  func.func @transform_7(%arg0: i32, %arg1: i32) -> (i32, i32, i32) {
    %c0_i32 = arith.constant 0 : i32
    %c0_i32_0 = arith.constant 0 : i32
    return %arg0, %arg1, %c0_i32 : i32, i32, i32
  }
  func.func @transform_8(%arg0: i32, %arg1: i32) -> (i32, i32) {
    %c0_i32 = arith.constant 0 : i32
    %c0_i32_0 = arith.constant 0 : i32
    %c0_i32_1 = arith.constant 0 : i32
    return %c0_i32, %c0_i32_0 : i32, i32
  }
  func.func @transform_9(%arg0: i32, %arg1: i32) -> (i32, i32) {
    %c0_i32 = arith.constant 0 : i32
    %c0_i32_0 = arith.constant 0 : i32
    %c0_i32_1 = arith.constant 0 : i32
    return %c0_i32, %c0_i32_0 : i32, i32
  }
}

module attributes {stable_mosaic.version = 14 : i64} {
  func.func @_stage4_body(%arg0: i32, %arg1: i32, %arg2: memref<1x1024x256xf32, #tpu.memory_space<vmem>>, %arg3: memref<1x256xf32, #tpu.memory_space<vmem>>, %arg4: memref<1x256xf32, #tpu.memory_space<vmem>>, %arg5: memref<1x256xf32, #tpu.memory_space<vmem>>, %arg6: memref<1x256xf32, #tpu.memory_space<vmem>>, %arg7: memref<1x1024x256xf32, #tpu.memory_space<vmem>>) attributes {dimension_semantics = [#tpu.dimension_semantics<arbitrary>, #tpu.dimension_semantics<arbitrary>], iteration_bounds = array<i64: 4, 4>, scalar_prefetch = 0 : i64, scratch_operands = 0 : i64, tpu.core_type = #tpu.core_type<tc>, window_params = [{transform_indices = @transform_0, window_bounds = array<i64: 1, 1024, 256>}, {pipeline_mode = #tpu.pipeline_mode<synchronous>, transform_indices = @transform_1, window_bounds = array<i64: 1, 256>}, {pipeline_mode = #tpu.pipeline_mode<synchronous>, transform_indices = @transform_2, window_bounds = array<i64: 1, 256>}, {pipeline_mode = #tpu.pipeline_mode<synchronous>, transform_indices = @transform_3, window_bounds = array<i64: 1, 256>}, {pipeline_mode = #tpu.pipeline_mode<synchronous>, transform_indices = @transform_4, window_bounds = array<i64: 1, 256>}, {transform_indices = @transform_5, window_bounds = array<i64: 1, 1024, 256>}]} {
    %get3A = arith.constant 0 : index
    %get3A_0 = arith.constant 0 : index
    %get3A_1 = vector.load %arg3[%get3A, %get3A_0] : memref<1x256xf32, #tpu.memory_space<vmem>>, vector<1x256xf32>
    %get3A_2 = arith.constant 0 : index
    %get3A_3 = arith.constant 0 : index
    %get3A_4 = vector.load %arg4[%get3A_2, %get3A_3] : memref<1x256xf32, #tpu.memory_space<vmem>>, vector<1x256xf32>
    %get3A_5 = arith.constant 0 : index
    %get3A_6 = arith.constant 0 : index
    %get3A_7 = vector.load %arg5[%get3A_5, %get3A_6] : memref<1x256xf32, #tpu.memory_space<vmem>>, vector<1x256xf32>
    %get3A_8 = arith.constant 0 : index
    %get3A_9 = arith.constant 0 : index
    %get3A_10 = vector.load %arg6[%get3A_8, %get3A_9] : memref<1x256xf32, #tpu.memory_space<vmem>>, vector<1x256xf32>
    %mul3A = arith.constant 6.10351563E-5 : f32
    %mul3A_11 = vector.broadcast %mul3A : f32 to vector<1x256xf32>
    %mul3A_12 = arith.mulf %get3A_1, %mul3A_11 : vector<1x256xf32>
    %mul3A_13 = arith.constant 6.10351563E-5 : f32
    %mul3A_14 = vector.broadcast %mul3A_13 : f32 to vector<1x256xf32>
    %mul3A_15 = arith.mulf %get3A_4, %mul3A_14 : vector<1x256xf32>
    %mul3A_16 = arith.mulf %mul3A_12, %mul3A_12 : vector<1x256xf32>
    %sub3A = arith.subf %mul3A_15, %mul3A_16 : vector<1x256xf32>
    %add3A = arith.constant 9.99999974E-6 : f32
    %add3A_17 = vector.broadcast %add3A : f32 to vector<1x256xf32>
    %add3A_18 = arith.addf %sub3A, %add3A_17 : vector<1x256xf32>
    %rsqrt3A = math.rsqrt %add3A_18 : vector<1x256xf32>
    %mul3A_19 = arith.mulf %get3A_7, %rsqrt3A : vector<1x256xf32>
    %mul3A_20 = arith.mulf %mul3A_12, %mul3A_19 : vector<1x256xf32>
    %sub3A_21 = arith.subf %get3A_10, %mul3A_20 : vector<1x256xf32>
    %get3A_22 = arith.constant 0 : index
    %get3A_23 = arith.constant 0 : index
    %get3A_24 = arith.constant 0 : index
    %get3A_25 = vector.load %arg2[%get3A_22, %get3A_23, %get3A_24] : memref<1x1024x256xf32, #tpu.memory_space<vmem>>, vector<1x1024x256xf32>
    %get3A_26 = vector.shape_cast %get3A_25 : vector<1x1024x256xf32> to vector<1024x256xf32>
    %mul3A_27 = vector.broadcast %mul3A_19 : vector<1x256xf32> to vector<1024x256xf32>
    %mul3A_28 = arith.mulf %get3A_26, %mul3A_27 : vector<1024x256xf32>
    %add3A_29 = vector.broadcast %sub3A_21 : vector<1x256xf32> to vector<1024x256xf32>
    %add3A_30 = arith.addf %mul3A_28, %add3A_29 : vector<1024x256xf32>
    %max3A = arith.constant 0.000000e+00 : f32
    %max3A_31 = vector.broadcast %max3A : f32 to vector<1024x256xf32>
    %max3A_32 = arith.maximumf %add3A_30, %max3A_31 : vector<1024x256xf32>
    %swap3A = arith.constant 0 : index
    %swap3A_33 = arith.constant 0 : index
    %swap3A_34 = arith.constant 0 : index
    %swap3A_35 = vector.load %arg7[%swap3A, %swap3A_33, %swap3A_34] : memref<1x1024x256xf32, #tpu.memory_space<vmem>>, vector<1x1024x256xf32>
    %swap3A_36 = vector.shape_cast %swap3A_35 : vector<1x1024x256xf32> to vector<1024x256xf32>
    %swap3A_37 = vector.shape_cast %max3A_32 : vector<1024x256xf32> to vector<1x1024x256xf32>
    tpu.vector_store %arg7[%swap3A, %swap3A_33, %swap3A_34], %swap3A_37 {strides = array<i32>} : memref<1x1024x256xf32, #tpu.memory_space<vmem>>, vector<1x1024x256xf32>,
    return
  }
  func.func @transform_0(%arg0: i32, %arg1: i32) -> (i32, i32, i32) {
    %c0_i32 = arith.constant 0 : i32
    %c0_i32_0 = arith.constant 0 : i32
    return %arg0, %arg1, %c0_i32 : i32, i32, i32
  }
  func.func @transform_1(%arg0: i32, %arg1: i32) -> (i32, i32) {
    %c0_i32 = arith.constant 0 : i32
    %c0_i32_0 = arith.constant 0 : i32
    %c0_i32_1 = arith.constant 0 : i32
    return %c0_i32, %c0_i32_0 : i32, i32
  }
  func.func @transform_2(%arg0: i32, %arg1: i32) -> (i32, i32) {
    %c0_i32 = arith.constant 0 : i32
    %c0_i32_0 = arith.constant 0 : i32
    %c0_i32_1 = arith.constant 0 : i32
    return %c0_i32, %c0_i32_0 : i32, i32
  }
  func.func @transform_3(%arg0: i32, %arg1: i32) -> (i32, i32) {
    %c0_i32 = arith.constant 0 : i32
    %c0_i32_0 = arith.constant 0 : i32
    %c0_i32_1 = arith.constant 0 : i32
    return %c0_i32, %c0_i32_0 : i32, i32
  }
  func.func @transform_4(%arg0: i32, %arg1: i32) -> (i32, i32) {
    %c0_i32 = arith.constant 0 : i32
    %c0_i32_0 = arith.constant 0 : i32
    %c0_i32_1 = arith.constant 0 : i32
    return %c0_i32, %c0_i32_0 : i32, i32
  }
  func.func @transform_5(%arg0: i32, %arg1: i32) -> (i32, i32, i32) {
    %c0_i32 = arith.constant 0 : i32
    %c0_i32_0 = arith.constant 0 : i32
    return %arg0, %arg1, %c0_i32 : i32, i32, i32
  }
}

</mosaic_0001>

<sc_bundles>
// kernel: kernel.9.cloned.1.call-start
scs
__scs_entry_jumppad:
0x0: {  	(pc) =	sbr.rel $0x88, $3  }
0x1: {  	(tag) =	ssettag $0x0;
	lr =	simm.s32 $0x1  }
0x2: {  	[smem:$0x3F95] =	sst lr;
	_ =	strace $0xD0000000  }
0x3: {  	_ = 	snop  }
0x4: {  	_ = 	snop  }
0x5: {  	_ = 	snop  }
0x6: {  	_ = 	snop  }
0x7: {  	_ = 	snop  }
__scs_overlays_trampoline_lowered:
0x8: {  	[smem:$0x3FA4] =	sst s0  }
0x9: {  	[smem:$0x3FA5] =	sst s1  }
0xa: {  	[smem:$0x3FA6] =	sst s2  }
0xb: {  	[smem:$0x3FA7] =	sst s3  }
0xc: {  	[smem:$0x3FA8] =	sst s4  }
0xd: {  	[smem:$0x3FA9] =	sst s5  }
0xe: {  	[smem:$0x3FAA] =	sst s6  }
0xf: {  	[smem:$0x3FAB] =	sst s7  }
0x10: {  	[smem:$0x3FAC] =	sst s8  }
0x11: {  	[smem:$0x3FAD] =	sst s9;
	s0 =	simm.s32 @!p0 $0x0  }
0x12: {  	s1 =	sld [smem:$0x3F93];
	s0 =	simm.s32 @p0 $0x1  }
0x13: {  	[smem:$0x3FAE] =	sst s0;
	s0 =	simm.s32 @!p1 $0x0  }
0x14: {  	s2 =	sld [smem:$0x3F92];
	s0 =	simm.s32 @p1 $0x1  }
0x15: {  	[smem:$0x3FAF] =	sst s0;
	s0 =	simm.s32 @!p2 $0x0  }
0x16: {  	s3 =	sld [smem:$0x3FDB];
	s0 =	simm.s32 @p2 $0x1  }
0x17: {  	s4 =	simm.s32 $0x1BF5;
	[smem:$0x3FB1] =	sst s0  }
0x18: {  	s0 =	sld [smem:$0x3F94];
	_ =	swait.ge [sflag:s4], $0x0  }
0x19: {  	s7 =	sld [smem:$0x3F95]  }
0x1a: {  	s8 =	sadd.s32 $0xFFFFE003, lr  }
0x1b: {  	s9 =	sadd.s32 $0xFFFFFEF7, lr;
	s5 =	simm.s32 $0xFFFFFFFF;
	p2 =	slt.u32 s8, $0xFFFFF086  }
0x1c: {  	p1 =	slt.u32 s9, $0xF7A;
	s5 =	simm.s32 @!p2 $0x0  }
0x1d: {  	s5 =	simm.s32 @p1 $0x1;
	p0 =	seq.s32 s7, s2  }
0x1e: {  	s7 =	smul.u32 @!p0 $0xF7A, s2;
	p2 =	seq.s32 @!p0 s5, $0x0  }
0x1f: {  	s9 =	smul.u32 $0xF7A, s1;
	s8 =	simm.s32 @!p0 $0x1BF5;
	p2 =	por !p2, p0  }
0x20: {  	[sflag:s8] =	ssyncset.s32 @!p0 $0xFFFFF086;
	s6 =	sadd.s32 @!p0 s3, s7;
	s7 =	simm.s32 @!p0 $0x108  }
0x21: {  	s3 =	sadd.s32 s3, s9;
	s6 =	sadd.s32 @!p0 $0x88, s6;
	s7 =	simm.s32 @p2 $0x1082  }
0x22: {  	[simem:s7], [sflag:s8] =	dma.local @!p0 [hbm:s6], $0xF7A  }
0x23: {  	s9 =	sor.u32 $0xD0000000, s2;
	s6 =	simm.s32 $0x108;
	_ =	swait.ge @!p0 [sflag:s8], $0x0  }
0x24: {  	s3 =	sadd.s32 $0x88, s3;
	s6 =	simm.s32 @!p1 $0x1082;
	[sflag:s4] =	ssyncset.s32 $0xFFFFF086  }
0x25: {  	[simem:s6], [sflag:s4] =	dma.local [hbm:s3], $0xF7A  }
0x26: {  	[smem:$0x3F95] =	sst s1;
	(tag) =	ssettag s2;
	_ =	strace s9  }
0x27: {  	s1 =	sld [smem:$0x3FA5]  }
0x28: {  	s2 =	sld [smem:$0x3FA6]  }
0x29: {  	s4 =	sld [smem:$0x3FA8]  }
0x2a: {  	p0 =	seq.s32 s5, $0x0;
	s5 =	sld [smem:$0x3FA9]  }
0x2b: {  	s6 =	sld [smem:$0x3FAA]  }
0x2c: {  	s7 =	sld [smem:$0x3FAB]  }
0x2d: {  	s3 =	simm.s32 $0x108;
	s8 =	sld [smem:$0x3FAC]  }
0x2e: {  	s3 =	simm.s32 @!p0 $0x1082;
	s9 =	sld [smem:$0x3FAD]  }
0x2f: {  	lr =	sadd.s32 s0, s3;
	s0 =	sld [smem:$0x3FA4]  }
0x30: {  	s3 =	sld [smem:$0x3FA7]  }
0x31: {  	[smem:$0x3FB0] =	sst s10  }
0x32: {  	s10 =	sld [smem:$0x3FAE];
	_ =	sdelay $0x3  }
0x33: {  	p0 =	seq.s32 s10, $0x1;
	s10 =	sld [smem:$0x3FB0];
	_ =	sdelay $0x3  }
0x34: {  	[smem:$0x3FB0] =	sst s10  }
0x35: {  	s10 =	sld [smem:$0x3FAF];
	_ =	sdelay $0x3  }
0x36: {  	p1 =	seq.s32 s10, $0x1;
	s10 =	sld [smem:$0x3FB0];
	_ =	sdelay $0x3  }
0x37: {  	[smem:$0x3FB0] =	sst s10  }
0x38: {  	s10 =	sld [smem:$0x3FB1]  }
0x39: {  	_ = 	snop;
	(pc) =	sbr.ind lr, $3  }
0x3a: {  	_ = 	snop  }
0x3b: {  	_ = 	snop  }
0x3c: {  	p2 =	seq.s32 s10, $0x1;
	s10 =	sld [smem:$0x3FB0]  }
0x3d: {  	_ =	shalt  }
0x3e: {  	_ =	shalt  }
0x3f: {  	_ =	shalt  }
0x40: {  	_ =	shalt  }
0x41: {  	_ =	shalt  }
0x42: {  	_ =	shalt  }
0x43: {  	_ =	shalt  }
0x44: {  	_ =	shalt  }
0x45: {  	_ =	shalt  }
0x46: {  	_ =	shalt  }
0x47: {  	_ =	shalt  }
0x48: {  	_ =	shalt  }
0x49: {  	_ =	shalt  }
0x4a: {  	_ =	shalt  }
0x4b: {  	_ =	shalt  }
0x4c: {  	_ =	shalt  }
0x4d: {  	_ =	shalt  }
0x4e: {  	_ =	shalt  }
0x4f: {  	_ =	shalt  }
0x50: {  	_ =	shalt  }
0x51: {  	_ =	shalt  }
0x52: {  	_ =	shalt  }
0x53: {  	_ =	shalt  }
0x54: {  	_ =	shalt  }
0x55: {  	_ =	shalt  }
0x56: {  	_ =	shalt  }
0x57: {  	_ =	shalt  }
0x58: {  	_ =	shalt  }
0x59: {  	_ =	shalt  }
0x5a: {  	_ =	shalt  }
0x5b: {  	_ =	shalt  }
0x5c: {  	_ =	shalt  }
0x5d: {  	_ =	shalt  }
0x5e: {  	_ =	shalt  }
0x5f: {  	_ =	shalt  }
0x60: {  	_ =	shalt  }
0x61: {  	_ =	shalt  }
0x62: {  	_ =	shalt  }
0x63: {  	_ =	shalt  }
0x64: {  	_ =	shalt  }
0x65: {  	_ =	shalt  }
0x66: {  	_ =	shalt  }
0x67: {  	_ =	shalt  }
0x68: {  	_ =	shalt  }
0x69: {  	_ =	shalt  }
0x6a: {  	_ =	shalt  }
0x6b: {  	_ =	shalt  }
0x6c: {  	_ =	shalt  }
0x6d: {  	_ =	shalt  }
0x6e: {  	_ =	shalt  }
0x6f: {  	_ =	shalt  }
0x70: {  	_ =	shalt  }
0x71: {  	_ =	shalt  }
0x72: {  	_ =	shalt  }
0x73: {  	_ =	shalt  }
0x74: {  	_ =	shalt  }
0x75: {  	_ =	shalt  }
0x76: {  	_ =	shalt  }
0x77: {  	_ =	shalt  }
0x78: {  	_ =	shalt  }
0x79: {  	_ =	shalt  }
0x7a: {  	_ =	shalt  }
0x7b: {  	_ =	shalt  }
0x7c: {  	_ =	shalt  }
0x7d: {  	_ =	shalt  }
0x7e: {  	_ =	shalt  }
0x7f: {  	_ =	shalt  }
0x80: {  	_ =	shalt  }
0x81: {  	_ =	shalt  }
0x82: {  	_ =	shalt  }
0x83: {  	_ =	shalt  }
0x84: {  	_ =	shalt  }
0x85: {  	_ =	shalt  }
0x86: {  	_ =	shalt  }
0x87: {  	_ =	shalt  }
.Lfunc_end0:
.L_simem_size_0:
called_computation_lowered:
.L_overlay_start_0:
0x88: {  	s2 =	sld [smem:$0x3FD9]  }
0x89: {  	s3 =	sld [smem:$0x3FFE];
	_ =	sdelay $0x1  }
0x8a: {  	s1 =	srdreg.scid  }
0x8b: {  	s0 =	sand.u32 $0x1, s1  }
0x8c: {  	s17 =	sshll.u32 s0, $0xA;
	s2 =	sadd.s32 s3, s2  }
0x8d: {  	s2 =	sadd.s32 s2, s17  }
0x8e: {  	[smem:$0x3FBC] =	sst s2  }
0x8f: {  	_ = 	snop  }
0x90: {  	s2 =	sld [smem:$0x3FD0];
	(tm) =	ssettm $0x1  }
0x91: {  	s18 =	sld [smem:$0x3FFB];
	_ =	sdelay $0x3  }
0x92: {  	_ =	strace s18  }
0x93: {  	s3 =	sld [smem:$0x3FFC];
	_ =	sdelay $0x3  }
0x94: {  	_ =	strace s3  }
0x95: {  	s3 =	sld [smem:$0x3FFD];
	_ =	sdelay $0x3  }
0x96: {  	_ =	strace s3  }
0x97: {  	_ =	strace $0x8FFFFFFF  }
0x98: {  	s19 =	sld [smem:$0x3FDB];
	_ =	sdelay $0x1  }
0x99: {  	s4 =	simm.s32 $_scs_section_size  }
0x9a: {  	s5 =	simm.s32 $_size__tile_overlayer_lowered;
	s6 =	simm.s32 $_tile_overlayer_lowered  }
0x9b: {  	s22 =	simm.s32 $0x1BFF;
	s21 =	sshll.u32 s6, $0x1;
	s3 =	sadd.s32 s4, s19  }
0x9c: {  	s7 =	simm.s32 $0x0;
	s20 =	sshll.u32 s5, $0x1;
	s5 =	sadd.s32 s21, s3  }
0x9d: {  	[timem:s7], [sflag:s22] =	dma.local [hbm:s5], s20  }
0x9e: {  	_ =	swait.ge [sflag:s22], s20  }
0x9f: {  	s4 =	ssub.s32 $0x0, s20;
	[sflag:s22] =	ssyncset.done $0x0  }
0xa0: {  	[sflag:s22] =	ssyncadd.s32 s4;
	_ =	sdelay $0x1  }
0xa1: {  	s23 =	simm.s32 $0x1B8B  }
0xa2: {  	_ =	swait.ge [sflag:s23], $0x1  }
0xa3: {  	[sflag:s23] =	ssyncset.done $0x0  }
0xa4: {  	s25 =	simm.s32 $0x1B8E;
	s24 =	sld [smem:$0x3FFE];
	[sflag:s23] =	ssyncadd.s32 $0xFFFFFFFF  }
0xa5: {  	s26 =	simm.s32 $execute0_lowered;
	[smem:$0x3FD2] =	sst s25  }
0xa6: {  	s5 =	sshll.u32 s26, $0x1;
	_ =	strace $0x80000046;
	[dreg:$0x1] =	wrdreg $0xFFFFFFFF  }
0xa7: {  	s28 =	simm.s32 $_size_execute0_lowered;
	s3 =	sadd.s32 s3, s5;
	[dreg:$0x0] =	wrdreg $0x0  }
0xa8: {  	s5 =	sshll.u32 s28, $0x1;
	[dreg:$0x2] =	wrdreg s3  }
0xa9: {  	[dreg:$0x3] =	wrdreg s5  }
0xaa: {  	[dreg:$0x4] =	wrdreg $0xC0  }
0xab: {  	_ =	task [dreg:s7], $0x5FFFF  }
0xac: {  	[dreg:$0x1] =	wrdreg $0xFFFFFFFF  }
0xad: {  	[dreg:$0x0] =	wrdreg $0x60  }
0xae: {  	[dreg:$0x2] =	wrdreg s2  }
0xaf: {  	[dreg:$0x3] =	wrdreg s24  }
0xb0: {  	[dreg:$0x4] =	wrdreg $0x9  }
0xb1: {  	_ =	task.clear_ibuf [dreg:s7], $0x5FFFF;
	_ =	strace $0x90000046  }
0xb2: {  	s29 =	simm.s32 $0x9;
	_ =	strace $0x80000048  }
0xb3: {  	_ =	swait.ge [sflag:s29], $0x1  }
0xb4: {  	[sflag:s29] =	ssyncadd.s32 $0xFFFFFFFF  }
0xb5: {  	_ =	strace $0x90000048  }
0xb6: {  	_ =	sfence  }
0xb7: {  	s30 =	sld [smem:$0x0];
	_ =	sdelay $0x2  }
0xb8: {  	s31 =	sshll.u32 s1, $0xD;
	s1 =	sshrl.u32 s1, $0x2  }
0xb9: {  	s3 =	sand.u32 $0x4000, s31;
	s1 =	sadd.s32 s1, s30  }
0xba: {  	s0 =	sor.u32 s3, s0;
	s1 =	sshll.u32 s1, $0x11  }
0xbb: {  	s0 =	sor.u32 s1, s0  }
0xbc: {  	s0 =	sadd.s32 $0x8F2B, s0  }
0xbd: {  	[sflag:s0] =	ssyncadd.remote.s32 $0x1  }
0xbe: {  	_ =	sfence.sel $0xFFFF  }
0xbf: {  	[dreg:$0x0] =	wrdreg $0xFFFFFFFF;
	(pc) =	sbr.abs _section_cstart, $3  }
0xc0: {  	[dreg:$0x1] =	wrdreg $0xFFFFFFFF  }
0xc1: {  	_ =	task.clear_ibuf [dreg:s7], $0x2FFFF;
	_ =	strace $0x9FFFFFFF  }
0xc2: {  	(tm) =	ssettm $0x7FFFFFFF  }
0xc3: {  	_ =	shalt  }
tec
execute0_lowered:
.L_overlay_start_1:
0x0: {  	(tag) =	ssettag $0x1  }
0x1: {  	s2 =	rddreg [dreg:$0x0];
	s0 =	srdreg.scid  }
0x2: {  	s3 =	stileid.u32;
	s1 =	rddreg [dreg:$0x1];
	s28 =	simm.s32 $0x9480  }
0x3: {  	s29 =	simm.s32 $0x9C80;
	s30 =	simm.s32 $0xA480;
	s31 =	simm.s32 $0xAC80  }
0x4: {  	s8 =	simm.s32 $0xCC80;
	s9 =	simm.s32 $0x2;
	s10 =	simm.s32 $0x4  }
0x5: {  	s11 =	simm.s32 $0xEC80;
	s0 =	sand.u32 $0x1, s0;
	s4 =	sshll.u32 s3, $0x1  }
0x6: {  	s13 =	simm.s32 $0x0;
	s3 =	simm.s32 $0x0;
	s4 =	sor.u32 s0, s4  }
0x7: {  	[smem:$0x7FF] =	sst s3;
	s0 =	ssub.s32 $0x2, s0;
	s5 =	smul.u32 $0xC0, s4  }
0x8: {  	_ =	strace $0x80000047;
	s4 =	sshll.u32 s4, $0xF;
	s6 =	sshrl.u32 s0, $0x1  }
0x9: {  	s0 =	ssub.s32 s0, s6;
	s6 =	sadd.s32 $0x100, s2;
	s5 =	sadd.s32 s5, s1  }
0xa: {  	s1 =	sadd.s32 s4, s1;
	s0 =	smax.u32 s0, $0x1;
	s4 =	simm.s32 $0xC480  }
0xb: {  	v2 =	vlaneseq.u32;
	s25 =	sadd.s32 $0x3000, s5;
	s26 =	sadd.s32 $0x4800, s5;
	[dreg:$0x5] =	wrdreg s0  }
0xc: {  	vm0 =	vmmov $0xffff;
	v1 =	vshrl.u32 v2, $0x3;
	s7 =	sadd.s32 $0x6000, s1;
	s1 =	simm.s32 $0xB480;
	[dreg:$0x3] =	wrdreg s25  }
0xd: {  	v0 =	vand.u32 $0x7, v2;
	v2 =	vor.u32 $0x8, v2;
	v1 =	vmul.u32 $0x8, v1;
	s0 =	simm.s32 $0xBC80;
	s5 =	simm.s32 $0x1;
	[dreg:$0x4] =	wrdreg s26  }
.LBB2_1:
0xe: {  	[dreg:$0x6] =	wrdreg s13  }
0xf: {  	s12 =	rddreg [dreg:$0x3];
	s14 =	simm.s32 $0x5  }
0x10: {  	[tilespmem:s3], [sflag:$0x5] =	stream.linear.gather [hbm4b:s12+s3], $0x600, $0x38;
	[tilespmem:$0x10C80] =	vst v63  }
0x11: {  	_ =	swait.ge [sflag:s14], $0x600  }
0x12: {  	[sflag:s14] =	ssyncset.done $0x0  }
0x13: {  	s12 =	simm.s32 $0x600;
	s26 =	rddreg [dreg:$0x4];
	[sflag:s14] =	ssyncadd.s32 $0xFFFFFA00  }
0x14: {  	[tilespmem:s12], [sflag:$0x5] =	stream.linear.gather [hbm4b:s26+s3], $0x600, $0x38;
	[tilespmem:$0x10C80] =	vst v63  }
0x15: {  	_ =	swait.ge [sflag:s14], $0x600  }
0x16: {  	[sflag:s14] =	ssyncset.done $0x0  }
0x17: {  	[sflag:s14] =	ssyncadd.s32 $0xFFFFFA00  }
0x18: {  	v3 =	vld [tilespmem:$0x0];
	_ =	sdelay $0x4  }
0x19: {  	v4 =	vshll.u32 v3, $0x2  }
0x1a: {  	v3 =	vand.u32 $0x7, v3;
	v4 =	vand.u32 $0xFFFFFFE0, v4  }
0x1b: {  	v3 =	vor.u32 v3, v4  }
0x1c: {  	v4 =	vperm.xlane v3, v0;
	_ =	sdelay $0x1  }
0x1d: {  	v4 =	vadd.s32 v1, v4;
	_ =	sdelay $0x1  }
0x1e: {  	v3 =	vperm.xlane v3, v2;
	_ =	sdelay $0x1  }
0x1f: {  	s15 =	simm.s32 $0xC80;
	v3 =	vadd.s32 v1, v3  }
0x20: {  	[tilespmem:s15], [sflag:$0x1] =	stream.indirect_vreg.gather [hbm4b:s2+s3], $0x80, v4, vm0, $0xb8;
	[tilespmem:$0x10C80] =	vst v63  }
0x21: {  	s16 =	simm.s32 $0x1480  }
0x22: {  	[tilespmem:s16], [sflag:$0x1] =	stream.indirect_vreg.gather [hbm4b:s6+s3], $0x80, v4, vm0, $0xb8;
	[tilespmem:$0x10C80] =	vst v63  }
0x23: {  	s17 =	simm.s32 $0x1C80  }
0x24: {  	[tilespmem:s17], [sflag:$0x1] =	stream.indirect_vreg.gather [hbm4b:s2+s3], $0x80, v3, vm0, $0xb8;
	[tilespmem:$0x10C80] =	vst v63  }
0x25: {  	s18 =	simm.s32 $0x2480  }
0x26: {  	[tilespmem:s18], [sflag:$0x1] =	stream.indirect_vreg.gather [hbm4b:s6+s3], $0x80, v3, vm0, $0xb8;
	[tilespmem:$0x10C80] =	vst v63  }
0x27: {  	v3 =	vld [tilespmem:$0x10];
	_ =	sdelay $0x4  }
0x28: {  	v62 =	vshll.u32 v3, $0x2  }
0x29: {  	v3 =	vand.u32 $0x7, v3;
	v4 =	vand.u32 $0xFFFFFFE0, v62  }
0x2a: {  	v3 =	vor.u32 v3, v4  }
0x2b: {  	v4 =	vperm.xlane v3, v0;
	_ =	sdelay $0x1  }
0x2c: {  	v4 =	vadd.s32 v1, v4;
	_ =	sdelay $0x1  }
0x2d: {  	v3 =	vperm.xlane v3, v2;
	_ =	sdelay $0x1  }
0x2e: {  	s19 =	simm.s32 $0x2C80;
	v3 =	vadd.s32 v1, v3  }
0x2f: {  	[tilespmem:s19], [sflag:$0x1] =	stream.indirect_vreg.gather [hbm4b:s2+s3], $0x80, v4, vm0, $0xb8;
	[tilespmem:$0x10C80] =	vst v63  }
0x30: {  	s20 =	simm.s32 $0x3480  }
0x31: {  	[tilespmem:s20], [sflag:$0x1] =	stream.indirect_vreg.gather [hbm4b:s6+s3], $0x80, v4, vm0, $0xb8;
	[tilespmem:$0x10C80] =	vst v63  }
0x32: {  	s21 =	simm.s32 $0x3C80  }
0x33: {  	[tilespmem:s21], [sflag:$0x1] =	stream.indirect_vreg.gather [hbm4b:s2+s3], $0x80, v3, vm0, $0xb8;
	[tilespmem:$0x10C80] =	vst v63  }
0x34: {  	s22 =	simm.s32 $0x4480  }
0x35: {  	[tilespmem:s22], [sflag:$0x1] =	stream.indirect_vreg.gather [hbm4b:s6+s3], $0x80, v3, vm0, $0xb8;
	[tilespmem:$0x10C80] =	vst v63  }
0x36: {  	v3 =	vld [tilespmem:$0x20];
	_ =	sdelay $0x4  }
0x37: {  	v63 =	vshll.u32 v3, $0x2  }
0x38: {  	v3 =	vand.u32 $0x7, v3;
	v4 =	vand.u32 $0xFFFFFFE0, v63  }
0x39: {  	v3 =	vor.u32 v3, v4  }
0x3a: {  	v4 =	vperm.xlane v3, v0;
	_ =	sdelay $0x1  }
0x3b: {  	v4 =	vadd.s32 v1, v4;
	_ =	sdelay $0x1  }
0x3c: {  	v3 =	vperm.xlane v3, v2;
	_ =	sdelay $0x1  }
0x3d: {  	s23 =	simm.s32 $0x4C80;
	v3 =	vadd.s32 v1, v3  }
0x3e: {  	[tilespmem:s23], [sflag:$0x1] =	stream.indirect_vreg.gather [hbm4b:s2+s3], $0x80, v4, vm0, $0xb8;
	[tilespmem:$0x10C80] =	vst v63  }
0x3f: {  	s24 =	simm.s32 $0x5480  }
0x40: {  	[tilespmem:s24], [sflag:$0x1] =	stream.indirect_vreg.gather [hbm4b:s6+s3], $0x80, v4, vm0, $0xb8;
	[tilespmem:$0x10C80] =	vst v63  }
0x41: {  	s25 =	simm.s32 $0x5C80  }
0x42: {  	[tilespmem:s25], [sflag:$0x1] =	stream.indirect_vreg.gather [hbm4b:s2+s3], $0x80, v3, vm0, $0xb8;
	[tilespmem:$0x10C80] =	vst v63  }
0x43: {  	s26 =	simm.s32 $0x6480;
	s14 =	simm.s32 $0x0;
	s17 =	simm.s32 $0x630  }
0x44: {  	[tilespmem:s26], [sflag:$0x1] =	stream.indirect_vreg.gather [hbm4b:s6+s3], $0x80, v3, vm0, $0xb8;
	[tilespmem:$0x10C80] =	vst v63  }
.LBB2_2:
0x45: {  	s15 =	sshllo.u32 s14, $0x1  }
0x46: {  	s13 =	smul.u32 $0xC0, s15;
	_ =	sdelay $0x1  }
0x47: {  	s13 =	sshra.s32 s13, $0x2  }
0x48: {  	v3 =	vld [tilespmem:s13+$0x0];
	_ =	sdelay $0x4  }
0x49: {  	v4 =	vshll.u32 v3, $0x2  }
0x4a: {  	v3 =	vand.u32 $0x7, v3;
	v4 =	vand.u32 $0xFFFFFFE0, v4  }
0x4b: {  	v3 =	vor.u32 v3, v4  }
0x4c: {  	v4 =	vperm.xlane v3, v0;
	_ =	sdelay $0x1  }
0x4d: {  	v4 =	vadd.s32 v1, v4;
	_ =	sdelay $0x1  }
0x4e: {  	v3 =	vperm.xlane v3, v2;
	_ =	sdelay $0x1  }
0x4f: {  	s16 =	simm.s32 $0x6C80;
	v3 =	vadd.s32 v1, v3  }
0x50: {  	[tilespmem:s16], [sflag:$0x2] =	stream.indirect_vreg.gather [hbm4b:s2+s3], $0x80, v4, vm0, $0xb8;
	[tilespmem:$0x10C80] =	vst v63  }
0x51: {  	s23 =	simm.s32 $0x7480  }
0x52: {  	[tilespmem:s23], [sflag:$0x2] =	stream.indirect_vreg.gather [hbm4b:s6+s3], $0x80, v4, vm0, $0xb8;
	[tilespmem:$0x10C80] =	vst v63  }
0x53: {  	s24 =	simm.s32 $0x7C80  }
0x54: {  	[tilespmem:s24], [sflag:$0x2] =	stream.indirect_vreg.gather [hbm4b:s2+s3], $0x80, v3, vm0, $0xb8;
	[tilespmem:$0x10C80] =	vst v63  }
0x55: {  	s25 =	simm.s32 $0x8480  }
0x56: {  	[tilespmem:s25], [sflag:$0x2] =	stream.indirect_vreg.gather [hbm4b:s6+s3], $0x80, v3, vm0, $0xb8;
	[tilespmem:$0x10C80] =	vst v63  }
0x57: {  	v3 =	vld [tilespmem:s13+$0x10];
	_ =	sdelay $0x4  }
0x58: {  	v62 =	vshll.u32 v3, $0x2  }
0x59: {  	v3 =	vand.u32 $0x7, v3;
	v4 =	vand.u32 $0xFFFFFFE0, v62  }
0x5a: {  	v3 =	vor.u32 v3, v4  }
0x5b: {  	v4 =	vperm.xlane v3, v0;
	_ =	sdelay $0x1  }
0x5c: {  	v4 =	vadd.s32 v1, v4;
	_ =	sdelay $0x1  }
0x5d: {  	v3 =	vperm.xlane v3, v2;
	_ =	sdelay $0x1  }
0x5e: {  	s26 =	simm.s32 $0x8C80;
	v3 =	vadd.s32 v1, v3  }
0x5f: {  	[tilespmem:s26], [sflag:$0x2] =	stream.indirect_vreg.gather [hbm4b:s2+s3], $0x80, v4, vm0, $0xb8;
	[tilespmem:$0x10C80] =	vst v63  }
0x60: {  	_ = 	snop  }
0x61: {  	[tilespmem:s28], [sflag:$0x2] =	stream.indirect_vreg.gather [hbm4b:s6+s3], $0x80, v4, vm0, $0xb8;
	[tilespmem:$0x10C80] =	vst v63  }
0x62: {  	_ = 	snop  }
0x63: {  	[tilespmem:s29], [sflag:$0x2] =	stream.indirect_vreg.gather [hbm4b:s2+s3], $0x80, v3, vm0, $0xb8;
	[tilespmem:$0x10C80] =	vst v63  }
0x64: {  	_ = 	snop  }
0x65: {  	[tilespmem:s30], [sflag:$0x2] =	stream.indirect_vreg.gather [hbm4b:s6+s3], $0x80, v3, vm0, $0xb8;
	[tilespmem:$0x10C80] =	vst v63  }
0x66: {  	v3 =	vld [tilespmem:s13+$0x20];
	_ =	sdelay $0x4  }
0x67: {  	v63 =	vshll.u32 v3, $0x2  }
0x68: {  	v3 =	vand.u32 $0x7, v3;
	v4 =	vand.u32 $0xFFFFFFE0, v63  }
0x69: {  	v3 =	vor.u32 v3, v4  }
0x6a: {  	v4 =	vperm.xlane v3, v0;
	_ =	sdelay $0x1  }
0x6b: {  	v4 =	vadd.s32 v1, v4;
	_ =	sdelay $0x1  }
0x6c: {  	v3 =	vperm.xlane v3, v2;
	_ =	sdelay $0x1  }
0x6d: {  	v3 =	vadd.s32 v1, v3  }
0x6e: {  	[tilespmem:s31], [sflag:$0x2] =	stream.indirect_vreg.gather [hbm4b:s2+s3], $0x80, v4, vm0, $0xb8;
	[tilespmem:$0x10C80] =	vst v63  }
0x6f: {  	_ = 	snop  }
0x70: {  	[tilespmem:s1], [sflag:$0x2] =	stream.indirect_vreg.gather [hbm4b:s6+s3], $0x80, v4, vm0, $0xb8;
	[tilespmem:$0x10C80] =	vst v63  }
0x71: {  	_ = 	snop  }
0x72: {  	[tilespmem:s0], [sflag:$0x2] =	stream.indirect_vreg.gather [hbm4b:s2+s3], $0x80, v3, vm0, $0xb8;
	[tilespmem:$0x10C80] =	vst v63  }
0x73: {  	_ = 	snop  }
0x74: {  	[tilespmem:s4], [sflag:$0x2] =	stream.indirect_vreg.gather [hbm4b:s6+s3], $0x80, v3, vm0, $0xb8;
	[tilespmem:$0x10C80] =	vst v63  }
0x75: {  	_ =	swait.ge [sflag:s5], $0x6000  }
0x76: {  	p0 =	seq.s32 s14, $0x0;
	[sflag:s5] =	ssyncset.done $0x0  }
0x77: {  	s13 =	simm.s32 @!p0 $0x3;
	[sflag:s5] =	ssyncadd.s32 $0xFFFFA000  }
0x78: {  	s18 =	smov.u32 s12;
	s19 =	simm.s32 $0x0;
	_ =	swait.ge @!p0 [sflag:s13], $0x2000  }
0x79: {  	s20 =	simm.s32 $0x0;
	s21 =	simm.s32 $0x0;
	[sflag:s13] =	ssyncset.done @!p0 $0x0  }
0x7a: {  	s16 =	smul.u32 $0x180, s14;
	[sflag:s13] =	ssyncadd.s32 @!p0 $0xFFFFE000;
	s13 =	simm.s32 $0x0  }
.LBB2_3:
0x7b: {  	s22 =	sand.u32 $0x7000, s13  }
0x7c: {  	s23 =	sand.u32 $0x380, s21;
	s24 =	sadd.s32 $0x200, s13;
	s25 =	sadd.s32 $0x80, s21  }
0x7d: {  	v5 =	vld [tilespmem:s18+$0x0];
	s22 =	sor.u32 s23, s22;
	s24 =	sand.u32 $0xF000, s24;
	s26 =	sand.u32 $0x380, s25  }
0x7e: {  	s25 =	sadd.s32 $0x400, s13;
	v6 =	vld [tilespmem:s22+$0xC80];
	s23 =	sor.u32 s26, s24;
	s26 =	sadd.s32 $0x100, s21  }
0x7f: {  	s24 =	sand.u32 $0xF000, s25;
	v7 =	vld [tilespmem:s23+$0xC80];
	s25 =	sand.u32 $0x380, s26  }
0x80: {  	s24 =	sor.u32 s25, s24  }
0x81: {  	v8 =	vld [tilespmem:s24+$0xC80]  }
0x82: {  	v3 =	vbroadcast v5, $0x0;
	v4 =	vbroadcast v5, $0x1  }
0x83: {  	v5 =	vbroadcast v5, $0x2  }
0x84: {  	v6 =	vmul.f32 v3, v6;
	v7 =	vmul.f32 v7, v4;
	_ =	sdelay $0x1  }
0x85: {  	v6 =	vadd.f32 v7, v6;
	v22 =	vmul.f32 v8, v5;
	_ =	sdelay $0x1  }
0x86: {  	s26 =	sand.u32 $0x380, s20;
	s25 =	sand.u32 $0x1000, s19;
	v6 =	vadd.f32 v22, v6  }
0x87: {  	s25 =	sor.u32 s26, s25  }
0x88: {  	[tilespmem:s25+$0xCC80] =	vst v6  }
0x89: {  	v6 =	vld [tilespmem:s22+$0xC90]  }
0x8a: {  	v23 =	vld [tilespmem:s23+$0xC90];
	_ =	sdelay $0x1  }
0x8b: {  	v24 =	vld [tilespmem:s24+$0xC90];
	_ =	sdelay $0x2  }
0x8c: {  	v6 =	vmul.f32 v6, v3;
	v7 =	vmul.f32 v23, v4;
	_ =	sdelay $0x1  }
0x8d: {  	v25 =	vmul.f32 v24, v5;
	v6 =	vadd.f32 v7, v6;
	_ =	sdelay $0x1  }
0x8e: {  	v6 =	vadd.f32 v25, v6;
	_ =	sdelay $0x1  }
0x8f: {  	[tilespmem:s25+$0xCC90] =	vst v6  }
0x90: {  	v6 =	vld [tilespmem:s22+$0xCA0]  }
0x91: {  	v26 =	vld [tilespmem:s23+$0xCA0];
	_ =	sdelay $0x1  }
0x92: {  	v27 =	vld [tilespmem:s24+$0xCA0];
	_ =	sdelay $0x2  }
0x93: {  	v6 =	vmul.f32 v6, v3;
	v7 =	vmul.f32 v26, v4;
	_ =	sdelay $0x1  }
0x94: {  	v28 =	vmul.f32 v27, v5;
	v6 =	vadd.f32 v7, v6;
	_ =	sdelay $0x1  }
0x95: {  	v6 =	vadd.f32 v28, v6;
	_ =	sdelay $0x1  }
0x96: {  	[tilespmem:s25+$0xCCA0] =	vst v6  }
0x97: {  	v6 =	vld [tilespmem:s22+$0xCB0]  }
0x98: {  	v29 =	vld [tilespmem:s23+$0xCB0];
	_ =	sdelay $0x1  }
0x99: {  	v30 =	vld [tilespmem:s24+$0xCB0];
	_ =	sdelay $0x2  }
0x9a: {  	v6 =	vmul.f32 v6, v3;
	v7 =	vmul.f32 v29, v4;
	_ =	sdelay $0x1  }
0x9b: {  	v31 =	vmul.f32 v30, v5;
	v6 =	vadd.f32 v7, v6;
	_ =	sdelay $0x1  }
0x9c: {  	v6 =	vadd.f32 v31, v6;
	_ =	sdelay $0x1  }
0x9d: {  	[tilespmem:s25+$0xCCB0] =	vst v6  }
0x9e: {  	v6 =	vld [tilespmem:s22+$0xCC0]  }
0x9f: {  	v32 =	vld [tilespmem:s23+$0xCC0];
	_ =	sdelay $0x1  }
0xa0: {  	v33 =	vld [tilespmem:s24+$0xCC0];
	_ =	sdelay $0x2  }
0xa1: {  	v6 =	vmul.f32 v6, v3;
	v7 =	vmul.f32 v32, v4;
	_ =	sdelay $0x1  }
0xa2: {  	v34 =	vmul.f32 v33, v5;
	v6 =	vadd.f32 v7, v6;
	_ =	sdelay $0x1  }
0xa3: {  	v6 =	vadd.f32 v34, v6;
	_ =	sdelay $0x1  }
0xa4: {  	[tilespmem:s25+$0xCCC0] =	vst v6  }
0xa5: {  	v6 =	vld [tilespmem:s22+$0xCD0]  }
0xa6: {  	v35 =	vld [tilespmem:s23+$0xCD0];
	_ =	sdelay $0x1  }
0xa7: {  	v36 =	vld [tilespmem:s24+$0xCD0];
	_ =	sdelay $0x2  }
0xa8: {  	v6 =	vmul.f32 v6, v3;
	v7 =	vmul.f32 v35, v4;
	_ =	sdelay $0x1  }
0xa9: {  	v37 =	vmul.f32 v36, v5;
	v6 =	vadd.f32 v7, v6;
	_ =	sdelay $0x1  }
0xaa: {  	v6 =	vadd.f32 v37, v6;
	_ =	sdelay $0x1  }
0xab: {  	[tilespmem:s25+$0xCCD0] =	vst v6  }
0xac: {  	v6 =	vld [tilespmem:s22+$0xCE0]  }
0xad: {  	v38 =	vld [tilespmem:s23+$0xCE0];
	_ =	sdelay $0x1  }
0xae: {  	v39 =	vld [tilespmem:s24+$0xCE0];
	_ =	sdelay $0x2  }
0xaf: {  	v6 =	vmul.f32 v6, v3;
	v7 =	vmul.f32 v38, v4;
	_ =	sdelay $0x1  }
0xb0: {  	v40 =	vmul.f32 v39, v5;
	v6 =	vadd.f32 v7, v6;
	_ =	sdelay $0x1  }
0xb1: {  	v6 =	vadd.f32 v40, v6;
	_ =	sdelay $0x1  }
0xb2: {  	[tilespmem:s25+$0xCCE0] =	vst v6  }
0xb3: {  	v6 =	vld [tilespmem:s22+$0xCF0]  }
0xb4: {  	v41 =	vld [tilespmem:s23+$0xCF0];
	_ =	sdelay $0x1  }
0xb5: {  	v42 =	vld [tilespmem:s24+$0xCF0];
	_ =	sdelay $0x2  }
0xb6: {  	v6 =	vmul.f32 v6, v3;
	v7 =	vmul.f32 v41, v4;
	_ =	sdelay $0x1  }
0xb7: {  	v43 =	vmul.f32 v42, v5;
	v6 =	vadd.f32 v7, v6;
	_ =	sdelay $0x1  }
0xb8: {  	v6 =	vadd.f32 v43, v6;
	_ =	sdelay $0x1  }
0xb9: {  	[tilespmem:s25+$0xCCF0] =	vst v6  }
0xba: {  	v6 =	vld [tilespmem:s22+$0x1080]  }
0xbb: {  	v44 =	vld [tilespmem:s23+$0x1080];
	_ =	sdelay $0x1  }
0xbc: {  	v45 =	vld [tilespmem:s24+$0x1080];
	_ =	sdelay $0x2  }
0xbd: {  	v6 =	vmul.f32 v6, v3;
	v7 =	vmul.f32 v44, v4;
	_ =	sdelay $0x1  }
0xbe: {  	v46 =	vmul.f32 v45, v5;
	v6 =	vadd.f32 v7, v6;
	_ =	sdelay $0x1  }
0xbf: {  	v6 =	vadd.f32 v46, v6;
	_ =	sdelay $0x1  }
0xc0: {  	[tilespmem:s25+$0xD080] =	vst v6  }
0xc1: {  	v6 =	vld [tilespmem:s22+$0x1090]  }
0xc2: {  	v47 =	vld [tilespmem:s23+$0x1090];
	_ =	sdelay $0x1  }
0xc3: {  	v48 =	vld [tilespmem:s24+$0x1090];
	_ =	sdelay $0x2  }
0xc4: {  	v6 =	vmul.f32 v6, v3;
	v7 =	vmul.f32 v47, v4;
	_ =	sdelay $0x1  }
0xc5: {  	v49 =	vmul.f32 v48, v5;
	v6 =	vadd.f32 v7, v6;
	_ =	sdelay $0x1  }
0xc6: {  	v6 =	vadd.f32 v49, v6;
	_ =	sdelay $0x1  }
0xc7: {  	[tilespmem:s25+$0xD090] =	vst v6  }
0xc8: {  	v6 =	vld [tilespmem:s22+$0x10A0]  }
0xc9: {  	v50 =	vld [tilespmem:s23+$0x10A0];
	_ =	sdelay $0x1  }
0xca: {  	v51 =	vld [tilespmem:s24+$0x10A0];
	_ =	sdelay $0x2  }
0xcb: {  	v6 =	vmul.f32 v6, v3;
	v7 =	vmul.f32 v50, v4;
	_ =	sdelay $0x1  }
0xcc: {  	v52 =	vmul.f32 v51, v5;
	v6 =	vadd.f32 v7, v6;
	_ =	sdelay $0x1  }
0xcd: {  	v6 =	vadd.f32 v52, v6;
	_ =	sdelay $0x1  }
0xce: {  	[tilespmem:s25+$0xD0A0] =	vst v6  }
0xcf: {  	v6 =	vld [tilespmem:s22+$0x10B0]  }
0xd0: {  	v53 =	vld [tilespmem:s23+$0x10B0];
	_ =	sdelay $0x1  }
0xd1: {  	v54 =	vld [tilespmem:s24+$0x10B0];
	_ =	sdelay $0x2  }
0xd2: {  	v6 =	vmul.f32 v6, v3;
	v7 =	vmul.f32 v53, v4;
	_ =	sdelay $0x1  }
0xd3: {  	v55 =	vmul.f32 v54, v5;
	v6 =	vadd.f32 v7, v6;
	_ =	sdelay $0x1  }
0xd4: {  	v6 =	vadd.f32 v55, v6;
	_ =	sdelay $0x1  }
0xd5: {  	[tilespmem:s25+$0xD0B0] =	vst v6  }
0xd6: {  	v6 =	vld [tilespmem:s22+$0x10C0]  }
0xd7: {  	v56 =	vld [tilespmem:s23+$0x10C0];
	_ =	sdelay $0x1  }
0xd8: {  	v57 =	vld [tilespmem:s24+$0x10C0];
	_ =	sdelay $0x2  }
0xd9: {  	v6 =	vmul.f32 v6, v3;
	v7 =	vmul.f32 v56, v4;
	_ =	sdelay $0x1  }
0xda: {  	v58 =	vmul.f32 v57, v5;
	v6 =	vadd.f32 v7, v6;
	_ =	sdelay $0x1  }
0xdb: {  	v6 =	vadd.f32 v58, v6;
	_ =	sdelay $0x1  }
0xdc: {  	[tilespmem:s25+$0xD0C0] =	vst v6  }
0xdd: {  	v6 =	vld [tilespmem:s22+$0x10D0]  }
0xde: {  	v59 =	vld [tilespmem:s23+$0x10D0];
	_ =	sdelay $0x1  }
0xdf: {  	v60 =	vld [tilespmem:s24+$0x10D0];
	_ =	sdelay $0x2  }
0xe0: {  	v6 =	vmul.f32 v6, v3;
	v7 =	vmul.f32 v59, v4;
	_ =	sdelay $0x1  }
0xe1: {  	v61 =	vmul.f32 v60, v5;
	v6 =	vadd.f32 v7, v6;
	_ =	sdelay $0x1  }
0xe2: {  	v6 =	vadd.f32 v61, v6;
	_ =	sdelay $0x1  }
0xe3: {  	[tilespmem:s25+$0xD0D0] =	vst v6  }
0xe4: {  	v6 =	vld [tilespmem:s22+$0x10E0]  }
0xe5: {  	v62 =	vld [tilespmem:s23+$0x10E0];
	_ =	sdelay $0x1  }
0xe6: {  	v63 =	vld [tilespmem:s24+$0x10E0];
	_ =	sdelay $0x2  }
0xe7: {  	v6 =	vmul.f32 v6, v3;
	v7 =	vmul.f32 v62, v4;
	_ =	sdelay $0x1  }
0xe8: {  	v12 =	vmul.f32 v63, v5;
	v6 =	vadd.f32 v7, v6;
	_ =	sdelay $0x1  }
0xe9: {  	v6 =	vadd.f32 v12, v6;
	_ =	sdelay $0x1  }
0xea: {  	[tilespmem:s25+$0xD0E0] =	vst v6  }
0xeb: {  	v6 =	vld [tilespmem:s22+$0x10F0]  }
0xec: {  	v13 =	vld [tilespmem:s23+$0x10F0];
	_ =	sdelay $0x1  }
0xed: {  	v14 =	vld [tilespmem:s24+$0x10F0];
	_ =	sdelay $0x2  }
0xee: {  	v6 =	vmul.f32 v6, v3;
	v7 =	vmul.f32 v13, v4;
	_ =	sdelay $0x1  }
0xef: {  	v15 =	vmul.f32 v14, v5;
	v6 =	vadd.f32 v7, v6;
	_ =	sdelay $0x1  }
0xf0: {  	v6 =	vadd.f32 v15, v6;
	_ =	sdelay $0x1  }
0xf1: {  	[tilespmem:s25+$0xD0F0] =	vst v6  }
0xf2: {  	v6 =	vld [tilespmem:s22+$0x1480]  }
0xf3: {  	v16 =	vld [tilespmem:s23+$0x1480];
	_ =	sdelay $0x1  }
0xf4: {  	v17 =	vld [tilespmem:s24+$0x1480];
	_ =	sdelay $0x2  }
0xf5: {  	v6 =	vmul.f32 v6, v3;
	v7 =	vmul.f32 v16, v4;
	_ =	sdelay $0x1  }
0xf6: {  	v18 =	vmul.f32 v17, v5;
	v6 =	vadd.f32 v7, v6;
	_ =	sdelay $0x1  }
0xf7: {  	v6 =	vadd.f32 v18, v6;
	_ =	sdelay $0x1  }
0xf8: {  	[tilespmem:s25+$0xD480] =	vst v6  }
0xf9: {  	v6 =	vld [tilespmem:s22+$0x1490]  }
0xfa: {  	v19 =	vld [tilespmem:s23+$0x1490];
	_ =	sdelay $0x1  }
0xfb: {  	v20 =	vld [tilespmem:s24+$0x1490];
	_ =	sdelay $0x2  }
0xfc: {  	v6 =	vmul.f32 v6, v3;
	v7 =	vmul.f32 v19, v4;
	_ =	sdelay $0x1  }
0xfd: {  	v21 =	vmul.f32 v20, v5;
	v6 =	vadd.f32 v7, v6;
	_ =	sdelay $0x1  }
0xfe: {  	v6 =	vadd.f32 v21, v6;
	_ =	sdelay $0x1  }
0xff: {  	[tilespmem:s25+$0xD490] =	vst v6  }
0x100: {  	v6 =	vld [tilespmem:s22+$0x14A0]  }
0x101: {  	v22 =	vld [tilespmem:s23+$0x14A0];
	_ =	sdelay $0x1  }
0x102: {  	v23 =	vld [tilespmem:s24+$0x14A0];
	_ =	sdelay $0x2  }
0x103: {  	v6 =	vmul.f32 v6, v3;
	v7 =	vmul.f32 v22, v4;
	_ =	sdelay $0x1  }
0x104: {  	v24 =	vmul.f32 v23, v5;
	v6 =	vadd.f32 v7, v6;
	_ =	sdelay $0x1  }
0x105: {  	v6 =	vadd.f32 v24, v6;
	_ =	sdelay $0x1  }
0x106: {  	[tilespmem:s25+$0xD4A0] =	vst v6  }
0x107: {  	v6 =	vld [tilespmem:s22+$0x14B0]  }
0x108: {  	v25 =	vld [tilespmem:s23+$0x14B0];
	_ =	sdelay $0x1  }
0x109: {  	v26 =	vld [tilespmem:s24+$0x14B0];
	_ =	sdelay $0x2  }
0x10a: {  	v6 =	vmul.f32 v6, v3;
	v7 =	vmul.f32 v25, v4;
	_ =	sdelay $0x1  }
0x10b: {  	v27 =	vmul.f32 v26, v5;
	v6 =	vadd.f32 v7, v6;
	_ =	sdelay $0x1  }
0x10c: {  	v6 =	vadd.f32 v27, v6;
	_ =	sdelay $0x1  }
0x10d: {  	[tilespmem:s25+$0xD4B0] =	vst v6  }
0x10e: {  	v6 =	vld [tilespmem:s22+$0x14C0]  }
0x10f: {  	v28 =	vld [tilespmem:s23+$0x14C0];
	_ =	sdelay $0x1  }
0x110: {  	v29 =	vld [tilespmem:s24+$0x14C0];
	_ =	sdelay $0x2  }
0x111: {  	v6 =	vmul.f32 v6, v3;
	v7 =	vmul.f32 v28, v4;
	_ =	sdelay $0x1  }
0x112: {  	v30 =	vmul.f32 v29, v5;
	v6 =	vadd.f32 v7, v6;
	_ =	sdelay $0x1  }
0x113: {  	v6 =	vadd.f32 v30, v6;
	_ =	sdelay $0x1  }
0x114: {  	[tilespmem:s25+$0xD4C0] =	vst v6  }
0x115: {  	v6 =	vld [tilespmem:s22+$0x14D0]  }
0x116: {  	v31 =	vld [tilespmem:s23+$0x14D0];
	_ =	sdelay $0x1  }
0x117: {  	v32 =	vld [tilespmem:s24+$0x14D0];
	_ =	sdelay $0x2  }
0x118: {  	v6 =	vmul.f32 v6, v3;
	v7 =	vmul.f32 v31, v4;
	_ =	sdelay $0x1  }
0x119: {  	v33 =	vmul.f32 v32, v5;
	v6 =	vadd.f32 v7, v6;
	_ =	sdelay $0x1  }
0x11a: {  	v6 =	vadd.f32 v33, v6;
	_ =	sdelay $0x1  }
0x11b: {  	[tilespmem:s25+$0xD4D0] =	vst v6  }
0x11c: {  	v6 =	vld [tilespmem:s22+$0x14E0]  }
0x11d: {  	v34 =	vld [tilespmem:s23+$0x14E0];
	_ =	sdelay $0x1  }
0x11e: {  	v35 =	vld [tilespmem:s24+$0x14E0];
	_ =	sdelay $0x2  }
0x11f: {  	v6 =	vmul.f32 v6, v3;
	v7 =	vmul.f32 v34, v4;
	_ =	sdelay $0x1  }
0x120: {  	v36 =	vmul.f32 v35, v5;
	v6 =	vadd.f32 v7, v6;
	_ =	sdelay $0x1  }
0x121: {  	v6 =	vadd.f32 v36, v6;
	_ =	sdelay $0x1  }
0x122: {  	[tilespmem:s25+$0xD4E0] =	vst v6  }
0x123: {  	v6 =	vld [tilespmem:s22+$0x14F0]  }
0x124: {  	v37 =	vld [tilespmem:s23+$0x14F0];
	_ =	sdelay $0x1  }
0x125: {  	v38 =	vld [tilespmem:s24+$0x14F0];
	_ =	sdelay $0x2  }
0x126: {  	v6 =	vmul.f32 v6, v3;
	v7 =	vmul.f32 v37, v4;
	_ =	sdelay $0x1  }
0x127: {  	v39 =	vmul.f32 v38, v5;
	v6 =	vadd.f32 v7, v6;
	_ =	sdelay $0x1  }
0x128: {  	v6 =	vadd.f32 v39, v6;
	_ =	sdelay $0x1  }
0x129: {  	[tilespmem:s25+$0xD4F0] =	vst v6  }
0x12a: {  	v6 =	vld [tilespmem:s22+$0x1880]  }
0x12b: {  	v40 =	vld [tilespmem:s23+$0x1880];
	_ =	sdelay $0x1  }
0x12c: {  	v41 =	vld [tilespmem:s24+$0x1880];
	_ =	sdelay $0x2  }
0x12d: {  	v6 =	vmul.f32 v6, v3;
	v7 =	vmul.f32 v40, v4;
	_ =	sdelay $0x1  }
0x12e: {  	v42 =	vmul.f32 v41, v5;
	v6 =	vadd.f32 v7, v6;
	_ =	sdelay $0x1  }
0x12f: {  	v6 =	vadd.f32 v42, v6;
	_ =	sdelay $0x1  }
0x130: {  	[tilespmem:s25+$0xD880] =	vst v6  }
0x131: {  	v6 =	vld [tilespmem:s22+$0x1890]  }
0x132: {  	v43 =	vld [tilespmem:s23+$0x1890];
	_ =	sdelay $0x1  }
0x133: {  	v44 =	vld [tilespmem:s24+$0x1890];
	_ =	sdelay $0x2  }
0x134: {  	v6 =	vmul.f32 v6, v3;
	v7 =	vmul.f32 v43, v4;
	_ =	sdelay $0x1  }
0x135: {  	v45 =	vmul.f32 v44, v5;
	v6 =	vadd.f32 v7, v6;
	_ =	sdelay $0x1  }
0x136: {  	v6 =	vadd.f32 v45, v6;
	_ =	sdelay $0x1  }
0x137: {  	[tilespmem:s25+$0xD890] =	vst v6  }
0x138: {  	v6 =	vld [tilespmem:s22+$0x18A0]  }
0x139: {  	v46 =	vld [tilespmem:s23+$0x18A0];
	_ =	sdelay $0x1  }
0x13a: {  	v47 =	vld [tilespmem:s24+$0x18A0];
	_ =	sdelay $0x2  }
0x13b: {  	v6 =	vmul.f32 v6, v3;
	v7 =	vmul.f32 v46, v4;
	_ =	sdelay $0x1  }
0x13c: {  	v48 =	vmul.f32 v47, v5;
	v6 =	vadd.f32 v7, v6;
	_ =	sdelay $0x1  }
0x13d: {  	v6 =	vadd.f32 v48, v6;
	_ =	sdelay $0x1  }
0x13e: {  	[tilespmem:s25+$0xD8A0] =	vst v6  }
0x13f: {  	v6 =	vld [tilespmem:s22+$0x18B0]  }
0x140: {  	v49 =	vld [tilespmem:s23+$0x18B0];
	_ =	sdelay $0x1  }
0x141: {  	v50 =	vld [tilespmem:s24+$0x18B0];
	_ =	sdelay $0x2  }
0x142: {  	v6 =	vmul.f32 v6, v3;
	v7 =	vmul.f32 v49, v4;
	_ =	sdelay $0x1  }
0x143: {  	v51 =	vmul.f32 v50, v5;
	v6 =	vadd.f32 v7, v6;
	_ =	sdelay $0x1  }
0x144: {  	v6 =	vadd.f32 v51, v6;
	_ =	sdelay $0x1  }
0x145: {  	[tilespmem:s25+$0xD8B0] =	vst v6  }
0x146: {  	v6 =	vld [tilespmem:s22+$0x18C0]  }
0x147: {  	v52 =	vld [tilespmem:s23+$0x18C0];
	_ =	sdelay $0x1  }
0x148: {  	v53 =	vld [tilespmem:s24+$0x18C0];
	_ =	sdelay $0x2  }
0x149: {  	v6 =	vmul.f32 v6, v3;
	v7 =	vmul.f32 v52, v4;
	_ =	sdelay $0x1  }
0x14a: {  	v54 =	vmul.f32 v53, v5;
	v6 =	vadd.f32 v7, v6;
	_ =	sdelay $0x1  }
0x14b: {  	v6 =	vadd.f32 v54, v6;
	_ =	sdelay $0x1  }
0x14c: {  	[tilespmem:s25+$0xD8C0] =	vst v6  }
0x14d: {  	v6 =	vld [tilespmem:s22+$0x18D0]  }
0x14e: {  	v55 =	vld [tilespmem:s23+$0x18D0];
	_ =	sdelay $0x1  }
0x14f: {  	v56 =	vld [tilespmem:s24+$0x18D0];
	_ =	sdelay $0x2  }
0x150: {  	v6 =	vmul.f32 v6, v3;
	v7 =	vmul.f32 v55, v4;
	_ =	sdelay $0x1  }
0x151: {  	v57 =	vmul.f32 v56, v5;
	v6 =	vadd.f32 v7, v6;
	_ =	sdelay $0x1  }
0x152: {  	v6 =	vadd.f32 v57, v6;
	_ =	sdelay $0x1  }
0x153: {  	[tilespmem:s25+$0xD8D0] =	vst v6  }
0x154: {  	v6 =	vld [tilespmem:s22+$0x18E0]  }
0x155: {  	v58 =	vld [tilespmem:s23+$0x18E0];
	_ =	sdelay $0x1  }
0x156: {  	v59 =	vld [tilespmem:s24+$0x18E0];
	_ =	sdelay $0x2  }
0x157: {  	v6 =	vmul.f32 v6, v3;
	v7 =	vmul.f32 v58, v4;
	_ =	sdelay $0x1  }
0x158: {  	v60 =	vmul.f32 v59, v5;
	v6 =	vadd.f32 v7, v6;
	_ =	sdelay $0x1  }
0x159: {  	v6 =	vadd.f32 v60, v6;
	_ =	sdelay $0x1  }
0x15a: {  	[tilespmem:s25+$0xD8E0] =	vst v6  }
0x15b: {  	v6 =	vld [tilespmem:s22+$0x18F0]  }
0x15c: {  	v61 =	vld [tilespmem:s23+$0x18F0];
	_ =	sdelay $0x1  }
0x15d: {  	v62 =	vld [tilespmem:s24+$0x18F0];
	_ =	sdelay $0x2  }
0x15e: {  	v3 =	vmul.f32 v6, v3;
	v4 =	vmul.f32 v61, v4  }
0x15f: {  	p1 =	sne.s32 s21, $0x1680  }
.Ltmp0:
0x160: {  	v63 =	vmul.f32 v62, v5;
	v3 =	vadd.f32 v4, v3;
	(pc) =	sbr.rel @p1 .LBB2_3-.Ltmp0, $4  }
0x161: {  	_ = 	snop  }
0x162: {  	v3 =	vadd.f32 v63, v3  }
0x163: {  	s18 =	sadd.s32 $0x3, s18;
	s13 =	sadd.s32 $0x600, s13  }
0x164: {  	s21 =	sadd.s32 $0x180, s21;
	s20 =	sadd.s32 $0x80, s20;
	s19 =	sadd.s32 $0x200, s19;
	[tilespmem:s25+$0xD8F0] =	vst v3  }
0x165: {  	p1 =	sne.s32 s14, $0xF  }
.Ltmp1:
0x166: {  	_ = 	snop;
	(pc) =	sbr.rel @p1 .LBB2_6-.Ltmp1, $4  }
0x167: {  	_ = 	snop  }
0x168: {  	s13 =	sshll.u32 s14, $0xB  }
0x169: {  	s13 =	sadd.s32 s13, s7  }
0x16a: {  	[hbm4b:s13+s3] =	stream.linear.scatter [tilespmem:s8], [sflag:$0x3], $0x2000, $0x38;
	[tilespmem:$0x10C80] =	vst v63  }
.Ltmp2:
0x16b: {  	(pc) =	sbr.rel .LBB2_7-.Ltmp2, $4  }
0x16c: {  	_ = 	snop  }
0x16d: {  	_ =	swait.ge [sflag:s9], $0x6000  }
0x16e: {  	[sflag:s9] =	ssyncset.done $0x0  }
0x16f: {  	[sflag:s9] =	ssyncadd.s32 $0xFFFFA000  }
.LBB2_6:
0x170: {  	s13 =	sshra.s32 s16, $0x2  }
0x171: {  	v3 =	vld [tilespmem:s13+$0x60];
	_ =	sdelay $0x4  }
0x172: {  	v4 =	vshll.u32 v3, $0x2  }
0x173: {  	v3 =	vand.u32 $0x7, v3;
	v4 =	vand.u32 $0xFFFFFFE0, v4  }
0x174: {  	v3 =	vor.u32 v3, v4  }
0x175: {  	v4 =	vperm.xlane v3, v0;
	_ =	sdelay $0x1  }
0x176: {  	v4 =	vadd.s32 v1, v4;
	_ =	sdelay $0x1  }
0x177: {  	v3 =	vperm.xlane v3, v2;
	_ =	sdelay $0x1  }
0x178: {  	s24 =	simm.s32 $0xC80;
	v3 =	vadd.s32 v1, v3  }
0x179: {  	[tilespmem:s24], [sflag:$0x1] =	stream.indirect_vreg.gather [hbm4b:s2+s3], $0x80, v4, vm0, $0xb8;
	[tilespmem:$0x10C80] =	vst v63  }
0x17a: {  	s25 =	simm.s32 $0x1480  }
0x17b: {  	[tilespmem:s25], [sflag:$0x1] =	stream.indirect_vreg.gather [hbm4b:s6+s3], $0x80, v4, vm0, $0xb8;
	[tilespmem:$0x10C80] =	vst v63  }
0x17c: {  	s26 =	simm.s32 $0x1C80  }
0x17d: {  	[tilespmem:s26], [sflag:$0x1] =	stream.indirect_vreg.gather [hbm4b:s2+s3], $0x80, v3, vm0, $0xb8;
	[tilespmem:$0x10C80] =	vst v63  }
0x17e: {  	s18 =	simm.s32 $0x2480  }
0x17f: {  	[tilespmem:s18], [sflag:$0x1] =	stream.indirect_vreg.gather [hbm4b:s6+s3], $0x80, v3, vm0, $0xb8;
	[tilespmem:$0x10C80] =	vst v63  }
0x180: {  	v3 =	vld [tilespmem:s13+$0x70];
	_ =	sdelay $0x4  }
0x181: {  	v62 =	vshll.u32 v3, $0x2  }
0x182: {  	v3 =	vand.u32 $0x7, v3;
	v4 =	vand.u32 $0xFFFFFFE0, v62  }
0x183: {  	v3 =	vor.u32 v3, v4  }
0x184: {  	v4 =	vperm.xlane v3, v0;
	_ =	sdelay $0x1  }
0x185: {  	v4 =	vadd.s32 v1, v4;
	_ =	sdelay $0x1  }
0x186: {  	v3 =	vperm.xlane v3, v2;
	_ =	sdelay $0x1  }
0x187: {  	s19 =	simm.s32 $0x2C80;
	v3 =	vadd.s32 v1, v3  }
0x188: {  	[tilespmem:s19], [sflag:$0x1] =	stream.indirect_vreg.gather [hbm4b:s2+s3], $0x80, v4, vm0, $0xb8;
	[tilespmem:$0x10C80] =	vst v63  }
0x189: {  	s20 =	simm.s32 $0x3480  }
0x18a: {  	[tilespmem:s20], [sflag:$0x1] =	stream.indirect_vreg.gather [hbm4b:s6+s3], $0x80, v4, vm0, $0xb8;
	[tilespmem:$0x10C80] =	vst v63  }
0x18b: {  	s21 =	simm.s32 $0x3C80  }
0x18c: {  	[tilespmem:s21], [sflag:$0x1] =	stream.indirect_vreg.gather [hbm4b:s2+s3], $0x80, v3, vm0, $0xb8;
	[tilespmem:$0x10C80] =	vst v63  }
0x18d: {  	s22 =	simm.s32 $0x4480  }
0x18e: {  	[tilespmem:s22], [sflag:$0x1] =	stream.indirect_vreg.gather [hbm4b:s6+s3], $0x80, v3, vm0, $0xb8;
	[tilespmem:$0x10C80] =	vst v63  }
0x18f: {  	v3 =	vld [tilespmem:s13+$0x80];
	_ =	sdelay $0x4  }
0x190: {  	v63 =	vshll.u32 v3, $0x2  }
0x191: {  	v3 =	vand.u32 $0x7, v3;
	v4 =	vand.u32 $0xFFFFFFE0, v63  }
0x192: {  	v3 =	vor.u32 v3, v4  }
0x193: {  	v4 =	vperm.xlane v3, v0;
	_ =	sdelay $0x1  }
0x194: {  	v4 =	vadd.s32 v1, v4;
	_ =	sdelay $0x1  }
0x195: {  	v3 =	vperm.xlane v3, v2;
	_ =	sdelay $0x1  }
0x196: {  	s23 =	simm.s32 $0x4C80;
	v3 =	vadd.s32 v1, v3  }
0x197: {  	[tilespmem:s23], [sflag:$0x1] =	stream.indirect_vreg.gather [hbm4b:s2+s3], $0x80, v4, vm0, $0xb8;
	[tilespmem:$0x10C80] =	vst v63  }
0x198: {  	s24 =	simm.s32 $0x5480  }
0x199: {  	[tilespmem:s24], [sflag:$0x1] =	stream.indirect_vreg.gather [hbm4b:s6+s3], $0x80, v4, vm0, $0xb8;
	[tilespmem:$0x10C80] =	vst v63  }
0x19a: {  	s25 =	simm.s32 $0x5C80  }
0x19b: {  	[tilespmem:s25], [sflag:$0x1] =	stream.indirect_vreg.gather [hbm4b:s2+s3], $0x80, v3, vm0, $0xb8;
	[tilespmem:$0x10C80] =	vst v63  }
.Ltmp3:
0x19c: {  	s26 =	simm.s32 $0x6480;
	(pc) =	sbr.rel @p0 .LBB2_8-.Ltmp3, $4  }
0x19d: {  	[tilespmem:s26], [sflag:$0x1] =	stream.indirect_vreg.gather [hbm4b:s6+s3], $0x80, v3, vm0, $0xb8;
	[tilespmem:$0x10C80] =	vst v63  }
0x19e: {  	_ =	swait.ge [sflag:s9], $0x6000  }
0x19f: {  	[sflag:s9] =	ssyncset.done $0x0  }
0x1a0: {  	[sflag:s9] =	ssyncadd.s32 $0xFFFFA000  }
.LBB2_7:
0x1a1: {  	_ =	swait.ge [sflag:s10], $0x2000  }
0x1a2: {  	[sflag:s10] =	ssyncset.done $0x0  }
0x1a3: {  	[sflag:s10] =	ssyncadd.s32 $0xFFFFE000  }
.LBB2_8:
0x1a4: {  	s16 =	simm.s32 $0x0;
	s13 =	smov.u32 s17  }
0x1a5: {  	s18 =	simm.s32 $0x0;
	s19 =	simm.s32 $0x0;
	s20 =	simm.s32 $0x0  }
.LBB2_9:
0x1a6: {  	s21 =	sand.u32 $0x7000, s16  }
0x1a7: {  	s22 =	sand.u32 $0x380, s20;
	s23 =	sadd.s32 $0x200, s16;
	s24 =	sadd.s32 $0x80, s20  }
0x1a8: {  	v5 =	vld [tilespmem:s13+$0x0];
	s21 =	sor.u32 s22, s21;
	s25 =	sand.u32 $0xF000, s23;
	s26 =	sand.u32 $0x380, s24  }
0x1a9: {  	s24 =	sadd.s32 $0x400, s16;
	v6 =	vld [tilespmem:s21+$0x6C80];
	s22 =	sor.u32 s26, s25;
	s25 =	sadd.s32 $0x100, s20  }
0x1aa: {  	s23 =	sand.u32 $0xF000, s24;
	v7 =	vld [tilespmem:s22+$0x6C80];
	s24 =	sand.u32 $0x380, s25  }
0x1ab: {  	s23 =	sor.u32 s24, s23  }
0x1ac: {  	v8 =	vld [tilespmem:s23+$0x6C80]  }
0x1ad: {  	v3 =	vbroadcast v5, $0x0;
	v4 =	vbroadcast v5, $0x1  }
0x1ae: {  	v5 =	vbroadcast v5, $0x2  }
0x1af: {  	v6 =	vmul.f32 v3, v6;
	v7 =	vmul.f32 v7, v4;
	_ =	sdelay $0x1  }
0x1b0: {  	v6 =	vadd.f32 v7, v6;
	v22 =	vmul.f32 v8, v5;
	_ =	sdelay $0x1  }
0x1b1: {  	s26 =	sand.u32 $0x1000, s18;
	s25 =	sand.u32 $0x380, s19;
	v6 =	vadd.f32 v22, v6  }
0x1b2: {  	s24 =	sor.u32 s25, s26  }
0x1b3: {  	[tilespmem:s24+$0xEC80] =	vst v6  }
0x1b4: {  	v6 =	vld [tilespmem:s21+$0x6C90]  }
0x1b5: {  	v23 =	vld [tilespmem:s22+$0x6C90];
	_ =	sdelay $0x1  }
0x1b6: {  	v24 =	vld [tilespmem:s23+$0x6C90];
	_ =	sdelay $0x2  }
0x1b7: {  	v6 =	vmul.f32 v6, v3;
	v7 =	vmul.f32 v23, v4;
	_ =	sdelay $0x1  }
0x1b8: {  	v25 =	vmul.f32 v24, v5;
	v6 =	vadd.f32 v7, v6;
	_ =	sdelay $0x1  }
0x1b9: {  	v6 =	vadd.f32 v25, v6;
	_ =	sdelay $0x1  }
0x1ba: {  	[tilespmem:s24+$0xEC90] =	vst v6  }
0x1bb: {  	v6 =	vld [tilespmem:s21+$0x6CA0]  }
0x1bc: {  	v26 =	vld [tilespmem:s22+$0x6CA0];
	_ =	sdelay $0x1  }
0x1bd: {  	v27 =	vld [tilespmem:s23+$0x6CA0];
	_ =	sdelay $0x2  }
0x1be: {  	v6 =	vmul.f32 v6, v3;
	v7 =	vmul.f32 v26, v4;
	_ =	sdelay $0x1  }
0x1bf: {  	v28 =	vmul.f32 v27, v5;
	v6 =	vadd.f32 v7, v6;
	_ =	sdelay $0x1  }
0x1c0: {  	v6 =	vadd.f32 v28, v6;
	_ =	sdelay $0x1  }
0x1c1: {  	[tilespmem:s24+$0xECA0] =	vst v6  }
0x1c2: {  	v6 =	vld [tilespmem:s21+$0x6CB0]  }
0x1c3: {  	v29 =	vld [tilespmem:s22+$0x6CB0];
	_ =	sdelay $0x1  }
0x1c4: {  	v30 =	vld [tilespmem:s23+$0x6CB0];
	_ =	sdelay $0x2  }
0x1c5: {  	v6 =	vmul.f32 v6, v3;
	v7 =	vmul.f32 v29, v4;
	_ =	sdelay $0x1  }
0x1c6: {  	v31 =	vmul.f32 v30, v5;
	v6 =	vadd.f32 v7, v6;
	_ =	sdelay $0x1  }
0x1c7: {  	v6 =	vadd.f32 v31, v6;
	_ =	sdelay $0x1  }
0x1c8: {  	[tilespmem:s24+$0xECB0] =	vst v6  }
0x1c9: {  	v6 =	vld [tilespmem:s21+$0x6CC0]  }
0x1ca: {  	v32 =	vld [tilespmem:s22+$0x6CC0];
	_ =	sdelay $0x1  }
0x1cb: {  	v33 =	vld [tilespmem:s23+$0x6CC0];
	_ =	sdelay $0x2  }
0x1cc: {  	v6 =	vmul.f32 v6, v3;
	v7 =	vmul.f32 v32, v4;
	_ =	sdelay $0x1  }
0x1cd: {  	v34 =	vmul.f32 v33, v5;
	v6 =	vadd.f32 v7, v6;
	_ =	sdelay $0x1  }
0x1ce: {  	v6 =	vadd.f32 v34, v6;
	_ =	sdelay $0x1  }
0x1cf: {  	[tilespmem:s24+$0xECC0] =	vst v6  }
0x1d0: {  	v6 =	vld [tilespmem:s21+$0x6CD0]  }
0x1d1: {  	v35 =	vld [tilespmem:s22+$0x6CD0];
	_ =	sdelay $0x1  }
0x1d2: {  	v36 =	vld [tilespmem:s23+$0x6CD0];
	_ =	sdelay $0x2  }
0x1d3: {  	v6 =	vmul.f32 v6, v3;
	v7 =	vmul.f32 v35, v4;
	_ =	sdelay $0x1  }
0x1d4: {  	v37 =	vmul.f32 v36, v5;
	v6 =	vadd.f32 v7, v6;
	_ =	sdelay $0x1  }
0x1d5: {  	v6 =	vadd.f32 v37, v6;
	_ =	sdelay $0x1  }
0x1d6: {  	[tilespmem:s24+$0xECD0] =	vst v6  }
0x1d7: {  	v6 =	vld [tilespmem:s21+$0x6CE0]  }
0x1d8: {  	v38 =	vld [tilespmem:s22+$0x6CE0];
	_ =	sdelay $0x1  }
0x1d9: {  	v39 =	vld [tilespmem:s23+$0x6CE0];
	_ =	sdelay $0x2  }
0x1da: {  	v6 =	vmul.f32 v6, v3;
	v7 =	vmul.f32 v38, v4;
	_ =	sdelay $0x1  }
0x1db: {  	v40 =	vmul.f32 v39, v5;
	v6 =	vadd.f32 v7, v6;
	_ =	sdelay $0x1  }
0x1dc: {  	v6 =	vadd.f32 v40, v6;
	_ =	sdelay $0x1  }
0x1dd: {  	[tilespmem:s24+$0xECE0] =	vst v6  }
0x1de: {  	v6 =	vld [tilespmem:s21+$0x6CF0]  }
0x1df: {  	v41 =	vld [tilespmem:s22+$0x6CF0];
	_ =	sdelay $0x1  }
0x1e0: {  	v42 =	vld [tilespmem:s23+$0x6CF0];
	_ =	sdelay $0x2  }
0x1e1: {  	v6 =	vmul.f32 v6, v3;
	v7 =	vmul.f32 v41, v4;
	_ =	sdelay $0x1  }
0x1e2: {  	v43 =	vmul.f32 v42, v5;
	v6 =	vadd.f32 v7, v6;
	_ =	sdelay $0x1  }
0x1e3: {  	v6 =	vadd.f32 v43, v6;
	_ =	sdelay $0x1  }
0x1e4: {  	[tilespmem:s24+$0xECF0] =	vst v6  }
0x1e5: {  	v6 =	vld [tilespmem:s21+$0x7080]  }
0x1e6: {  	v44 =	vld [tilespmem:s22+$0x7080];
	_ =	sdelay $0x1  }
0x1e7: {  	v45 =	vld [tilespmem:s23+$0x7080];
	_ =	sdelay $0x2  }
0x1e8: {  	v6 =	vmul.f32 v6, v3;
	v7 =	vmul.f32 v44, v4;
	_ =	sdelay $0x1  }
0x1e9: {  	v46 =	vmul.f32 v45, v5;
	v6 =	vadd.f32 v7, v6  }
0x1ea: {  	s26 =	sand.u32 $0xFFFFF000, s18  }
0x1eb: {  	s25 =	sadd.s32 s26, s19;
	v6 =	vadd.f32 v46, v6  }
0x1ec: {  	s26 =	sor.u32 $0x2400, s25  }
0x1ed: {  	[tilespmem:s26+$0xCC80] =	vst v6  }
0x1ee: {  	v6 =	vld [tilespmem:s21+$0x7090]  }
0x1ef: {  	v47 =	vld [tilespmem:s22+$0x7090];
	_ =	sdelay $0x1  }
0x1f0: {  	v48 =	vld [tilespmem:s23+$0x7090];
	_ =	sdelay $0x2  }
0x1f1: {  	v6 =	vmul.f32 v6, v3;
	v7 =	vmul.f32 v47, v4;
	_ =	sdelay $0x1  }
0x1f2: {  	v49 =	vmul.f32 v48, v5;
	v6 =	vadd.f32 v7, v6;
	_ =	sdelay $0x1  }
0x1f3: {  	v6 =	vadd.f32 v49, v6;
	_ =	sdelay $0x1  }
0x1f4: {  	[tilespmem:s26+$0xCC90] =	vst v6  }
0x1f5: {  	v6 =	vld [tilespmem:s21+$0x70A0]  }
0x1f6: {  	v50 =	vld [tilespmem:s22+$0x70A0];
	_ =	sdelay $0x1  }
0x1f7: {  	v51 =	vld [tilespmem:s23+$0x70A0];
	_ =	sdelay $0x2  }
0x1f8: {  	v6 =	vmul.f32 v6, v3;
	v7 =	vmul.f32 v50, v4;
	_ =	sdelay $0x1  }
0x1f9: {  	v52 =	vmul.f32 v51, v5;
	v6 =	vadd.f32 v7, v6;
	_ =	sdelay $0x1  }
0x1fa: {  	v6 =	vadd.f32 v52, v6;
	_ =	sdelay $0x1  }
0x1fb: {  	[tilespmem:s26+$0xCCA0] =	vst v6  }
0x1fc: {  	v6 =	vld [tilespmem:s21+$0x70B0]  }
0x1fd: {  	v53 =	vld [tilespmem:s22+$0x70B0];
	_ =	sdelay $0x1  }
0x1fe: {  	v54 =	vld [tilespmem:s23+$0x70B0];
	_ =	sdelay $0x2  }
0x1ff: {  	v6 =	vmul.f32 v6, v3;
	v7 =	vmul.f32 v53, v4;
	_ =	sdelay $0x1  }
0x200: {  	v55 =	vmul.f32 v54, v5;
	v6 =	vadd.f32 v7, v6;
	_ =	sdelay $0x1  }
0x201: {  	v6 =	vadd.f32 v55, v6;
	_ =	sdelay $0x1  }
0x202: {  	[tilespmem:s26+$0xCCB0] =	vst v6  }
0x203: {  	v6 =	vld [tilespmem:s21+$0x70C0]  }
0x204: {  	v56 =	vld [tilespmem:s22+$0x70C0];
	_ =	sdelay $0x1  }
0x205: {  	v57 =	vld [tilespmem:s23+$0x70C0];
	_ =	sdelay $0x2  }
0x206: {  	v6 =	vmul.f32 v6, v3;
	v7 =	vmul.f32 v56, v4;
	_ =	sdelay $0x1  }
0x207: {  	v58 =	vmul.f32 v57, v5;
	v6 =	vadd.f32 v7, v6;
	_ =	sdelay $0x1  }
0x208: {  	v6 =	vadd.f32 v58, v6;
	_ =	sdelay $0x1  }
0x209: {  	[tilespmem:s26+$0xCCC0] =	vst v6  }
0x20a: {  	v6 =	vld [tilespmem:s21+$0x70D0]  }
0x20b: {  	v59 =	vld [tilespmem:s22+$0x70D0];
	_ =	sdelay $0x1  }
0x20c: {  	v60 =	vld [tilespmem:s23+$0x70D0];
	_ =	sdelay $0x2  }
0x20d: {  	v6 =	vmul.f32 v6, v3;
	v7 =	vmul.f32 v59, v4;
	_ =	sdelay $0x1  }
0x20e: {  	v61 =	vmul.f32 v60, v5;
	v6 =	vadd.f32 v7, v6;
	_ =	sdelay $0x1  }
0x20f: {  	v6 =	vadd.f32 v61, v6;
	_ =	sdelay $0x1  }
0x210: {  	[tilespmem:s26+$0xCCD0] =	vst v6  }
0x211: {  	v6 =	vld [tilespmem:s21+$0x70E0]  }
0x212: {  	v62 =	vld [tilespmem:s22+$0x70E0];
	_ =	sdelay $0x1  }
0x213: {  	v63 =	vld [tilespmem:s23+$0x70E0];
	_ =	sdelay $0x2  }
0x214: {  	v6 =	vmul.f32 v6, v3;
	v7 =	vmul.f32 v62, v4;
	_ =	sdelay $0x1  }
0x215: {  	v12 =	vmul.f32 v63, v5;
	v6 =	vadd.f32 v7, v6;
	_ =	sdelay $0x1  }
0x216: {  	v6 =	vadd.f32 v12, v6;
	_ =	sdelay $0x1  }
0x217: {  	[tilespmem:s26+$0xCCE0] =	vst v6  }
0x218: {  	v6 =	vld [tilespmem:s21+$0x70F0]  }
0x219: {  	v13 =	vld [tilespmem:s22+$0x70F0];
	_ =	sdelay $0x1  }
0x21a: {  	v14 =	vld [tilespmem:s23+$0x70F0];
	_ =	sdelay $0x2  }
0x21b: {  	v6 =	vmul.f32 v6, v3;
	v7 =	vmul.f32 v13, v4;
	_ =	sdelay $0x1  }
0x21c: {  	v15 =	vmul.f32 v14, v5;
	v6 =	vadd.f32 v7, v6;
	_ =	sdelay $0x1  }
0x21d: {  	v6 =	vadd.f32 v15, v6;
	_ =	sdelay $0x1  }
0x21e: {  	[tilespmem:s26+$0xCCF0] =	vst v6  }
0x21f: {  	v6 =	vld [tilespmem:s21+$0x7480]  }
0x220: {  	v16 =	vld [tilespmem:s22+$0x7480];
	_ =	sdelay $0x1  }
0x221: {  	v17 =	vld [tilespmem:s23+$0x7480];
	_ =	sdelay $0x2  }
0x222: {  	v6 =	vmul.f32 v6, v3;
	v7 =	vmul.f32 v16, v4;
	_ =	sdelay $0x1  }
0x223: {  	v18 =	vmul.f32 v17, v5;
	v6 =	vadd.f32 v7, v6;
	_ =	sdelay $0x1  }
0x224: {  	v6 =	vadd.f32 v18, v6;
	_ =	sdelay $0x1  }
0x225: {  	[tilespmem:s24+$0xF480] =	vst v6  }
0x226: {  	v6 =	vld [tilespmem:s21+$0x7490]  }
0x227: {  	v19 =	vld [tilespmem:s22+$0x7490];
	_ =	sdelay $0x1  }
0x228: {  	v20 =	vld [tilespmem:s23+$0x7490];
	_ =	sdelay $0x2  }
0x229: {  	v6 =	vmul.f32 v6, v3;
	v7 =	vmul.f32 v19, v4;
	_ =	sdelay $0x1  }
0x22a: {  	v21 =	vmul.f32 v20, v5;
	v6 =	vadd.f32 v7, v6;
	_ =	sdelay $0x1  }
0x22b: {  	v6 =	vadd.f32 v21, v6;
	_ =	sdelay $0x1  }
0x22c: {  	[tilespmem:s24+$0xF490] =	vst v6  }
0x22d: {  	v6 =	vld [tilespmem:s21+$0x74A0]  }
0x22e: {  	v22 =	vld [tilespmem:s22+$0x74A0];
	_ =	sdelay $0x1  }
0x22f: {  	v23 =	vld [tilespmem:s23+$0x74A0];
	_ =	sdelay $0x2  }
0x230: {  	v6 =	vmul.f32 v6, v3;
	v7 =	vmul.f32 v22, v4;
	_ =	sdelay $0x1  }
0x231: {  	v24 =	vmul.f32 v23, v5;
	v6 =	vadd.f32 v7, v6;
	_ =	sdelay $0x1  }
0x232: {  	v6 =	vadd.f32 v24, v6;
	_ =	sdelay $0x1  }
0x233: {  	[tilespmem:s24+$0xF4A0] =	vst v6  }
0x234: {  	v6 =	vld [tilespmem:s21+$0x74B0]  }
0x235: {  	v25 =	vld [tilespmem:s22+$0x74B0];
	_ =	sdelay $0x1  }
0x236: {  	v26 =	vld [tilespmem:s23+$0x74B0];
	_ =	sdelay $0x2  }
0x237: {  	v6 =	vmul.f32 v6, v3;
	v7 =	vmul.f32 v25, v4;
	_ =	sdelay $0x1  }
0x238: {  	v27 =	vmul.f32 v26, v5;
	v6 =	vadd.f32 v7, v6;
	_ =	sdelay $0x1  }
0x239: {  	v6 =	vadd.f32 v27, v6;
	_ =	sdelay $0x1  }
0x23a: {  	[tilespmem:s24+$0xF4B0] =	vst v6  }
0x23b: {  	v6 =	vld [tilespmem:s21+$0x74C0]  }
0x23c: {  	v28 =	vld [tilespmem:s22+$0x74C0];
	_ =	sdelay $0x1  }
0x23d: {  	v29 =	vld [tilespmem:s23+$0x74C0];
	_ =	sdelay $0x2  }
0x23e: {  	v6 =	vmul.f32 v6, v3;
	v7 =	vmul.f32 v28, v4;
	_ =	sdelay $0x1  }
0x23f: {  	v30 =	vmul.f32 v29, v5;
	v6 =	vadd.f32 v7, v6;
	_ =	sdelay $0x1  }
0x240: {  	v6 =	vadd.f32 v30, v6;
	_ =	sdelay $0x1  }
0x241: {  	[tilespmem:s24+$0xF4C0] =	vst v6  }
0x242: {  	v6 =	vld [tilespmem:s21+$0x74D0]  }
0x243: {  	v31 =	vld [tilespmem:s22+$0x74D0];
	_ =	sdelay $0x1  }
0x244: {  	v32 =	vld [tilespmem:s23+$0x74D0];
	_ =	sdelay $0x2  }
0x245: {  	v6 =	vmul.f32 v6, v3;
	v7 =	vmul.f32 v31, v4;
	_ =	sdelay $0x1  }
0x246: {  	v33 =	vmul.f32 v32, v5;
	v6 =	vadd.f32 v7, v6;
	_ =	sdelay $0x1  }
0x247: {  	v6 =	vadd.f32 v33, v6;
	_ =	sdelay $0x1  }
0x248: {  	[tilespmem:s24+$0xF4D0] =	vst v6  }
0x249: {  	v6 =	vld [tilespmem:s21+$0x74E0]  }
0x24a: {  	v34 =	vld [tilespmem:s22+$0x74E0];
	_ =	sdelay $0x1  }
0x24b: {  	v35 =	vld [tilespmem:s23+$0x74E0];
	_ =	sdelay $0x2  }
0x24c: {  	v6 =	vmul.f32 v6, v3;
	v7 =	vmul.f32 v34, v4;
	_ =	sdelay $0x1  }
0x24d: {  	v36 =	vmul.f32 v35, v5;
	v6 =	vadd.f32 v7, v6;
	_ =	sdelay $0x1  }
0x24e: {  	v6 =	vadd.f32 v36, v6;
	_ =	sdelay $0x1  }
0x24f: {  	[tilespmem:s24+$0xF4E0] =	vst v6  }
0x250: {  	v6 =	vld [tilespmem:s21+$0x74F0]  }
0x251: {  	v37 =	vld [tilespmem:s22+$0x74F0];
	_ =	sdelay $0x1  }
0x252: {  	v38 =	vld [tilespmem:s23+$0x74F0];
	_ =	sdelay $0x2  }
0x253: {  	v6 =	vmul.f32 v6, v3;
	v7 =	vmul.f32 v37, v4;
	_ =	sdelay $0x1  }
0x254: {  	v39 =	vmul.f32 v38, v5;
	v6 =	vadd.f32 v7, v6;
	_ =	sdelay $0x1  }
0x255: {  	v6 =	vadd.f32 v39, v6;
	_ =	sdelay $0x1  }
0x256: {  	[tilespmem:s24+$0xF4F0] =	vst v6  }
0x257: {  	v6 =	vld [tilespmem:s21+$0x7880]  }
0x258: {  	v40 =	vld [tilespmem:s22+$0x7880];
	_ =	sdelay $0x1  }
0x259: {  	v41 =	vld [tilespmem:s23+$0x7880];
	_ =	sdelay $0x2  }
0x25a: {  	v6 =	vmul.f32 v6, v3;
	v7 =	vmul.f32 v40, v4;
	_ =	sdelay $0x1  }
0x25b: {  	v42 =	vmul.f32 v41, v5;
	v6 =	vadd.f32 v7, v6;
	_ =	sdelay $0x1  }
0x25c: {  	v6 =	vadd.f32 v42, v6  }
0x25d: {  	s26 =	sor.u32 $0x2C00, s25  }
0x25e: {  	[tilespmem:s26+$0xCC80] =	vst v6  }
0x25f: {  	v6 =	vld [tilespmem:s21+$0x7890]  }
0x260: {  	v43 =	vld [tilespmem:s22+$0x7890];
	_ =	sdelay $0x1  }
0x261: {  	v44 =	vld [tilespmem:s23+$0x7890];
	_ =	sdelay $0x2  }
0x262: {  	v6 =	vmul.f32 v6, v3;
	v7 =	vmul.f32 v43, v4;
	_ =	sdelay $0x1  }
0x263: {  	v45 =	vmul.f32 v44, v5;
	v6 =	vadd.f32 v7, v6;
	_ =	sdelay $0x1  }
0x264: {  	v6 =	vadd.f32 v45, v6;
	_ =	sdelay $0x1  }
0x265: {  	[tilespmem:s26+$0xCC90] =	vst v6  }
0x266: {  	v6 =	vld [tilespmem:s21+$0x78A0]  }
0x267: {  	v46 =	vld [tilespmem:s22+$0x78A0];
	_ =	sdelay $0x1  }
0x268: {  	v47 =	vld [tilespmem:s23+$0x78A0];
	_ =	sdelay $0x2  }
0x269: {  	v6 =	vmul.f32 v6, v3;
	v7 =	vmul.f32 v46, v4;
	_ =	sdelay $0x1  }
0x26a: {  	v48 =	vmul.f32 v47, v5;
	v6 =	vadd.f32 v7, v6;
	_ =	sdelay $0x1  }
0x26b: {  	v6 =	vadd.f32 v48, v6;
	_ =	sdelay $0x1  }
0x26c: {  	[tilespmem:s26+$0xCCA0] =	vst v6  }
0x26d: {  	v6 =	vld [tilespmem:s21+$0x78B0]  }
0x26e: {  	v49 =	vld [tilespmem:s22+$0x78B0];
	_ =	sdelay $0x1  }
0x26f: {  	v50 =	vld [tilespmem:s23+$0x78B0];
	_ =	sdelay $0x2  }
0x270: {  	v6 =	vmul.f32 v6, v3;
	v7 =	vmul.f32 v49, v4;
	_ =	sdelay $0x1  }
0x271: {  	v51 =	vmul.f32 v50, v5;
	v6 =	vadd.f32 v7, v6;
	_ =	sdelay $0x1  }
0x272: {  	v6 =	vadd.f32 v51, v6;
	_ =	sdelay $0x1  }
0x273: {  	[tilespmem:s26+$0xCCB0] =	vst v6  }
0x274: {  	v6 =	vld [tilespmem:s21+$0x78C0]  }
0x275: {  	v52 =	vld [tilespmem:s22+$0x78C0];
	_ =	sdelay $0x1  }
0x276: {  	v53 =	vld [tilespmem:s23+$0x78C0];
	_ =	sdelay $0x2  }
0x277: {  	v6 =	vmul.f32 v6, v3;
	v7 =	vmul.f32 v52, v4;
	_ =	sdelay $0x1  }
0x278: {  	v54 =	vmul.f32 v53, v5;
	v6 =	vadd.f32 v7, v6;
	_ =	sdelay $0x1  }
0x279: {  	v6 =	vadd.f32 v54, v6;
	_ =	sdelay $0x1  }
0x27a: {  	[tilespmem:s26+$0xCCC0] =	vst v6  }
0x27b: {  	v6 =	vld [tilespmem:s21+$0x78D0]  }
0x27c: {  	v55 =	vld [tilespmem:s22+$0x78D0];
	_ =	sdelay $0x1  }
0x27d: {  	v56 =	vld [tilespmem:s23+$0x78D0];
	_ =	sdelay $0x2  }
0x27e: {  	v6 =	vmul.f32 v6, v3;
	v7 =	vmul.f32 v55, v4;
	_ =	sdelay $0x1  }
0x27f: {  	v57 =	vmul.f32 v56, v5;
	v6 =	vadd.f32 v7, v6;
	_ =	sdelay $0x1  }
0x280: {  	v6 =	vadd.f32 v57, v6;
	_ =	sdelay $0x1  }
0x281: {  	[tilespmem:s26+$0xCCD0] =	vst v6  }
0x282: {  	v6 =	vld [tilespmem:s21+$0x78E0]  }
0x283: {  	v58 =	vld [tilespmem:s22+$0x78E0];
	_ =	sdelay $0x1  }
0x284: {  	v59 =	vld [tilespmem:s23+$0x78E0];
	_ =	sdelay $0x2  }
0x285: {  	v6 =	vmul.f32 v6, v3;
	v7 =	vmul.f32 v58, v4;
	_ =	sdelay $0x1  }
0x286: {  	v60 =	vmul.f32 v59, v5;
	v6 =	vadd.f32 v7, v6;
	_ =	sdelay $0x1  }
0x287: {  	v6 =	vadd.f32 v60, v6;
	_ =	sdelay $0x1  }
0x288: {  	[tilespmem:s26+$0xCCE0] =	vst v6  }
0x289: {  	v6 =	vld [tilespmem:s21+$0x78F0]  }
0x28a: {  	v61 =	vld [tilespmem:s22+$0x78F0];
	_ =	sdelay $0x1  }
0x28b: {  	v62 =	vld [tilespmem:s23+$0x78F0];
	_ =	sdelay $0x2  }
0x28c: {  	v3 =	vmul.f32 v6, v3;
	v4 =	vmul.f32 v61, v4  }
0x28d: {  	p0 =	sne.s32 s20, $0x1680  }
.Ltmp4:
0x28e: {  	v63 =	vmul.f32 v62, v5;
	v3 =	vadd.f32 v4, v3;
	(pc) =	sbr.rel @p0 .LBB2_9-.Ltmp4, $4  }
0x28f: {  	_ = 	snop  }
0x290: {  	v3 =	vadd.f32 v63, v3  }
0x291: {  	s13 =	sadd.s32 $0x3, s13;
	s16 =	sadd.s32 $0x600, s16  }
0x292: {  	s20 =	sadd.s32 $0x180, s20;
	s18 =	sadd.s32 $0x200, s18;
	s19 =	sadd.s32 $0x80, s19;
	[tilespmem:s26+$0xCCF0] =	vst v3  }
0x293: {  	s14 =	sadd.s32 $0x1, s14  }
0x294: {  	p0 =	sne.s32 s14, $0x10  }
.Ltmp5:
0x295: {  	_ = 	snop;
	(pc) =	sbr.rel @p0 .LBB2_2-.Ltmp5, $4  }
0x296: {  	_ = 	snop  }
0x297: {  	s13 =	sshll.u32 s15, $0xA  }
0x298: {  	s12 =	sadd.s32 $0x60, s12;
	s17 =	sadd.s32 $0x60, s17;
	s13 =	sadd.s32 s13, s7  }
0x299: {  	[hbm4b:s13+s3] =	stream.linear.scatter [tilespmem:s11], [sflag:$0x4], $0x2000, $0x38;
	[tilespmem:$0x10C80] =	vst v63  }
0x29a: {  	s12 =	simm.s32 $0x3  }
0x29b: {  	_ =	swait.ge [sflag:s12], $0x2000  }
0x29c: {  	[sflag:s12] =	ssyncset.done $0x0  }
0x29d: {  	[sflag:s12] =	ssyncadd.s32 $0xFFFFE000  }
0x29e: {  	_ =	swait.ge [sflag:s10], $0x2000  }
0x29f: {  	s13 =	rddreg [dreg:$0x6]  }
0x2a0: {  	s26 =	rddreg [dreg:$0x5];
	s13 =	sadd.s32 $0x1, s13  }
0x2a1: {  	p0 =	sne.s32 s13, s26  }
.Ltmp6:
0x2a2: {  	_ = 	snop;
	(pc) =	sbr.rel @p0 .LBB2_1-.Ltmp6, $3  }
0x2a3: {  	_ =	sdelay $0x1  }
0x2a4: {  	[sflag:s10] =	ssyncset.done $0x0  }
0x2a5: {  	[sflag:s10] =	ssyncadd.s32 $0xFFFFE000  }
0x2a6: {  	_ =	sfence.sel $0x180000  }
0x2a7: {  	[bflag:$0x0] =	sbarrier.arrive $0xFFFF  }
0x2a8: {  	_ =	strace $0x90000047  }
0x2a9: {  	s0 =	stileid.u32;
	[bflag:$0x2] =	sbarrier.arrive $0xFFFF  }
0x2aa: {  	p0 =	sne.s32 s0, $0x0;
	s0 =	rddreg [dreg:$0x2]  }
0x2ab: {  	s0 =	sadd.s32 @!p0 $0x100000, s0  }
0x2ac: {  	[sflag:s0] =	ssyncadd.tile.s32 @!p0 $0x1;
	_ =	shalt  }
.Lfunc_end2:
_tile_overlayer_lowered:
.L_overlay_start_2:
0x2ad: {  	(tag) =	ssettag $0x2  }
0x2ae: {  	s0 =	rddreg [dreg:$0x0];
	s2 =	stileid.u32  }
0x2af: {  	s1 =	rddreg [dreg:$0x1];
	p0 =	sne.s32 s2, $0x0  }
0x2b0: {  	s3 =	rddreg [dreg:$0x2];
	[bflag:$0x3] =	sbarrier.arrive $0xFFFF;
	s2 =	simm.s32 @!p0 $0x1C05  }
0x2b1: {  	[timem:s3], [sflag:s2] =	dma.local @!p0 [hbm:s0], s1  }
0x2b2: {  	s0 =	simm.s32 @!p0 $0x5  }
0x2b3: {  	_ =	swait.ge @!p0 [sflag:s0], s1  }
0x2b4: {  	s1 =	ssub.s32 @!p0 $0x0, s1;
	[sflag:s0] =	ssyncset.done @!p0 $0x0  }
0x2b5: {  	[sflag:s0] =	ssyncadd.s32 @!p0 s1  }
0x2b6: {  	[bflag:$0x3] =	sbarrier.arrive $0xFFFF  }
0x2b7: {  	_ =	shalt  }

</sc_bundles>
